<compile_context>
chip_gen: v7x
topology: tpu7x:2x2x1
jax: 0.10.2.dev20260603
libtpu: 0.0.44.dev20260713+nightly
codegen_flags: <defaults>
</compile_context>

<pallas_src>
import jax
import jax.numpy as jnp
from jax import lax
from jax.experimental import pallas as pl
from jax.experimental.pallas import tpu as pltpu, tpu_sc as plsc

BATCH = 4
SEQ_LEN = 8192
EMBED_DIM = 256

NC = 2
NS = 16
LANES = 16

NW = NC * NS
ROWS_PER_W = SEQ_LEN // NW
CHUNK_ROWS = 128
N_PIECES = ROWS_PER_W // CHUNK_ROWS
NBUF = 2
VECS_PER_ROW = EMBED_DIM // LANES


def _body(in_hbm, pos_hbm, out_hbm, pos_v, bufs, sem_pos, sems_in, sems_out):
    wid = lax.axis_index("s") * NC + lax.axis_index("c")
    s_base = wid * ROWS_PER_W

    def pos_cp(piece):
        s0 = s_base + piece * CHUNK_ROWS
        return pltpu.make_async_copy(
            pos_hbm.at[pl.ds(s0, CHUNK_ROWS), :], pos_v, sem_pos)

    def in_cp(k, slot):
        piece, b = divmod(k, BATCH)
        s0 = s_base + piece * CHUNK_ROWS
        return pltpu.make_async_copy(
            in_hbm.at[b, pl.ds(s0, CHUNK_ROWS), :], bufs[slot], sems_in[slot])

    def out_cp(k, slot):
        piece, b = divmod(k, BATCH)
        s0 = s_base + piece * CHUNK_ROWS
        return pltpu.make_async_copy(
            bufs[slot], out_hbm.at[b, pl.ds(s0, CHUNK_ROWS), :], sems_out[slot])

    N_CHUNKS = N_PIECES * BATCH

    pos_cp(0).start()
    for k in range(NBUF - 1):
        in_cp(k, k % NBUF).start()
    pos_cp(0).wait()

    for k in range(N_CHUNKS):
        slot = k % NBUF
        nk = k + NBUF - 1
        if nk < N_CHUNKS:
            nslot = nk % NBUF
            if nk >= NBUF:
                out_cp(nk - NBUF, nslot).wait()
            in_cp(nk, nslot).start()
        in_cp(k, slot).wait()
        if k % BATCH == BATCH - 1 and k + 1 < N_CHUNKS:
            pass

        buf = bufs[slot]

        @plsc.parallel_loop(0, CHUNK_ROWS, step=1, unroll=2)
        def _add_row(r, buf=buf):
            for c in range(VECS_PER_ROW):
                x = pos_v[r, pl.ds(c * LANES, LANES)]
                plsc.addupdate(buf.at[r, pl.ds(c * LANES, LANES)], x)

        out_cp(k, slot).start()

        if k % BATCH == BATCH - 1 and k + 1 < N_CHUNKS:
            nxt = k // BATCH + 1
            pos_cp(nxt).start()
            pos_cp(nxt).wait()

    for k in range(max(0, N_CHUNKS - NBUF), N_CHUNKS):
        out_cp(k, k % NBUF).wait()


@jax.jit
def _pos_add(inputs, pos_table):
    mesh = plsc.VectorSubcoreMesh(core_axis_name="c", subcore_axis_name="s")
    return pl.kernel(
        _body,
        out_type=jax.ShapeDtypeStruct((BATCH, SEQ_LEN, EMBED_DIM), jnp.float32),
        mesh=mesh,
        scratch_types=[
            pltpu.VMEM((CHUNK_ROWS, EMBED_DIM), jnp.float32),
            [pltpu.VMEM((CHUNK_ROWS, EMBED_DIM), jnp.float32)
             for _ in range(NBUF)],
            pltpu.SemaphoreType.DMA,
            [pltpu.SemaphoreType.DMA for _ in range(NBUF)],
            [pltpu.SemaphoreType.DMA for _ in range(NBUF)],
        ],
    )(inputs, pos_table)


def kernel(inputs, pos_table):
    return _pos_add(inputs, pos_table)

# --- scband reference (transcript-rebuilt; emitter-appended) ---
"""Pipeline reference for scband-positional-embedding-68075231642236 (READ-ONLY COPY).

The authoritative reference and input builder live on the scoring server;
editing this copy changes nothing except your own understanding.
"""

import jax, jax.numpy as jnp
import numpy as np

SEQ_LEN = 8192
EMBED_DIM = 256
BATCH = 4

def setup_inputs(seed: int = 0) -> dict:
    key = jax.random.key(seed)
    k1, k2 = jax.random.split(key)
    inputs = jax.random.normal(k1, (BATCH, SEQ_LEN, EMBED_DIM), dtype=jnp.float32)
    # learned positional embedding table, sized per init_kwargs
    pos_table = jax.random.normal(k2, (SEQ_LEN, EMBED_DIM), dtype=jnp.float32) * 0.02
    return {"inputs": inputs, "pos_table": pos_table}

def reference(inputs, pos_table):
    # positions = range(0, seq_len)
    positions = jnp.arange(inputs.shape[1])
    # embedding lookup (gather rows from the table)
    pos_embeddings = jnp.take(pos_table, positions, axis=0)
    # broadcast-add over batch dim
    return inputs + pos_embeddings[None, :, :]

if __name__ == "__main__":
    import jax
    _d = setup_inputs()
    print(jax.jit(kernel)(*tuple(_d.values())))

</pallas_src>

<mosaic_0001>
#map = affine_map<(d0, d1) -> (0, 0, 0)>
#map1 = affine_map<(d0, d1) -> (0, 0)>
module attributes {stable_mosaic.version = 14 : i64} {
  func.func @_body(%arg0: i32, %arg1: i32, %arg2: memref<4x8192x256xf32, #tpu.memory_space<hbm>>, %arg3: memref<8192x256xf32, #tpu.memory_space<hbm>>, %arg4: memref<4x8192x256xf32, #tpu.memory_space<hbm>>, %arg5: memref<128x256xf32, #tpu.memory_space<vmem>>, %arg6: memref<128x256xf32, #tpu.memory_space<vmem>>, %arg7: memref<128x256xf32, #tpu.memory_space<vmem>>, %arg8: memref<!tpu.dma_semaphore, #tpu.memory_space<semaphore_mem>>, %arg9: memref<!tpu.dma_semaphore, #tpu.memory_space<semaphore_mem>>, %arg10: memref<!tpu.dma_semaphore, #tpu.memory_space<semaphore_mem>>, %arg11: memref<!tpu.dma_semaphore, #tpu.memory_space<semaphore_mem>>, %arg12: memref<!tpu.dma_semaphore, #tpu.memory_space<semaphore_mem>>) attributes {dimension_semantics = [#tpu.dimension_semantics<core_parallel>, #tpu.dimension_semantics<subcore_parallel>], iteration_bounds = array<i64: 2, 16>, scalar_prefetch = 0 : i64, scratch_operands = 8 : i64, tpu.core_type = #tpu.core_type<sc_vector_subcore>, window_params = [{transform_indices = #map}, {transform_indices = #map1}, {transform_indices = #map}]} {
    %mul3A = arith.constant 2 : i32
    %mul3A_0 = arith.muli %arg1, %mul3A : i32
    %add3A = arith.addi %mul3A_0, %arg0 : i32
    %mul3A_1 = arith.constant 256 : i32
    %mul3A_2 = arith.muli %add3A, %mul3A_1 : i32
    %add3A_3 = arith.constant 0 : i32
    %add3A_4 = arith.addi %mul3A_2, %add3A_3 : i32
    %dma_start3A = arith.constant 0 : i32
    %dma_start3A_5 = tpu.memref_slice %arg3[%add3A_4, %dma_start3A] : memref<8192x256xf32, #tpu.memory_space<hbm>> -> memref<128x256xf32, #tpu.memory_space<hbm>>
    %dma_start3A_6 = arith.constant 0 : i32
    %dma_start3A_7 = tpu.memref_slice %arg3[%add3A_4, %dma_start3A_6] : memref<8192x256xf32, #tpu.memory_space<hbm>> -> memref<128x256xf32, #tpu.memory_space<hbm>>
    tpu.enqueue_dma source(%dma_start3A_7 : memref<128x256xf32, #tpu.memory_space<hbm>>) target(%arg5 : memref<128x256xf32, #tpu.memory_space<vmem>>) target_semaphore(%arg8 : memref<!tpu.dma_semaphore, #tpu.memory_space<semaphore_mem>>)
    %add3A_8 = arith.constant 0 : i32
    %add3A_9 = arith.addi %mul3A_2, %add3A_8 : i32
    %dma_start3A_10 = arith.constant 0 : i32
    %dma_start3A_11 = arith.constant 0 : i32
    %dma_start3A_12 = tpu.memref_slice %arg2[%dma_start3A_10, %add3A_9, %dma_start3A_11] : memref<4x8192x256xf32, #tpu.memory_space<hbm>> -> memref<1x128x256xf32, #tpu.memory_space<hbm>>
    %dma_start3A_13 = tpu.memref_squeeze %dma_start3A_12 : memref<1x128x256xf32, #tpu.memory_space<hbm>> -> memref<128x256xf32, #tpu.memory_space<hbm>>
    %dma_start3A_14 = arith.constant 0 : i32
    %dma_start3A_15 = tpu.memref_slice %arg2[%dma_start3A_10, %add3A_9, %dma_start3A_14] : memref<4x8192x256xf32, #tpu.memory_space<hbm>> -> memref<1x128x256xf32, #tpu.memory_space<hbm>>
    %dma_start3A_16 = tpu.memref_squeeze %dma_start3A_15 : memref<1x128x256xf32, #tpu.memory_space<hbm>> -> memref<128x256xf32, #tpu.memory_space<hbm>>
    tpu.enqueue_dma source(%dma_start3A_16 : memref<128x256xf32, #tpu.memory_space<hbm>>) target(%arg6 : memref<128x256xf32, #tpu.memory_space<vmem>>) target_semaphore(%arg9 : memref<!tpu.dma_semaphore, #tpu.memory_space<semaphore_mem>>)
    %add3A_17 = arith.constant 0 : i32
    %add3A_18 = arith.addi %mul3A_2, %add3A_17 : i32
    %dma_wait3A = arith.constant 0 : i32
    %dma_wait3A_19 = tpu.memref_slice %arg3[%add3A_18, %dma_wait3A] : memref<8192x256xf32, #tpu.memory_space<hbm>> -> memref<128x256xf32, #tpu.memory_space<hbm>>
    %dma_wait3A_20 = arith.constant 0 : i32
    %dma_wait3A_21 = tpu.memref_slice %arg3[%add3A_18, %dma_wait3A_20] : memref<8192x256xf32, #tpu.memory_space<hbm>> -> memref<128x256xf32, #tpu.memory_space<hbm>>
    tpu.wait_dma2 semaphore(%arg8 : memref<!tpu.dma_semaphore, #tpu.memory_space<semaphore_mem>>) src(%dma_wait3A_21 : memref<128x256xf32, #tpu.memory_space<hbm>>) dst(%arg5 : memref<128x256xf32, #tpu.memory_space<vmem>>)
    %add3A_22 = arith.constant 0 : i32
    %add3A_23 = arith.addi %mul3A_2, %add3A_22 : i32
    %dma_start3A_24 = arith.constant 1 : i32
    %dma_start3A_25 = arith.constant 0 : i32
    %dma_start3A_26 = tpu.memref_slice %arg2[%dma_start3A_24, %add3A_23, %dma_start3A_25] : memref<4x8192x256xf32, #tpu.memory_space<hbm>> -> memref<1x128x256xf32, #tpu.memory_space<hbm>>
    %dma_start3A_27 = tpu.memref_squeeze %dma_start3A_26 : memref<1x128x256xf32, #tpu.memory_space<hbm>> -> memref<128x256xf32, #tpu.memory_space<hbm>>
    %dma_start3A_28 = arith.constant 0 : i32
    %dma_start3A_29 = tpu.memref_slice %arg2[%dma_start3A_24, %add3A_23, %dma_start3A_28] : memref<4x8192x256xf32, #tpu.memory_space<hbm>> -> memref<1x128x256xf32, #tpu.memory_space<hbm>>
    %dma_start3A_30 = tpu.memref_squeeze %dma_start3A_29 : memref<1x128x256xf32, #tpu.memory_space<hbm>> -> memref<128x256xf32, #tpu.memory_space<hbm>>
    tpu.enqueue_dma source(%dma_start3A_30 : memref<128x256xf32, #tpu.memory_space<hbm>>) target(%arg7 : memref<128x256xf32, #tpu.memory_space<vmem>>) target_semaphore(%arg10 : memref<!tpu.dma_semaphore, #tpu.memory_space<semaphore_mem>>)
    %add3A_31 = arith.constant 0 : i32
    %add3A_32 = arith.addi %mul3A_2, %add3A_31 : i32
    %dma_wait3A_33 = arith.constant 0 : i32
    %dma_wait3A_34 = arith.constant 0 : i32
    %dma_wait3A_35 = tpu.memref_slice %arg2[%dma_wait3A_33, %add3A_32, %dma_wait3A_34] : memref<4x8192x256xf32, #tpu.memory_space<hbm>> -> memref<1x128x256xf32, #tpu.memory_space<hbm>>
    %dma_wait3A_36 = tpu.memref_squeeze %dma_wait3A_35 : memref<1x128x256xf32, #tpu.memory_space<hbm>> -> memref<128x256xf32, #tpu.memory_space<hbm>>
    %dma_wait3A_37 = arith.constant 0 : i32
    %dma_wait3A_38 = tpu.memref_slice %arg2[%dma_wait3A_33, %add3A_32, %dma_wait3A_37] : memref<4x8192x256xf32, #tpu.memory_space<hbm>> -> memref<1x128x256xf32, #tpu.memory_space<hbm>>
    %dma_wait3A_39 = tpu.memref_squeeze %dma_wait3A_38 : memref<1x128x256xf32, #tpu.memory_space<hbm>> -> memref<128x256xf32, #tpu.memory_space<hbm>>
    tpu.wait_dma2 semaphore(%arg9 : memref<!tpu.dma_semaphore, #tpu.memory_space<semaphore_mem>>) src(%dma_wait3A_39 : memref<128x256xf32, #tpu.memory_space<hbm>>) dst(%arg6 : memref<128x256xf32, #tpu.memory_space<vmem>>)
    %parallel_loop3A = arith.constant 0 : i32
    %parallel_loop3A_40 = arith.constant 128 : i32
    %parallel_loop3A_41 = arith.constant 1 : i32
    scf.for %parallel_loop3A_336 = %parallel_loop3A to %parallel_loop3A_40 step %parallel_loop3A_41  : i32 {
      %parallel_loop3A_337 = arith.index_cast %parallel_loop3A_336 : i32 to index
      %parallel_loop3A_338 = arith.constant 0 : index
      %parallel_loop3A_339 = tpu.vector_load %arg5[%parallel_loop3A_337, %parallel_loop3A_338] {strides = array<i32>} : memref<128x256xf32, #tpu.memory_space<vmem>>, vector<1x16xf32>,
      %parallel_loop3A_340 = vector.shape_cast %parallel_loop3A_339 : vector<1x16xf32> to vector<16xf32>
      %parallel_loop3A_341 = arith.index_cast %parallel_loop3A_336 : i32 to index
      %parallel_loop3A_342 = arith.constant 0 : index
      %parallel_loop3A_343 = tpu.vector_load %arg6[%parallel_loop3A_341, %parallel_loop3A_342] {strides = array<i32>} : memref<128x256xf32, #tpu.memory_space<vmem>>, vector<1x16xf32>,
      %parallel_loop3A_344 = vector.shape_cast %parallel_loop3A_343 : vector<1x16xf32> to vector<16xf32>
      %parallel_loop3A_345 = vector.shape_cast %parallel_loop3A_340 : vector<16xf32> to vector<1x16xf32>
      tpu.vector_store %arg6[%parallel_loop3A_341, %parallel_loop3A_342], %parallel_loop3A_345 {add = true, strides = array<i32>} : memref<128x256xf32, #tpu.memory_space<vmem>>, vector<1x16xf32>,
      %parallel_loop3A_346 = arith.index_cast %parallel_loop3A_336 : i32 to index
      %parallel_loop3A_347 = arith.constant 16 : index
      %parallel_loop3A_348 = tpu.vector_load %arg5[%parallel_loop3A_346, %parallel_loop3A_347] {strides = array<i32>} : memref<128x256xf32, #tpu.memory_space<vmem>>, vector<1x16xf32>,
      %parallel_loop3A_349 = vector.shape_cast %parallel_loop3A_348 : vector<1x16xf32> to vector<16xf32>
      %parallel_loop3A_350 = arith.index_cast %parallel_loop3A_336 : i32 to index
      %parallel_loop3A_351 = arith.constant 16 : index
      %parallel_loop3A_352 = tpu.vector_load %arg6[%parallel_loop3A_350, %parallel_loop3A_351] {strides = array<i32>} : memref<128x256xf32, #tpu.memory_space<vmem>>, vector<1x16xf32>,
      %parallel_loop3A_353 = vector.shape_cast %parallel_loop3A_352 : vector<1x16xf32> to vector<16xf32>
      %parallel_loop3A_354 = vector.shape_cast %parallel_loop3A_349 : vector<16xf32> to vector<1x16xf32>
      tpu.vector_store %arg6[%parallel_loop3A_350, %parallel_loop3A_351], %parallel_loop3A_354 {add = true, strides = array<i32>} : memref<128x256xf32, #tpu.memory_space<vmem>>, vector<1x16xf32>,
      %parallel_loop3A_355 = arith.index_cast %parallel_loop3A_336 : i32 to index
      %parallel_loop3A_356 = arith.constant 32 : index
      %parallel_loop3A_357 = tpu.vector_load %arg5[%parallel_loop3A_355, %parallel_loop3A_356] {strides = array<i32>} : memref<128x256xf32, #tpu.memory_space<vmem>>, vector<1x16xf32>,
      %parallel_loop3A_358 = vector.shape_cast %parallel_loop3A_357 : vector<1x16xf32> to vector<16xf32>
      %parallel_loop3A_359 = arith.index_cast %parallel_loop3A_336 : i32 to index
      %parallel_loop3A_360 = arith.constant 32 : index
      %parallel_loop3A_361 = tpu.vector_load %arg6[%parallel_loop3A_359, %parallel_loop3A_360] {strides = array<i32>} : memref<128x256xf32, #tpu.memory_space<vmem>>, vector<1x16xf32>,
      %parallel_loop3A_362 = vector.shape_cast %parallel_loop3A_361 : vector<1x16xf32> to vector<16xf32>
      %parallel_loop3A_363 = vector.shape_cast %parallel_loop3A_358 : vector<16xf32> to vector<1x16xf32>
      tpu.vector_store %arg6[%parallel_loop3A_359, %parallel_loop3A_360], %parallel_loop3A_363 {add = true, strides = array<i32>} : memref<128x256xf32, #tpu.memory_space<vmem>>, vector<1x16xf32>,
      %parallel_loop3A_364 = arith.index_cast %parallel_loop3A_336 : i32 to index
      %parallel_loop3A_365 = arith.constant 48 : index
      %parallel_loop3A_366 = tpu.vector_load %arg5[%parallel_loop3A_364, %parallel_loop3A_365] {strides = array<i32>} : memref<128x256xf32, #tpu.memory_space<vmem>>, vector<1x16xf32>,
      %parallel_loop3A_367 = vector.shape_cast %parallel_loop3A_366 : vector<1x16xf32> to vector<16xf32>
      %parallel_loop3A_368 = arith.index_cast %parallel_loop3A_336 : i32 to index
      %parallel_loop3A_369 = arith.constant 48 : index
      %parallel_loop3A_370 = tpu.vector_load %arg6[%parallel_loop3A_368, %parallel_loop3A_369] {strides = array<i32>} : memref<128x256xf32, #tpu.memory_space<vmem>>, vector<1x16xf32>,
      %parallel_loop3A_371 = vector.shape_cast %parallel_loop3A_370 : vector<1x16xf32> to vector<16xf32>
      %parallel_loop3A_372 = vector.shape_cast %parallel_loop3A_367 : vector<16xf32> to vector<1x16xf32>
      tpu.vector_store %arg6[%parallel_loop3A_368, %parallel_loop3A_369], %parallel_loop3A_372 {add = true, strides = array<i32>} : memref<128x256xf32, #tpu.memory_space<vmem>>, vector<1x16xf32>,
      %parallel_loop3A_373 = arith.index_cast %parallel_loop3A_336 : i32 to index
      %parallel_loop3A_374 = arith.constant 64 : index
      %parallel_loop3A_375 = tpu.vector_load %arg5[%parallel_loop3A_373, %parallel_loop3A_374] {strides = array<i32>} : memref<128x256xf32, #tpu.memory_space<vmem>>, vector<1x16xf32>,
      %parallel_loop3A_376 = vector.shape_cast %parallel_loop3A_375 : vector<1x16xf32> to vector<16xf32>
      %parallel_loop3A_377 = arith.index_cast %parallel_loop3A_336 : i32 to index
      %parallel_loop3A_378 = arith.constant 64 : index
      %parallel_loop3A_379 = tpu.vector_load %arg6[%parallel_loop3A_377, %parallel_loop3A_378] {strides = array<i32>} : memref<128x256xf32, #tpu.memory_space<vmem>>, vector<1x16xf32>,
      %parallel_loop3A_380 = vector.shape_cast %parallel_loop3A_379 : vector<1x16xf32> to vector<16xf32>
      %parallel_loop3A_381 = vector.shape_cast %parallel_loop3A_376 : vector<16xf32> to vector<1x16xf32>
      tpu.vector_store %arg6[%parallel_loop3A_377, %parallel_loop3A_378], %parallel_loop3A_381 {add = true, strides = array<i32>} : memref<128x256xf32, #tpu.memory_space<vmem>>, vector<1x16xf32>,
      %parallel_loop3A_382 = arith.index_cast %parallel_loop3A_336 : i32 to index
      %parallel_loop3A_383 = arith.constant 80 : index
      %parallel_loop3A_384 = tpu.vector_load %arg5[%parallel_loop3A_382, %parallel_loop3A_383] {strides = array<i32>} : memref<128x256xf32, #tpu.memory_space<vmem>>, vector<1x16xf32>,
      %parallel_loop3A_385 = vector.shape_cast %parallel_loop3A_384 : vector<1x16xf32> to vector<16xf32>
      %parallel_loop3A_386 = arith.index_cast %parallel_loop3A_336 : i32 to index
      %parallel_loop3A_387 = arith.constant 80 : index
      %parallel_loop3A_388 = tpu.vector_load %arg6[%parallel_loop3A_386, %parallel_loop3A_387] {strides = array<i32>} : memref<128x256xf32, #tpu.memory_space<vmem>>, vector<1x16xf32>,
      %parallel_loop3A_389 = vector.shape_cast %parallel_loop3A_388 : vector<1x16xf32> to vector<16xf32>
      %parallel_loop3A_390 = vector.shape_cast %parallel_loop3A_385 : vector<16xf32> to vector<1x16xf32>
      tpu.vector_store %arg6[%parallel_loop3A_386, %parallel_loop3A_387], %parallel_loop3A_390 {add = true, strides = array<i32>} : memref<128x256xf32, #tpu.memory_space<vmem>>, vector<1x16xf32>,
      %parallel_loop3A_391 = arith.index_cast %parallel_loop3A_336 : i32 to index
      %parallel_loop3A_392 = arith.constant 96 : index
      %parallel_loop3A_393 = tpu.vector_load %arg5[%parallel_loop3A_391, %parallel_loop3A_392] {strides = array<i32>} : memref<128x256xf32, #tpu.memory_space<vmem>>, vector<1x16xf32>,
      %parallel_loop3A_394 = vector.shape_cast %parallel_loop3A_393 : vector<1x16xf32> to vector<16xf32>
      %parallel_loop3A_395 = arith.index_cast %parallel_loop3A_336 : i32 to index
      %parallel_loop3A_396 = arith.constant 96 : index
      %parallel_loop3A_397 = tpu.vector_load %arg6[%parallel_loop3A_395, %parallel_loop3A_396] {strides = array<i32>} : memref<128x256xf32, #tpu.memory_space<vmem>>, vector<1x16xf32>,
      %parallel_loop3A_398 = vector.shape_cast %parallel_loop3A_397 : vector<1x16xf32> to vector<16xf32>
      %parallel_loop3A_399 = vector.shape_cast %parallel_loop3A_394 : vector<16xf32> to vector<1x16xf32>
      tpu.vector_store %arg6[%parallel_loop3A_395, %parallel_loop3A_396], %parallel_loop3A_399 {add = true, strides = array<i32>} : memref<128x256xf32, #tpu.memory_space<vmem>>, vector<1x16xf32>,
      %parallel_loop3A_400 = arith.index_cast %parallel_loop3A_336 : i32 to index
      %parallel_loop3A_401 = arith.constant 112 : index
      %parallel_loop3A_402 = tpu.vector_load %arg5[%parallel_loop3A_400, %parallel_loop3A_401] {strides = array<i32>} : memref<128x256xf32, #tpu.memory_space<vmem>>, vector<1x16xf32>,
      %parallel_loop3A_403 = vector.shape_cast %parallel_loop3A_402 : vector<1x16xf32> to vector<16xf32>
      %parallel_loop3A_404 = arith.index_cast %parallel_loop3A_336 : i32 to index
      %parallel_loop3A_405 = arith.constant 112 : index
      %parallel_loop3A_406 = tpu.vector_load %arg6[%parallel_loop3A_404, %parallel_loop3A_405] {strides = array<i32>} : memref<128x256xf32, #tpu.memory_space<vmem>>, vector<1x16xf32>,
      %parallel_loop3A_407 = vector.shape_cast %parallel_loop3A_406 : vector<1x16xf32> to vector<16xf32>
      %parallel_loop3A_408 = vector.shape_cast %parallel_loop3A_403 : vector<16xf32> to vector<1x16xf32>
      tpu.vector_store %arg6[%parallel_loop3A_404, %parallel_loop3A_405], %parallel_loop3A_408 {add = true, strides = array<i32>} : memref<128x256xf32, #tpu.memory_space<vmem>>, vector<1x16xf32>,
      %parallel_loop3A_409 = arith.index_cast %parallel_loop3A_336 : i32 to index
      %parallel_loop3A_410 = arith.constant 128 : index
      %parallel_loop3A_411 = tpu.vector_load %arg5[%parallel_loop3A_409, %parallel_loop3A_410] {strides = array<i32>} : memref<128x256xf32, #tpu.memory_space<vmem>>, vector<1x16xf32>,
      %parallel_loop3A_412 = vector.shape_cast %parallel_loop3A_411 : vector<1x16xf32> to vector<16xf32>
      %parallel_loop3A_413 = arith.index_cast %parallel_loop3A_336 : i32 to index
      %parallel_loop3A_414 = arith.constant 128 : index
      %parallel_loop3A_415 = tpu.vector_load %arg6[%parallel_loop3A_413, %parallel_loop3A_414] {strides = array<i32>} : memref<128x256xf32, #tpu.memory_space<vmem>>, vector<1x16xf32>,
      %parallel_loop3A_416 = vector.shape_cast %parallel_loop3A_415 : vector<1x16xf32> to vector<16xf32>
      %parallel_loop3A_417 = vector.shape_cast %parallel_loop3A_412 : vector<16xf32> to vector<1x16xf32>
      tpu.vector_store %arg6[%parallel_loop3A_413, %parallel_loop3A_414], %parallel_loop3A_417 {add = true, strides = array<i32>} : memref<128x256xf32, #tpu.memory_space<vmem>>, vector<1x16xf32>,
      %parallel_loop3A_418 = arith.index_cast %parallel_loop3A_336 : i32 to index
      %parallel_loop3A_419 = arith.constant 144 : index
      %parallel_loop3A_420 = tpu.vector_load %arg5[%parallel_loop3A_418, %parallel_loop3A_419] {strides = array<i32>} : memref<128x256xf32, #tpu.memory_space<vmem>>, vector<1x16xf32>,
      %parallel_loop3A_421 = vector.shape_cast %parallel_loop3A_420 : vector<1x16xf32> to vector<16xf32>
      %parallel_loop3A_422 = arith.index_cast %parallel_loop3A_336 : i32 to index
      %parallel_loop3A_423 = arith.constant 144 : index
      %parallel_loop3A_424 = tpu.vector_load %arg6[%parallel_loop3A_422, %parallel_loop3A_423] {strides = array<i32>} : memref<128x256xf32, #tpu.memory_space<vmem>>, vector<1x16xf32>,
      %parallel_loop3A_425 = vector.shape_cast %parallel_loop3A_424 : vector<1x16xf32> to vector<16xf32>
      %parallel_loop3A_426 = vector.shape_cast %parallel_loop3A_421 : vector<16xf32> to vector<1x16xf32>
      tpu.vector_store %arg6[%parallel_loop3A_422, %parallel_loop3A_423], %parallel_loop3A_426 {add = true, strides = array<i32>} : memref<128x256xf32, #tpu.memory_space<vmem>>, vector<1x16xf32>,
      %parallel_loop3A_427 = arith.index_cast %parallel_loop3A_336 : i32 to index
      %parallel_loop3A_428 = arith.constant 160 : index
      %parallel_loop3A_429 = tpu.vector_load %arg5[%parallel_loop3A_427, %parallel_loop3A_428] {strides = array<i32>} : memref<128x256xf32, #tpu.memory_space<vmem>>, vector<1x16xf32>,
      %parallel_loop3A_430 = vector.shape_cast %parallel_loop3A_429 : vector<1x16xf32> to vector<16xf32>
      %parallel_loop3A_431 = arith.index_cast %parallel_loop3A_336 : i32 to index
      %parallel_loop3A_432 = arith.constant 160 : index
      %parallel_loop3A_433 = tpu.vector_load %arg6[%parallel_loop3A_431, %parallel_loop3A_432] {strides = array<i32>} : memref<128x256xf32, #tpu.memory_space<vmem>>, vector<1x16xf32>,
      %parallel_loop3A_434 = vector.shape_cast %parallel_loop3A_433 : vector<1x16xf32> to vector<16xf32>
      %parallel_loop3A_435 = vector.shape_cast %parallel_loop3A_430 : vector<16xf32> to vector<1x16xf32>
      tpu.vector_store %arg6[%parallel_loop3A_431, %parallel_loop3A_432], %parallel_loop3A_435 {add = true, strides = array<i32>} : memref<128x256xf32, #tpu.memory_space<vmem>>, vector<1x16xf32>,
      %parallel_loop3A_436 = arith.index_cast %parallel_loop3A_336 : i32 to index
      %parallel_loop3A_437 = arith.constant 176 : index
      %parallel_loop3A_438 = tpu.vector_load %arg5[%parallel_loop3A_436, %parallel_loop3A_437] {strides = array<i32>} : memref<128x256xf32, #tpu.memory_space<vmem>>, vector<1x16xf32>,
      %parallel_loop3A_439 = vector.shape_cast %parallel_loop3A_438 : vector<1x16xf32> to vector<16xf32>
      %parallel_loop3A_440 = arith.index_cast %parallel_loop3A_336 : i32 to index
      %parallel_loop3A_441 = arith.constant 176 : index
      %parallel_loop3A_442 = tpu.vector_load %arg6[%parallel_loop3A_440, %parallel_loop3A_441] {strides = array<i32>} : memref<128x256xf32, #tpu.memory_space<vmem>>, vector<1x16xf32>,
      %parallel_loop3A_443 = vector.shape_cast %parallel_loop3A_442 : vector<1x16xf32> to vector<16xf32>
      %parallel_loop3A_444 = vector.shape_cast %parallel_loop3A_439 : vector<16xf32> to vector<1x16xf32>
      tpu.vector_store %arg6[%parallel_loop3A_440, %parallel_loop3A_441], %parallel_loop3A_444 {add = true, strides = array<i32>} : memref<128x256xf32, #tpu.memory_space<vmem>>, vector<1x16xf32>,
      %parallel_loop3A_445 = arith.index_cast %parallel_loop3A_336 : i32 to index
      %parallel_loop3A_446 = arith.constant 192 : index
      %parallel_loop3A_447 = tpu.vector_load %arg5[%parallel_loop3A_445, %parallel_loop3A_446] {strides = array<i32>} : memref<128x256xf32, #tpu.memory_space<vmem>>, vector<1x16xf32>,
      %parallel_loop3A_448 = vector.shape_cast %parallel_loop3A_447 : vector<1x16xf32> to vector<16xf32>
      %parallel_loop3A_449 = arith.index_cast %parallel_loop3A_336 : i32 to index
      %parallel_loop3A_450 = arith.constant 192 : index
      %parallel_loop3A_451 = tpu.vector_load %arg6[%parallel_loop3A_449, %parallel_loop3A_450] {strides = array<i32>} : memref<128x256xf32, #tpu.memory_space<vmem>>, vector<1x16xf32>,
      %parallel_loop3A_452 = vector.shape_cast %parallel_loop3A_451 : vector<1x16xf32> to vector<16xf32>
      %parallel_loop3A_453 = vector.shape_cast %parallel_loop3A_448 : vector<16xf32> to vector<1x16xf32>
      tpu.vector_store %arg6[%parallel_loop3A_449, %parallel_loop3A_450], %parallel_loop3A_453 {add = true, strides = array<i32>} : memref<128x256xf32, #tpu.memory_space<vmem>>, vector<1x16xf32>,
      %parallel_loop3A_454 = arith.index_cast %parallel_loop3A_336 : i32 to index
      %parallel_loop3A_455 = arith.constant 208 : index
      %parallel_loop3A_456 = tpu.vector_load %arg5[%parallel_loop3A_454, %parallel_loop3A_455] {strides = array<i32>} : memref<128x256xf32, #tpu.memory_space<vmem>>, vector<1x16xf32>,
      %parallel_loop3A_457 = vector.shape_cast %parallel_loop3A_456 : vector<1x16xf32> to vector<16xf32>
      %parallel_loop3A_458 = arith.index_cast %parallel_loop3A_336 : i32 to index
      %parallel_loop3A_459 = arith.constant 208 : index
      %parallel_loop3A_460 = tpu.vector_load %arg6[%parallel_loop3A_458, %parallel_loop3A_459] {strides = array<i32>} : memref<128x256xf32, #tpu.memory_space<vmem>>, vector<1x16xf32>,
      %parallel_loop3A_461 = vector.shape_cast %parallel_loop3A_460 : vector<1x16xf32> to vector<16xf32>
      %parallel_loop3A_462 = vector.shape_cast %parallel_loop3A_457 : vector<16xf32> to vector<1x16xf32>
      tpu.vector_store %arg6[%parallel_loop3A_458, %parallel_loop3A_459], %parallel_loop3A_462 {add = true, strides = array<i32>} : memref<128x256xf32, #tpu.memory_space<vmem>>, vector<1x16xf32>,
      %parallel_loop3A_463 = arith.index_cast %parallel_loop3A_336 : i32 to index
      %parallel_loop3A_464 = arith.constant 224 : index
      %parallel_loop3A_465 = tpu.vector_load %arg5[%parallel_loop3A_463, %parallel_loop3A_464] {strides = array<i32>} : memref<128x256xf32, #tpu.memory_space<vmem>>, vector<1x16xf32>,
      %parallel_loop3A_466 = vector.shape_cast %parallel_loop3A_465 : vector<1x16xf32> to vector<16xf32>
      %parallel_loop3A_467 = arith.index_cast %parallel_loop3A_336 : i32 to index
      %parallel_loop3A_468 = arith.constant 224 : index
      %parallel_loop3A_469 = tpu.vector_load %arg6[%parallel_loop3A_467, %parallel_loop3A_468] {strides = array<i32>} : memref<128x256xf32, #tpu.memory_space<vmem>>, vector<1x16xf32>,
      %parallel_loop3A_470 = vector.shape_cast %parallel_loop3A_469 : vector<1x16xf32> to vector<16xf32>
      %parallel_loop3A_471 = vector.shape_cast %parallel_loop3A_466 : vector<16xf32> to vector<1x16xf32>
      tpu.vector_store %arg6[%parallel_loop3A_467, %parallel_loop3A_468], %parallel_loop3A_471 {add = true, strides = array<i32>} : memref<128x256xf32, #tpu.memory_space<vmem>>, vector<1x16xf32>,
      %parallel_loop3A_472 = arith.index_cast %parallel_loop3A_336 : i32 to index
      %parallel_loop3A_473 = arith.constant 240 : index
      %parallel_loop3A_474 = tpu.vector_load %arg5[%parallel_loop3A_472, %parallel_loop3A_473] {strides = array<i32>} : memref<128x256xf32, #tpu.memory_space<vmem>>, vector<1x16xf32>,
      %parallel_loop3A_475 = vector.shape_cast %parallel_loop3A_474 : vector<1x16xf32> to vector<16xf32>
      %parallel_loop3A_476 = arith.index_cast %parallel_loop3A_336 : i32 to index
      %parallel_loop3A_477 = arith.constant 240 : index
      %parallel_loop3A_478 = tpu.vector_load %arg6[%parallel_loop3A_476, %parallel_loop3A_477] {strides = array<i32>} : memref<128x256xf32, #tpu.memory_space<vmem>>, vector<1x16xf32>,
      %parallel_loop3A_479 = vector.shape_cast %parallel_loop3A_478 : vector<1x16xf32> to vector<16xf32>
      %parallel_loop3A_480 = vector.shape_cast %parallel_loop3A_475 : vector<16xf32> to vector<1x16xf32>
      tpu.vector_store %arg6[%parallel_loop3A_476, %parallel_loop3A_477], %parallel_loop3A_480 {add = true, strides = array<i32>} : memref<128x256xf32, #tpu.memory_space<vmem>>, vector<1x16xf32>,
    } {sc.loop_unroll_factor = 2 : i64, sc.parallel_access}
    %add3A_42 = arith.constant 0 : i32
    %add3A_43 = arith.addi %mul3A_2, %add3A_42 : i32
    %dma_start3A_44 = arith.constant 0 : i32
    %dma_start3A_45 = arith.constant 0 : i32
    %dma_start3A_46 = tpu.memref_slice %arg4[%dma_start3A_44, %add3A_43, %dma_start3A_45] : memref<4x8192x256xf32, #tpu.memory_space<hbm>> -> memref<1x128x256xf32, #tpu.memory_space<hbm>>
    %dma_start3A_47 = tpu.memref_squeeze %dma_start3A_46 : memref<1x128x256xf32, #tpu.memory_space<hbm>> -> memref<128x256xf32, #tpu.memory_space<hbm>>
    %dma_start3A_48 = arith.constant 0 : i32
    %dma_start3A_49 = tpu.memref_slice %arg4[%dma_start3A_44, %add3A_43, %dma_start3A_48] : memref<4x8192x256xf32, #tpu.memory_space<hbm>> -> memref<1x128x256xf32, #tpu.memory_space<hbm>>
    %dma_start3A_50 = tpu.memref_squeeze %dma_start3A_49 : memref<1x128x256xf32, #tpu.memory_space<hbm>> -> memref<128x256xf32, #tpu.memory_space<hbm>>
    tpu.enqueue_dma source(%arg6 : memref<128x256xf32, #tpu.memory_space<vmem>>) target(%dma_start3A_50 : memref<128x256xf32, #tpu.memory_space<hbm>>) target_semaphore(%arg11 : memref<!tpu.dma_semaphore, #tpu.memory_space<semaphore_mem>>)
    %add3A_51 = arith.constant 0 : i32
    %add3A_52 = arith.addi %mul3A_2, %add3A_51 : i32
    %dma_wait3A_53 = arith.constant 0 : i32
    %dma_wait3A_54 = arith.constant 0 : i32
    %dma_wait3A_55 = tpu.memref_slice %arg4[%dma_wait3A_53, %add3A_52, %dma_wait3A_54] : memref<4x8192x256xf32, #tpu.memory_space<hbm>> -> memref<1x128x256xf32, #tpu.memory_space<hbm>>
    %dma_wait3A_56 = tpu.memref_squeeze %dma_wait3A_55 : memref<1x128x256xf32, #tpu.memory_space<hbm>> -> memref<128x256xf32, #tpu.memory_space<hbm>>
    %dma_wait3A_57 = arith.constant 0 : i32
    %dma_wait3A_58 = tpu.memref_slice %arg4[%dma_wait3A_53, %add3A_52, %dma_wait3A_57] : memref<4x8192x256xf32, #tpu.memory_space<hbm>> -> memref<1x128x256xf32, #tpu.memory_space<hbm>>
    %dma_wait3A_59 = tpu.memref_squeeze %dma_wait3A_58 : memref<1x128x256xf32, #tpu.memory_space<hbm>> -> memref<128x256xf32, #tpu.memory_space<hbm>>
    tpu.wait_dma2 semaphore(%arg11 : memref<!tpu.dma_semaphore, #tpu.memory_space<semaphore_mem>>) src(%arg6 : memref<128x256xf32, #tpu.memory_space<vmem>>) dst(%dma_wait3A_59 : memref<128x256xf32, #tpu.memory_space<hbm>>)
    %add3A_60 = arith.constant 0 : i32
    %add3A_61 = arith.addi %mul3A_2, %add3A_60 : i32
    %dma_start3A_62 = arith.constant 2 : i32
    %dma_start3A_63 = arith.constant 0 : i32
    %dma_start3A_64 = tpu.memref_slice %arg2[%dma_start3A_62, %add3A_61, %dma_start3A_63] : memref<4x8192x256xf32, #tpu.memory_space<hbm>> -> memref<1x128x256xf32, #tpu.memory_space<hbm>>
    %dma_start3A_65 = tpu.memref_squeeze %dma_start3A_64 : memref<1x128x256xf32, #tpu.memory_space<hbm>> -> memref<128x256xf32, #tpu.memory_space<hbm>>
    %dma_start3A_66 = arith.constant 0 : i32
    %dma_start3A_67 = tpu.memref_slice %arg2[%dma_start3A_62, %add3A_61, %dma_start3A_66] : memref<4x8192x256xf32, #tpu.memory_space<hbm>> -> memref<1x128x256xf32, #tpu.memory_space<hbm>>
    %dma_start3A_68 = tpu.memref_squeeze %dma_start3A_67 : memref<1x128x256xf32, #tpu.memory_space<hbm>> -> memref<128x256xf32, #tpu.memory_space<hbm>>
    tpu.enqueue_dma source(%dma_start3A_68 : memref<128x256xf32, #tpu.memory_space<hbm>>) target(%arg6 : memref<128x256xf32, #tpu.memory_space<vmem>>) target_semaphore(%arg9 : memref<!tpu.dma_semaphore, #tpu.memory_space<semaphore_mem>>)
    %add3A_69 = arith.constant 0 : i32
    %add3A_70 = arith.addi %mul3A_2, %add3A_69 : i32
    %dma_wait3A_71 = arith.constant 1 : i32
    %dma_wait3A_72 = arith.constant 0 : i32
    %dma_wait3A_73 = tpu.memref_slice %arg2[%dma_wait3A_71, %add3A_70, %dma_wait3A_72] : memref<4x8192x256xf32, #tpu.memory_space<hbm>> -> memref<1x128x256xf32, #tpu.memory_space<hbm>>
    %dma_wait3A_74 = tpu.memref_squeeze %dma_wait3A_73 : memref<1x128x256xf32, #tpu.memory_space<hbm>> -> memref<128x256xf32, #tpu.memory_space<hbm>>
    %dma_wait3A_75 = arith.constant 0 : i32
    %dma_wait3A_76 = tpu.memref_slice %arg2[%dma_wait3A_71, %add3A_70, %dma_wait3A_75] : memref<4x8192x256xf32, #tpu.memory_space<hbm>> -> memref<1x128x256xf32, #tpu.memory_space<hbm>>
    %dma_wait3A_77 = tpu.memref_squeeze %dma_wait3A_76 : memref<1x128x256xf32, #tpu.memory_space<hbm>> -> memref<128x256xf32, #tpu.memory_space<hbm>>
    tpu.wait_dma2 semaphore(%arg10 : memref<!tpu.dma_semaphore, #tpu.memory_space<semaphore_mem>>) src(%dma_wait3A_77 : memref<128x256xf32, #tpu.memory_space<hbm>>) dst(%arg7 : memref<128x256xf32, #tpu.memory_space<vmem>>)
    %parallel_loop3A_78 = arith.constant 0 : i32
    %parallel_loop3A_79 = arith.constant 128 : i32
    %parallel_loop3A_80 = arith.constant 1 : i32
    scf.for %parallel_loop3A_336 = %parallel_loop3A_78 to %parallel_loop3A_79 step %parallel_loop3A_80  : i32 {
      %parallel_loop3A_337 = arith.index_cast %parallel_loop3A_336 : i32 to index
      %parallel_loop3A_338 = arith.constant 0 : index
      %parallel_loop3A_339 = tpu.vector_load %arg5[%parallel_loop3A_337, %parallel_loop3A_338] {strides = array<i32>} : memref<128x256xf32, #tpu.memory_space<vmem>>, vector<1x16xf32>,
      %parallel_loop3A_340 = vector.shape_cast %parallel_loop3A_339 : vector<1x16xf32> to vector<16xf32>
      %parallel_loop3A_341 = arith.index_cast %parallel_loop3A_336 : i32 to index
      %parallel_loop3A_342 = arith.constant 0 : index
      %parallel_loop3A_343 = tpu.vector_load %arg7[%parallel_loop3A_341, %parallel_loop3A_342] {strides = array<i32>} : memref<128x256xf32, #tpu.memory_space<vmem>>, vector<1x16xf32>,
      %parallel_loop3A_344 = vector.shape_cast %parallel_loop3A_343 : vector<1x16xf32> to vector<16xf32>
      %parallel_loop3A_345 = vector.shape_cast %parallel_loop3A_340 : vector<16xf32> to vector<1x16xf32>
      tpu.vector_store %arg7[%parallel_loop3A_341, %parallel_loop3A_342], %parallel_loop3A_345 {add = true, strides = array<i32>} : memref<128x256xf32, #tpu.memory_space<vmem>>, vector<1x16xf32>,
      %parallel_loop3A_346 = arith.index_cast %parallel_loop3A_336 : i32 to index
      %parallel_loop3A_347 = arith.constant 16 : index
      %parallel_loop3A_348 = tpu.vector_load %arg5[%parallel_loop3A_346, %parallel_loop3A_347] {strides = array<i32>} : memref<128x256xf32, #tpu.memory_space<vmem>>, vector<1x16xf32>,
      %parallel_loop3A_349 = vector.shape_cast %parallel_loop3A_348 : vector<1x16xf32> to vector<16xf32>
      %parallel_loop3A_350 = arith.index_cast %parallel_loop3A_336 : i32 to index
      %parallel_loop3A_351 = arith.constant 16 : index
      %parallel_loop3A_352 = tpu.vector_load %arg7[%parallel_loop3A_350, %parallel_loop3A_351] {strides = array<i32>} : memref<128x256xf32, #tpu.memory_space<vmem>>, vector<1x16xf32>,
      %parallel_loop3A_353 = vector.shape_cast %parallel_loop3A_352 : vector<1x16xf32> to vector<16xf32>
      %parallel_loop3A_354 = vector.shape_cast %parallel_loop3A_349 : vector<16xf32> to vector<1x16xf32>
      tpu.vector_store %arg7[%parallel_loop3A_350, %parallel_loop3A_351], %parallel_loop3A_354 {add = true, strides = array<i32>} : memref<128x256xf32, #tpu.memory_space<vmem>>, vector<1x16xf32>,
      %parallel_loop3A_355 = arith.index_cast %parallel_loop3A_336 : i32 to index
      %parallel_loop3A_356 = arith.constant 32 : index
      %parallel_loop3A_357 = tpu.vector_load %arg5[%parallel_loop3A_355, %parallel_loop3A_356] {strides = array<i32>} : memref<128x256xf32, #tpu.memory_space<vmem>>, vector<1x16xf32>,
      %parallel_loop3A_358 = vector.shape_cast %parallel_loop3A_357 : vector<1x16xf32> to vector<16xf32>
      %parallel_loop3A_359 = arith.index_cast %parallel_loop3A_336 : i32 to index
      %parallel_loop3A_360 = arith.constant 32 : index
      %parallel_loop3A_361 = tpu.vector_load %arg7[%parallel_loop3A_359, %parallel_loop3A_360] {strides = array<i32>} : memref<128x256xf32, #tpu.memory_space<vmem>>, vector<1x16xf32>,
      %parallel_loop3A_362 = vector.shape_cast %parallel_loop3A_361 : vector<1x16xf32> to vector<16xf32>
      %parallel_loop3A_363 = vector.shape_cast %parallel_loop3A_358 : vector<16xf32> to vector<1x16xf32>
      tpu.vector_store %arg7[%parallel_loop3A_359, %parallel_loop3A_360], %parallel_loop3A_363 {add = true, strides = array<i32>} : memref<128x256xf32, #tpu.memory_space<vmem>>, vector<1x16xf32>,
      %parallel_loop3A_364 = arith.index_cast %parallel_loop3A_336 : i32 to index
      %parallel_loop3A_365 = arith.constant 48 : index
      %parallel_loop3A_366 = tpu.vector_load %arg5[%parallel_loop3A_364, %parallel_loop3A_365] {strides = array<i32>} : memref<128x256xf32, #tpu.memory_space<vmem>>, vector<1x16xf32>,
      %parallel_loop3A_367 = vector.shape_cast %parallel_loop3A_366 : vector<1x16xf32> to vector<16xf32>
      %parallel_loop3A_368 = arith.index_cast %parallel_loop3A_336 : i32 to index
      %parallel_loop3A_369 = arith.constant 48 : index
      %parallel_loop3A_370 = tpu.vector_load %arg7[%parallel_loop3A_368, %parallel_loop3A_369] {strides = array<i32>} : memref<128x256xf32, #tpu.memory_space<vmem>>, vector<1x16xf32>,
      %parallel_loop3A_371 = vector.shape_cast %parallel_loop3A_370 : vector<1x16xf32> to vector<16xf32>
      %parallel_loop3A_372 = vector.shape_cast %parallel_loop3A_367 : vector<16xf32> to vector<1x16xf32>
      tpu.vector_store %arg7[%parallel_loop3A_368, %parallel_loop3A_369], %parallel_loop3A_372 {add = true, strides = array<i32>} : memref<128x256xf32, #tpu.memory_space<vmem>>, vector<1x16xf32>,
      %parallel_loop3A_373 = arith.index_cast %parallel_loop3A_336 : i32 to index
      %parallel_loop3A_374 = arith.constant 64 : index
      %parallel_loop3A_375 = tpu.vector_load %arg5[%parallel_loop3A_373, %parallel_loop3A_374] {strides = array<i32>} : memref<128x256xf32, #tpu.memory_space<vmem>>, vector<1x16xf32>,
      %parallel_loop3A_376 = vector.shape_cast %parallel_loop3A_375 : vector<1x16xf32> to vector<16xf32>
      %parallel_loop3A_377 = arith.index_cast %parallel_loop3A_336 : i32 to index
      %parallel_loop3A_378 = arith.constant 64 : index
      %parallel_loop3A_379 = tpu.vector_load %arg7[%parallel_loop3A_377, %parallel_loop3A_378] {strides = array<i32>} : memref<128x256xf32, #tpu.memory_space<vmem>>, vector<1x16xf32>,
      %parallel_loop3A_380 = vector.shape_cast %parallel_loop3A_379 : vector<1x16xf32> to vector<16xf32>
      %parallel_loop3A_381 = vector.shape_cast %parallel_loop3A_376 : vector<16xf32> to vector<1x16xf32>
      tpu.vector_store %arg7[%parallel_loop3A_377, %parallel_loop3A_378], %parallel_loop3A_381 {add = true, strides = array<i32>} : memref<128x256xf32, #tpu.memory_space<vmem>>, vector<1x16xf32>,
      %parallel_loop3A_382 = arith.index_cast %parallel_loop3A_336 : i32 to index
      %parallel_loop3A_383 = arith.constant 80 : index
      %parallel_loop3A_384 = tpu.vector_load %arg5[%parallel_loop3A_382, %parallel_loop3A_383] {strides = array<i32>} : memref<128x256xf32, #tpu.memory_space<vmem>>, vector<1x16xf32>,
      %parallel_loop3A_385 = vector.shape_cast %parallel_loop3A_384 : vector<1x16xf32> to vector<16xf32>
      %parallel_loop3A_386 = arith.index_cast %parallel_loop3A_336 : i32 to index
      %parallel_loop3A_387 = arith.constant 80 : index
      %parallel_loop3A_388 = tpu.vector_load %arg7[%parallel_loop3A_386, %parallel_loop3A_387] {strides = array<i32>} : memref<128x256xf32, #tpu.memory_space<vmem>>, vector<1x16xf32>,
      %parallel_loop3A_389 = vector.shape_cast %parallel_loop3A_388 : vector<1x16xf32> to vector<16xf32>
      %parallel_loop3A_390 = vector.shape_cast %parallel_loop3A_385 : vector<16xf32> to vector<1x16xf32>
      tpu.vector_store %arg7[%parallel_loop3A_386, %parallel_loop3A_387], %parallel_loop3A_390 {add = true, strides = array<i32>} : memref<128x256xf32, #tpu.memory_space<vmem>>, vector<1x16xf32>,
      %parallel_loop3A_391 = arith.index_cast %parallel_loop3A_336 : i32 to index
      %parallel_loop3A_392 = arith.constant 96 : index
      %parallel_loop3A_393 = tpu.vector_load %arg5[%parallel_loop3A_391, %parallel_loop3A_392] {strides = array<i32>} : memref<128x256xf32, #tpu.memory_space<vmem>>, vector<1x16xf32>,
      %parallel_loop3A_394 = vector.shape_cast %parallel_loop3A_393 : vector<1x16xf32> to vector<16xf32>
      %parallel_loop3A_395 = arith.index_cast %parallel_loop3A_336 : i32 to index
      %parallel_loop3A_396 = arith.constant 96 : index
      %parallel_loop3A_397 = tpu.vector_load %arg7[%parallel_loop3A_395, %parallel_loop3A_396] {strides = array<i32>} : memref<128x256xf32, #tpu.memory_space<vmem>>, vector<1x16xf32>,
      %parallel_loop3A_398 = vector.shape_cast %parallel_loop3A_397 : vector<1x16xf32> to vector<16xf32>
      %parallel_loop3A_399 = vector.shape_cast %parallel_loop3A_394 : vector<16xf32> to vector<1x16xf32>
      tpu.vector_store %arg7[%parallel_loop3A_395, %parallel_loop3A_396], %parallel_loop3A_399 {add = true, strides = array<i32>} : memref<128x256xf32, #tpu.memory_space<vmem>>, vector<1x16xf32>,
      %parallel_loop3A_400 = arith.index_cast %parallel_loop3A_336 : i32 to index
      %parallel_loop3A_401 = arith.constant 112 : index
      %parallel_loop3A_402 = tpu.vector_load %arg5[%parallel_loop3A_400, %parallel_loop3A_401] {strides = array<i32>} : memref<128x256xf32, #tpu.memory_space<vmem>>, vector<1x16xf32>,
      %parallel_loop3A_403 = vector.shape_cast %parallel_loop3A_402 : vector<1x16xf32> to vector<16xf32>
      %parallel_loop3A_404 = arith.index_cast %parallel_loop3A_336 : i32 to index
      %parallel_loop3A_405 = arith.constant 112 : index
      %parallel_loop3A_406 = tpu.vector_load %arg7[%parallel_loop3A_404, %parallel_loop3A_405] {strides = array<i32>} : memref<128x256xf32, #tpu.memory_space<vmem>>, vector<1x16xf32>,
      %parallel_loop3A_407 = vector.shape_cast %parallel_loop3A_406 : vector<1x16xf32> to vector<16xf32>
      %parallel_loop3A_408 = vector.shape_cast %parallel_loop3A_403 : vector<16xf32> to vector<1x16xf32>
      tpu.vector_store %arg7[%parallel_loop3A_404, %parallel_loop3A_405], %parallel_loop3A_408 {add = true, strides = array<i32>} : memref<128x256xf32, #tpu.memory_space<vmem>>, vector<1x16xf32>,
      %parallel_loop3A_409 = arith.index_cast %parallel_loop3A_336 : i32 to index
      %parallel_loop3A_410 = arith.constant 128 : index
      %parallel_loop3A_411 = tpu.vector_load %arg5[%parallel_loop3A_409, %parallel_loop3A_410] {strides = array<i32>} : memref<128x256xf32, #tpu.memory_space<vmem>>, vector<1x16xf32>,
      %parallel_loop3A_412 = vector.shape_cast %parallel_loop3A_411 : vector<1x16xf32> to vector<16xf32>
      %parallel_loop3A_413 = arith.index_cast %parallel_loop3A_336 : i32 to index
      %parallel_loop3A_414 = arith.constant 128 : index
      %parallel_loop3A_415 = tpu.vector_load %arg7[%parallel_loop3A_413, %parallel_loop3A_414] {strides = array<i32>} : memref<128x256xf32, #tpu.memory_space<vmem>>, vector<1x16xf32>,
      %parallel_loop3A_416 = vector.shape_cast %parallel_loop3A_415 : vector<1x16xf32> to vector<16xf32>
      %parallel_loop3A_417 = vector.shape_cast %parallel_loop3A_412 : vector<16xf32> to vector<1x16xf32>
      tpu.vector_store %arg7[%parallel_loop3A_413, %parallel_loop3A_414], %parallel_loop3A_417 {add = true, strides = array<i32>} : memref<128x256xf32, #tpu.memory_space<vmem>>, vector<1x16xf32>,
      %parallel_loop3A_418 = arith.index_cast %parallel_loop3A_336 : i32 to index
      %parallel_loop3A_419 = arith.constant 144 : index
      %parallel_loop3A_420 = tpu.vector_load %arg5[%parallel_loop3A_418, %parallel_loop3A_419] {strides = array<i32>} : memref<128x256xf32, #tpu.memory_space<vmem>>, vector<1x16xf32>,
      %parallel_loop3A_421 = vector.shape_cast %parallel_loop3A_420 : vector<1x16xf32> to vector<16xf32>
      %parallel_loop3A_422 = arith.index_cast %parallel_loop3A_336 : i32 to index
      %parallel_loop3A_423 = arith.constant 144 : index
      %parallel_loop3A_424 = tpu.vector_load %arg7[%parallel_loop3A_422, %parallel_loop3A_423] {strides = array<i32>} : memref<128x256xf32, #tpu.memory_space<vmem>>, vector<1x16xf32>,
      %parallel_loop3A_425 = vector.shape_cast %parallel_loop3A_424 : vector<1x16xf32> to vector<16xf32>
      %parallel_loop3A_426 = vector.shape_cast %parallel_loop3A_421 : vector<16xf32> to vector<1x16xf32>
      tpu.vector_store %arg7[%parallel_loop3A_422, %parallel_loop3A_423], %parallel_loop3A_426 {add = true, strides = array<i32>} : memref<128x256xf32, #tpu.memory_space<vmem>>, vector<1x16xf32>,
      %parallel_loop3A_427 = arith.index_cast %parallel_loop3A_336 : i32 to index
      %parallel_loop3A_428 = arith.constant 160 : index
      %parallel_loop3A_429 = tpu.vector_load %arg5[%parallel_loop3A_427, %parallel_loop3A_428] {strides = array<i32>} : memref<128x256xf32, #tpu.memory_space<vmem>>, vector<1x16xf32>,
      %parallel_loop3A_430 = vector.shape_cast %parallel_loop3A_429 : vector<1x16xf32> to vector<16xf32>
      %parallel_loop3A_431 = arith.index_cast %parallel_loop3A_336 : i32 to index
      %parallel_loop3A_432 = arith.constant 160 : index
      %parallel_loop3A_433 = tpu.vector_load %arg7[%parallel_loop3A_431, %parallel_loop3A_432] {strides = array<i32>} : memref<128x256xf32, #tpu.memory_space<vmem>>, vector<1x16xf32>,
      %parallel_loop3A_434 = vector.shape_cast %parallel_loop3A_433 : vector<1x16xf32> to vector<16xf32>
      %parallel_loop3A_435 = vector.shape_cast %parallel_loop3A_430 : vector<16xf32> to vector<1x16xf32>
      tpu.vector_store %arg7[%parallel_loop3A_431, %parallel_loop3A_432], %parallel_loop3A_435 {add = true, strides = array<i32>} : memref<128x256xf32, #tpu.memory_space<vmem>>, vector<1x16xf32>,
      %parallel_loop3A_436 = arith.index_cast %parallel_loop3A_336 : i32 to index
      %parallel_loop3A_437 = arith.constant 176 : index
      %parallel_loop3A_438 = tpu.vector_load %arg5[%parallel_loop3A_436, %parallel_loop3A_437] {strides = array<i32>} : memref<128x256xf32, #tpu.memory_space<vmem>>, vector<1x16xf32>,
      %parallel_loop3A_439 = vector.shape_cast %parallel_loop3A_438 : vector<1x16xf32> to vector<16xf32>
      %parallel_loop3A_440 = arith.index_cast %parallel_loop3A_336 : i32 to index
      %parallel_loop3A_441 = arith.constant 176 : index
      %parallel_loop3A_442 = tpu.vector_load %arg7[%parallel_loop3A_440, %parallel_loop3A_441] {strides = array<i32>} : memref<128x256xf32, #tpu.memory_space<vmem>>, vector<1x16xf32>,
      %parallel_loop3A_443 = vector.shape_cast %parallel_loop3A_442 : vector<1x16xf32> to vector<16xf32>
      %parallel_loop3A_444 = vector.shape_cast %parallel_loop3A_439 : vector<16xf32> to vector<1x16xf32>
      tpu.vector_store %arg7[%parallel_loop3A_440, %parallel_loop3A_441], %parallel_loop3A_444 {add = true, strides = array<i32>} : memref<128x256xf32, #tpu.memory_space<vmem>>, vector<1x16xf32>,
      %parallel_loop3A_445 = arith.index_cast %parallel_loop3A_336 : i32 to index
      %parallel_loop3A_446 = arith.constant 192 : index
      %parallel_loop3A_447 = tpu.vector_load %arg5[%parallel_loop3A_445, %parallel_loop3A_446] {strides = array<i32>} : memref<128x256xf32, #tpu.memory_space<vmem>>, vector<1x16xf32>,
      %parallel_loop3A_448 = vector.shape_cast %parallel_loop3A_447 : vector<1x16xf32> to vector<16xf32>
      %parallel_loop3A_449 = arith.index_cast %parallel_loop3A_336 : i32 to index
      %parallel_loop3A_450 = arith.constant 192 : index
      %parallel_loop3A_451 = tpu.vector_load %arg7[%parallel_loop3A_449, %parallel_loop3A_450] {strides = array<i32>} : memref<128x256xf32, #tpu.memory_space<vmem>>, vector<1x16xf32>,
      %parallel_loop3A_452 = vector.shape_cast %parallel_loop3A_451 : vector<1x16xf32> to vector<16xf32>
      %parallel_loop3A_453 = vector.shape_cast %parallel_loop3A_448 : vector<16xf32> to vector<1x16xf32>
      tpu.vector_store %arg7[%parallel_loop3A_449, %parallel_loop3A_450], %parallel_loop3A_453 {add = true, strides = array<i32>} : memref<128x256xf32, #tpu.memory_space<vmem>>, vector<1x16xf32>,
      %parallel_loop3A_454 = arith.index_cast %parallel_loop3A_336 : i32 to index
      %parallel_loop3A_455 = arith.constant 208 : index
      %parallel_loop3A_456 = tpu.vector_load %arg5[%parallel_loop3A_454, %parallel_loop3A_455] {strides = array<i32>} : memref<128x256xf32, #tpu.memory_space<vmem>>, vector<1x16xf32>,
      %parallel_loop3A_457 = vector.shape_cast %parallel_loop3A_456 : vector<1x16xf32> to vector<16xf32>
      %parallel_loop3A_458 = arith.index_cast %parallel_loop3A_336 : i32 to index
      %parallel_loop3A_459 = arith.constant 208 : index
      %parallel_loop3A_460 = tpu.vector_load %arg7[%parallel_loop3A_458, %parallel_loop3A_459] {strides = array<i32>} : memref<128x256xf32, #tpu.memory_space<vmem>>, vector<1x16xf32>,
      %parallel_loop3A_461 = vector.shape_cast %parallel_loop3A_460 : vector<1x16xf32> to vector<16xf32>
      %parallel_loop3A_462 = vector.shape_cast %parallel_loop3A_457 : vector<16xf32> to vector<1x16xf32>
      tpu.vector_store %arg7[%parallel_loop3A_458, %parallel_loop3A_459], %parallel_loop3A_462 {add = true, strides = array<i32>} : memref<128x256xf32, #tpu.memory_space<vmem>>, vector<1x16xf32>,
      %parallel_loop3A_463 = arith.index_cast %parallel_loop3A_336 : i32 to index
      %parallel_loop3A_464 = arith.constant 224 : index
      %parallel_loop3A_465 = tpu.vector_load %arg5[%parallel_loop3A_463, %parallel_loop3A_464] {strides = array<i32>} : memref<128x256xf32, #tpu.memory_space<vmem>>, vector<1x16xf32>,
      %parallel_loop3A_466 = vector.shape_cast %parallel_loop3A_465 : vector<1x16xf32> to vector<16xf32>
      %parallel_loop3A_467 = arith.index_cast %parallel_loop3A_336 : i32 to index
      %parallel_loop3A_468 = arith.constant 224 : index
      %parallel_loop3A_469 = tpu.vector_load %arg7[%parallel_loop3A_467, %parallel_loop3A_468] {strides = array<i32>} : memref<128x256xf32, #tpu.memory_space<vmem>>, vector<1x16xf32>,
      %parallel_loop3A_470 = vector.shape_cast %parallel_loop3A_469 : vector<1x16xf32> to vector<16xf32>
      %parallel_loop3A_471 = vector.shape_cast %parallel_loop3A_466 : vector<16xf32> to vector<1x16xf32>
      tpu.vector_store %arg7[%parallel_loop3A_467, %parallel_loop3A_468], %parallel_loop3A_471 {add = true, strides = array<i32>} : memref<128x256xf32, #tpu.memory_space<vmem>>, vector<1x16xf32>,
      %parallel_loop3A_472 = arith.index_cast %parallel_loop3A_336 : i32 to index
      %parallel_loop3A_473 = arith.constant 240 : index
      %parallel_loop3A_474 = tpu.vector_load %arg5[%parallel_loop3A_472, %parallel_loop3A_473] {strides = array<i32>} : memref<128x256xf32, #tpu.memory_space<vmem>>, vector<1x16xf32>,
      %parallel_loop3A_475 = vector.shape_cast %parallel_loop3A_474 : vector<1x16xf32> to vector<16xf32>
      %parallel_loop3A_476 = arith.index_cast %parallel_loop3A_336 : i32 to index
      %parallel_loop3A_477 = arith.constant 240 : index
      %parallel_loop3A_478 = tpu.vector_load %arg7[%parallel_loop3A_476, %parallel_loop3A_477] {strides = array<i32>} : memref<128x256xf32, #tpu.memory_space<vmem>>, vector<1x16xf32>,
      %parallel_loop3A_479 = vector.shape_cast %parallel_loop3A_478 : vector<1x16xf32> to vector<16xf32>
      %parallel_loop3A_480 = vector.shape_cast %parallel_loop3A_475 : vector<16xf32> to vector<1x16xf32>
      tpu.vector_store %arg7[%parallel_loop3A_476, %parallel_loop3A_477], %parallel_loop3A_480 {add = true, strides = array<i32>} : memref<128x256xf32, #tpu.memory_space<vmem>>, vector<1x16xf32>,
    } {sc.loop_unroll_factor = 2 : i64, sc.parallel_access}
    %add3A_81 = arith.constant 0 : i32
    %add3A_82 = arith.addi %mul3A_2, %add3A_81 : i32
    %dma_start3A_83 = arith.constant 1 : i32
    %dma_start3A_84 = arith.constant 0 : i32
    %dma_start3A_85 = tpu.memref_slice %arg4[%dma_start3A_83, %add3A_82, %dma_start3A_84] : memref<4x8192x256xf32, #tpu.memory_space<hbm>> -> memref<1x128x256xf32, #tpu.memory_space<hbm>>
    %dma_start3A_86 = tpu.memref_squeeze %dma_start3A_85 : memref<1x128x256xf32, #tpu.memory_space<hbm>> -> memref<128x256xf32, #tpu.memory_space<hbm>>
    %dma_start3A_87 = arith.constant 0 : i32
    %dma_start3A_88 = tpu.memref_slice %arg4[%dma_start3A_83, %add3A_82, %dma_start3A_87] : memref<4x8192x256xf32, #tpu.memory_space<hbm>> -> memref<1x128x256xf32, #tpu.memory_space<hbm>>
    %dma_start3A_89 = tpu.memref_squeeze %dma_start3A_88 : memref<1x128x256xf32, #tpu.memory_space<hbm>> -> memref<128x256xf32, #tpu.memory_space<hbm>>
    tpu.enqueue_dma source(%arg7 : memref<128x256xf32, #tpu.memory_space<vmem>>) target(%dma_start3A_89 : memref<128x256xf32, #tpu.memory_space<hbm>>) target_semaphore(%arg12 : memref<!tpu.dma_semaphore, #tpu.memory_space<semaphore_mem>>)
    %add3A_90 = arith.constant 0 : i32
    %add3A_91 = arith.addi %mul3A_2, %add3A_90 : i32
    %dma_wait3A_92 = arith.constant 1 : i32
    %dma_wait3A_93 = arith.constant 0 : i32
    %dma_wait3A_94 = tpu.memref_slice %arg4[%dma_wait3A_92, %add3A_91, %dma_wait3A_93] : memref<4x8192x256xf32, #tpu.memory_space<hbm>> -> memref<1x128x256xf32, #tpu.memory_space<hbm>>
    %dma_wait3A_95 = tpu.memref_squeeze %dma_wait3A_94 : memref<1x128x256xf32, #tpu.memory_space<hbm>> -> memref<128x256xf32, #tpu.memory_space<hbm>>
    %dma_wait3A_96 = arith.constant 0 : i32
    %dma_wait3A_97 = tpu.memref_slice %arg4[%dma_wait3A_92, %add3A_91, %dma_wait3A_96] : memref<4x8192x256xf32, #tpu.memory_space<hbm>> -> memref<1x128x256xf32, #tpu.memory_space<hbm>>
    %dma_wait3A_98 = tpu.memref_squeeze %dma_wait3A_97 : memref<1x128x256xf32, #tpu.memory_space<hbm>> -> memref<128x256xf32, #tpu.memory_space<hbm>>
    tpu.wait_dma2 semaphore(%arg12 : memref<!tpu.dma_semaphore, #tpu.memory_space<semaphore_mem>>) src(%arg7 : memref<128x256xf32, #tpu.memory_space<vmem>>) dst(%dma_wait3A_98 : memref<128x256xf32, #tpu.memory_space<hbm>>)
    %add3A_99 = arith.constant 0 : i32
    %add3A_100 = arith.addi %mul3A_2, %add3A_99 : i32
    %dma_start3A_101 = arith.constant 3 : i32
    %dma_start3A_102 = arith.constant 0 : i32
    %dma_start3A_103 = tpu.memref_slice %arg2[%dma_start3A_101, %add3A_100, %dma_start3A_102] : memref<4x8192x256xf32, #tpu.memory_space<hbm>> -> memref<1x128x256xf32, #tpu.memory_space<hbm>>
    %dma_start3A_104 = tpu.memref_squeeze %dma_start3A_103 : memref<1x128x256xf32, #tpu.memory_space<hbm>> -> memref<128x256xf32, #tpu.memory_space<hbm>>
    %dma_start3A_105 = arith.constant 0 : i32
    %dma_start3A_106 = tpu.memref_slice %arg2[%dma_start3A_101, %add3A_100, %dma_start3A_105] : memref<4x8192x256xf32, #tpu.memory_space<hbm>> -> memref<1x128x256xf32, #tpu.memory_space<hbm>>
    %dma_start3A_107 = tpu.memref_squeeze %dma_start3A_106 : memref<1x128x256xf32, #tpu.memory_space<hbm>> -> memref<128x256xf32, #tpu.memory_space<hbm>>
    tpu.enqueue_dma source(%dma_start3A_107 : memref<128x256xf32, #tpu.memory_space<hbm>>) target(%arg7 : memref<128x256xf32, #tpu.memory_space<vmem>>) target_semaphore(%arg10 : memref<!tpu.dma_semaphore, #tpu.memory_space<semaphore_mem>>)
    %add3A_108 = arith.constant 0 : i32
    %add3A_109 = arith.addi %mul3A_2, %add3A_108 : i32
    %dma_wait3A_110 = arith.constant 2 : i32
    %dma_wait3A_111 = arith.constant 0 : i32
    %dma_wait3A_112 = tpu.memref_slice %arg2[%dma_wait3A_110, %add3A_109, %dma_wait3A_111] : memref<4x8192x256xf32, #tpu.memory_space<hbm>> -> memref<1x128x256xf32, #tpu.memory_space<hbm>>
    %dma_wait3A_113 = tpu.memref_squeeze %dma_wait3A_112 : memref<1x128x256xf32, #tpu.memory_space<hbm>> -> memref<128x256xf32, #tpu.memory_space<hbm>>
    %dma_wait3A_114 = arith.constant 0 : i32
    %dma_wait3A_115 = tpu.memref_slice %arg2[%dma_wait3A_110, %add3A_109, %dma_wait3A_114] : memref<4x8192x256xf32, #tpu.memory_space<hbm>> -> memref<1x128x256xf32, #tpu.memory_space<hbm>>
    %dma_wait3A_116 = tpu.memref_squeeze %dma_wait3A_115 : memref<1x128x256xf32, #tpu.memory_space<hbm>> -> memref<128x256xf32, #tpu.memory_space<hbm>>
    tpu.wait_dma2 semaphore(%arg9 : memref<!tpu.dma_semaphore, #tpu.memory_space<semaphore_mem>>) src(%dma_wait3A_116 : memref<128x256xf32, #tpu.memory_space<hbm>>) dst(%arg6 : memref<128x256xf32, #tpu.memory_space<vmem>>)
    %parallel_loop3A_117 = arith.constant 0 : i32
    %parallel_loop3A_118 = arith.constant 128 : i32
    %parallel_loop3A_119 = arith.constant 1 : i32
    scf.for %parallel_loop3A_336 = %parallel_loop3A_117 to %parallel_loop3A_118 step %parallel_loop3A_119  : i32 {
      %parallel_loop3A_337 = arith.index_cast %parallel_loop3A_336 : i32 to index
      %parallel_loop3A_338 = arith.constant 0 : index
      %parallel_loop3A_339 = tpu.vector_load %arg5[%parallel_loop3A_337, %parallel_loop3A_338] {strides = array<i32>} : memref<128x256xf32, #tpu.memory_space<vmem>>, vector<1x16xf32>,
      %parallel_loop3A_340 = vector.shape_cast %parallel_loop3A_339 : vector<1x16xf32> to vector<16xf32>
      %parallel_loop3A_341 = arith.index_cast %parallel_loop3A_336 : i32 to index
      %parallel_loop3A_342 = arith.constant 0 : index
      %parallel_loop3A_343 = tpu.vector_load %arg6[%parallel_loop3A_341, %parallel_loop3A_342] {strides = array<i32>} : memref<128x256xf32, #tpu.memory_space<vmem>>, vector<1x16xf32>,
      %parallel_loop3A_344 = vector.shape_cast %parallel_loop3A_343 : vector<1x16xf32> to vector<16xf32>
      %parallel_loop3A_345 = vector.shape_cast %parallel_loop3A_340 : vector<16xf32> to vector<1x16xf32>
      tpu.vector_store %arg6[%parallel_loop3A_341, %parallel_loop3A_342], %parallel_loop3A_345 {add = true, strides = array<i32>} : memref<128x256xf32, #tpu.memory_space<vmem>>, vector<1x16xf32>,
      %parallel_loop3A_346 = arith.index_cast %parallel_loop3A_336 : i32 to index
      %parallel_loop3A_347 = arith.constant 16 : index
      %parallel_loop3A_348 = tpu.vector_load %arg5[%parallel_loop3A_346, %parallel_loop3A_347] {strides = array<i32>} : memref<128x256xf32, #tpu.memory_space<vmem>>, vector<1x16xf32>,
      %parallel_loop3A_349 = vector.shape_cast %parallel_loop3A_348 : vector<1x16xf32> to vector<16xf32>
      %parallel_loop3A_350 = arith.index_cast %parallel_loop3A_336 : i32 to index
      %parallel_loop3A_351 = arith.constant 16 : index
      %parallel_loop3A_352 = tpu.vector_load %arg6[%parallel_loop3A_350, %parallel_loop3A_351] {strides = array<i32>} : memref<128x256xf32, #tpu.memory_space<vmem>>, vector<1x16xf32>,
      %parallel_loop3A_353 = vector.shape_cast %parallel_loop3A_352 : vector<1x16xf32> to vector<16xf32>
      %parallel_loop3A_354 = vector.shape_cast %parallel_loop3A_349 : vector<16xf32> to vector<1x16xf32>
      tpu.vector_store %arg6[%parallel_loop3A_350, %parallel_loop3A_351], %parallel_loop3A_354 {add = true, strides = array<i32>} : memref<128x256xf32, #tpu.memory_space<vmem>>, vector<1x16xf32>,
      %parallel_loop3A_355 = arith.index_cast %parallel_loop3A_336 : i32 to index
      %parallel_loop3A_356 = arith.constant 32 : index
      %parallel_loop3A_357 = tpu.vector_load %arg5[%parallel_loop3A_355, %parallel_loop3A_356] {strides = array<i32>} : memref<128x256xf32, #tpu.memory_space<vmem>>, vector<1x16xf32>,
      %parallel_loop3A_358 = vector.shape_cast %parallel_loop3A_357 : vector<1x16xf32> to vector<16xf32>
      %parallel_loop3A_359 = arith.index_cast %parallel_loop3A_336 : i32 to index
      %parallel_loop3A_360 = arith.constant 32 : index
      %parallel_loop3A_361 = tpu.vector_load %arg6[%parallel_loop3A_359, %parallel_loop3A_360] {strides = array<i32>} : memref<128x256xf32, #tpu.memory_space<vmem>>, vector<1x16xf32>,
      %parallel_loop3A_362 = vector.shape_cast %parallel_loop3A_361 : vector<1x16xf32> to vector<16xf32>
      %parallel_loop3A_363 = vector.shape_cast %parallel_loop3A_358 : vector<16xf32> to vector<1x16xf32>
      tpu.vector_store %arg6[%parallel_loop3A_359, %parallel_loop3A_360], %parallel_loop3A_363 {add = true, strides = array<i32>} : memref<128x256xf32, #tpu.memory_space<vmem>>, vector<1x16xf32>,
      %parallel_loop3A_364 = arith.index_cast %parallel_loop3A_336 : i32 to index
      %parallel_loop3A_365 = arith.constant 48 : index
      %parallel_loop3A_366 = tpu.vector_load %arg5[%parallel_loop3A_364, %parallel_loop3A_365] {strides = array<i32>} : memref<128x256xf32, #tpu.memory_space<vmem>>, vector<1x16xf32>,
      %parallel_loop3A_367 = vector.shape_cast %parallel_loop3A_366 : vector<1x16xf32> to vector<16xf32>
      %parallel_loop3A_368 = arith.index_cast %parallel_loop3A_336 : i32 to index
      %parallel_loop3A_369 = arith.constant 48 : index
      %parallel_loop3A_370 = tpu.vector_load %arg6[%parallel_loop3A_368, %parallel_loop3A_369] {strides = array<i32>} : memref<128x256xf32, #tpu.memory_space<vmem>>, vector<1x16xf32>,
      %parallel_loop3A_371 = vector.shape_cast %parallel_loop3A_370 : vector<1x16xf32> to vector<16xf32>
      %parallel_loop3A_372 = vector.shape_cast %parallel_loop3A_367 : vector<16xf32> to vector<1x16xf32>
      tpu.vector_store %arg6[%parallel_loop3A_368, %parallel_loop3A_369], %parallel_loop3A_372 {add = true, strides = array<i32>} : memref<128x256xf32, #tpu.memory_space<vmem>>, vector<1x16xf32>,
      %parallel_loop3A_373 = arith.index_cast %parallel_loop3A_336 : i32 to index
      %parallel_loop3A_374 = arith.constant 64 : index
      %parallel_loop3A_375 = tpu.vector_load %arg5[%parallel_loop3A_373, %parallel_loop3A_374] {strides = array<i32>} : memref<128x256xf32, #tpu.memory_space<vmem>>, vector<1x16xf32>,
      %parallel_loop3A_376 = vector.shape_cast %parallel_loop3A_375 : vector<1x16xf32> to vector<16xf32>
      %parallel_loop3A_377 = arith.index_cast %parallel_loop3A_336 : i32 to index
      %parallel_loop3A_378 = arith.constant 64 : index
      %parallel_loop3A_379 = tpu.vector_load %arg6[%parallel_loop3A_377, %parallel_loop3A_378] {strides = array<i32>} : memref<128x256xf32, #tpu.memory_space<vmem>>, vector<1x16xf32>,
      %parallel_loop3A_380 = vector.shape_cast %parallel_loop3A_379 : vector<1x16xf32> to vector<16xf32>
      %parallel_loop3A_381 = vector.shape_cast %parallel_loop3A_376 : vector<16xf32> to vector<1x16xf32>
      tpu.vector_store %arg6[%parallel_loop3A_377, %parallel_loop3A_378], %parallel_loop3A_381 {add = true, strides = array<i32>} : memref<128x256xf32, #tpu.memory_space<vmem>>, vector<1x16xf32>,
      %parallel_loop3A_382 = arith.index_cast %parallel_loop3A_336 : i32 to index
      %parallel_loop3A_383 = arith.constant 80 : index
      %parallel_loop3A_384 = tpu.vector_load %arg5[%parallel_loop3A_382, %parallel_loop3A_383] {strides = array<i32>} : memref<128x256xf32, #tpu.memory_space<vmem>>, vector<1x16xf32>,
      %parallel_loop3A_385 = vector.shape_cast %parallel_loop3A_384 : vector<1x16xf32> to vector<16xf32>
      %parallel_loop3A_386 = arith.index_cast %parallel_loop3A_336 : i32 to index
      %parallel_loop3A_387 = arith.constant 80 : index
      %parallel_loop3A_388 = tpu.vector_load %arg6[%parallel_loop3A_386, %parallel_loop3A_387] {strides = array<i32>} : memref<128x256xf32, #tpu.memory_space<vmem>>, vector<1x16xf32>,
      %parallel_loop3A_389 = vector.shape_cast %parallel_loop3A_388 : vector<1x16xf32> to vector<16xf32>
      %parallel_loop3A_390 = vector.shape_cast %parallel_loop3A_385 : vector<16xf32> to vector<1x16xf32>
      tpu.vector_store %arg6[%parallel_loop3A_386, %parallel_loop3A_387], %parallel_loop3A_390 {add = true, strides = array<i32>} : memref<128x256xf32, #tpu.memory_space<vmem>>, vector<1x16xf32>,
      %parallel_loop3A_391 = arith.index_cast %parallel_loop3A_336 : i32 to index
      %parallel_loop3A_392 = arith.constant 96 : index
      %parallel_loop3A_393 = tpu.vector_load %arg5[%parallel_loop3A_391, %parallel_loop3A_392] {strides = array<i32>} : memref<128x256xf32, #tpu.memory_space<vmem>>, vector<1x16xf32>,
      %parallel_loop3A_394 = vector.shape_cast %parallel_loop3A_393 : vector<1x16xf32> to vector<16xf32>
      %parallel_loop3A_395 = arith.index_cast %parallel_loop3A_336 : i32 to index
      %parallel_loop3A_396 = arith.constant 96 : index
      %parallel_loop3A_397 = tpu.vector_load %arg6[%parallel_loop3A_395, %parallel_loop3A_396] {strides = array<i32>} : memref<128x256xf32, #tpu.memory_space<vmem>>, vector<1x16xf32>,
      %parallel_loop3A_398 = vector.shape_cast %parallel_loop3A_397 : vector<1x16xf32> to vector<16xf32>
      %parallel_loop3A_399 = vector.shape_cast %parallel_loop3A_394 : vector<16xf32> to vector<1x16xf32>
      tpu.vector_store %arg6[%parallel_loop3A_395, %parallel_loop3A_396], %parallel_loop3A_399 {add = true, strides = array<i32>} : memref<128x256xf32, #tpu.memory_space<vmem>>, vector<1x16xf32>,
      %parallel_loop3A_400 = arith.index_cast %parallel_loop3A_336 : i32 to index
      %parallel_loop3A_401 = arith.constant 112 : index
      %parallel_loop3A_402 = tpu.vector_load %arg5[%parallel_loop3A_400, %parallel_loop3A_401] {strides = array<i32>} : memref<128x256xf32, #tpu.memory_space<vmem>>, vector<1x16xf32>,
      %parallel_loop3A_403 = vector.shape_cast %parallel_loop3A_402 : vector<1x16xf32> to vector<16xf32>
      %parallel_loop3A_404 = arith.index_cast %parallel_loop3A_336 : i32 to index
      %parallel_loop3A_405 = arith.constant 112 : index
      %parallel_loop3A_406 = tpu.vector_load %arg6[%parallel_loop3A_404, %parallel_loop3A_405] {strides = array<i32>} : memref<128x256xf32, #tpu.memory_space<vmem>>, vector<1x16xf32>,
      %parallel_loop3A_407 = vector.shape_cast %parallel_loop3A_406 : vector<1x16xf32> to vector<16xf32>
      %parallel_loop3A_408 = vector.shape_cast %parallel_loop3A_403 : vector<16xf32> to vector<1x16xf32>
      tpu.vector_store %arg6[%parallel_loop3A_404, %parallel_loop3A_405], %parallel_loop3A_408 {add = true, strides = array<i32>} : memref<128x256xf32, #tpu.memory_space<vmem>>, vector<1x16xf32>,
      %parallel_loop3A_409 = arith.index_cast %parallel_loop3A_336 : i32 to index
      %parallel_loop3A_410 = arith.constant 128 : index
      %parallel_loop3A_411 = tpu.vector_load %arg5[%parallel_loop3A_409, %parallel_loop3A_410] {strides = array<i32>} : memref<128x256xf32, #tpu.memory_space<vmem>>, vector<1x16xf32>,
      %parallel_loop3A_412 = vector.shape_cast %parallel_loop3A_411 : vector<1x16xf32> to vector<16xf32>
      %parallel_loop3A_413 = arith.index_cast %parallel_loop3A_336 : i32 to index
      %parallel_loop3A_414 = arith.constant 128 : index
      %parallel_loop3A_415 = tpu.vector_load %arg6[%parallel_loop3A_413, %parallel_loop3A_414] {strides = array<i32>} : memref<128x256xf32, #tpu.memory_space<vmem>>, vector<1x16xf32>,
      %parallel_loop3A_416 = vector.shape_cast %parallel_loop3A_415 : vector<1x16xf32> to vector<16xf32>
      %parallel_loop3A_417 = vector.shape_cast %parallel_loop3A_412 : vector<16xf32> to vector<1x16xf32>
      tpu.vector_store %arg6[%parallel_loop3A_413, %parallel_loop3A_414], %parallel_loop3A_417 {add = true, strides = array<i32>} : memref<128x256xf32, #tpu.memory_space<vmem>>, vector<1x16xf32>,
      %parallel_loop3A_418 = arith.index_cast %parallel_loop3A_336 : i32 to index
      %parallel_loop3A_419 = arith.constant 144 : index
      %parallel_loop3A_420 = tpu.vector_load %arg5[%parallel_loop3A_418, %parallel_loop3A_419] {strides = array<i32>} : memref<128x256xf32, #tpu.memory_space<vmem>>, vector<1x16xf32>,
      %parallel_loop3A_421 = vector.shape_cast %parallel_loop3A_420 : vector<1x16xf32> to vector<16xf32>
      %parallel_loop3A_422 = arith.index_cast %parallel_loop3A_336 : i32 to index
      %parallel_loop3A_423 = arith.constant 144 : index
      %parallel_loop3A_424 = tpu.vector_load %arg6[%parallel_loop3A_422, %parallel_loop3A_423] {strides = array<i32>} : memref<128x256xf32, #tpu.memory_space<vmem>>, vector<1x16xf32>,
      %parallel_loop3A_425 = vector.shape_cast %parallel_loop3A_424 : vector<1x16xf32> to vector<16xf32>
      %parallel_loop3A_426 = vector.shape_cast %parallel_loop3A_421 : vector<16xf32> to vector<1x16xf32>
      tpu.vector_store %arg6[%parallel_loop3A_422, %parallel_loop3A_423], %parallel_loop3A_426 {add = true, strides = array<i32>} : memref<128x256xf32, #tpu.memory_space<vmem>>, vector<1x16xf32>,
      %parallel_loop3A_427 = arith.index_cast %parallel_loop3A_336 : i32 to index
      %parallel_loop3A_428 = arith.constant 160 : index
      %parallel_loop3A_429 = tpu.vector_load %arg5[%parallel_loop3A_427, %parallel_loop3A_428] {strides = array<i32>} : memref<128x256xf32, #tpu.memory_space<vmem>>, vector<1x16xf32>,
      %parallel_loop3A_430 = vector.shape_cast %parallel_loop3A_429 : vector<1x16xf32> to vector<16xf32>
      %parallel_loop3A_431 = arith.index_cast %parallel_loop3A_336 : i32 to index
      %parallel_loop3A_432 = arith.constant 160 : index
      %parallel_loop3A_433 = tpu.vector_load %arg6[%parallel_loop3A_431, %parallel_loop3A_432] {strides = array<i32>} : memref<128x256xf32, #tpu.memory_space<vmem>>, vector<1x16xf32>,
      %parallel_loop3A_434 = vector.shape_cast %parallel_loop3A_433 : vector<1x16xf32> to vector<16xf32>
      %parallel_loop3A_435 = vector.shape_cast %parallel_loop3A_430 : vector<16xf32> to vector<1x16xf32>
      tpu.vector_store %arg6[%parallel_loop3A_431, %parallel_loop3A_432], %parallel_loop3A_435 {add = true, strides = array<i32>} : memref<128x256xf32, #tpu.memory_space<vmem>>, vector<1x16xf32>,
      %parallel_loop3A_436 = arith.index_cast %parallel_loop3A_336 : i32 to index
      %parallel_loop3A_437 = arith.constant 176 : index
      %parallel_loop3A_438 = tpu.vector_load %arg5[%parallel_loop3A_436, %parallel_loop3A_437] {strides = array<i32>} : memref<128x256xf32, #tpu.memory_space<vmem>>, vector<1x16xf32>,
      %parallel_loop3A_439 = vector.shape_cast %parallel_loop3A_438 : vector<1x16xf32> to vector<16xf32>
      %parallel_loop3A_440 = arith.index_cast %parallel_loop3A_336 : i32 to index
      %parallel_loop3A_441 = arith.constant 176 : index
      %parallel_loop3A_442 = tpu.vector_load %arg6[%parallel_loop3A_440, %parallel_loop3A_441] {strides = array<i32>} : memref<128x256xf32, #tpu.memory_space<vmem>>, vector<1x16xf32>,
      %parallel_loop3A_443 = vector.shape_cast %parallel_loop3A_442 : vector<1x16xf32> to vector<16xf32>
      %parallel_loop3A_444 = vector.shape_cast %parallel_loop3A_439 : vector<16xf32> to vector<1x16xf32>
      tpu.vector_store %arg6[%parallel_loop3A_440, %parallel_loop3A_441], %parallel_loop3A_444 {add = true, strides = array<i32>} : memref<128x256xf32, #tpu.memory_space<vmem>>, vector<1x16xf32>,
      %parallel_loop3A_445 = arith.index_cast %parallel_loop3A_336 : i32 to index
      %parallel_loop3A_446 = arith.constant 192 : index
      %parallel_loop3A_447 = tpu.vector_load %arg5[%parallel_loop3A_445, %parallel_loop3A_446] {strides = array<i32>} : memref<128x256xf32, #tpu.memory_space<vmem>>, vector<1x16xf32>,
      %parallel_loop3A_448 = vector.shape_cast %parallel_loop3A_447 : vector<1x16xf32> to vector<16xf32>
      %parallel_loop3A_449 = arith.index_cast %parallel_loop3A_336 : i32 to index
      %parallel_loop3A_450 = arith.constant 192 : index
      %parallel_loop3A_451 = tpu.vector_load %arg6[%parallel_loop3A_449, %parallel_loop3A_450] {strides = array<i32>} : memref<128x256xf32, #tpu.memory_space<vmem>>, vector<1x16xf32>,
      %parallel_loop3A_452 = vector.shape_cast %parallel_loop3A_451 : vector<1x16xf32> to vector<16xf32>
      %parallel_loop3A_453 = vector.shape_cast %parallel_loop3A_448 : vector<16xf32> to vector<1x16xf32>
      tpu.vector_store %arg6[%parallel_loop3A_449, %parallel_loop3A_450], %parallel_loop3A_453 {add = true, strides = array<i32>} : memref<128x256xf32, #tpu.memory_space<vmem>>, vector<1x16xf32>,
      %parallel_loop3A_454 = arith.index_cast %parallel_loop3A_336 : i32 to index
      %parallel_loop3A_455 = arith.constant 208 : index
      %parallel_loop3A_456 = tpu.vector_load %arg5[%parallel_loop3A_454, %parallel_loop3A_455] {strides = array<i32>} : memref<128x256xf32, #tpu.memory_space<vmem>>, vector<1x16xf32>,
      %parallel_loop3A_457 = vector.shape_cast %parallel_loop3A_456 : vector<1x16xf32> to vector<16xf32>
      %parallel_loop3A_458 = arith.index_cast %parallel_loop3A_336 : i32 to index
      %parallel_loop3A_459 = arith.constant 208 : index
      %parallel_loop3A_460 = tpu.vector_load %arg6[%parallel_loop3A_458, %parallel_loop3A_459] {strides = array<i32>} : memref<128x256xf32, #tpu.memory_space<vmem>>, vector<1x16xf32>,
      %parallel_loop3A_461 = vector.shape_cast %parallel_loop3A_460 : vector<1x16xf32> to vector<16xf32>
      %parallel_loop3A_462 = vector.shape_cast %parallel_loop3A_457 : vector<16xf32> to vector<1x16xf32>
      tpu.vector_store %arg6[%parallel_loop3A_458, %parallel_loop3A_459], %parallel_loop3A_462 {add = true, strides = array<i32>} : memref<128x256xf32, #tpu.memory_space<vmem>>, vector<1x16xf32>,
      %parallel_loop3A_463 = arith.index_cast %parallel_loop3A_336 : i32 to index
      %parallel_loop3A_464 = arith.constant 224 : index
      %parallel_loop3A_465 = tpu.vector_load %arg5[%parallel_loop3A_463, %parallel_loop3A_464] {strides = array<i32>} : memref<128x256xf32, #tpu.memory_space<vmem>>, vector<1x16xf32>,
      %parallel_loop3A_466 = vector.shape_cast %parallel_loop3A_465 : vector<1x16xf32> to vector<16xf32>
      %parallel_loop3A_467 = arith.index_cast %parallel_loop3A_336 : i32 to index
      %parallel_loop3A_468 = arith.constant 224 : index
      %parallel_loop3A_469 = tpu.vector_load %arg6[%parallel_loop3A_467, %parallel_loop3A_468] {strides = array<i32>} : memref<128x256xf32, #tpu.memory_space<vmem>>, vector<1x16xf32>,
      %parallel_loop3A_470 = vector.shape_cast %parallel_loop3A_469 : vector<1x16xf32> to vector<16xf32>
      %parallel_loop3A_471 = vector.shape_cast %parallel_loop3A_466 : vector<16xf32> to vector<1x16xf32>
      tpu.vector_store %arg6[%parallel_loop3A_467, %parallel_loop3A_468], %parallel_loop3A_471 {add = true, strides = array<i32>} : memref<128x256xf32, #tpu.memory_space<vmem>>, vector<1x16xf32>,
      %parallel_loop3A_472 = arith.index_cast %parallel_loop3A_336 : i32 to index
      %parallel_loop3A_473 = arith.constant 240 : index
      %parallel_loop3A_474 = tpu.vector_load %arg5[%parallel_loop3A_472, %parallel_loop3A_473] {strides = array<i32>} : memref<128x256xf32, #tpu.memory_space<vmem>>, vector<1x16xf32>,
      %parallel_loop3A_475 = vector.shape_cast %parallel_loop3A_474 : vector<1x16xf32> to vector<16xf32>
      %parallel_loop3A_476 = arith.index_cast %parallel_loop3A_336 : i32 to index
      %parallel_loop3A_477 = arith.constant 240 : index
      %parallel_loop3A_478 = tpu.vector_load %arg6[%parallel_loop3A_476, %parallel_loop3A_477] {strides = array<i32>} : memref<128x256xf32, #tpu.memory_space<vmem>>, vector<1x16xf32>,
      %parallel_loop3A_479 = vector.shape_cast %parallel_loop3A_478 : vector<1x16xf32> to vector<16xf32>
      %parallel_loop3A_480 = vector.shape_cast %parallel_loop3A_475 : vector<16xf32> to vector<1x16xf32>
      tpu.vector_store %arg6[%parallel_loop3A_476, %parallel_loop3A_477], %parallel_loop3A_480 {add = true, strides = array<i32>} : memref<128x256xf32, #tpu.memory_space<vmem>>, vector<1x16xf32>,
    } {sc.loop_unroll_factor = 2 : i64, sc.parallel_access}
    %add3A_120 = arith.constant 0 : i32
    %add3A_121 = arith.addi %mul3A_2, %add3A_120 : i32
    %dma_start3A_122 = arith.constant 2 : i32
    %dma_start3A_123 = arith.constant 0 : i32
    %dma_start3A_124 = tpu.memref_slice %arg4[%dma_start3A_122, %add3A_121, %dma_start3A_123] : memref<4x8192x256xf32, #tpu.memory_space<hbm>> -> memref<1x128x256xf32, #tpu.memory_space<hbm>>
    %dma_start3A_125 = tpu.memref_squeeze %dma_start3A_124 : memref<1x128x256xf32, #tpu.memory_space<hbm>> -> memref<128x256xf32, #tpu.memory_space<hbm>>
    %dma_start3A_126 = arith.constant 0 : i32
    %dma_start3A_127 = tpu.memref_slice %arg4[%dma_start3A_122, %add3A_121, %dma_start3A_126] : memref<4x8192x256xf32, #tpu.memory_space<hbm>> -> memref<1x128x256xf32, #tpu.memory_space<hbm>>
    %dma_start3A_128 = tpu.memref_squeeze %dma_start3A_127 : memref<1x128x256xf32, #tpu.memory_space<hbm>> -> memref<128x256xf32, #tpu.memory_space<hbm>>
    tpu.enqueue_dma source(%arg6 : memref<128x256xf32, #tpu.memory_space<vmem>>) target(%dma_start3A_128 : memref<128x256xf32, #tpu.memory_space<hbm>>) target_semaphore(%arg11 : memref<!tpu.dma_semaphore, #tpu.memory_space<semaphore_mem>>)
    %add3A_129 = arith.constant 0 : i32
    %add3A_130 = arith.addi %mul3A_2, %add3A_129 : i32
    %dma_wait3A_131 = arith.constant 2 : i32
    %dma_wait3A_132 = arith.constant 0 : i32
    %dma_wait3A_133 = tpu.memref_slice %arg4[%dma_wait3A_131, %add3A_130, %dma_wait3A_132] : memref<4x8192x256xf32, #tpu.memory_space<hbm>> -> memref<1x128x256xf32, #tpu.memory_space<hbm>>
    %dma_wait3A_134 = tpu.memref_squeeze %dma_wait3A_133 : memref<1x128x256xf32, #tpu.memory_space<hbm>> -> memref<128x256xf32, #tpu.memory_space<hbm>>
    %dma_wait3A_135 = arith.constant 0 : i32
    %dma_wait3A_136 = tpu.memref_slice %arg4[%dma_wait3A_131, %add3A_130, %dma_wait3A_135] : memref<4x8192x256xf32, #tpu.memory_space<hbm>> -> memref<1x128x256xf32, #tpu.memory_space<hbm>>
    %dma_wait3A_137 = tpu.memref_squeeze %dma_wait3A_136 : memref<1x128x256xf32, #tpu.memory_space<hbm>> -> memref<128x256xf32, #tpu.memory_space<hbm>>
    tpu.wait_dma2 semaphore(%arg11 : memref<!tpu.dma_semaphore, #tpu.memory_space<semaphore_mem>>) src(%arg6 : memref<128x256xf32, #tpu.memory_space<vmem>>) dst(%dma_wait3A_137 : memref<128x256xf32, #tpu.memory_space<hbm>>)
    %add3A_138 = arith.constant 128 : i32
    %add3A_139 = arith.addi %mul3A_2, %add3A_138 : i32
    %dma_start3A_140 = arith.constant 0 : i32
    %dma_start3A_141 = arith.constant 0 : i32
    %dma_start3A_142 = tpu.memref_slice %arg2[%dma_start3A_140, %add3A_139, %dma_start3A_141] : memref<4x8192x256xf32, #tpu.memory_space<hbm>> -> memref<1x128x256xf32, #tpu.memory_space<hbm>>
    %dma_start3A_143 = tpu.memref_squeeze %dma_start3A_142 : memref<1x128x256xf32, #tpu.memory_space<hbm>> -> memref<128x256xf32, #tpu.memory_space<hbm>>
    %dma_start3A_144 = arith.constant 0 : i32
    %dma_start3A_145 = tpu.memref_slice %arg2[%dma_start3A_140, %add3A_139, %dma_start3A_144] : memref<4x8192x256xf32, #tpu.memory_space<hbm>> -> memref<1x128x256xf32, #tpu.memory_space<hbm>>
    %dma_start3A_146 = tpu.memref_squeeze %dma_start3A_145 : memref<1x128x256xf32, #tpu.memory_space<hbm>> -> memref<128x256xf32, #tpu.memory_space<hbm>>
    tpu.enqueue_dma source(%dma_start3A_146 : memref<128x256xf32, #tpu.memory_space<hbm>>) target(%arg6 : memref<128x256xf32, #tpu.memory_space<vmem>>) target_semaphore(%arg9 : memref<!tpu.dma_semaphore, #tpu.memory_space<semaphore_mem>>)
    %add3A_147 = arith.constant 0 : i32
    %add3A_148 = arith.addi %mul3A_2, %add3A_147 : i32
    %dma_wait3A_149 = arith.constant 3 : i32
    %dma_wait3A_150 = arith.constant 0 : i32
    %dma_wait3A_151 = tpu.memref_slice %arg2[%dma_wait3A_149, %add3A_148, %dma_wait3A_150] : memref<4x8192x256xf32, #tpu.memory_space<hbm>> -> memref<1x128x256xf32, #tpu.memory_space<hbm>>
    %dma_wait3A_152 = tpu.memref_squeeze %dma_wait3A_151 : memref<1x128x256xf32, #tpu.memory_space<hbm>> -> memref<128x256xf32, #tpu.memory_space<hbm>>
    %dma_wait3A_153 = arith.constant 0 : i32
    %dma_wait3A_154 = tpu.memref_slice %arg2[%dma_wait3A_149, %add3A_148, %dma_wait3A_153] : memref<4x8192x256xf32, #tpu.memory_space<hbm>> -> memref<1x128x256xf32, #tpu.memory_space<hbm>>
    %dma_wait3A_155 = tpu.memref_squeeze %dma_wait3A_154 : memref<1x128x256xf32, #tpu.memory_space<hbm>> -> memref<128x256xf32, #tpu.memory_space<hbm>>
    tpu.wait_dma2 semaphore(%arg10 : memref<!tpu.dma_semaphore, #tpu.memory_space<semaphore_mem>>) src(%dma_wait3A_155 : memref<128x256xf32, #tpu.memory_space<hbm>>) dst(%arg7 : memref<128x256xf32, #tpu.memory_space<vmem>>)
    %parallel_loop3A_156 = arith.constant 0 : i32
    %parallel_loop3A_157 = arith.constant 128 : i32
    %parallel_loop3A_158 = arith.constant 1 : i32
    scf.for %parallel_loop3A_336 = %parallel_loop3A_156 to %parallel_loop3A_157 step %parallel_loop3A_158  : i32 {
      %parallel_loop3A_337 = arith.index_cast %parallel_loop3A_336 : i32 to index
      %parallel_loop3A_338 = arith.constant 0 : index
      %parallel_loop3A_339 = tpu.vector_load %arg5[%parallel_loop3A_337, %parallel_loop3A_338] {strides = array<i32>} : memref<128x256xf32, #tpu.memory_space<vmem>>, vector<1x16xf32>,
      %parallel_loop3A_340 = vector.shape_cast %parallel_loop3A_339 : vector<1x16xf32> to vector<16xf32>
      %parallel_loop3A_341 = arith.index_cast %parallel_loop3A_336 : i32 to index
      %parallel_loop3A_342 = arith.constant 0 : index
      %parallel_loop3A_343 = tpu.vector_load %arg7[%parallel_loop3A_341, %parallel_loop3A_342] {strides = array<i32>} : memref<128x256xf32, #tpu.memory_space<vmem>>, vector<1x16xf32>,
      %parallel_loop3A_344 = vector.shape_cast %parallel_loop3A_343 : vector<1x16xf32> to vector<16xf32>
      %parallel_loop3A_345 = vector.shape_cast %parallel_loop3A_340 : vector<16xf32> to vector<1x16xf32>
      tpu.vector_store %arg7[%parallel_loop3A_341, %parallel_loop3A_342], %parallel_loop3A_345 {add = true, strides = array<i32>} : memref<128x256xf32, #tpu.memory_space<vmem>>, vector<1x16xf32>,
      %parallel_loop3A_346 = arith.index_cast %parallel_loop3A_336 : i32 to index
      %parallel_loop3A_347 = arith.constant 16 : index
      %parallel_loop3A_348 = tpu.vector_load %arg5[%parallel_loop3A_346, %parallel_loop3A_347] {strides = array<i32>} : memref<128x256xf32, #tpu.memory_space<vmem>>, vector<1x16xf32>,
      %parallel_loop3A_349 = vector.shape_cast %parallel_loop3A_348 : vector<1x16xf32> to vector<16xf32>
      %parallel_loop3A_350 = arith.index_cast %parallel_loop3A_336 : i32 to index
      %parallel_loop3A_351 = arith.constant 16 : index
      %parallel_loop3A_352 = tpu.vector_load %arg7[%parallel_loop3A_350, %parallel_loop3A_351] {strides = array<i32>} : memref<128x256xf32, #tpu.memory_space<vmem>>, vector<1x16xf32>,
      %parallel_loop3A_353 = vector.shape_cast %parallel_loop3A_352 : vector<1x16xf32> to vector<16xf32>
      %parallel_loop3A_354 = vector.shape_cast %parallel_loop3A_349 : vector<16xf32> to vector<1x16xf32>
      tpu.vector_store %arg7[%parallel_loop3A_350, %parallel_loop3A_351], %parallel_loop3A_354 {add = true, strides = array<i32>} : memref<128x256xf32, #tpu.memory_space<vmem>>, vector<1x16xf32>,
      %parallel_loop3A_355 = arith.index_cast %parallel_loop3A_336 : i32 to index
      %parallel_loop3A_356 = arith.constant 32 : index
      %parallel_loop3A_357 = tpu.vector_load %arg5[%parallel_loop3A_355, %parallel_loop3A_356] {strides = array<i32>} : memref<128x256xf32, #tpu.memory_space<vmem>>, vector<1x16xf32>,
      %parallel_loop3A_358 = vector.shape_cast %parallel_loop3A_357 : vector<1x16xf32> to vector<16xf32>
      %parallel_loop3A_359 = arith.index_cast %parallel_loop3A_336 : i32 to index
      %parallel_loop3A_360 = arith.constant 32 : index
      %parallel_loop3A_361 = tpu.vector_load %arg7[%parallel_loop3A_359, %parallel_loop3A_360] {strides = array<i32>} : memref<128x256xf32, #tpu.memory_space<vmem>>, vector<1x16xf32>,
      %parallel_loop3A_362 = vector.shape_cast %parallel_loop3A_361 : vector<1x16xf32> to vector<16xf32>
      %parallel_loop3A_363 = vector.shape_cast %parallel_loop3A_358 : vector<16xf32> to vector<1x16xf32>
      tpu.vector_store %arg7[%parallel_loop3A_359, %parallel_loop3A_360], %parallel_loop3A_363 {add = true, strides = array<i32>} : memref<128x256xf32, #tpu.memory_space<vmem>>, vector<1x16xf32>,
      %parallel_loop3A_364 = arith.index_cast %parallel_loop3A_336 : i32 to index
      %parallel_loop3A_365 = arith.constant 48 : index
      %parallel_loop3A_366 = tpu.vector_load %arg5[%parallel_loop3A_364, %parallel_loop3A_365] {strides = array<i32>} : memref<128x256xf32, #tpu.memory_space<vmem>>, vector<1x16xf32>,
      %parallel_loop3A_367 = vector.shape_cast %parallel_loop3A_366 : vector<1x16xf32> to vector<16xf32>
      %parallel_loop3A_368 = arith.index_cast %parallel_loop3A_336 : i32 to index
      %parallel_loop3A_369 = arith.constant 48 : index
      %parallel_loop3A_370 = tpu.vector_load %arg7[%parallel_loop3A_368, %parallel_loop3A_369] {strides = array<i32>} : memref<128x256xf32, #tpu.memory_space<vmem>>, vector<1x16xf32>,
      %parallel_loop3A_371 = vector.shape_cast %parallel_loop3A_370 : vector<1x16xf32> to vector<16xf32>
      %parallel_loop3A_372 = vector.shape_cast %parallel_loop3A_367 : vector<16xf32> to vector<1x16xf32>
      tpu.vector_store %arg7[%parallel_loop3A_368, %parallel_loop3A_369], %parallel_loop3A_372 {add = true, strides = array<i32>} : memref<128x256xf32, #tpu.memory_space<vmem>>, vector<1x16xf32>,
      %parallel_loop3A_373 = arith.index_cast %parallel_loop3A_336 : i32 to index
      %parallel_loop3A_374 = arith.constant 64 : index
      %parallel_loop3A_375 = tpu.vector_load %arg5[%parallel_loop3A_373, %parallel_loop3A_374] {strides = array<i32>} : memref<128x256xf32, #tpu.memory_space<vmem>>, vector<1x16xf32>,
      %parallel_loop3A_376 = vector.shape_cast %parallel_loop3A_375 : vector<1x16xf32> to vector<16xf32>
      %parallel_loop3A_377 = arith.index_cast %parallel_loop3A_336 : i32 to index
      %parallel_loop3A_378 = arith.constant 64 : index
      %parallel_loop3A_379 = tpu.vector_load %arg7[%parallel_loop3A_377, %parallel_loop3A_378] {strides = array<i32>} : memref<128x256xf32, #tpu.memory_space<vmem>>, vector<1x16xf32>,
      %parallel_loop3A_380 = vector.shape_cast %parallel_loop3A_379 : vector<1x16xf32> to vector<16xf32>
      %parallel_loop3A_381 = vector.shape_cast %parallel_loop3A_376 : vector<16xf32> to vector<1x16xf32>
      tpu.vector_store %arg7[%parallel_loop3A_377, %parallel_loop3A_378], %parallel_loop3A_381 {add = true, strides = array<i32>} : memref<128x256xf32, #tpu.memory_space<vmem>>, vector<1x16xf32>,
      %parallel_loop3A_382 = arith.index_cast %parallel_loop3A_336 : i32 to index
      %parallel_loop3A_383 = arith.constant 80 : index
      %parallel_loop3A_384 = tpu.vector_load %arg5[%parallel_loop3A_382, %parallel_loop3A_383] {strides = array<i32>} : memref<128x256xf32, #tpu.memory_space<vmem>>, vector<1x16xf32>,
      %parallel_loop3A_385 = vector.shape_cast %parallel_loop3A_384 : vector<1x16xf32> to vector<16xf32>
      %parallel_loop3A_386 = arith.index_cast %parallel_loop3A_336 : i32 to index
      %parallel_loop3A_387 = arith.constant 80 : index
      %parallel_loop3A_388 = tpu.vector_load %arg7[%parallel_loop3A_386, %parallel_loop3A_387] {strides = array<i32>} : memref<128x256xf32, #tpu.memory_space<vmem>>, vector<1x16xf32>,
      %parallel_loop3A_389 = vector.shape_cast %parallel_loop3A_388 : vector<1x16xf32> to vector<16xf32>
      %parallel_loop3A_390 = vector.shape_cast %parallel_loop3A_385 : vector<16xf32> to vector<1x16xf32>
      tpu.vector_store %arg7[%parallel_loop3A_386, %parallel_loop3A_387], %parallel_loop3A_390 {add = true, strides = array<i32>} : memref<128x256xf32, #tpu.memory_space<vmem>>, vector<1x16xf32>,
      %parallel_loop3A_391 = arith.index_cast %parallel_loop3A_336 : i32 to index
      %parallel_loop3A_392 = arith.constant 96 : index
      %parallel_loop3A_393 = tpu.vector_load %arg5[%parallel_loop3A_391, %parallel_loop3A_392] {strides = array<i32>} : memref<128x256xf32, #tpu.memory_space<vmem>>, vector<1x16xf32>,
      %parallel_loop3A_394 = vector.shape_cast %parallel_loop3A_393 : vector<1x16xf32> to vector<16xf32>
      %parallel_loop3A_395 = arith.index_cast %parallel_loop3A_336 : i32 to index
      %parallel_loop3A_396 = arith.constant 96 : index
      %parallel_loop3A_397 = tpu.vector_load %arg7[%parallel_loop3A_395, %parallel_loop3A_396] {strides = array<i32>} : memref<128x256xf32, #tpu.memory_space<vmem>>, vector<1x16xf32>,
      %parallel_loop3A_398 = vector.shape_cast %parallel_loop3A_397 : vector<1x16xf32> to vector<16xf32>
      %parallel_loop3A_399 = vector.shape_cast %parallel_loop3A_394 : vector<16xf32> to vector<1x16xf32>
      tpu.vector_store %arg7[%parallel_loop3A_395, %parallel_loop3A_396], %parallel_loop3A_399 {add = true, strides = array<i32>} : memref<128x256xf32, #tpu.memory_space<vmem>>, vector<1x16xf32>,
      %parallel_loop3A_400 = arith.index_cast %parallel_loop3A_336 : i32 to index
      %parallel_loop3A_401 = arith.constant 112 : index
      %parallel_loop3A_402 = tpu.vector_load %arg5[%parallel_loop3A_400, %parallel_loop3A_401] {strides = array<i32>} : memref<128x256xf32, #tpu.memory_space<vmem>>, vector<1x16xf32>,
      %parallel_loop3A_403 = vector.shape_cast %parallel_loop3A_402 : vector<1x16xf32> to vector<16xf32>
      %parallel_loop3A_404 = arith.index_cast %parallel_loop3A_336 : i32 to index
      %parallel_loop3A_405 = arith.constant 112 : index
      %parallel_loop3A_406 = tpu.vector_load %arg7[%parallel_loop3A_404, %parallel_loop3A_405] {strides = array<i32>} : memref<128x256xf32, #tpu.memory_space<vmem>>, vector<1x16xf32>,
      %parallel_loop3A_407 = vector.shape_cast %parallel_loop3A_406 : vector<1x16xf32> to vector<16xf32>
      %parallel_loop3A_408 = vector.shape_cast %parallel_loop3A_403 : vector<16xf32> to vector<1x16xf32>
      tpu.vector_store %arg7[%parallel_loop3A_404, %parallel_loop3A_405], %parallel_loop3A_408 {add = true, strides = array<i32>} : memref<128x256xf32, #tpu.memory_space<vmem>>, vector<1x16xf32>,
      %parallel_loop3A_409 = arith.index_cast %parallel_loop3A_336 : i32 to index
      %parallel_loop3A_410 = arith.constant 128 : index
      %parallel_loop3A_411 = tpu.vector_load %arg5[%parallel_loop3A_409, %parallel_loop3A_410] {strides = array<i32>} : memref<128x256xf32, #tpu.memory_space<vmem>>, vector<1x16xf32>,
      %parallel_loop3A_412 = vector.shape_cast %parallel_loop3A_411 : vector<1x16xf32> to vector<16xf32>
      %parallel_loop3A_413 = arith.index_cast %parallel_loop3A_336 : i32 to index
      %parallel_loop3A_414 = arith.constant 128 : index
      %parallel_loop3A_415 = tpu.vector_load %arg7[%parallel_loop3A_413, %parallel_loop3A_414] {strides = array<i32>} : memref<128x256xf32, #tpu.memory_space<vmem>>, vector<1x16xf32>,
      %parallel_loop3A_416 = vector.shape_cast %parallel_loop3A_415 : vector<1x16xf32> to vector<16xf32>
      %parallel_loop3A_417 = vector.shape_cast %parallel_loop3A_412 : vector<16xf32> to vector<1x16xf32>
      tpu.vector_store %arg7[%parallel_loop3A_413, %parallel_loop3A_414], %parallel_loop3A_417 {add = true, strides = array<i32>} : memref<128x256xf32, #tpu.memory_space<vmem>>, vector<1x16xf32>,
      %parallel_loop3A_418 = arith.index_cast %parallel_loop3A_336 : i32 to index
      %parallel_loop3A_419 = arith.constant 144 : index
      %parallel_loop3A_420 = tpu.vector_load %arg5[%parallel_loop3A_418, %parallel_loop3A_419] {strides = array<i32>} : memref<128x256xf32, #tpu.memory_space<vmem>>, vector<1x16xf32>,
      %parallel_loop3A_421 = vector.shape_cast %parallel_loop3A_420 : vector<1x16xf32> to vector<16xf32>
      %parallel_loop3A_422 = arith.index_cast %parallel_loop3A_336 : i32 to index
      %parallel_loop3A_423 = arith.constant 144 : index
      %parallel_loop3A_424 = tpu.vector_load %arg7[%parallel_loop3A_422, %parallel_loop3A_423] {strides = array<i32>} : memref<128x256xf32, #tpu.memory_space<vmem>>, vector<1x16xf32>,
      %parallel_loop3A_425 = vector.shape_cast %parallel_loop3A_424 : vector<1x16xf32> to vector<16xf32>
      %parallel_loop3A_426 = vector.shape_cast %parallel_loop3A_421 : vector<16xf32> to vector<1x16xf32>
      tpu.vector_store %arg7[%parallel_loop3A_422, %parallel_loop3A_423], %parallel_loop3A_426 {add = true, strides = array<i32>} : memref<128x256xf32, #tpu.memory_space<vmem>>, vector<1x16xf32>,
      %parallel_loop3A_427 = arith.index_cast %parallel_loop3A_336 : i32 to index
      %parallel_loop3A_428 = arith.constant 160 : index
      %parallel_loop3A_429 = tpu.vector_load %arg5[%parallel_loop3A_427, %parallel_loop3A_428] {strides = array<i32>} : memref<128x256xf32, #tpu.memory_space<vmem>>, vector<1x16xf32>,
      %parallel_loop3A_430 = vector.shape_cast %parallel_loop3A_429 : vector<1x16xf32> to vector<16xf32>
      %parallel_loop3A_431 = arith.index_cast %parallel_loop3A_336 : i32 to index
      %parallel_loop3A_432 = arith.constant 160 : index
      %parallel_loop3A_433 = tpu.vector_load %arg7[%parallel_loop3A_431, %parallel_loop3A_432] {strides = array<i32>} : memref<128x256xf32, #tpu.memory_space<vmem>>, vector<1x16xf32>,
      %parallel_loop3A_434 = vector.shape_cast %parallel_loop3A_433 : vector<1x16xf32> to vector<16xf32>
      %parallel_loop3A_435 = vector.shape_cast %parallel_loop3A_430 : vector<16xf32> to vector<1x16xf32>
      tpu.vector_store %arg7[%parallel_loop3A_431, %parallel_loop3A_432], %parallel_loop3A_435 {add = true, strides = array<i32>} : memref<128x256xf32, #tpu.memory_space<vmem>>, vector<1x16xf32>,
      %parallel_loop3A_436 = arith.index_cast %parallel_loop3A_336 : i32 to index
      %parallel_loop3A_437 = arith.constant 176 : index
      %parallel_loop3A_438 = tpu.vector_load %arg5[%parallel_loop3A_436, %parallel_loop3A_437] {strides = array<i32>} : memref<128x256xf32, #tpu.memory_space<vmem>>, vector<1x16xf32>,
      %parallel_loop3A_439 = vector.shape_cast %parallel_loop3A_438 : vector<1x16xf32> to vector<16xf32>
      %parallel_loop3A_440 = arith.index_cast %parallel_loop3A_336 : i32 to index
      %parallel_loop3A_441 = arith.constant 176 : index
      %parallel_loop3A_442 = tpu.vector_load %arg7[%parallel_loop3A_440, %parallel_loop3A_441] {strides = array<i32>} : memref<128x256xf32, #tpu.memory_space<vmem>>, vector<1x16xf32>,
      %parallel_loop3A_443 = vector.shape_cast %parallel_loop3A_442 : vector<1x16xf32> to vector<16xf32>
      %parallel_loop3A_444 = vector.shape_cast %parallel_loop3A_439 : vector<16xf32> to vector<1x16xf32>
      tpu.vector_store %arg7[%parallel_loop3A_440, %parallel_loop3A_441], %parallel_loop3A_444 {add = true, strides = array<i32>} : memref<128x256xf32, #tpu.memory_space<vmem>>, vector<1x16xf32>,
      %parallel_loop3A_445 = arith.index_cast %parallel_loop3A_336 : i32 to index
      %parallel_loop3A_446 = arith.constant 192 : index
      %parallel_loop3A_447 = tpu.vector_load %arg5[%parallel_loop3A_445, %parallel_loop3A_446] {strides = array<i32>} : memref<128x256xf32, #tpu.memory_space<vmem>>, vector<1x16xf32>,
      %parallel_loop3A_448 = vector.shape_cast %parallel_loop3A_447 : vector<1x16xf32> to vector<16xf32>
      %parallel_loop3A_449 = arith.index_cast %parallel_loop3A_336 : i32 to index
      %parallel_loop3A_450 = arith.constant 192 : index
      %parallel_loop3A_451 = tpu.vector_load %arg7[%parallel_loop3A_449, %parallel_loop3A_450] {strides = array<i32>} : memref<128x256xf32, #tpu.memory_space<vmem>>, vector<1x16xf32>,
      %parallel_loop3A_452 = vector.shape_cast %parallel_loop3A_451 : vector<1x16xf32> to vector<16xf32>
      %parallel_loop3A_453 = vector.shape_cast %parallel_loop3A_448 : vector<16xf32> to vector<1x16xf32>
      tpu.vector_store %arg7[%parallel_loop3A_449, %parallel_loop3A_450], %parallel_loop3A_453 {add = true, strides = array<i32>} : memref<128x256xf32, #tpu.memory_space<vmem>>, vector<1x16xf32>,
      %parallel_loop3A_454 = arith.index_cast %parallel_loop3A_336 : i32 to index
      %parallel_loop3A_455 = arith.constant 208 : index
      %parallel_loop3A_456 = tpu.vector_load %arg5[%parallel_loop3A_454, %parallel_loop3A_455] {strides = array<i32>} : memref<128x256xf32, #tpu.memory_space<vmem>>, vector<1x16xf32>,
      %parallel_loop3A_457 = vector.shape_cast %parallel_loop3A_456 : vector<1x16xf32> to vector<16xf32>
      %parallel_loop3A_458 = arith.index_cast %parallel_loop3A_336 : i32 to index
      %parallel_loop3A_459 = arith.constant 208 : index
      %parallel_loop3A_460 = tpu.vector_load %arg7[%parallel_loop3A_458, %parallel_loop3A_459] {strides = array<i32>} : memref<128x256xf32, #tpu.memory_space<vmem>>, vector<1x16xf32>,
      %parallel_loop3A_461 = vector.shape_cast %parallel_loop3A_460 : vector<1x16xf32> to vector<16xf32>
      %parallel_loop3A_462 = vector.shape_cast %parallel_loop3A_457 : vector<16xf32> to vector<1x16xf32>
      tpu.vector_store %arg7[%parallel_loop3A_458, %parallel_loop3A_459], %parallel_loop3A_462 {add = true, strides = array<i32>} : memref<128x256xf32, #tpu.memory_space<vmem>>, vector<1x16xf32>,
      %parallel_loop3A_463 = arith.index_cast %parallel_loop3A_336 : i32 to index
      %parallel_loop3A_464 = arith.constant 224 : index
      %parallel_loop3A_465 = tpu.vector_load %arg5[%parallel_loop3A_463, %parallel_loop3A_464] {strides = array<i32>} : memref<128x256xf32, #tpu.memory_space<vmem>>, vector<1x16xf32>,
      %parallel_loop3A_466 = vector.shape_cast %parallel_loop3A_465 : vector<1x16xf32> to vector<16xf32>
      %parallel_loop3A_467 = arith.index_cast %parallel_loop3A_336 : i32 to index
      %parallel_loop3A_468 = arith.constant 224 : index
      %parallel_loop3A_469 = tpu.vector_load %arg7[%parallel_loop3A_467, %parallel_loop3A_468] {strides = array<i32>} : memref<128x256xf32, #tpu.memory_space<vmem>>, vector<1x16xf32>,
      %parallel_loop3A_470 = vector.shape_cast %parallel_loop3A_469 : vector<1x16xf32> to vector<16xf32>
      %parallel_loop3A_471 = vector.shape_cast %parallel_loop3A_466 : vector<16xf32> to vector<1x16xf32>
      tpu.vector_store %arg7[%parallel_loop3A_467, %parallel_loop3A_468], %parallel_loop3A_471 {add = true, strides = array<i32>} : memref<128x256xf32, #tpu.memory_space<vmem>>, vector<1x16xf32>,
      %parallel_loop3A_472 = arith.index_cast %parallel_loop3A_336 : i32 to index
      %parallel_loop3A_473 = arith.constant 240 : index
      %parallel_loop3A_474 = tpu.vector_load %arg5[%parallel_loop3A_472, %parallel_loop3A_473] {strides = array<i32>} : memref<128x256xf32, #tpu.memory_space<vmem>>, vector<1x16xf32>,
      %parallel_loop3A_475 = vector.shape_cast %parallel_loop3A_474 : vector<1x16xf32> to vector<16xf32>
      %parallel_loop3A_476 = arith.index_cast %parallel_loop3A_336 : i32 to index
      %parallel_loop3A_477 = arith.constant 240 : index
      %parallel_loop3A_478 = tpu.vector_load %arg7[%parallel_loop3A_476, %parallel_loop3A_477] {strides = array<i32>} : memref<128x256xf32, #tpu.memory_space<vmem>>, vector<1x16xf32>,
      %parallel_loop3A_479 = vector.shape_cast %parallel_loop3A_478 : vector<1x16xf32> to vector<16xf32>
      %parallel_loop3A_480 = vector.shape_cast %parallel_loop3A_475 : vector<16xf32> to vector<1x16xf32>
      tpu.vector_store %arg7[%parallel_loop3A_476, %parallel_loop3A_477], %parallel_loop3A_480 {add = true, strides = array<i32>} : memref<128x256xf32, #tpu.memory_space<vmem>>, vector<1x16xf32>,
    } {sc.loop_unroll_factor = 2 : i64, sc.parallel_access}
    %add3A_159 = arith.constant 0 : i32
    %add3A_160 = arith.addi %mul3A_2, %add3A_159 : i32
    %dma_start3A_161 = arith.constant 3 : i32
    %dma_start3A_162 = arith.constant 0 : i32
    %dma_start3A_163 = tpu.memref_slice %arg4[%dma_start3A_161, %add3A_160, %dma_start3A_162] : memref<4x8192x256xf32, #tpu.memory_space<hbm>> -> memref<1x128x256xf32, #tpu.memory_space<hbm>>
    %dma_start3A_164 = tpu.memref_squeeze %dma_start3A_163 : memref<1x128x256xf32, #tpu.memory_space<hbm>> -> memref<128x256xf32, #tpu.memory_space<hbm>>
    %dma_start3A_165 = arith.constant 0 : i32
    %dma_start3A_166 = tpu.memref_slice %arg4[%dma_start3A_161, %add3A_160, %dma_start3A_165] : memref<4x8192x256xf32, #tpu.memory_space<hbm>> -> memref<1x128x256xf32, #tpu.memory_space<hbm>>
    %dma_start3A_167 = tpu.memref_squeeze %dma_start3A_166 : memref<1x128x256xf32, #tpu.memory_space<hbm>> -> memref<128x256xf32, #tpu.memory_space<hbm>>
    tpu.enqueue_dma source(%arg7 : memref<128x256xf32, #tpu.memory_space<vmem>>) target(%dma_start3A_167 : memref<128x256xf32, #tpu.memory_space<hbm>>) target_semaphore(%arg12 : memref<!tpu.dma_semaphore, #tpu.memory_space<semaphore_mem>>)
    %add3A_168 = arith.constant 128 : i32
    %add3A_169 = arith.addi %mul3A_2, %add3A_168 : i32
    %dma_start3A_170 = arith.constant 0 : i32
    %dma_start3A_171 = tpu.memref_slice %arg3[%add3A_169, %dma_start3A_170] : memref<8192x256xf32, #tpu.memory_space<hbm>> -> memref<128x256xf32, #tpu.memory_space<hbm>>
    %dma_start3A_172 = arith.constant 0 : i32
    %dma_start3A_173 = tpu.memref_slice %arg3[%add3A_169, %dma_start3A_172] : memref<8192x256xf32, #tpu.memory_space<hbm>> -> memref<128x256xf32, #tpu.memory_space<hbm>>
    tpu.enqueue_dma source(%dma_start3A_173 : memref<128x256xf32, #tpu.memory_space<hbm>>) target(%arg5 : memref<128x256xf32, #tpu.memory_space<vmem>>) target_semaphore(%arg8 : memref<!tpu.dma_semaphore, #tpu.memory_space<semaphore_mem>>)
    %add3A_174 = arith.constant 128 : i32
    %add3A_175 = arith.addi %mul3A_2, %add3A_174 : i32
    %dma_wait3A_176 = arith.constant 0 : i32
    %dma_wait3A_177 = tpu.memref_slice %arg3[%add3A_175, %dma_wait3A_176] : memref<8192x256xf32, #tpu.memory_space<hbm>> -> memref<128x256xf32, #tpu.memory_space<hbm>>
    %dma_wait3A_178 = arith.constant 0 : i32
    %dma_wait3A_179 = tpu.memref_slice %arg3[%add3A_175, %dma_wait3A_178] : memref<8192x256xf32, #tpu.memory_space<hbm>> -> memref<128x256xf32, #tpu.memory_space<hbm>>
    tpu.wait_dma2 semaphore(%arg8 : memref<!tpu.dma_semaphore, #tpu.memory_space<semaphore_mem>>) src(%dma_wait3A_179 : memref<128x256xf32, #tpu.memory_space<hbm>>) dst(%arg5 : memref<128x256xf32, #tpu.memory_space<vmem>>)
    %add3A_180 = arith.constant 0 : i32
    %add3A_181 = arith.addi %mul3A_2, %add3A_180 : i32
    %dma_wait3A_182 = arith.constant 3 : i32
    %dma_wait3A_183 = arith.constant 0 : i32
    %dma_wait3A_184 = tpu.memref_slice %arg4[%dma_wait3A_182, %add3A_181, %dma_wait3A_183] : memref<4x8192x256xf32, #tpu.memory_space<hbm>> -> memref<1x128x256xf32, #tpu.memory_space<hbm>>
    %dma_wait3A_185 = tpu.memref_squeeze %dma_wait3A_184 : memref<1x128x256xf32, #tpu.memory_space<hbm>> -> memref<128x256xf32, #tpu.memory_space<hbm>>
    %dma_wait3A_186 = arith.constant 0 : i32
    %dma_wait3A_187 = tpu.memref_slice %arg4[%dma_wait3A_182, %add3A_181, %dma_wait3A_186] : memref<4x8192x256xf32, #tpu.memory_space<hbm>> -> memref<1x128x256xf32, #tpu.memory_space<hbm>>
    %dma_wait3A_188 = tpu.memref_squeeze %dma_wait3A_187 : memref<1x128x256xf32, #tpu.memory_space<hbm>> -> memref<128x256xf32, #tpu.memory_space<hbm>>
    tpu.wait_dma2 semaphore(%arg12 : memref<!tpu.dma_semaphore, #tpu.memory_space<semaphore_mem>>) src(%arg7 : memref<128x256xf32, #tpu.memory_space<vmem>>) dst(%dma_wait3A_188 : memref<128x256xf32, #tpu.memory_space<hbm>>)
    %add3A_189 = arith.constant 128 : i32
    %add3A_190 = arith.addi %mul3A_2, %add3A_189 : i32
    %dma_start3A_191 = arith.constant 1 : i32
    %dma_start3A_192 = arith.constant 0 : i32
    %dma_start3A_193 = tpu.memref_slice %arg2[%dma_start3A_191, %add3A_190, %dma_start3A_192] : memref<4x8192x256xf32, #tpu.memory_space<hbm>> -> memref<1x128x256xf32, #tpu.memory_space<hbm>>
    %dma_start3A_194 = tpu.memref_squeeze %dma_start3A_193 : memref<1x128x256xf32, #tpu.memory_space<hbm>> -> memref<128x256xf32, #tpu.memory_space<hbm>>
    %dma_start3A_195 = arith.constant 0 : i32
    %dma_start3A_196 = tpu.memref_slice %arg2[%dma_start3A_191, %add3A_190, %dma_start3A_195] : memref<4x8192x256xf32, #tpu.memory_space<hbm>> -> memref<1x128x256xf32, #tpu.memory_space<hbm>>
    %dma_start3A_197 = tpu.memref_squeeze %dma_start3A_196 : memref<1x128x256xf32, #tpu.memory_space<hbm>> -> memref<128x256xf32, #tpu.memory_space<hbm>>
    tpu.enqueue_dma source(%dma_start3A_197 : memref<128x256xf32, #tpu.memory_space<hbm>>) target(%arg7 : memref<128x256xf32, #tpu.memory_space<vmem>>) target_semaphore(%arg10 : memref<!tpu.dma_semaphore, #tpu.memory_space<semaphore_mem>>)
    %add3A_198 = arith.constant 128 : i32
    %add3A_199 = arith.addi %mul3A_2, %add3A_198 : i32
    %dma_wait3A_200 = arith.constant 0 : i32
    %dma_wait3A_201 = arith.constant 0 : i32
    %dma_wait3A_202 = tpu.memref_slice %arg2[%dma_wait3A_200, %add3A_199, %dma_wait3A_201] : memref<4x8192x256xf32, #tpu.memory_space<hbm>> -> memref<1x128x256xf32, #tpu.memory_space<hbm>>
    %dma_wait3A_203 = tpu.memref_squeeze %dma_wait3A_202 : memref<1x128x256xf32, #tpu.memory_space<hbm>> -> memref<128x256xf32, #tpu.memory_space<hbm>>
    %dma_wait3A_204 = arith.constant 0 : i32
    %dma_wait3A_205 = tpu.memref_slice %arg2[%dma_wait3A_200, %add3A_199, %dma_wait3A_204] : memref<4x8192x256xf32, #tpu.memory_space<hbm>> -> memref<1x128x256xf32, #tpu.memory_space<hbm>>
    %dma_wait3A_206 = tpu.memref_squeeze %dma_wait3A_205 : memref<1x128x256xf32, #tpu.memory_space<hbm>> -> memref<128x256xf32, #tpu.memory_space<hbm>>
    tpu.wait_dma2 semaphore(%arg9 : memref<!tpu.dma_semaphore, #tpu.memory_space<semaphore_mem>>) src(%dma_wait3A_206 : memref<128x256xf32, #tpu.memory_space<hbm>>) dst(%arg6 : memref<128x256xf32, #tpu.memory_space<vmem>>)
    %parallel_loop3A_207 = arith.constant 0 : i32
    %parallel_loop3A_208 = arith.constant 128 : i32
    %parallel_loop3A_209 = arith.constant 1 : i32
    scf.for %parallel_loop3A_336 = %parallel_loop3A_207 to %parallel_loop3A_208 step %parallel_loop3A_209  : i32 {
      %parallel_loop3A_337 = arith.index_cast %parallel_loop3A_336 : i32 to index
      %parallel_loop3A_338 = arith.constant 0 : index
      %parallel_loop3A_339 = tpu.vector_load %arg5[%parallel_loop3A_337, %parallel_loop3A_338] {strides = array<i32>} : memref<128x256xf32, #tpu.memory_space<vmem>>, vector<1x16xf32>,
      %parallel_loop3A_340 = vector.shape_cast %parallel_loop3A_339 : vector<1x16xf32> to vector<16xf32>
      %parallel_loop3A_341 = arith.index_cast %parallel_loop3A_336 : i32 to index
      %parallel_loop3A_342 = arith.constant 0 : index
      %parallel_loop3A_343 = tpu.vector_load %arg6[%parallel_loop3A_341, %parallel_loop3A_342] {strides = array<i32>} : memref<128x256xf32, #tpu.memory_space<vmem>>, vector<1x16xf32>,
      %parallel_loop3A_344 = vector.shape_cast %parallel_loop3A_343 : vector<1x16xf32> to vector<16xf32>
      %parallel_loop3A_345 = vector.shape_cast %parallel_loop3A_340 : vector<16xf32> to vector<1x16xf32>
      tpu.vector_store %arg6[%parallel_loop3A_341, %parallel_loop3A_342], %parallel_loop3A_345 {add = true, strides = array<i32>} : memref<128x256xf32, #tpu.memory_space<vmem>>, vector<1x16xf32>,
      %parallel_loop3A_346 = arith.index_cast %parallel_loop3A_336 : i32 to index
      %parallel_loop3A_347 = arith.constant 16 : index
      %parallel_loop3A_348 = tpu.vector_load %arg5[%parallel_loop3A_346, %parallel_loop3A_347] {strides = array<i32>} : memref<128x256xf32, #tpu.memory_space<vmem>>, vector<1x16xf32>,
      %parallel_loop3A_349 = vector.shape_cast %parallel_loop3A_348 : vector<1x16xf32> to vector<16xf32>
      %parallel_loop3A_350 = arith.index_cast %parallel_loop3A_336 : i32 to index
      %parallel_loop3A_351 = arith.constant 16 : index
      %parallel_loop3A_352 = tpu.vector_load %arg6[%parallel_loop3A_350, %parallel_loop3A_351] {strides = array<i32>} : memref<128x256xf32, #tpu.memory_space<vmem>>, vector<1x16xf32>,
      %parallel_loop3A_353 = vector.shape_cast %parallel_loop3A_352 : vector<1x16xf32> to vector<16xf32>
      %parallel_loop3A_354 = vector.shape_cast %parallel_loop3A_349 : vector<16xf32> to vector<1x16xf32>
      tpu.vector_store %arg6[%parallel_loop3A_350, %parallel_loop3A_351], %parallel_loop3A_354 {add = true, strides = array<i32>} : memref<128x256xf32, #tpu.memory_space<vmem>>, vector<1x16xf32>,
      %parallel_loop3A_355 = arith.index_cast %parallel_loop3A_336 : i32 to index
      %parallel_loop3A_356 = arith.constant 32 : index
      %parallel_loop3A_357 = tpu.vector_load %arg5[%parallel_loop3A_355, %parallel_loop3A_356] {strides = array<i32>} : memref<128x256xf32, #tpu.memory_space<vmem>>, vector<1x16xf32>,
      %parallel_loop3A_358 = vector.shape_cast %parallel_loop3A_357 : vector<1x16xf32> to vector<16xf32>
      %parallel_loop3A_359 = arith.index_cast %parallel_loop3A_336 : i32 to index
      %parallel_loop3A_360 = arith.constant 32 : index
      %parallel_loop3A_361 = tpu.vector_load %arg6[%parallel_loop3A_359, %parallel_loop3A_360] {strides = array<i32>} : memref<128x256xf32, #tpu.memory_space<vmem>>, vector<1x16xf32>,
      %parallel_loop3A_362 = vector.shape_cast %parallel_loop3A_361 : vector<1x16xf32> to vector<16xf32>
      %parallel_loop3A_363 = vector.shape_cast %parallel_loop3A_358 : vector<16xf32> to vector<1x16xf32>
      tpu.vector_store %arg6[%parallel_loop3A_359, %parallel_loop3A_360], %parallel_loop3A_363 {add = true, strides = array<i32>} : memref<128x256xf32, #tpu.memory_space<vmem>>, vector<1x16xf32>,
      %parallel_loop3A_364 = arith.index_cast %parallel_loop3A_336 : i32 to index
      %parallel_loop3A_365 = arith.constant 48 : index
      %parallel_loop3A_366 = tpu.vector_load %arg5[%parallel_loop3A_364, %parallel_loop3A_365] {strides = array<i32>} : memref<128x256xf32, #tpu.memory_space<vmem>>, vector<1x16xf32>,
      %parallel_loop3A_367 = vector.shape_cast %parallel_loop3A_366 : vector<1x16xf32> to vector<16xf32>
      %parallel_loop3A_368 = arith.index_cast %parallel_loop3A_336 : i32 to index
      %parallel_loop3A_369 = arith.constant 48 : index
      %parallel_loop3A_370 = tpu.vector_load %arg6[%parallel_loop3A_368, %parallel_loop3A_369] {strides = array<i32>} : memref<128x256xf32, #tpu.memory_space<vmem>>, vector<1x16xf32>,
      %parallel_loop3A_371 = vector.shape_cast %parallel_loop3A_370 : vector<1x16xf32> to vector<16xf32>
      %parallel_loop3A_372 = vector.shape_cast %parallel_loop3A_367 : vector<16xf32> to vector<1x16xf32>
      tpu.vector_store %arg6[%parallel_loop3A_368, %parallel_loop3A_369], %parallel_loop3A_372 {add = true, strides = array<i32>} : memref<128x256xf32, #tpu.memory_space<vmem>>, vector<1x16xf32>,
      %parallel_loop3A_373 = arith.index_cast %parallel_loop3A_336 : i32 to index
      %parallel_loop3A_374 = arith.constant 64 : index
      %parallel_loop3A_375 = tpu.vector_load %arg5[%parallel_loop3A_373, %parallel_loop3A_374] {strides = array<i32>} : memref<128x256xf32, #tpu.memory_space<vmem>>, vector<1x16xf32>,
      %parallel_loop3A_376 = vector.shape_cast %parallel_loop3A_375 : vector<1x16xf32> to vector<16xf32>
      %parallel_loop3A_377 = arith.index_cast %parallel_loop3A_336 : i32 to index
      %parallel_loop3A_378 = arith.constant 64 : index
      %parallel_loop3A_379 = tpu.vector_load %arg6[%parallel_loop3A_377, %parallel_loop3A_378] {strides = array<i32>} : memref<128x256xf32, #tpu.memory_space<vmem>>, vector<1x16xf32>,
      %parallel_loop3A_380 = vector.shape_cast %parallel_loop3A_379 : vector<1x16xf32> to vector<16xf32>
      %parallel_loop3A_381 = vector.shape_cast %parallel_loop3A_376 : vector<16xf32> to vector<1x16xf32>
      tpu.vector_store %arg6[%parallel_loop3A_377, %parallel_loop3A_378], %parallel_loop3A_381 {add = true, strides = array<i32>} : memref<128x256xf32, #tpu.memory_space<vmem>>, vector<1x16xf32>,
      %parallel_loop3A_382 = arith.index_cast %parallel_loop3A_336 : i32 to index
      %parallel_loop3A_383 = arith.constant 80 : index
      %parallel_loop3A_384 = tpu.vector_load %arg5[%parallel_loop3A_382, %parallel_loop3A_383] {strides = array<i32>} : memref<128x256xf32, #tpu.memory_space<vmem>>, vector<1x16xf32>,
      %parallel_loop3A_385 = vector.shape_cast %parallel_loop3A_384 : vector<1x16xf32> to vector<16xf32>
      %parallel_loop3A_386 = arith.index_cast %parallel_loop3A_336 : i32 to index
      %parallel_loop3A_387 = arith.constant 80 : index
      %parallel_loop3A_388 = tpu.vector_load %arg6[%parallel_loop3A_386, %parallel_loop3A_387] {strides = array<i32>} : memref<128x256xf32, #tpu.memory_space<vmem>>, vector<1x16xf32>,
      %parallel_loop3A_389 = vector.shape_cast %parallel_loop3A_388 : vector<1x16xf32> to vector<16xf32>
      %parallel_loop3A_390 = vector.shape_cast %parallel_loop3A_385 : vector<16xf32> to vector<1x16xf32>
      tpu.vector_store %arg6[%parallel_loop3A_386, %parallel_loop3A_387], %parallel_loop3A_390 {add = true, strides = array<i32>} : memref<128x256xf32, #tpu.memory_space<vmem>>, vector<1x16xf32>,
      %parallel_loop3A_391 = arith.index_cast %parallel_loop3A_336 : i32 to index
      %parallel_loop3A_392 = arith.constant 96 : index
      %parallel_loop3A_393 = tpu.vector_load %arg5[%parallel_loop3A_391, %parallel_loop3A_392] {strides = array<i32>} : memref<128x256xf32, #tpu.memory_space<vmem>>, vector<1x16xf32>,
      %parallel_loop3A_394 = vector.shape_cast %parallel_loop3A_393 : vector<1x16xf32> to vector<16xf32>
      %parallel_loop3A_395 = arith.index_cast %parallel_loop3A_336 : i32 to index
      %parallel_loop3A_396 = arith.constant 96 : index
      %parallel_loop3A_397 = tpu.vector_load %arg6[%parallel_loop3A_395, %parallel_loop3A_396] {strides = array<i32>} : memref<128x256xf32, #tpu.memory_space<vmem>>, vector<1x16xf32>,
      %parallel_loop3A_398 = vector.shape_cast %parallel_loop3A_397 : vector<1x16xf32> to vector<16xf32>
      %parallel_loop3A_399 = vector.shape_cast %parallel_loop3A_394 : vector<16xf32> to vector<1x16xf32>
      tpu.vector_store %arg6[%parallel_loop3A_395, %parallel_loop3A_396], %parallel_loop3A_399 {add = true, strides = array<i32>} : memref<128x256xf32, #tpu.memory_space<vmem>>, vector<1x16xf32>,
      %parallel_loop3A_400 = arith.index_cast %parallel_loop3A_336 : i32 to index
      %parallel_loop3A_401 = arith.constant 112 : index
      %parallel_loop3A_402 = tpu.vector_load %arg5[%parallel_loop3A_400, %parallel_loop3A_401] {strides = array<i32>} : memref<128x256xf32, #tpu.memory_space<vmem>>, vector<1x16xf32>,
      %parallel_loop3A_403 = vector.shape_cast %parallel_loop3A_402 : vector<1x16xf32> to vector<16xf32>
      %parallel_loop3A_404 = arith.index_cast %parallel_loop3A_336 : i32 to index
      %parallel_loop3A_405 = arith.constant 112 : index
      %parallel_loop3A_406 = tpu.vector_load %arg6[%parallel_loop3A_404, %parallel_loop3A_405] {strides = array<i32>} : memref<128x256xf32, #tpu.memory_space<vmem>>, vector<1x16xf32>,
      %parallel_loop3A_407 = vector.shape_cast %parallel_loop3A_406 : vector<1x16xf32> to vector<16xf32>
      %parallel_loop3A_408 = vector.shape_cast %parallel_loop3A_403 : vector<16xf32> to vector<1x16xf32>
      tpu.vector_store %arg6[%parallel_loop3A_404, %parallel_loop3A_405], %parallel_loop3A_408 {add = true, strides = array<i32>} : memref<128x256xf32, #tpu.memory_space<vmem>>, vector<1x16xf32>,
      %parallel_loop3A_409 = arith.index_cast %parallel_loop3A_336 : i32 to index
      %parallel_loop3A_410 = arith.constant 128 : index
      %parallel_loop3A_411 = tpu.vector_load %arg5[%parallel_loop3A_409, %parallel_loop3A_410] {strides = array<i32>} : memref<128x256xf32, #tpu.memory_space<vmem>>, vector<1x16xf32>,
      %parallel_loop3A_412 = vector.shape_cast %parallel_loop3A_411 : vector<1x16xf32> to vector<16xf32>
      %parallel_loop3A_413 = arith.index_cast %parallel_loop3A_336 : i32 to index
      %parallel_loop3A_414 = arith.constant 128 : index
      %parallel_loop3A_415 = tpu.vector_load %arg6[%parallel_loop3A_413, %parallel_loop3A_414] {strides = array<i32>} : memref<128x256xf32, #tpu.memory_space<vmem>>, vector<1x16xf32>,
      %parallel_loop3A_416 = vector.shape_cast %parallel_loop3A_415 : vector<1x16xf32> to vector<16xf32>
      %parallel_loop3A_417 = vector.shape_cast %parallel_loop3A_412 : vector<16xf32> to vector<1x16xf32>
      tpu.vector_store %arg6[%parallel_loop3A_413, %parallel_loop3A_414], %parallel_loop3A_417 {add = true, strides = array<i32>} : memref<128x256xf32, #tpu.memory_space<vmem>>, vector<1x16xf32>,
      %parallel_loop3A_418 = arith.index_cast %parallel_loop3A_336 : i32 to index
      %parallel_loop3A_419 = arith.constant 144 : index
      %parallel_loop3A_420 = tpu.vector_load %arg5[%parallel_loop3A_418, %parallel_loop3A_419] {strides = array<i32>} : memref<128x256xf32, #tpu.memory_space<vmem>>, vector<1x16xf32>,
      %parallel_loop3A_421 = vector.shape_cast %parallel_loop3A_420 : vector<1x16xf32> to vector<16xf32>
      %parallel_loop3A_422 = arith.index_cast %parallel_loop3A_336 : i32 to index
      %parallel_loop3A_423 = arith.constant 144 : index
      %parallel_loop3A_424 = tpu.vector_load %arg6[%parallel_loop3A_422, %parallel_loop3A_423] {strides = array<i32>} : memref<128x256xf32, #tpu.memory_space<vmem>>, vector<1x16xf32>,
      %parallel_loop3A_425 = vector.shape_cast %parallel_loop3A_424 : vector<1x16xf32> to vector<16xf32>
      %parallel_loop3A_426 = vector.shape_cast %parallel_loop3A_421 : vector<16xf32> to vector<1x16xf32>
      tpu.vector_store %arg6[%parallel_loop3A_422, %parallel_loop3A_423], %parallel_loop3A_426 {add = true, strides = array<i32>} : memref<128x256xf32, #tpu.memory_space<vmem>>, vector<1x16xf32>,
      %parallel_loop3A_427 = arith.index_cast %parallel_loop3A_336 : i32 to index
      %parallel_loop3A_428 = arith.constant 160 : index
      %parallel_loop3A_429 = tpu.vector_load %arg5[%parallel_loop3A_427, %parallel_loop3A_428] {strides = array<i32>} : memref<128x256xf32, #tpu.memory_space<vmem>>, vector<1x16xf32>,
      %parallel_loop3A_430 = vector.shape_cast %parallel_loop3A_429 : vector<1x16xf32> to vector<16xf32>
      %parallel_loop3A_431 = arith.index_cast %parallel_loop3A_336 : i32 to index
      %parallel_loop3A_432 = arith.constant 160 : index
      %parallel_loop3A_433 = tpu.vector_load %arg6[%parallel_loop3A_431, %parallel_loop3A_432] {strides = array<i32>} : memref<128x256xf32, #tpu.memory_space<vmem>>, vector<1x16xf32>,
      %parallel_loop3A_434 = vector.shape_cast %parallel_loop3A_433 : vector<1x16xf32> to vector<16xf32>
      %parallel_loop3A_435 = vector.shape_cast %parallel_loop3A_430 : vector<16xf32> to vector<1x16xf32>
      tpu.vector_store %arg6[%parallel_loop3A_431, %parallel_loop3A_432], %parallel_loop3A_435 {add = true, strides = array<i32>} : memref<128x256xf32, #tpu.memory_space<vmem>>, vector<1x16xf32>,
      %parallel_loop3A_436 = arith.index_cast %parallel_loop3A_336 : i32 to index
      %parallel_loop3A_437 = arith.constant 176 : index
      %parallel_loop3A_438 = tpu.vector_load %arg5[%parallel_loop3A_436, %parallel_loop3A_437] {strides = array<i32>} : memref<128x256xf32, #tpu.memory_space<vmem>>, vector<1x16xf32>,
      %parallel_loop3A_439 = vector.shape_cast %parallel_loop3A_438 : vector<1x16xf32> to vector<16xf32>
      %parallel_loop3A_440 = arith.index_cast %parallel_loop3A_336 : i32 to index
      %parallel_loop3A_441 = arith.constant 176 : index
      %parallel_loop3A_442 = tpu.vector_load %arg6[%parallel_loop3A_440, %parallel_loop3A_441] {strides = array<i32>} : memref<128x256xf32, #tpu.memory_space<vmem>>, vector<1x16xf32>,
      %parallel_loop3A_443 = vector.shape_cast %parallel_loop3A_442 : vector<1x16xf32> to vector<16xf32>
      %parallel_loop3A_444 = vector.shape_cast %parallel_loop3A_439 : vector<16xf32> to vector<1x16xf32>
      tpu.vector_store %arg6[%parallel_loop3A_440, %parallel_loop3A_441], %parallel_loop3A_444 {add = true, strides = array<i32>} : memref<128x256xf32, #tpu.memory_space<vmem>>, vector<1x16xf32>,
      %parallel_loop3A_445 = arith.index_cast %parallel_loop3A_336 : i32 to index
      %parallel_loop3A_446 = arith.constant 192 : index
      %parallel_loop3A_447 = tpu.vector_load %arg5[%parallel_loop3A_445, %parallel_loop3A_446] {strides = array<i32>} : memref<128x256xf32, #tpu.memory_space<vmem>>, vector<1x16xf32>,
      %parallel_loop3A_448 = vector.shape_cast %parallel_loop3A_447 : vector<1x16xf32> to vector<16xf32>
      %parallel_loop3A_449 = arith.index_cast %parallel_loop3A_336 : i32 to index
      %parallel_loop3A_450 = arith.constant 192 : index
      %parallel_loop3A_451 = tpu.vector_load %arg6[%parallel_loop3A_449, %parallel_loop3A_450] {strides = array<i32>} : memref<128x256xf32, #tpu.memory_space<vmem>>, vector<1x16xf32>,
      %parallel_loop3A_452 = vector.shape_cast %parallel_loop3A_451 : vector<1x16xf32> to vector<16xf32>
      %parallel_loop3A_453 = vector.shape_cast %parallel_loop3A_448 : vector<16xf32> to vector<1x16xf32>
      tpu.vector_store %arg6[%parallel_loop3A_449, %parallel_loop3A_450], %parallel_loop3A_453 {add = true, strides = array<i32>} : memref<128x256xf32, #tpu.memory_space<vmem>>, vector<1x16xf32>,
      %parallel_loop3A_454 = arith.index_cast %parallel_loop3A_336 : i32 to index
      %parallel_loop3A_455 = arith.constant 208 : index
      %parallel_loop3A_456 = tpu.vector_load %arg5[%parallel_loop3A_454, %parallel_loop3A_455] {strides = array<i32>} : memref<128x256xf32, #tpu.memory_space<vmem>>, vector<1x16xf32>,
      %parallel_loop3A_457 = vector.shape_cast %parallel_loop3A_456 : vector<1x16xf32> to vector<16xf32>
      %parallel_loop3A_458 = arith.index_cast %parallel_loop3A_336 : i32 to index
      %parallel_loop3A_459 = arith.constant 208 : index
      %parallel_loop3A_460 = tpu.vector_load %arg6[%parallel_loop3A_458, %parallel_loop3A_459] {strides = array<i32>} : memref<128x256xf32, #tpu.memory_space<vmem>>, vector<1x16xf32>,
      %parallel_loop3A_461 = vector.shape_cast %parallel_loop3A_460 : vector<1x16xf32> to vector<16xf32>
      %parallel_loop3A_462 = vector.shape_cast %parallel_loop3A_457 : vector<16xf32> to vector<1x16xf32>
      tpu.vector_store %arg6[%parallel_loop3A_458, %parallel_loop3A_459], %parallel_loop3A_462 {add = true, strides = array<i32>} : memref<128x256xf32, #tpu.memory_space<vmem>>, vector<1x16xf32>,
      %parallel_loop3A_463 = arith.index_cast %parallel_loop3A_336 : i32 to index
      %parallel_loop3A_464 = arith.constant 224 : index
      %parallel_loop3A_465 = tpu.vector_load %arg5[%parallel_loop3A_463, %parallel_loop3A_464] {strides = array<i32>} : memref<128x256xf32, #tpu.memory_space<vmem>>, vector<1x16xf32>,
      %parallel_loop3A_466 = vector.shape_cast %parallel_loop3A_465 : vector<1x16xf32> to vector<16xf32>
      %parallel_loop3A_467 = arith.index_cast %parallel_loop3A_336 : i32 to index
      %parallel_loop3A_468 = arith.constant 224 : index
      %parallel_loop3A_469 = tpu.vector_load %arg6[%parallel_loop3A_467, %parallel_loop3A_468] {strides = array<i32>} : memref<128x256xf32, #tpu.memory_space<vmem>>, vector<1x16xf32>,
      %parallel_loop3A_470 = vector.shape_cast %parallel_loop3A_469 : vector<1x16xf32> to vector<16xf32>
      %parallel_loop3A_471 = vector.shape_cast %parallel_loop3A_466 : vector<16xf32> to vector<1x16xf32>
      tpu.vector_store %arg6[%parallel_loop3A_467, %parallel_loop3A_468], %parallel_loop3A_471 {add = true, strides = array<i32>} : memref<128x256xf32, #tpu.memory_space<vmem>>, vector<1x16xf32>,
      %parallel_loop3A_472 = arith.index_cast %parallel_loop3A_336 : i32 to index
      %parallel_loop3A_473 = arith.constant 240 : index
      %parallel_loop3A_474 = tpu.vector_load %arg5[%parallel_loop3A_472, %parallel_loop3A_473] {strides = array<i32>} : memref<128x256xf32, #tpu.memory_space<vmem>>, vector<1x16xf32>,
      %parallel_loop3A_475 = vector.shape_cast %parallel_loop3A_474 : vector<1x16xf32> to vector<16xf32>
      %parallel_loop3A_476 = arith.index_cast %parallel_loop3A_336 : i32 to index
      %parallel_loop3A_477 = arith.constant 240 : index
      %parallel_loop3A_478 = tpu.vector_load %arg6[%parallel_loop3A_476, %parallel_loop3A_477] {strides = array<i32>} : memref<128x256xf32, #tpu.memory_space<vmem>>, vector<1x16xf32>,
      %parallel_loop3A_479 = vector.shape_cast %parallel_loop3A_478 : vector<1x16xf32> to vector<16xf32>
      %parallel_loop3A_480 = vector.shape_cast %parallel_loop3A_475 : vector<16xf32> to vector<1x16xf32>
      tpu.vector_store %arg6[%parallel_loop3A_476, %parallel_loop3A_477], %parallel_loop3A_480 {add = true, strides = array<i32>} : memref<128x256xf32, #tpu.memory_space<vmem>>, vector<1x16xf32>,
    } {sc.loop_unroll_factor = 2 : i64, sc.parallel_access}
    %add3A_210 = arith.constant 128 : i32
    %add3A_211 = arith.addi %mul3A_2, %add3A_210 : i32
    %dma_start3A_212 = arith.constant 0 : i32
    %dma_start3A_213 = arith.constant 0 : i32
    %dma_start3A_214 = tpu.memref_slice %arg4[%dma_start3A_212, %add3A_211, %dma_start3A_213] : memref<4x8192x256xf32, #tpu.memory_space<hbm>> -> memref<1x128x256xf32, #tpu.memory_space<hbm>>
    %dma_start3A_215 = tpu.memref_squeeze %dma_start3A_214 : memref<1x128x256xf32, #tpu.memory_space<hbm>> -> memref<128x256xf32, #tpu.memory_space<hbm>>
    %dma_start3A_216 = arith.constant 0 : i32
    %dma_start3A_217 = tpu.memref_slice %arg4[%dma_start3A_212, %add3A_211, %dma_start3A_216] : memref<4x8192x256xf32, #tpu.memory_space<hbm>> -> memref<1x128x256xf32, #tpu.memory_space<hbm>>
    %dma_start3A_218 = tpu.memref_squeeze %dma_start3A_217 : memref<1x128x256xf32, #tpu.memory_space<hbm>> -> memref<128x256xf32, #tpu.memory_space<hbm>>
    tpu.enqueue_dma source(%arg6 : memref<128x256xf32, #tpu.memory_space<vmem>>) target(%dma_start3A_218 : memref<128x256xf32, #tpu.memory_space<hbm>>) target_semaphore(%arg11 : memref<!tpu.dma_semaphore, #tpu.memory_space<semaphore_mem>>)
    %add3A_219 = arith.constant 128 : i32
    %add3A_220 = arith.addi %mul3A_2, %add3A_219 : i32
    %dma_wait3A_221 = arith.constant 0 : i32
    %dma_wait3A_222 = arith.constant 0 : i32
    %dma_wait3A_223 = tpu.memref_slice %arg4[%dma_wait3A_221, %add3A_220, %dma_wait3A_222] : memref<4x8192x256xf32, #tpu.memory_space<hbm>> -> memref<1x128x256xf32, #tpu.memory_space<hbm>>
    %dma_wait3A_224 = tpu.memref_squeeze %dma_wait3A_223 : memref<1x128x256xf32, #tpu.memory_space<hbm>> -> memref<128x256xf32, #tpu.memory_space<hbm>>
    %dma_wait3A_225 = arith.constant 0 : i32
    %dma_wait3A_226 = tpu.memref_slice %arg4[%dma_wait3A_221, %add3A_220, %dma_wait3A_225] : memref<4x8192x256xf32, #tpu.memory_space<hbm>> -> memref<1x128x256xf32, #tpu.memory_space<hbm>>
    %dma_wait3A_227 = tpu.memref_squeeze %dma_wait3A_226 : memref<1x128x256xf32, #tpu.memory_space<hbm>> -> memref<128x256xf32, #tpu.memory_space<hbm>>
    tpu.wait_dma2 semaphore(%arg11 : memref<!tpu.dma_semaphore, #tpu.memory_space<semaphore_mem>>) src(%arg6 : memref<128x256xf32, #tpu.memory_space<vmem>>) dst(%dma_wait3A_227 : memref<128x256xf32, #tpu.memory_space<hbm>>)
    %add3A_228 = arith.constant 128 : i32
    %add3A_229 = arith.addi %mul3A_2, %add3A_228 : i32
    %dma_start3A_230 = arith.constant 2 : i32
    %dma_start3A_231 = arith.constant 0 : i32
    %dma_start3A_232 = tpu.memref_slice %arg2[%dma_start3A_230, %add3A_229, %dma_start3A_231] : memref<4x8192x256xf32, #tpu.memory_space<hbm>> -> memref<1x128x256xf32, #tpu.memory_space<hbm>>
    %dma_start3A_233 = tpu.memref_squeeze %dma_start3A_232 : memref<1x128x256xf32, #tpu.memory_space<hbm>> -> memref<128x256xf32, #tpu.memory_space<hbm>>
    %dma_start3A_234 = arith.constant 0 : i32
    %dma_start3A_235 = tpu.memref_slice %arg2[%dma_start3A_230, %add3A_229, %dma_start3A_234] : memref<4x8192x256xf32, #tpu.memory_space<hbm>> -> memref<1x128x256xf32, #tpu.memory_space<hbm>>
    %dma_start3A_236 = tpu.memref_squeeze %dma_start3A_235 : memref<1x128x256xf32, #tpu.memory_space<hbm>> -> memref<128x256xf32, #tpu.memory_space<hbm>>
    tpu.enqueue_dma source(%dma_start3A_236 : memref<128x256xf32, #tpu.memory_space<hbm>>) target(%arg6 : memref<128x256xf32, #tpu.memory_space<vmem>>) target_semaphore(%arg9 : memref<!tpu.dma_semaphore, #tpu.memory_space<semaphore_mem>>)
    %add3A_237 = arith.constant 128 : i32
    %add3A_238 = arith.addi %mul3A_2, %add3A_237 : i32
    %dma_wait3A_239 = arith.constant 1 : i32
    %dma_wait3A_240 = arith.constant 0 : i32
    %dma_wait3A_241 = tpu.memref_slice %arg2[%dma_wait3A_239, %add3A_238, %dma_wait3A_240] : memref<4x8192x256xf32, #tpu.memory_space<hbm>> -> memref<1x128x256xf32, #tpu.memory_space<hbm>>
    %dma_wait3A_242 = tpu.memref_squeeze %dma_wait3A_241 : memref<1x128x256xf32, #tpu.memory_space<hbm>> -> memref<128x256xf32, #tpu.memory_space<hbm>>
    %dma_wait3A_243 = arith.constant 0 : i32
    %dma_wait3A_244 = tpu.memref_slice %arg2[%dma_wait3A_239, %add3A_238, %dma_wait3A_243] : memref<4x8192x256xf32, #tpu.memory_space<hbm>> -> memref<1x128x256xf32, #tpu.memory_space<hbm>>
    %dma_wait3A_245 = tpu.memref_squeeze %dma_wait3A_244 : memref<1x128x256xf32, #tpu.memory_space<hbm>> -> memref<128x256xf32, #tpu.memory_space<hbm>>
    tpu.wait_dma2 semaphore(%arg10 : memref<!tpu.dma_semaphore, #tpu.memory_space<semaphore_mem>>) src(%dma_wait3A_245 : memref<128x256xf32, #tpu.memory_space<hbm>>) dst(%arg7 : memref<128x256xf32, #tpu.memory_space<vmem>>)
    %parallel_loop3A_246 = arith.constant 0 : i32
    %parallel_loop3A_247 = arith.constant 128 : i32
    %parallel_loop3A_248 = arith.constant 1 : i32
    scf.for %parallel_loop3A_336 = %parallel_loop3A_246 to %parallel_loop3A_247 step %parallel_loop3A_248  : i32 {
      %parallel_loop3A_337 = arith.index_cast %parallel_loop3A_336 : i32 to index
      %parallel_loop3A_338 = arith.constant 0 : index
      %parallel_loop3A_339 = tpu.vector_load %arg5[%parallel_loop3A_337, %parallel_loop3A_338] {strides = array<i32>} : memref<128x256xf32, #tpu.memory_space<vmem>>, vector<1x16xf32>,
      %parallel_loop3A_340 = vector.shape_cast %parallel_loop3A_339 : vector<1x16xf32> to vector<16xf32>
      %parallel_loop3A_341 = arith.index_cast %parallel_loop3A_336 : i32 to index
      %parallel_loop3A_342 = arith.constant 0 : index
      %parallel_loop3A_343 = tpu.vector_load %arg7[%parallel_loop3A_341, %parallel_loop3A_342] {strides = array<i32>} : memref<128x256xf32, #tpu.memory_space<vmem>>, vector<1x16xf32>,
      %parallel_loop3A_344 = vector.shape_cast %parallel_loop3A_343 : vector<1x16xf32> to vector<16xf32>
      %parallel_loop3A_345 = vector.shape_cast %parallel_loop3A_340 : vector<16xf32> to vector<1x16xf32>
      tpu.vector_store %arg7[%parallel_loop3A_341, %parallel_loop3A_342], %parallel_loop3A_345 {add = true, strides = array<i32>} : memref<128x256xf32, #tpu.memory_space<vmem>>, vector<1x16xf32>,
      %parallel_loop3A_346 = arith.index_cast %parallel_loop3A_336 : i32 to index
      %parallel_loop3A_347 = arith.constant 16 : index
      %parallel_loop3A_348 = tpu.vector_load %arg5[%parallel_loop3A_346, %parallel_loop3A_347] {strides = array<i32>} : memref<128x256xf32, #tpu.memory_space<vmem>>, vector<1x16xf32>,
      %parallel_loop3A_349 = vector.shape_cast %parallel_loop3A_348 : vector<1x16xf32> to vector<16xf32>
      %parallel_loop3A_350 = arith.index_cast %parallel_loop3A_336 : i32 to index
      %parallel_loop3A_351 = arith.constant 16 : index
      %parallel_loop3A_352 = tpu.vector_load %arg7[%parallel_loop3A_350, %parallel_loop3A_351] {strides = array<i32>} : memref<128x256xf32, #tpu.memory_space<vmem>>, vector<1x16xf32>,
      %parallel_loop3A_353 = vector.shape_cast %parallel_loop3A_352 : vector<1x16xf32> to vector<16xf32>
      %parallel_loop3A_354 = vector.shape_cast %parallel_loop3A_349 : vector<16xf32> to vector<1x16xf32>
      tpu.vector_store %arg7[%parallel_loop3A_350, %parallel_loop3A_351], %parallel_loop3A_354 {add = true, strides = array<i32>} : memref<128x256xf32, #tpu.memory_space<vmem>>, vector<1x16xf32>,
      %parallel_loop3A_355 = arith.index_cast %parallel_loop3A_336 : i32 to index
      %parallel_loop3A_356 = arith.constant 32 : index
      %parallel_loop3A_357 = tpu.vector_load %arg5[%parallel_loop3A_355, %parallel_loop3A_356] {strides = array<i32>} : memref<128x256xf32, #tpu.memory_space<vmem>>, vector<1x16xf32>,
      %parallel_loop3A_358 = vector.shape_cast %parallel_loop3A_357 : vector<1x16xf32> to vector<16xf32>
      %parallel_loop3A_359 = arith.index_cast %parallel_loop3A_336 : i32 to index
      %parallel_loop3A_360 = arith.constant 32 : index
      %parallel_loop3A_361 = tpu.vector_load %arg7[%parallel_loop3A_359, %parallel_loop3A_360] {strides = array<i32>} : memref<128x256xf32, #tpu.memory_space<vmem>>, vector<1x16xf32>,
      %parallel_loop3A_362 = vector.shape_cast %parallel_loop3A_361 : vector<1x16xf32> to vector<16xf32>
      %parallel_loop3A_363 = vector.shape_cast %parallel_loop3A_358 : vector<16xf32> to vector<1x16xf32>
      tpu.vector_store %arg7[%parallel_loop3A_359, %parallel_loop3A_360], %parallel_loop3A_363 {add = true, strides = array<i32>} : memref<128x256xf32, #tpu.memory_space<vmem>>, vector<1x16xf32>,
      %parallel_loop3A_364 = arith.index_cast %parallel_loop3A_336 : i32 to index
      %parallel_loop3A_365 = arith.constant 48 : index
      %parallel_loop3A_366 = tpu.vector_load %arg5[%parallel_loop3A_364, %parallel_loop3A_365] {strides = array<i32>} : memref<128x256xf32, #tpu.memory_space<vmem>>, vector<1x16xf32>,
      %parallel_loop3A_367 = vector.shape_cast %parallel_loop3A_366 : vector<1x16xf32> to vector<16xf32>
      %parallel_loop3A_368 = arith.index_cast %parallel_loop3A_336 : i32 to index
      %parallel_loop3A_369 = arith.constant 48 : index
      %parallel_loop3A_370 = tpu.vector_load %arg7[%parallel_loop3A_368, %parallel_loop3A_369] {strides = array<i32>} : memref<128x256xf32, #tpu.memory_space<vmem>>, vector<1x16xf32>,
      %parallel_loop3A_371 = vector.shape_cast %parallel_loop3A_370 : vector<1x16xf32> to vector<16xf32>
      %parallel_loop3A_372 = vector.shape_cast %parallel_loop3A_367 : vector<16xf32> to vector<1x16xf32>
      tpu.vector_store %arg7[%parallel_loop3A_368, %parallel_loop3A_369], %parallel_loop3A_372 {add = true, strides = array<i32>} : memref<128x256xf32, #tpu.memory_space<vmem>>, vector<1x16xf32>,
      %parallel_loop3A_373 = arith.index_cast %parallel_loop3A_336 : i32 to index
      %parallel_loop3A_374 = arith.constant 64 : index
      %parallel_loop3A_375 = tpu.vector_load %arg5[%parallel_loop3A_373, %parallel_loop3A_374] {strides = array<i32>} : memref<128x256xf32, #tpu.memory_space<vmem>>, vector<1x16xf32>,
      %parallel_loop3A_376 = vector.shape_cast %parallel_loop3A_375 : vector<1x16xf32> to vector<16xf32>
      %parallel_loop3A_377 = arith.index_cast %parallel_loop3A_336 : i32 to index
      %parallel_loop3A_378 = arith.constant 64 : index
      %parallel_loop3A_379 = tpu.vector_load %arg7[%parallel_loop3A_377, %parallel_loop3A_378] {strides = array<i32>} : memref<128x256xf32, #tpu.memory_space<vmem>>, vector<1x16xf32>,
      %parallel_loop3A_380 = vector.shape_cast %parallel_loop3A_379 : vector<1x16xf32> to vector<16xf32>
      %parallel_loop3A_381 = vector.shape_cast %parallel_loop3A_376 : vector<16xf32> to vector<1x16xf32>
      tpu.vector_store %arg7[%parallel_loop3A_377, %parallel_loop3A_378], %parallel_loop3A_381 {add = true, strides = array<i32>} : memref<128x256xf32, #tpu.memory_space<vmem>>, vector<1x16xf32>,
      %parallel_loop3A_382 = arith.index_cast %parallel_loop3A_336 : i32 to index
      %parallel_loop3A_383 = arith.constant 80 : index
      %parallel_loop3A_384 = tpu.vector_load %arg5[%parallel_loop3A_382, %parallel_loop3A_383] {strides = array<i32>} : memref<128x256xf32, #tpu.memory_space<vmem>>, vector<1x16xf32>,
      %parallel_loop3A_385 = vector.shape_cast %parallel_loop3A_384 : vector<1x16xf32> to vector<16xf32>
      %parallel_loop3A_386 = arith.index_cast %parallel_loop3A_336 : i32 to index
      %parallel_loop3A_387 = arith.constant 80 : index
      %parallel_loop3A_388 = tpu.vector_load %arg7[%parallel_loop3A_386, %parallel_loop3A_387] {strides = array<i32>} : memref<128x256xf32, #tpu.memory_space<vmem>>, vector<1x16xf32>,
      %parallel_loop3A_389 = vector.shape_cast %parallel_loop3A_388 : vector<1x16xf32> to vector<16xf32>
      %parallel_loop3A_390 = vector.shape_cast %parallel_loop3A_385 : vector<16xf32> to vector<1x16xf32>
      tpu.vector_store %arg7[%parallel_loop3A_386, %parallel_loop3A_387], %parallel_loop3A_390 {add = true, strides = array<i32>} : memref<128x256xf32, #tpu.memory_space<vmem>>, vector<1x16xf32>,
      %parallel_loop3A_391 = arith.index_cast %parallel_loop3A_336 : i32 to index
      %parallel_loop3A_392 = arith.constant 96 : index
      %parallel_loop3A_393 = tpu.vector_load %arg5[%parallel_loop3A_391, %parallel_loop3A_392] {strides = array<i32>} : memref<128x256xf32, #tpu.memory_space<vmem>>, vector<1x16xf32>,
      %parallel_loop3A_394 = vector.shape_cast %parallel_loop3A_393 : vector<1x16xf32> to vector<16xf32>
      %parallel_loop3A_395 = arith.index_cast %parallel_loop3A_336 : i32 to index
      %parallel_loop3A_396 = arith.constant 96 : index
      %parallel_loop3A_397 = tpu.vector_load %arg7[%parallel_loop3A_395, %parallel_loop3A_396] {strides = array<i32>} : memref<128x256xf32, #tpu.memory_space<vmem>>, vector<1x16xf32>,
      %parallel_loop3A_398 = vector.shape_cast %parallel_loop3A_397 : vector<1x16xf32> to vector<16xf32>
      %parallel_loop3A_399 = vector.shape_cast %parallel_loop3A_394 : vector<16xf32> to vector<1x16xf32>
      tpu.vector_store %arg7[%parallel_loop3A_395, %parallel_loop3A_396], %parallel_loop3A_399 {add = true, strides = array<i32>} : memref<128x256xf32, #tpu.memory_space<vmem>>, vector<1x16xf32>,
      %parallel_loop3A_400 = arith.index_cast %parallel_loop3A_336 : i32 to index
      %parallel_loop3A_401 = arith.constant 112 : index
      %parallel_loop3A_402 = tpu.vector_load %arg5[%parallel_loop3A_400, %parallel_loop3A_401] {strides = array<i32>} : memref<128x256xf32, #tpu.memory_space<vmem>>, vector<1x16xf32>,
      %parallel_loop3A_403 = vector.shape_cast %parallel_loop3A_402 : vector<1x16xf32> to vector<16xf32>
      %parallel_loop3A_404 = arith.index_cast %parallel_loop3A_336 : i32 to index
      %parallel_loop3A_405 = arith.constant 112 : index
      %parallel_loop3A_406 = tpu.vector_load %arg7[%parallel_loop3A_404, %parallel_loop3A_405] {strides = array<i32>} : memref<128x256xf32, #tpu.memory_space<vmem>>, vector<1x16xf32>,
      %parallel_loop3A_407 = vector.shape_cast %parallel_loop3A_406 : vector<1x16xf32> to vector<16xf32>
      %parallel_loop3A_408 = vector.shape_cast %parallel_loop3A_403 : vector<16xf32> to vector<1x16xf32>
      tpu.vector_store %arg7[%parallel_loop3A_404, %parallel_loop3A_405], %parallel_loop3A_408 {add = true, strides = array<i32>} : memref<128x256xf32, #tpu.memory_space<vmem>>, vector<1x16xf32>,
      %parallel_loop3A_409 = arith.index_cast %parallel_loop3A_336 : i32 to index
      %parallel_loop3A_410 = arith.constant 128 : index
      %parallel_loop3A_411 = tpu.vector_load %arg5[%parallel_loop3A_409, %parallel_loop3A_410] {strides = array<i32>} : memref<128x256xf32, #tpu.memory_space<vmem>>, vector<1x16xf32>,
      %parallel_loop3A_412 = vector.shape_cast %parallel_loop3A_411 : vector<1x16xf32> to vector<16xf32>
      %parallel_loop3A_413 = arith.index_cast %parallel_loop3A_336 : i32 to index
      %parallel_loop3A_414 = arith.constant 128 : index
      %parallel_loop3A_415 = tpu.vector_load %arg7[%parallel_loop3A_413, %parallel_loop3A_414] {strides = array<i32>} : memref<128x256xf32, #tpu.memory_space<vmem>>, vector<1x16xf32>,
      %parallel_loop3A_416 = vector.shape_cast %parallel_loop3A_415 : vector<1x16xf32> to vector<16xf32>
      %parallel_loop3A_417 = vector.shape_cast %parallel_loop3A_412 : vector<16xf32> to vector<1x16xf32>
      tpu.vector_store %arg7[%parallel_loop3A_413, %parallel_loop3A_414], %parallel_loop3A_417 {add = true, strides = array<i32>} : memref<128x256xf32, #tpu.memory_space<vmem>>, vector<1x16xf32>,
      %parallel_loop3A_418 = arith.index_cast %parallel_loop3A_336 : i32 to index
      %parallel_loop3A_419 = arith.constant 144 : index
      %parallel_loop3A_420 = tpu.vector_load %arg5[%parallel_loop3A_418, %parallel_loop3A_419] {strides = array<i32>} : memref<128x256xf32, #tpu.memory_space<vmem>>, vector<1x16xf32>,
      %parallel_loop3A_421 = vector.shape_cast %parallel_loop3A_420 : vector<1x16xf32> to vector<16xf32>
      %parallel_loop3A_422 = arith.index_cast %parallel_loop3A_336 : i32 to index
      %parallel_loop3A_423 = arith.constant 144 : index
      %parallel_loop3A_424 = tpu.vector_load %arg7[%parallel_loop3A_422, %parallel_loop3A_423] {strides = array<i32>} : memref<128x256xf32, #tpu.memory_space<vmem>>, vector<1x16xf32>,
      %parallel_loop3A_425 = vector.shape_cast %parallel_loop3A_424 : vector<1x16xf32> to vector<16xf32>
      %parallel_loop3A_426 = vector.shape_cast %parallel_loop3A_421 : vector<16xf32> to vector<1x16xf32>
      tpu.vector_store %arg7[%parallel_loop3A_422, %parallel_loop3A_423], %parallel_loop3A_426 {add = true, strides = array<i32>} : memref<128x256xf32, #tpu.memory_space<vmem>>, vector<1x16xf32>,
      %parallel_loop3A_427 = arith.index_cast %parallel_loop3A_336 : i32 to index
      %parallel_loop3A_428 = arith.constant 160 : index
      %parallel_loop3A_429 = tpu.vector_load %arg5[%parallel_loop3A_427, %parallel_loop3A_428] {strides = array<i32>} : memref<128x256xf32, #tpu.memory_space<vmem>>, vector<1x16xf32>,
      %parallel_loop3A_430 = vector.shape_cast %parallel_loop3A_429 : vector<1x16xf32> to vector<16xf32>
      %parallel_loop3A_431 = arith.index_cast %parallel_loop3A_336 : i32 to index
      %parallel_loop3A_432 = arith.constant 160 : index
      %parallel_loop3A_433 = tpu.vector_load %arg7[%parallel_loop3A_431, %parallel_loop3A_432] {strides = array<i32>} : memref<128x256xf32, #tpu.memory_space<vmem>>, vector<1x16xf32>,
      %parallel_loop3A_434 = vector.shape_cast %parallel_loop3A_433 : vector<1x16xf32> to vector<16xf32>
      %parallel_loop3A_435 = vector.shape_cast %parallel_loop3A_430 : vector<16xf32> to vector<1x16xf32>
      tpu.vector_store %arg7[%parallel_loop3A_431, %parallel_loop3A_432], %parallel_loop3A_435 {add = true, strides = array<i32>} : memref<128x256xf32, #tpu.memory_space<vmem>>, vector<1x16xf32>,
      %parallel_loop3A_436 = arith.index_cast %parallel_loop3A_336 : i32 to index
      %parallel_loop3A_437 = arith.constant 176 : index
      %parallel_loop3A_438 = tpu.vector_load %arg5[%parallel_loop3A_436, %parallel_loop3A_437] {strides = array<i32>} : memref<128x256xf32, #tpu.memory_space<vmem>>, vector<1x16xf32>,
      %parallel_loop3A_439 = vector.shape_cast %parallel_loop3A_438 : vector<1x16xf32> to vector<16xf32>
      %parallel_loop3A_440 = arith.index_cast %parallel_loop3A_336 : i32 to index
      %parallel_loop3A_441 = arith.constant 176 : index
      %parallel_loop3A_442 = tpu.vector_load %arg7[%parallel_loop3A_440, %parallel_loop3A_441] {strides = array<i32>} : memref<128x256xf32, #tpu.memory_space<vmem>>, vector<1x16xf32>,
      %parallel_loop3A_443 = vector.shape_cast %parallel_loop3A_442 : vector<1x16xf32> to vector<16xf32>
      %parallel_loop3A_444 = vector.shape_cast %parallel_loop3A_439 : vector<16xf32> to vector<1x16xf32>
      tpu.vector_store %arg7[%parallel_loop3A_440, %parallel_loop3A_441], %parallel_loop3A_444 {add = true, strides = array<i32>} : memref<128x256xf32, #tpu.memory_space<vmem>>, vector<1x16xf32>,
      %parallel_loop3A_445 = arith.index_cast %parallel_loop3A_336 : i32 to index
      %parallel_loop3A_446 = arith.constant 192 : index
      %parallel_loop3A_447 = tpu.vector_load %arg5[%parallel_loop3A_445, %parallel_loop3A_446] {strides = array<i32>} : memref<128x256xf32, #tpu.memory_space<vmem>>, vector<1x16xf32>,
      %parallel_loop3A_448 = vector.shape_cast %parallel_loop3A_447 : vector<1x16xf32> to vector<16xf32>
      %parallel_loop3A_449 = arith.index_cast %parallel_loop3A_336 : i32 to index
      %parallel_loop3A_450 = arith.constant 192 : index
      %parallel_loop3A_451 = tpu.vector_load %arg7[%parallel_loop3A_449, %parallel_loop3A_450] {strides = array<i32>} : memref<128x256xf32, #tpu.memory_space<vmem>>, vector<1x16xf32>,
      %parallel_loop3A_452 = vector.shape_cast %parallel_loop3A_451 : vector<1x16xf32> to vector<16xf32>
      %parallel_loop3A_453 = vector.shape_cast %parallel_loop3A_448 : vector<16xf32> to vector<1x16xf32>
      tpu.vector_store %arg7[%parallel_loop3A_449, %parallel_loop3A_450], %parallel_loop3A_453 {add = true, strides = array<i32>} : memref<128x256xf32, #tpu.memory_space<vmem>>, vector<1x16xf32>,
      %parallel_loop3A_454 = arith.index_cast %parallel_loop3A_336 : i32 to index
      %parallel_loop3A_455 = arith.constant 208 : index
      %parallel_loop3A_456 = tpu.vector_load %arg5[%parallel_loop3A_454, %parallel_loop3A_455] {strides = array<i32>} : memref<128x256xf32, #tpu.memory_space<vmem>>, vector<1x16xf32>,
      %parallel_loop3A_457 = vector.shape_cast %parallel_loop3A_456 : vector<1x16xf32> to vector<16xf32>
      %parallel_loop3A_458 = arith.index_cast %parallel_loop3A_336 : i32 to index
      %parallel_loop3A_459 = arith.constant 208 : index
      %parallel_loop3A_460 = tpu.vector_load %arg7[%parallel_loop3A_458, %parallel_loop3A_459] {strides = array<i32>} : memref<128x256xf32, #tpu.memory_space<vmem>>, vector<1x16xf32>,
      %parallel_loop3A_461 = vector.shape_cast %parallel_loop3A_460 : vector<1x16xf32> to vector<16xf32>
      %parallel_loop3A_462 = vector.shape_cast %parallel_loop3A_457 : vector<16xf32> to vector<1x16xf32>
      tpu.vector_store %arg7[%parallel_loop3A_458, %parallel_loop3A_459], %parallel_loop3A_462 {add = true, strides = array<i32>} : memref<128x256xf32, #tpu.memory_space<vmem>>, vector<1x16xf32>,
      %parallel_loop3A_463 = arith.index_cast %parallel_loop3A_336 : i32 to index
      %parallel_loop3A_464 = arith.constant 224 : index
      %parallel_loop3A_465 = tpu.vector_load %arg5[%parallel_loop3A_463, %parallel_loop3A_464] {strides = array<i32>} : memref<128x256xf32, #tpu.memory_space<vmem>>, vector<1x16xf32>,
      %parallel_loop3A_466 = vector.shape_cast %parallel_loop3A_465 : vector<1x16xf32> to vector<16xf32>
      %parallel_loop3A_467 = arith.index_cast %parallel_loop3A_336 : i32 to index
      %parallel_loop3A_468 = arith.constant 224 : index
      %parallel_loop3A_469 = tpu.vector_load %arg7[%parallel_loop3A_467, %parallel_loop3A_468] {strides = array<i32>} : memref<128x256xf32, #tpu.memory_space<vmem>>, vector<1x16xf32>,
      %parallel_loop3A_470 = vector.shape_cast %parallel_loop3A_469 : vector<1x16xf32> to vector<16xf32>
      %parallel_loop3A_471 = vector.shape_cast %parallel_loop3A_466 : vector<16xf32> to vector<1x16xf32>
      tpu.vector_store %arg7[%parallel_loop3A_467, %parallel_loop3A_468], %parallel_loop3A_471 {add = true, strides = array<i32>} : memref<128x256xf32, #tpu.memory_space<vmem>>, vector<1x16xf32>,
      %parallel_loop3A_472 = arith.index_cast %parallel_loop3A_336 : i32 to index
      %parallel_loop3A_473 = arith.constant 240 : index
      %parallel_loop3A_474 = tpu.vector_load %arg5[%parallel_loop3A_472, %parallel_loop3A_473] {strides = array<i32>} : memref<128x256xf32, #tpu.memory_space<vmem>>, vector<1x16xf32>,
      %parallel_loop3A_475 = vector.shape_cast %parallel_loop3A_474 : vector<1x16xf32> to vector<16xf32>
      %parallel_loop3A_476 = arith.index_cast %parallel_loop3A_336 : i32 to index
      %parallel_loop3A_477 = arith.constant 240 : index
      %parallel_loop3A_478 = tpu.vector_load %arg7[%parallel_loop3A_476, %parallel_loop3A_477] {strides = array<i32>} : memref<128x256xf32, #tpu.memory_space<vmem>>, vector<1x16xf32>,
      %parallel_loop3A_479 = vector.shape_cast %parallel_loop3A_478 : vector<1x16xf32> to vector<16xf32>
      %parallel_loop3A_480 = vector.shape_cast %parallel_loop3A_475 : vector<16xf32> to vector<1x16xf32>
      tpu.vector_store %arg7[%parallel_loop3A_476, %parallel_loop3A_477], %parallel_loop3A_480 {add = true, strides = array<i32>} : memref<128x256xf32, #tpu.memory_space<vmem>>, vector<1x16xf32>,
    } {sc.loop_unroll_factor = 2 : i64, sc.parallel_access}
    %add3A_249 = arith.constant 128 : i32
    %add3A_250 = arith.addi %mul3A_2, %add3A_249 : i32
    %dma_start3A_251 = arith.constant 1 : i32
    %dma_start3A_252 = arith.constant 0 : i32
    %dma_start3A_253 = tpu.memref_slice %arg4[%dma_start3A_251, %add3A_250, %dma_start3A_252] : memref<4x8192x256xf32, #tpu.memory_space<hbm>> -> memref<1x128x256xf32, #tpu.memory_space<hbm>>
    %dma_start3A_254 = tpu.memref_squeeze %dma_start3A_253 : memref<1x128x256xf32, #tpu.memory_space<hbm>> -> memref<128x256xf32, #tpu.memory_space<hbm>>
    %dma_start3A_255 = arith.constant 0 : i32
    %dma_start3A_256 = tpu.memref_slice %arg4[%dma_start3A_251, %add3A_250, %dma_start3A_255] : memref<4x8192x256xf32, #tpu.memory_space<hbm>> -> memref<1x128x256xf32, #tpu.memory_space<hbm>>
    %dma_start3A_257 = tpu.memref_squeeze %dma_start3A_256 : memref<1x128x256xf32, #tpu.memory_space<hbm>> -> memref<128x256xf32, #tpu.memory_space<hbm>>
    tpu.enqueue_dma source(%arg7 : memref<128x256xf32, #tpu.memory_space<vmem>>) target(%dma_start3A_257 : memref<128x256xf32, #tpu.memory_space<hbm>>) target_semaphore(%arg12 : memref<!tpu.dma_semaphore, #tpu.memory_space<semaphore_mem>>)
    %add3A_258 = arith.constant 128 : i32
    %add3A_259 = arith.addi %mul3A_2, %add3A_258 : i32
    %dma_wait3A_260 = arith.constant 1 : i32
    %dma_wait3A_261 = arith.constant 0 : i32
    %dma_wait3A_262 = tpu.memref_slice %arg4[%dma_wait3A_260, %add3A_259, %dma_wait3A_261] : memref<4x8192x256xf32, #tpu.memory_space<hbm>> -> memref<1x128x256xf32, #tpu.memory_space<hbm>>
    %dma_wait3A_263 = tpu.memref_squeeze %dma_wait3A_262 : memref<1x128x256xf32, #tpu.memory_space<hbm>> -> memref<128x256xf32, #tpu.memory_space<hbm>>
    %dma_wait3A_264 = arith.constant 0 : i32
    %dma_wait3A_265 = tpu.memref_slice %arg4[%dma_wait3A_260, %add3A_259, %dma_wait3A_264] : memref<4x8192x256xf32, #tpu.memory_space<hbm>> -> memref<1x128x256xf32, #tpu.memory_space<hbm>>
    %dma_wait3A_266 = tpu.memref_squeeze %dma_wait3A_265 : memref<1x128x256xf32, #tpu.memory_space<hbm>> -> memref<128x256xf32, #tpu.memory_space<hbm>>
    tpu.wait_dma2 semaphore(%arg12 : memref<!tpu.dma_semaphore, #tpu.memory_space<semaphore_mem>>) src(%arg7 : memref<128x256xf32, #tpu.memory_space<vmem>>) dst(%dma_wait3A_266 : memref<128x256xf32, #tpu.memory_space<hbm>>)
    %add3A_267 = arith.constant 128 : i32
    %add3A_268 = arith.addi %mul3A_2, %add3A_267 : i32
    %dma_start3A_269 = arith.constant 3 : i32
    %dma_start3A_270 = arith.constant 0 : i32
    %dma_start3A_271 = tpu.memref_slice %arg2[%dma_start3A_269, %add3A_268, %dma_start3A_270] : memref<4x8192x256xf32, #tpu.memory_space<hbm>> -> memref<1x128x256xf32, #tpu.memory_space<hbm>>
    %dma_start3A_272 = tpu.memref_squeeze %dma_start3A_271 : memref<1x128x256xf32, #tpu.memory_space<hbm>> -> memref<128x256xf32, #tpu.memory_space<hbm>>
    %dma_start3A_273 = arith.constant 0 : i32
    %dma_start3A_274 = tpu.memref_slice %arg2[%dma_start3A_269, %add3A_268, %dma_start3A_273] : memref<4x8192x256xf32, #tpu.memory_space<hbm>> -> memref<1x128x256xf32, #tpu.memory_space<hbm>>
    %dma_start3A_275 = tpu.memref_squeeze %dma_start3A_274 : memref<1x128x256xf32, #tpu.memory_space<hbm>> -> memref<128x256xf32, #tpu.memory_space<hbm>>
    tpu.enqueue_dma source(%dma_start3A_275 : memref<128x256xf32, #tpu.memory_space<hbm>>) target(%arg7 : memref<128x256xf32, #tpu.memory_space<vmem>>) target_semaphore(%arg10 : memref<!tpu.dma_semaphore, #tpu.memory_space<semaphore_mem>>)
    %add3A_276 = arith.constant 128 : i32
    %add3A_277 = arith.addi %mul3A_2, %add3A_276 : i32
    %dma_wait3A_278 = arith.constant 2 : i32
    %dma_wait3A_279 = arith.constant 0 : i32
    %dma_wait3A_280 = tpu.memref_slice %arg2[%dma_wait3A_278, %add3A_277, %dma_wait3A_279] : memref<4x8192x256xf32, #tpu.memory_space<hbm>> -> memref<1x128x256xf32, #tpu.memory_space<hbm>>
    %dma_wait3A_281 = tpu.memref_squeeze %dma_wait3A_280 : memref<1x128x256xf32, #tpu.memory_space<hbm>> -> memref<128x256xf32, #tpu.memory_space<hbm>>
    %dma_wait3A_282 = arith.constant 0 : i32
    %dma_wait3A_283 = tpu.memref_slice %arg2[%dma_wait3A_278, %add3A_277, %dma_wait3A_282] : memref<4x8192x256xf32, #tpu.memory_space<hbm>> -> memref<1x128x256xf32, #tpu.memory_space<hbm>>
    %dma_wait3A_284 = tpu.memref_squeeze %dma_wait3A_283 : memref<1x128x256xf32, #tpu.memory_space<hbm>> -> memref<128x256xf32, #tpu.memory_space<hbm>>
    tpu.wait_dma2 semaphore(%arg9 : memref<!tpu.dma_semaphore, #tpu.memory_space<semaphore_mem>>) src(%dma_wait3A_284 : memref<128x256xf32, #tpu.memory_space<hbm>>) dst(%arg6 : memref<128x256xf32, #tpu.memory_space<vmem>>)
    %parallel_loop3A_285 = arith.constant 0 : i32
    %parallel_loop3A_286 = arith.constant 128 : i32
    %parallel_loop3A_287 = arith.constant 1 : i32
    scf.for %parallel_loop3A_336 = %parallel_loop3A_285 to %parallel_loop3A_286 step %parallel_loop3A_287  : i32 {
      %parallel_loop3A_337 = arith.index_cast %parallel_loop3A_336 : i32 to index
      %parallel_loop3A_338 = arith.constant 0 : index
      %parallel_loop3A_339 = tpu.vector_load %arg5[%parallel_loop3A_337, %parallel_loop3A_338] {strides = array<i32>} : memref<128x256xf32, #tpu.memory_space<vmem>>, vector<1x16xf32>,
      %parallel_loop3A_340 = vector.shape_cast %parallel_loop3A_339 : vector<1x16xf32> to vector<16xf32>
      %parallel_loop3A_341 = arith.index_cast %parallel_loop3A_336 : i32 to index
      %parallel_loop3A_342 = arith.constant 0 : index
      %parallel_loop3A_343 = tpu.vector_load %arg6[%parallel_loop3A_341, %parallel_loop3A_342] {strides = array<i32>} : memref<128x256xf32, #tpu.memory_space<vmem>>, vector<1x16xf32>,
      %parallel_loop3A_344 = vector.shape_cast %parallel_loop3A_343 : vector<1x16xf32> to vector<16xf32>
      %parallel_loop3A_345 = vector.shape_cast %parallel_loop3A_340 : vector<16xf32> to vector<1x16xf32>
      tpu.vector_store %arg6[%parallel_loop3A_341, %parallel_loop3A_342], %parallel_loop3A_345 {add = true, strides = array<i32>} : memref<128x256xf32, #tpu.memory_space<vmem>>, vector<1x16xf32>,
      %parallel_loop3A_346 = arith.index_cast %parallel_loop3A_336 : i32 to index
      %parallel_loop3A_347 = arith.constant 16 : index
      %parallel_loop3A_348 = tpu.vector_load %arg5[%parallel_loop3A_346, %parallel_loop3A_347] {strides = array<i32>} : memref<128x256xf32, #tpu.memory_space<vmem>>, vector<1x16xf32>,
      %parallel_loop3A_349 = vector.shape_cast %parallel_loop3A_348 : vector<1x16xf32> to vector<16xf32>
      %parallel_loop3A_350 = arith.index_cast %parallel_loop3A_336 : i32 to index
      %parallel_loop3A_351 = arith.constant 16 : index
      %parallel_loop3A_352 = tpu.vector_load %arg6[%parallel_loop3A_350, %parallel_loop3A_351] {strides = array<i32>} : memref<128x256xf32, #tpu.memory_space<vmem>>, vector<1x16xf32>,
      %parallel_loop3A_353 = vector.shape_cast %parallel_loop3A_352 : vector<1x16xf32> to vector<16xf32>
      %parallel_loop3A_354 = vector.shape_cast %parallel_loop3A_349 : vector<16xf32> to vector<1x16xf32>
      tpu.vector_store %arg6[%parallel_loop3A_350, %parallel_loop3A_351], %parallel_loop3A_354 {add = true, strides = array<i32>} : memref<128x256xf32, #tpu.memory_space<vmem>>, vector<1x16xf32>,
      %parallel_loop3A_355 = arith.index_cast %parallel_loop3A_336 : i32 to index
      %parallel_loop3A_356 = arith.constant 32 : index
      %parallel_loop3A_357 = tpu.vector_load %arg5[%parallel_loop3A_355, %parallel_loop3A_356] {strides = array<i32>} : memref<128x256xf32, #tpu.memory_space<vmem>>, vector<1x16xf32>,
      %parallel_loop3A_358 = vector.shape_cast %parallel_loop3A_357 : vector<1x16xf32> to vector<16xf32>
      %parallel_loop3A_359 = arith.index_cast %parallel_loop3A_336 : i32 to index
      %parallel_loop3A_360 = arith.constant 32 : index
      %parallel_loop3A_361 = tpu.vector_load %arg6[%parallel_loop3A_359, %parallel_loop3A_360] {strides = array<i32>} : memref<128x256xf32, #tpu.memory_space<vmem>>, vector<1x16xf32>,
      %parallel_loop3A_362 = vector.shape_cast %parallel_loop3A_361 : vector<1x16xf32> to vector<16xf32>
      %parallel_loop3A_363 = vector.shape_cast %parallel_loop3A_358 : vector<16xf32> to vector<1x16xf32>
      tpu.vector_store %arg6[%parallel_loop3A_359, %parallel_loop3A_360], %parallel_loop3A_363 {add = true, strides = array<i32>} : memref<128x256xf32, #tpu.memory_space<vmem>>, vector<1x16xf32>,
      %parallel_loop3A_364 = arith.index_cast %parallel_loop3A_336 : i32 to index
      %parallel_loop3A_365 = arith.constant 48 : index
      %parallel_loop3A_366 = tpu.vector_load %arg5[%parallel_loop3A_364, %parallel_loop3A_365] {strides = array<i32>} : memref<128x256xf32, #tpu.memory_space<vmem>>, vector<1x16xf32>,
      %parallel_loop3A_367 = vector.shape_cast %parallel_loop3A_366 : vector<1x16xf32> to vector<16xf32>
      %parallel_loop3A_368 = arith.index_cast %parallel_loop3A_336 : i32 to index
      %parallel_loop3A_369 = arith.constant 48 : index
      %parallel_loop3A_370 = tpu.vector_load %arg6[%parallel_loop3A_368, %parallel_loop3A_369] {strides = array<i32>} : memref<128x256xf32, #tpu.memory_space<vmem>>, vector<1x16xf32>,
      %parallel_loop3A_371 = vector.shape_cast %parallel_loop3A_370 : vector<1x16xf32> to vector<16xf32>
      %parallel_loop3A_372 = vector.shape_cast %parallel_loop3A_367 : vector<16xf32> to vector<1x16xf32>
      tpu.vector_store %arg6[%parallel_loop3A_368, %parallel_loop3A_369], %parallel_loop3A_372 {add = true, strides = array<i32>} : memref<128x256xf32, #tpu.memory_space<vmem>>, vector<1x16xf32>,
      %parallel_loop3A_373 = arith.index_cast %parallel_loop3A_336 : i32 to index
      %parallel_loop3A_374 = arith.constant 64 : index
      %parallel_loop3A_375 = tpu.vector_load %arg5[%parallel_loop3A_373, %parallel_loop3A_374] {strides = array<i32>} : memref<128x256xf32, #tpu.memory_space<vmem>>, vector<1x16xf32>,
      %parallel_loop3A_376 = vector.shape_cast %parallel_loop3A_375 : vector<1x16xf32> to vector<16xf32>
      %parallel_loop3A_377 = arith.index_cast %parallel_loop3A_336 : i32 to index
      %parallel_loop3A_378 = arith.constant 64 : index
      %parallel_loop3A_379 = tpu.vector_load %arg6[%parallel_loop3A_377, %parallel_loop3A_378] {strides = array<i32>} : memref<128x256xf32, #tpu.memory_space<vmem>>, vector<1x16xf32>,
      %parallel_loop3A_380 = vector.shape_cast %parallel_loop3A_379 : vector<1x16xf32> to vector<16xf32>
      %parallel_loop3A_381 = vector.shape_cast %parallel_loop3A_376 : vector<16xf32> to vector<1x16xf32>
      tpu.vector_store %arg6[%parallel_loop3A_377, %parallel_loop3A_378], %parallel_loop3A_381 {add = true, strides = array<i32>} : memref<128x256xf32, #tpu.memory_space<vmem>>, vector<1x16xf32>,
      %parallel_loop3A_382 = arith.index_cast %parallel_loop3A_336 : i32 to index
      %parallel_loop3A_383 = arith.constant 80 : index
      %parallel_loop3A_384 = tpu.vector_load %arg5[%parallel_loop3A_382, %parallel_loop3A_383] {strides = array<i32>} : memref<128x256xf32, #tpu.memory_space<vmem>>, vector<1x16xf32>,
      %parallel_loop3A_385 = vector.shape_cast %parallel_loop3A_384 : vector<1x16xf32> to vector<16xf32>
      %parallel_loop3A_386 = arith.index_cast %parallel_loop3A_336 : i32 to index
      %parallel_loop3A_387 = arith.constant 80 : index
      %parallel_loop3A_388 = tpu.vector_load %arg6[%parallel_loop3A_386, %parallel_loop3A_387] {strides = array<i32>} : memref<128x256xf32, #tpu.memory_space<vmem>>, vector<1x16xf32>,
      %parallel_loop3A_389 = vector.shape_cast %parallel_loop3A_388 : vector<1x16xf32> to vector<16xf32>
      %parallel_loop3A_390 = vector.shape_cast %parallel_loop3A_385 : vector<16xf32> to vector<1x16xf32>
      tpu.vector_store %arg6[%parallel_loop3A_386, %parallel_loop3A_387], %parallel_loop3A_390 {add = true, strides = array<i32>} : memref<128x256xf32, #tpu.memory_space<vmem>>, vector<1x16xf32>,
      %parallel_loop3A_391 = arith.index_cast %parallel_loop3A_336 : i32 to index
      %parallel_loop3A_392 = arith.constant 96 : index
      %parallel_loop3A_393 = tpu.vector_load %arg5[%parallel_loop3A_391, %parallel_loop3A_392] {strides = array<i32>} : memref<128x256xf32, #tpu.memory_space<vmem>>, vector<1x16xf32>,
      %parallel_loop3A_394 = vector.shape_cast %parallel_loop3A_393 : vector<1x16xf32> to vector<16xf32>
      %parallel_loop3A_395 = arith.index_cast %parallel_loop3A_336 : i32 to index
      %parallel_loop3A_396 = arith.constant 96 : index
      %parallel_loop3A_397 = tpu.vector_load %arg6[%parallel_loop3A_395, %parallel_loop3A_396] {strides = array<i32>} : memref<128x256xf32, #tpu.memory_space<vmem>>, vector<1x16xf32>,
      %parallel_loop3A_398 = vector.shape_cast %parallel_loop3A_397 : vector<1x16xf32> to vector<16xf32>
      %parallel_loop3A_399 = vector.shape_cast %parallel_loop3A_394 : vector<16xf32> to vector<1x16xf32>
      tpu.vector_store %arg6[%parallel_loop3A_395, %parallel_loop3A_396], %parallel_loop3A_399 {add = true, strides = array<i32>} : memref<128x256xf32, #tpu.memory_space<vmem>>, vector<1x16xf32>,
      %parallel_loop3A_400 = arith.index_cast %parallel_loop3A_336 : i32 to index
      %parallel_loop3A_401 = arith.constant 112 : index
      %parallel_loop3A_402 = tpu.vector_load %arg5[%parallel_loop3A_400, %parallel_loop3A_401] {strides = array<i32>} : memref<128x256xf32, #tpu.memory_space<vmem>>, vector<1x16xf32>,
      %parallel_loop3A_403 = vector.shape_cast %parallel_loop3A_402 : vector<1x16xf32> to vector<16xf32>
      %parallel_loop3A_404 = arith.index_cast %parallel_loop3A_336 : i32 to index
      %parallel_loop3A_405 = arith.constant 112 : index
      %parallel_loop3A_406 = tpu.vector_load %arg6[%parallel_loop3A_404, %parallel_loop3A_405] {strides = array<i32>} : memref<128x256xf32, #tpu.memory_space<vmem>>, vector<1x16xf32>,
      %parallel_loop3A_407 = vector.shape_cast %parallel_loop3A_406 : vector<1x16xf32> to vector<16xf32>
      %parallel_loop3A_408 = vector.shape_cast %parallel_loop3A_403 : vector<16xf32> to vector<1x16xf32>
      tpu.vector_store %arg6[%parallel_loop3A_404, %parallel_loop3A_405], %parallel_loop3A_408 {add = true, strides = array<i32>} : memref<128x256xf32, #tpu.memory_space<vmem>>, vector<1x16xf32>,
      %parallel_loop3A_409 = arith.index_cast %parallel_loop3A_336 : i32 to index
      %parallel_loop3A_410 = arith.constant 128 : index
      %parallel_loop3A_411 = tpu.vector_load %arg5[%parallel_loop3A_409, %parallel_loop3A_410] {strides = array<i32>} : memref<128x256xf32, #tpu.memory_space<vmem>>, vector<1x16xf32>,
      %parallel_loop3A_412 = vector.shape_cast %parallel_loop3A_411 : vector<1x16xf32> to vector<16xf32>
      %parallel_loop3A_413 = arith.index_cast %parallel_loop3A_336 : i32 to index
      %parallel_loop3A_414 = arith.constant 128 : index
      %parallel_loop3A_415 = tpu.vector_load %arg6[%parallel_loop3A_413, %parallel_loop3A_414] {strides = array<i32>} : memref<128x256xf32, #tpu.memory_space<vmem>>, vector<1x16xf32>,
      %parallel_loop3A_416 = vector.shape_cast %parallel_loop3A_415 : vector<1x16xf32> to vector<16xf32>
      %parallel_loop3A_417 = vector.shape_cast %parallel_loop3A_412 : vector<16xf32> to vector<1x16xf32>
      tpu.vector_store %arg6[%parallel_loop3A_413, %parallel_loop3A_414], %parallel_loop3A_417 {add = true, strides = array<i32>} : memref<128x256xf32, #tpu.memory_space<vmem>>, vector<1x16xf32>,
      %parallel_loop3A_418 = arith.index_cast %parallel_loop3A_336 : i32 to index
      %parallel_loop3A_419 = arith.constant 144 : index
      %parallel_loop3A_420 = tpu.vector_load %arg5[%parallel_loop3A_418, %parallel_loop3A_419] {strides = array<i32>} : memref<128x256xf32, #tpu.memory_space<vmem>>, vector<1x16xf32>,
      %parallel_loop3A_421 = vector.shape_cast %parallel_loop3A_420 : vector<1x16xf32> to vector<16xf32>
      %parallel_loop3A_422 = arith.index_cast %parallel_loop3A_336 : i32 to index
      %parallel_loop3A_423 = arith.constant 144 : index
      %parallel_loop3A_424 = tpu.vector_load %arg6[%parallel_loop3A_422, %parallel_loop3A_423] {strides = array<i32>} : memref<128x256xf32, #tpu.memory_space<vmem>>, vector<1x16xf32>,
      %parallel_loop3A_425 = vector.shape_cast %parallel_loop3A_424 : vector<1x16xf32> to vector<16xf32>
      %parallel_loop3A_426 = vector.shape_cast %parallel_loop3A_421 : vector<16xf32> to vector<1x16xf32>
      tpu.vector_store %arg6[%parallel_loop3A_422, %parallel_loop3A_423], %parallel_loop3A_426 {add = true, strides = array<i32>} : memref<128x256xf32, #tpu.memory_space<vmem>>, vector<1x16xf32>,
      %parallel_loop3A_427 = arith.index_cast %parallel_loop3A_336 : i32 to index
      %parallel_loop3A_428 = arith.constant 160 : index
      %parallel_loop3A_429 = tpu.vector_load %arg5[%parallel_loop3A_427, %parallel_loop3A_428] {strides = array<i32>} : memref<128x256xf32, #tpu.memory_space<vmem>>, vector<1x16xf32>,
      %parallel_loop3A_430 = vector.shape_cast %parallel_loop3A_429 : vector<1x16xf32> to vector<16xf32>
      %parallel_loop3A_431 = arith.index_cast %parallel_loop3A_336 : i32 to index
      %parallel_loop3A_432 = arith.constant 160 : index
      %parallel_loop3A_433 = tpu.vector_load %arg6[%parallel_loop3A_431, %parallel_loop3A_432] {strides = array<i32>} : memref<128x256xf32, #tpu.memory_space<vmem>>, vector<1x16xf32>,
      %parallel_loop3A_434 = vector.shape_cast %parallel_loop3A_433 : vector<1x16xf32> to vector<16xf32>
      %parallel_loop3A_435 = vector.shape_cast %parallel_loop3A_430 : vector<16xf32> to vector<1x16xf32>
      tpu.vector_store %arg6[%parallel_loop3A_431, %parallel_loop3A_432], %parallel_loop3A_435 {add = true, strides = array<i32>} : memref<128x256xf32, #tpu.memory_space<vmem>>, vector<1x16xf32>,
      %parallel_loop3A_436 = arith.index_cast %parallel_loop3A_336 : i32 to index
      %parallel_loop3A_437 = arith.constant 176 : index
      %parallel_loop3A_438 = tpu.vector_load %arg5[%parallel_loop3A_436, %parallel_loop3A_437] {strides = array<i32>} : memref<128x256xf32, #tpu.memory_space<vmem>>, vector<1x16xf32>,
      %parallel_loop3A_439 = vector.shape_cast %parallel_loop3A_438 : vector<1x16xf32> to vector<16xf32>
      %parallel_loop3A_440 = arith.index_cast %parallel_loop3A_336 : i32 to index
      %parallel_loop3A_441 = arith.constant 176 : index
      %parallel_loop3A_442 = tpu.vector_load %arg6[%parallel_loop3A_440, %parallel_loop3A_441] {strides = array<i32>} : memref<128x256xf32, #tpu.memory_space<vmem>>, vector<1x16xf32>,
      %parallel_loop3A_443 = vector.shape_cast %parallel_loop3A_442 : vector<1x16xf32> to vector<16xf32>
      %parallel_loop3A_444 = vector.shape_cast %parallel_loop3A_439 : vector<16xf32> to vector<1x16xf32>
      tpu.vector_store %arg6[%parallel_loop3A_440, %parallel_loop3A_441], %parallel_loop3A_444 {add = true, strides = array<i32>} : memref<128x256xf32, #tpu.memory_space<vmem>>, vector<1x16xf32>,
      %parallel_loop3A_445 = arith.index_cast %parallel_loop3A_336 : i32 to index
      %parallel_loop3A_446 = arith.constant 192 : index
      %parallel_loop3A_447 = tpu.vector_load %arg5[%parallel_loop3A_445, %parallel_loop3A_446] {strides = array<i32>} : memref<128x256xf32, #tpu.memory_space<vmem>>, vector<1x16xf32>,
      %parallel_loop3A_448 = vector.shape_cast %parallel_loop3A_447 : vector<1x16xf32> to vector<16xf32>
      %parallel_loop3A_449 = arith.index_cast %parallel_loop3A_336 : i32 to index
      %parallel_loop3A_450 = arith.constant 192 : index
      %parallel_loop3A_451 = tpu.vector_load %arg6[%parallel_loop3A_449, %parallel_loop3A_450] {strides = array<i32>} : memref<128x256xf32, #tpu.memory_space<vmem>>, vector<1x16xf32>,
      %parallel_loop3A_452 = vector.shape_cast %parallel_loop3A_451 : vector<1x16xf32> to vector<16xf32>
      %parallel_loop3A_453 = vector.shape_cast %parallel_loop3A_448 : vector<16xf32> to vector<1x16xf32>
      tpu.vector_store %arg6[%parallel_loop3A_449, %parallel_loop3A_450], %parallel_loop3A_453 {add = true, strides = array<i32>} : memref<128x256xf32, #tpu.memory_space<vmem>>, vector<1x16xf32>,
      %parallel_loop3A_454 = arith.index_cast %parallel_loop3A_336 : i32 to index
      %parallel_loop3A_455 = arith.constant 208 : index
      %parallel_loop3A_456 = tpu.vector_load %arg5[%parallel_loop3A_454, %parallel_loop3A_455] {strides = array<i32>} : memref<128x256xf32, #tpu.memory_space<vmem>>, vector<1x16xf32>,
      %parallel_loop3A_457 = vector.shape_cast %parallel_loop3A_456 : vector<1x16xf32> to vector<16xf32>
      %parallel_loop3A_458 = arith.index_cast %parallel_loop3A_336 : i32 to index
      %parallel_loop3A_459 = arith.constant 208 : index
      %parallel_loop3A_460 = tpu.vector_load %arg6[%parallel_loop3A_458, %parallel_loop3A_459] {strides = array<i32>} : memref<128x256xf32, #tpu.memory_space<vmem>>, vector<1x16xf32>,
      %parallel_loop3A_461 = vector.shape_cast %parallel_loop3A_460 : vector<1x16xf32> to vector<16xf32>
      %parallel_loop3A_462 = vector.shape_cast %parallel_loop3A_457 : vector<16xf32> to vector<1x16xf32>
      tpu.vector_store %arg6[%parallel_loop3A_458, %parallel_loop3A_459], %parallel_loop3A_462 {add = true, strides = array<i32>} : memref<128x256xf32, #tpu.memory_space<vmem>>, vector<1x16xf32>,
      %parallel_loop3A_463 = arith.index_cast %parallel_loop3A_336 : i32 to index
      %parallel_loop3A_464 = arith.constant 224 : index
      %parallel_loop3A_465 = tpu.vector_load %arg5[%parallel_loop3A_463, %parallel_loop3A_464] {strides = array<i32>} : memref<128x256xf32, #tpu.memory_space<vmem>>, vector<1x16xf32>,
      %parallel_loop3A_466 = vector.shape_cast %parallel_loop3A_465 : vector<1x16xf32> to vector<16xf32>
      %parallel_loop3A_467 = arith.index_cast %parallel_loop3A_336 : i32 to index
      %parallel_loop3A_468 = arith.constant 224 : index
      %parallel_loop3A_469 = tpu.vector_load %arg6[%parallel_loop3A_467, %parallel_loop3A_468] {strides = array<i32>} : memref<128x256xf32, #tpu.memory_space<vmem>>, vector<1x16xf32>,
      %parallel_loop3A_470 = vector.shape_cast %parallel_loop3A_469 : vector<1x16xf32> to vector<16xf32>
      %parallel_loop3A_471 = vector.shape_cast %parallel_loop3A_466 : vector<16xf32> to vector<1x16xf32>
      tpu.vector_store %arg6[%parallel_loop3A_467, %parallel_loop3A_468], %parallel_loop3A_471 {add = true, strides = array<i32>} : memref<128x256xf32, #tpu.memory_space<vmem>>, vector<1x16xf32>,
      %parallel_loop3A_472 = arith.index_cast %parallel_loop3A_336 : i32 to index
      %parallel_loop3A_473 = arith.constant 240 : index
      %parallel_loop3A_474 = tpu.vector_load %arg5[%parallel_loop3A_472, %parallel_loop3A_473] {strides = array<i32>} : memref<128x256xf32, #tpu.memory_space<vmem>>, vector<1x16xf32>,
      %parallel_loop3A_475 = vector.shape_cast %parallel_loop3A_474 : vector<1x16xf32> to vector<16xf32>
      %parallel_loop3A_476 = arith.index_cast %parallel_loop3A_336 : i32 to index
      %parallel_loop3A_477 = arith.constant 240 : index
      %parallel_loop3A_478 = tpu.vector_load %arg6[%parallel_loop3A_476, %parallel_loop3A_477] {strides = array<i32>} : memref<128x256xf32, #tpu.memory_space<vmem>>, vector<1x16xf32>,
      %parallel_loop3A_479 = vector.shape_cast %parallel_loop3A_478 : vector<1x16xf32> to vector<16xf32>
      %parallel_loop3A_480 = vector.shape_cast %parallel_loop3A_475 : vector<16xf32> to vector<1x16xf32>
      tpu.vector_store %arg6[%parallel_loop3A_476, %parallel_loop3A_477], %parallel_loop3A_480 {add = true, strides = array<i32>} : memref<128x256xf32, #tpu.memory_space<vmem>>, vector<1x16xf32>,
    } {sc.loop_unroll_factor = 2 : i64, sc.parallel_access}
    %add3A_288 = arith.constant 128 : i32
    %add3A_289 = arith.addi %mul3A_2, %add3A_288 : i32
    %dma_start3A_290 = arith.constant 2 : i32
    %dma_start3A_291 = arith.constant 0 : i32
    %dma_start3A_292 = tpu.memref_slice %arg4[%dma_start3A_290, %add3A_289, %dma_start3A_291] : memref<4x8192x256xf32, #tpu.memory_space<hbm>> -> memref<1x128x256xf32, #tpu.memory_space<hbm>>
    %dma_start3A_293 = tpu.memref_squeeze %dma_start3A_292 : memref<1x128x256xf32, #tpu.memory_space<hbm>> -> memref<128x256xf32, #tpu.memory_space<hbm>>
    %dma_start3A_294 = arith.constant 0 : i32
    %dma_start3A_295 = tpu.memref_slice %arg4[%dma_start3A_290, %add3A_289, %dma_start3A_294] : memref<4x8192x256xf32, #tpu.memory_space<hbm>> -> memref<1x128x256xf32, #tpu.memory_space<hbm>>
    %dma_start3A_296 = tpu.memref_squeeze %dma_start3A_295 : memref<1x128x256xf32, #tpu.memory_space<hbm>> -> memref<128x256xf32, #tpu.memory_space<hbm>>
    tpu.enqueue_dma source(%arg6 : memref<128x256xf32, #tpu.memory_space<vmem>>) target(%dma_start3A_296 : memref<128x256xf32, #tpu.memory_space<hbm>>) target_semaphore(%arg11 : memref<!tpu.dma_semaphore, #tpu.memory_space<semaphore_mem>>)
    %add3A_297 = arith.constant 128 : i32
    %add3A_298 = arith.addi %mul3A_2, %add3A_297 : i32
    %dma_wait3A_299 = arith.constant 3 : i32
    %dma_wait3A_300 = arith.constant 0 : i32
    %dma_wait3A_301 = tpu.memref_slice %arg2[%dma_wait3A_299, %add3A_298, %dma_wait3A_300] : memref<4x8192x256xf32, #tpu.memory_space<hbm>> -> memref<1x128x256xf32, #tpu.memory_space<hbm>>
    %dma_wait3A_302 = tpu.memref_squeeze %dma_wait3A_301 : memref<1x128x256xf32, #tpu.memory_space<hbm>> -> memref<128x256xf32, #tpu.memory_space<hbm>>
    %dma_wait3A_303 = arith.constant 0 : i32
    %dma_wait3A_304 = tpu.memref_slice %arg2[%dma_wait3A_299, %add3A_298, %dma_wait3A_303] : memref<4x8192x256xf32, #tpu.memory_space<hbm>> -> memref<1x128x256xf32, #tpu.memory_space<hbm>>
    %dma_wait3A_305 = tpu.memref_squeeze %dma_wait3A_304 : memref<1x128x256xf32, #tpu.memory_space<hbm>> -> memref<128x256xf32, #tpu.memory_space<hbm>>
    tpu.wait_dma2 semaphore(%arg10 : memref<!tpu.dma_semaphore, #tpu.memory_space<semaphore_mem>>) src(%dma_wait3A_305 : memref<128x256xf32, #tpu.memory_space<hbm>>) dst(%arg7 : memref<128x256xf32, #tpu.memory_space<vmem>>)
    %parallel_loop3A_306 = arith.constant 0 : i32
    %parallel_loop3A_307 = arith.constant 128 : i32
    %parallel_loop3A_308 = arith.constant 1 : i32
    scf.for %parallel_loop3A_336 = %parallel_loop3A_306 to %parallel_loop3A_307 step %parallel_loop3A_308  : i32 {
      %parallel_loop3A_337 = arith.index_cast %parallel_loop3A_336 : i32 to index
      %parallel_loop3A_338 = arith.constant 0 : index
      %parallel_loop3A_339 = tpu.vector_load %arg5[%parallel_loop3A_337, %parallel_loop3A_338] {strides = array<i32>} : memref<128x256xf32, #tpu.memory_space<vmem>>, vector<1x16xf32>,
      %parallel_loop3A_340 = vector.shape_cast %parallel_loop3A_339 : vector<1x16xf32> to vector<16xf32>
      %parallel_loop3A_341 = arith.index_cast %parallel_loop3A_336 : i32 to index
      %parallel_loop3A_342 = arith.constant 0 : index
      %parallel_loop3A_343 = tpu.vector_load %arg7[%parallel_loop3A_341, %parallel_loop3A_342] {strides = array<i32>} : memref<128x256xf32, #tpu.memory_space<vmem>>, vector<1x16xf32>,
      %parallel_loop3A_344 = vector.shape_cast %parallel_loop3A_343 : vector<1x16xf32> to vector<16xf32>
      %parallel_loop3A_345 = vector.shape_cast %parallel_loop3A_340 : vector<16xf32> to vector<1x16xf32>
      tpu.vector_store %arg7[%parallel_loop3A_341, %parallel_loop3A_342], %parallel_loop3A_345 {add = true, strides = array<i32>} : memref<128x256xf32, #tpu.memory_space<vmem>>, vector<1x16xf32>,
      %parallel_loop3A_346 = arith.index_cast %parallel_loop3A_336 : i32 to index
      %parallel_loop3A_347 = arith.constant 16 : index
      %parallel_loop3A_348 = tpu.vector_load %arg5[%parallel_loop3A_346, %parallel_loop3A_347] {strides = array<i32>} : memref<128x256xf32, #tpu.memory_space<vmem>>, vector<1x16xf32>,
      %parallel_loop3A_349 = vector.shape_cast %parallel_loop3A_348 : vector<1x16xf32> to vector<16xf32>
      %parallel_loop3A_350 = arith.index_cast %parallel_loop3A_336 : i32 to index
      %parallel_loop3A_351 = arith.constant 16 : index
      %parallel_loop3A_352 = tpu.vector_load %arg7[%parallel_loop3A_350, %parallel_loop3A_351] {strides = array<i32>} : memref<128x256xf32, #tpu.memory_space<vmem>>, vector<1x16xf32>,
      %parallel_loop3A_353 = vector.shape_cast %parallel_loop3A_352 : vector<1x16xf32> to vector<16xf32>
      %parallel_loop3A_354 = vector.shape_cast %parallel_loop3A_349 : vector<16xf32> to vector<1x16xf32>
      tpu.vector_store %arg7[%parallel_loop3A_350, %parallel_loop3A_351], %parallel_loop3A_354 {add = true, strides = array<i32>} : memref<128x256xf32, #tpu.memory_space<vmem>>, vector<1x16xf32>,
      %parallel_loop3A_355 = arith.index_cast %parallel_loop3A_336 : i32 to index
      %parallel_loop3A_356 = arith.constant 32 : index
      %parallel_loop3A_357 = tpu.vector_load %arg5[%parallel_loop3A_355, %parallel_loop3A_356] {strides = array<i32>} : memref<128x256xf32, #tpu.memory_space<vmem>>, vector<1x16xf32>,
      %parallel_loop3A_358 = vector.shape_cast %parallel_loop3A_357 : vector<1x16xf32> to vector<16xf32>
      %parallel_loop3A_359 = arith.index_cast %parallel_loop3A_336 : i32 to index
      %parallel_loop3A_360 = arith.constant 32 : index
      %parallel_loop3A_361 = tpu.vector_load %arg7[%parallel_loop3A_359, %parallel_loop3A_360] {strides = array<i32>} : memref<128x256xf32, #tpu.memory_space<vmem>>, vector<1x16xf32>,
      %parallel_loop3A_362 = vector.shape_cast %parallel_loop3A_361 : vector<1x16xf32> to vector<16xf32>
      %parallel_loop3A_363 = vector.shape_cast %parallel_loop3A_358 : vector<16xf32> to vector<1x16xf32>
      tpu.vector_store %arg7[%parallel_loop3A_359, %parallel_loop3A_360], %parallel_loop3A_363 {add = true, strides = array<i32>} : memref<128x256xf32, #tpu.memory_space<vmem>>, vector<1x16xf32>,
      %parallel_loop3A_364 = arith.index_cast %parallel_loop3A_336 : i32 to index
      %parallel_loop3A_365 = arith.constant 48 : index
      %parallel_loop3A_366 = tpu.vector_load %arg5[%parallel_loop3A_364, %parallel_loop3A_365] {strides = array<i32>} : memref<128x256xf32, #tpu.memory_space<vmem>>, vector<1x16xf32>,
      %parallel_loop3A_367 = vector.shape_cast %parallel_loop3A_366 : vector<1x16xf32> to vector<16xf32>
      %parallel_loop3A_368 = arith.index_cast %parallel_loop3A_336 : i32 to index
      %parallel_loop3A_369 = arith.constant 48 : index
      %parallel_loop3A_370 = tpu.vector_load %arg7[%parallel_loop3A_368, %parallel_loop3A_369] {strides = array<i32>} : memref<128x256xf32, #tpu.memory_space<vmem>>, vector<1x16xf32>,
      %parallel_loop3A_371 = vector.shape_cast %parallel_loop3A_370 : vector<1x16xf32> to vector<16xf32>
      %parallel_loop3A_372 = vector.shape_cast %parallel_loop3A_367 : vector<16xf32> to vector<1x16xf32>
      tpu.vector_store %arg7[%parallel_loop3A_368, %parallel_loop3A_369], %parallel_loop3A_372 {add = true, strides = array<i32>} : memref<128x256xf32, #tpu.memory_space<vmem>>, vector<1x16xf32>,
      %parallel_loop3A_373 = arith.index_cast %parallel_loop3A_336 : i32 to index
      %parallel_loop3A_374 = arith.constant 64 : index
      %parallel_loop3A_375 = tpu.vector_load %arg5[%parallel_loop3A_373, %parallel_loop3A_374] {strides = array<i32>} : memref<128x256xf32, #tpu.memory_space<vmem>>, vector<1x16xf32>,
      %parallel_loop3A_376 = vector.shape_cast %parallel_loop3A_375 : vector<1x16xf32> to vector<16xf32>
      %parallel_loop3A_377 = arith.index_cast %parallel_loop3A_336 : i32 to index
      %parallel_loop3A_378 = arith.constant 64 : index
      %parallel_loop3A_379 = tpu.vector_load %arg7[%parallel_loop3A_377, %parallel_loop3A_378] {strides = array<i32>} : memref<128x256xf32, #tpu.memory_space<vmem>>, vector<1x16xf32>,
      %parallel_loop3A_380 = vector.shape_cast %parallel_loop3A_379 : vector<1x16xf32> to vector<16xf32>
      %parallel_loop3A_381 = vector.shape_cast %parallel_loop3A_376 : vector<16xf32> to vector<1x16xf32>
      tpu.vector_store %arg7[%parallel_loop3A_377, %parallel_loop3A_378], %parallel_loop3A_381 {add = true, strides = array<i32>} : memref<128x256xf32, #tpu.memory_space<vmem>>, vector<1x16xf32>,
      %parallel_loop3A_382 = arith.index_cast %parallel_loop3A_336 : i32 to index
      %parallel_loop3A_383 = arith.constant 80 : index
      %parallel_loop3A_384 = tpu.vector_load %arg5[%parallel_loop3A_382, %parallel_loop3A_383] {strides = array<i32>} : memref<128x256xf32, #tpu.memory_space<vmem>>, vector<1x16xf32>,
      %parallel_loop3A_385 = vector.shape_cast %parallel_loop3A_384 : vector<1x16xf32> to vector<16xf32>
      %parallel_loop3A_386 = arith.index_cast %parallel_loop3A_336 : i32 to index
      %parallel_loop3A_387 = arith.constant 80 : index
      %parallel_loop3A_388 = tpu.vector_load %arg7[%parallel_loop3A_386, %parallel_loop3A_387] {strides = array<i32>} : memref<128x256xf32, #tpu.memory_space<vmem>>, vector<1x16xf32>,
      %parallel_loop3A_389 = vector.shape_cast %parallel_loop3A_388 : vector<1x16xf32> to vector<16xf32>
      %parallel_loop3A_390 = vector.shape_cast %parallel_loop3A_385 : vector<16xf32> to vector<1x16xf32>
      tpu.vector_store %arg7[%parallel_loop3A_386, %parallel_loop3A_387], %parallel_loop3A_390 {add = true, strides = array<i32>} : memref<128x256xf32, #tpu.memory_space<vmem>>, vector<1x16xf32>,
      %parallel_loop3A_391 = arith.index_cast %parallel_loop3A_336 : i32 to index
      %parallel_loop3A_392 = arith.constant 96 : index
      %parallel_loop3A_393 = tpu.vector_load %arg5[%parallel_loop3A_391, %parallel_loop3A_392] {strides = array<i32>} : memref<128x256xf32, #tpu.memory_space<vmem>>, vector<1x16xf32>,
      %parallel_loop3A_394 = vector.shape_cast %parallel_loop3A_393 : vector<1x16xf32> to vector<16xf32>
      %parallel_loop3A_395 = arith.index_cast %parallel_loop3A_336 : i32 to index
      %parallel_loop3A_396 = arith.constant 96 : index
      %parallel_loop3A_397 = tpu.vector_load %arg7[%parallel_loop3A_395, %parallel_loop3A_396] {strides = array<i32>} : memref<128x256xf32, #tpu.memory_space<vmem>>, vector<1x16xf32>,
      %parallel_loop3A_398 = vector.shape_cast %parallel_loop3A_397 : vector<1x16xf32> to vector<16xf32>
      %parallel_loop3A_399 = vector.shape_cast %parallel_loop3A_394 : vector<16xf32> to vector<1x16xf32>
      tpu.vector_store %arg7[%parallel_loop3A_395, %parallel_loop3A_396], %parallel_loop3A_399 {add = true, strides = array<i32>} : memref<128x256xf32, #tpu.memory_space<vmem>>, vector<1x16xf32>,
      %parallel_loop3A_400 = arith.index_cast %parallel_loop3A_336 : i32 to index
      %parallel_loop3A_401 = arith.constant 112 : index
      %parallel_loop3A_402 = tpu.vector_load %arg5[%parallel_loop3A_400, %parallel_loop3A_401] {strides = array<i32>} : memref<128x256xf32, #tpu.memory_space<vmem>>, vector<1x16xf32>,
      %parallel_loop3A_403 = vector.shape_cast %parallel_loop3A_402 : vector<1x16xf32> to vector<16xf32>
      %parallel_loop3A_404 = arith.index_cast %parallel_loop3A_336 : i32 to index
      %parallel_loop3A_405 = arith.constant 112 : index
      %parallel_loop3A_406 = tpu.vector_load %arg7[%parallel_loop3A_404, %parallel_loop3A_405] {strides = array<i32>} : memref<128x256xf32, #tpu.memory_space<vmem>>, vector<1x16xf32>,
      %parallel_loop3A_407 = vector.shape_cast %parallel_loop3A_406 : vector<1x16xf32> to vector<16xf32>
      %parallel_loop3A_408 = vector.shape_cast %parallel_loop3A_403 : vector<16xf32> to vector<1x16xf32>
      tpu.vector_store %arg7[%parallel_loop3A_404, %parallel_loop3A_405], %parallel_loop3A_408 {add = true, strides = array<i32>} : memref<128x256xf32, #tpu.memory_space<vmem>>, vector<1x16xf32>,
      %parallel_loop3A_409 = arith.index_cast %parallel_loop3A_336 : i32 to index
      %parallel_loop3A_410 = arith.constant 128 : index
      %parallel_loop3A_411 = tpu.vector_load %arg5[%parallel_loop3A_409, %parallel_loop3A_410] {strides = array<i32>} : memref<128x256xf32, #tpu.memory_space<vmem>>, vector<1x16xf32>,
      %parallel_loop3A_412 = vector.shape_cast %parallel_loop3A_411 : vector<1x16xf32> to vector<16xf32>
      %parallel_loop3A_413 = arith.index_cast %parallel_loop3A_336 : i32 to index
      %parallel_loop3A_414 = arith.constant 128 : index
      %parallel_loop3A_415 = tpu.vector_load %arg7[%parallel_loop3A_413, %parallel_loop3A_414] {strides = array<i32>} : memref<128x256xf32, #tpu.memory_space<vmem>>, vector<1x16xf32>,
      %parallel_loop3A_416 = vector.shape_cast %parallel_loop3A_415 : vector<1x16xf32> to vector<16xf32>
      %parallel_loop3A_417 = vector.shape_cast %parallel_loop3A_412 : vector<16xf32> to vector<1x16xf32>
      tpu.vector_store %arg7[%parallel_loop3A_413, %parallel_loop3A_414], %parallel_loop3A_417 {add = true, strides = array<i32>} : memref<128x256xf32, #tpu.memory_space<vmem>>, vector<1x16xf32>,
      %parallel_loop3A_418 = arith.index_cast %parallel_loop3A_336 : i32 to index
      %parallel_loop3A_419 = arith.constant 144 : index
      %parallel_loop3A_420 = tpu.vector_load %arg5[%parallel_loop3A_418, %parallel_loop3A_419] {strides = array<i32>} : memref<128x256xf32, #tpu.memory_space<vmem>>, vector<1x16xf32>,
      %parallel_loop3A_421 = vector.shape_cast %parallel_loop3A_420 : vector<1x16xf32> to vector<16xf32>
      %parallel_loop3A_422 = arith.index_cast %parallel_loop3A_336 : i32 to index
      %parallel_loop3A_423 = arith.constant 144 : index
      %parallel_loop3A_424 = tpu.vector_load %arg7[%parallel_loop3A_422, %parallel_loop3A_423] {strides = array<i32>} : memref<128x256xf32, #tpu.memory_space<vmem>>, vector<1x16xf32>,
      %parallel_loop3A_425 = vector.shape_cast %parallel_loop3A_424 : vector<1x16xf32> to vector<16xf32>
      %parallel_loop3A_426 = vector.shape_cast %parallel_loop3A_421 : vector<16xf32> to vector<1x16xf32>
      tpu.vector_store %arg7[%parallel_loop3A_422, %parallel_loop3A_423], %parallel_loop3A_426 {add = true, strides = array<i32>} : memref<128x256xf32, #tpu.memory_space<vmem>>, vector<1x16xf32>,
      %parallel_loop3A_427 = arith.index_cast %parallel_loop3A_336 : i32 to index
      %parallel_loop3A_428 = arith.constant 160 : index
      %parallel_loop3A_429 = tpu.vector_load %arg5[%parallel_loop3A_427, %parallel_loop3A_428] {strides = array<i32>} : memref<128x256xf32, #tpu.memory_space<vmem>>, vector<1x16xf32>,
      %parallel_loop3A_430 = vector.shape_cast %parallel_loop3A_429 : vector<1x16xf32> to vector<16xf32>
      %parallel_loop3A_431 = arith.index_cast %parallel_loop3A_336 : i32 to index
      %parallel_loop3A_432 = arith.constant 160 : index
      %parallel_loop3A_433 = tpu.vector_load %arg7[%parallel_loop3A_431, %parallel_loop3A_432] {strides = array<i32>} : memref<128x256xf32, #tpu.memory_space<vmem>>, vector<1x16xf32>,
      %parallel_loop3A_434 = vector.shape_cast %parallel_loop3A_433 : vector<1x16xf32> to vector<16xf32>
      %parallel_loop3A_435 = vector.shape_cast %parallel_loop3A_430 : vector<16xf32> to vector<1x16xf32>
      tpu.vector_store %arg7[%parallel_loop3A_431, %parallel_loop3A_432], %parallel_loop3A_435 {add = true, strides = array<i32>} : memref<128x256xf32, #tpu.memory_space<vmem>>, vector<1x16xf32>,
      %parallel_loop3A_436 = arith.index_cast %parallel_loop3A_336 : i32 to index
      %parallel_loop3A_437 = arith.constant 176 : index
      %parallel_loop3A_438 = tpu.vector_load %arg5[%parallel_loop3A_436, %parallel_loop3A_437] {strides = array<i32>} : memref<128x256xf32, #tpu.memory_space<vmem>>, vector<1x16xf32>,
      %parallel_loop3A_439 = vector.shape_cast %parallel_loop3A_438 : vector<1x16xf32> to vector<16xf32>
      %parallel_loop3A_440 = arith.index_cast %parallel_loop3A_336 : i32 to index
      %parallel_loop3A_441 = arith.constant 176 : index
      %parallel_loop3A_442 = tpu.vector_load %arg7[%parallel_loop3A_440, %parallel_loop3A_441] {strides = array<i32>} : memref<128x256xf32, #tpu.memory_space<vmem>>, vector<1x16xf32>,
      %parallel_loop3A_443 = vector.shape_cast %parallel_loop3A_442 : vector<1x16xf32> to vector<16xf32>
      %parallel_loop3A_444 = vector.shape_cast %parallel_loop3A_439 : vector<16xf32> to vector<1x16xf32>
      tpu.vector_store %arg7[%parallel_loop3A_440, %parallel_loop3A_441], %parallel_loop3A_444 {add = true, strides = array<i32>} : memref<128x256xf32, #tpu.memory_space<vmem>>, vector<1x16xf32>,
      %parallel_loop3A_445 = arith.index_cast %parallel_loop3A_336 : i32 to index
      %parallel_loop3A_446 = arith.constant 192 : index
      %parallel_loop3A_447 = tpu.vector_load %arg5[%parallel_loop3A_445, %parallel_loop3A_446] {strides = array<i32>} : memref<128x256xf32, #tpu.memory_space<vmem>>, vector<1x16xf32>,
      %parallel_loop3A_448 = vector.shape_cast %parallel_loop3A_447 : vector<1x16xf32> to vector<16xf32>
      %parallel_loop3A_449 = arith.index_cast %parallel_loop3A_336 : i32 to index
      %parallel_loop3A_450 = arith.constant 192 : index
      %parallel_loop3A_451 = tpu.vector_load %arg7[%parallel_loop3A_449, %parallel_loop3A_450] {strides = array<i32>} : memref<128x256xf32, #tpu.memory_space<vmem>>, vector<1x16xf32>,
      %parallel_loop3A_452 = vector.shape_cast %parallel_loop3A_451 : vector<1x16xf32> to vector<16xf32>
      %parallel_loop3A_453 = vector.shape_cast %parallel_loop3A_448 : vector<16xf32> to vector<1x16xf32>
      tpu.vector_store %arg7[%parallel_loop3A_449, %parallel_loop3A_450], %parallel_loop3A_453 {add = true, strides = array<i32>} : memref<128x256xf32, #tpu.memory_space<vmem>>, vector<1x16xf32>,
      %parallel_loop3A_454 = arith.index_cast %parallel_loop3A_336 : i32 to index
      %parallel_loop3A_455 = arith.constant 208 : index
      %parallel_loop3A_456 = tpu.vector_load %arg5[%parallel_loop3A_454, %parallel_loop3A_455] {strides = array<i32>} : memref<128x256xf32, #tpu.memory_space<vmem>>, vector<1x16xf32>,
      %parallel_loop3A_457 = vector.shape_cast %parallel_loop3A_456 : vector<1x16xf32> to vector<16xf32>
      %parallel_loop3A_458 = arith.index_cast %parallel_loop3A_336 : i32 to index
      %parallel_loop3A_459 = arith.constant 208 : index
      %parallel_loop3A_460 = tpu.vector_load %arg7[%parallel_loop3A_458, %parallel_loop3A_459] {strides = array<i32>} : memref<128x256xf32, #tpu.memory_space<vmem>>, vector<1x16xf32>,
      %parallel_loop3A_461 = vector.shape_cast %parallel_loop3A_460 : vector<1x16xf32> to vector<16xf32>
      %parallel_loop3A_462 = vector.shape_cast %parallel_loop3A_457 : vector<16xf32> to vector<1x16xf32>
      tpu.vector_store %arg7[%parallel_loop3A_458, %parallel_loop3A_459], %parallel_loop3A_462 {add = true, strides = array<i32>} : memref<128x256xf32, #tpu.memory_space<vmem>>, vector<1x16xf32>,
      %parallel_loop3A_463 = arith.index_cast %parallel_loop3A_336 : i32 to index
      %parallel_loop3A_464 = arith.constant 224 : index
      %parallel_loop3A_465 = tpu.vector_load %arg5[%parallel_loop3A_463, %parallel_loop3A_464] {strides = array<i32>} : memref<128x256xf32, #tpu.memory_space<vmem>>, vector<1x16xf32>,
      %parallel_loop3A_466 = vector.shape_cast %parallel_loop3A_465 : vector<1x16xf32> to vector<16xf32>
      %parallel_loop3A_467 = arith.index_cast %parallel_loop3A_336 : i32 to index
      %parallel_loop3A_468 = arith.constant 224 : index
      %parallel_loop3A_469 = tpu.vector_load %arg7[%parallel_loop3A_467, %parallel_loop3A_468] {strides = array<i32>} : memref<128x256xf32, #tpu.memory_space<vmem>>, vector<1x16xf32>,
      %parallel_loop3A_470 = vector.shape_cast %parallel_loop3A_469 : vector<1x16xf32> to vector<16xf32>
      %parallel_loop3A_471 = vector.shape_cast %parallel_loop3A_466 : vector<16xf32> to vector<1x16xf32>
      tpu.vector_store %arg7[%parallel_loop3A_467, %parallel_loop3A_468], %parallel_loop3A_471 {add = true, strides = array<i32>} : memref<128x256xf32, #tpu.memory_space<vmem>>, vector<1x16xf32>,
      %parallel_loop3A_472 = arith.index_cast %parallel_loop3A_336 : i32 to index
      %parallel_loop3A_473 = arith.constant 240 : index
      %parallel_loop3A_474 = tpu.vector_load %arg5[%parallel_loop3A_472, %parallel_loop3A_473] {strides = array<i32>} : memref<128x256xf32, #tpu.memory_space<vmem>>, vector<1x16xf32>,
      %parallel_loop3A_475 = vector.shape_cast %parallel_loop3A_474 : vector<1x16xf32> to vector<16xf32>
      %parallel_loop3A_476 = arith.index_cast %parallel_loop3A_336 : i32 to index
      %parallel_loop3A_477 = arith.constant 240 : index
      %parallel_loop3A_478 = tpu.vector_load %arg7[%parallel_loop3A_476, %parallel_loop3A_477] {strides = array<i32>} : memref<128x256xf32, #tpu.memory_space<vmem>>, vector<1x16xf32>,
      %parallel_loop3A_479 = vector.shape_cast %parallel_loop3A_478 : vector<1x16xf32> to vector<16xf32>
      %parallel_loop3A_480 = vector.shape_cast %parallel_loop3A_475 : vector<16xf32> to vector<1x16xf32>
      tpu.vector_store %arg7[%parallel_loop3A_476, %parallel_loop3A_477], %parallel_loop3A_480 {add = true, strides = array<i32>} : memref<128x256xf32, #tpu.memory_space<vmem>>, vector<1x16xf32>,
    } {sc.loop_unroll_factor = 2 : i64, sc.parallel_access}
    %add3A_309 = arith.constant 128 : i32
    %add3A_310 = arith.addi %mul3A_2, %add3A_309 : i32
    %dma_start3A_311 = arith.constant 3 : i32
    %dma_start3A_312 = arith.constant 0 : i32
    %dma_start3A_313 = tpu.memref_slice %arg4[%dma_start3A_311, %add3A_310, %dma_start3A_312] : memref<4x8192x256xf32, #tpu.memory_space<hbm>> -> memref<1x128x256xf32, #tpu.memory_space<hbm>>
    %dma_start3A_314 = tpu.memref_squeeze %dma_start3A_313 : memref<1x128x256xf32, #tpu.memory_space<hbm>> -> memref<128x256xf32, #tpu.memory_space<hbm>>
    %dma_start3A_315 = arith.constant 0 : i32
    %dma_start3A_316 = tpu.memref_slice %arg4[%dma_start3A_311, %add3A_310, %dma_start3A_315] : memref<4x8192x256xf32, #tpu.memory_space<hbm>> -> memref<1x128x256xf32, #tpu.memory_space<hbm>>
    %dma_start3A_317 = tpu.memref_squeeze %dma_start3A_316 : memref<1x128x256xf32, #tpu.memory_space<hbm>> -> memref<128x256xf32, #tpu.memory_space<hbm>>
    tpu.enqueue_dma source(%arg7 : memref<128x256xf32, #tpu.memory_space<vmem>>) target(%dma_start3A_317 : memref<128x256xf32, #tpu.memory_space<hbm>>) target_semaphore(%arg12 : memref<!tpu.dma_semaphore, #tpu.memory_space<semaphore_mem>>)
    %add3A_318 = arith.constant 128 : i32
    %add3A_319 = arith.addi %mul3A_2, %add3A_318 : i32
    %dma_wait3A_320 = arith.constant 2 : i32
    %dma_wait3A_321 = arith.constant 0 : i32
    %dma_wait3A_322 = tpu.memref_slice %arg4[%dma_wait3A_320, %add3A_319, %dma_wait3A_321] : memref<4x8192x256xf32, #tpu.memory_space<hbm>> -> memref<1x128x256xf32, #tpu.memory_space<hbm>>
    %dma_wait3A_323 = tpu.memref_squeeze %dma_wait3A_322 : memref<1x128x256xf32, #tpu.memory_space<hbm>> -> memref<128x256xf32, #tpu.memory_space<hbm>>
    %dma_wait3A_324 = arith.constant 0 : i32
    %dma_wait3A_325 = tpu.memref_slice %arg4[%dma_wait3A_320, %add3A_319, %dma_wait3A_324] : memref<4x8192x256xf32, #tpu.memory_space<hbm>> -> memref<1x128x256xf32, #tpu.memory_space<hbm>>
    %dma_wait3A_326 = tpu.memref_squeeze %dma_wait3A_325 : memref<1x128x256xf32, #tpu.memory_space<hbm>> -> memref<128x256xf32, #tpu.memory_space<hbm>>
    tpu.wait_dma2 semaphore(%arg11 : memref<!tpu.dma_semaphore, #tpu.memory_space<semaphore_mem>>) src(%arg6 : memref<128x256xf32, #tpu.memory_space<vmem>>) dst(%dma_wait3A_326 : memref<128x256xf32, #tpu.memory_space<hbm>>)
    %add3A_327 = arith.constant 128 : i32
    %add3A_328 = arith.addi %mul3A_2, %add3A_327 : i32
    %dma_wait3A_329 = arith.constant 3 : i32
    %dma_wait3A_330 = arith.constant 0 : i32
    %dma_wait3A_331 = tpu.memref_slice %arg4[%dma_wait3A_329, %add3A_328, %dma_wait3A_330] : memref<4x8192x256xf32, #tpu.memory_space<hbm>> -> memref<1x128x256xf32, #tpu.memory_space<hbm>>
    %dma_wait3A_332 = tpu.memref_squeeze %dma_wait3A_331 : memref<1x128x256xf32, #tpu.memory_space<hbm>> -> memref<128x256xf32, #tpu.memory_space<hbm>>
    %dma_wait3A_333 = arith.constant 0 : i32
    %dma_wait3A_334 = tpu.memref_slice %arg4[%dma_wait3A_329, %add3A_328, %dma_wait3A_333] : memref<4x8192x256xf32, #tpu.memory_space<hbm>> -> memref<1x128x256xf32, #tpu.memory_space<hbm>>
    %dma_wait3A_335 = tpu.memref_squeeze %dma_wait3A_334 : memref<1x128x256xf32, #tpu.memory_space<hbm>> -> memref<128x256xf32, #tpu.memory_space<hbm>>
    tpu.wait_dma2 semaphore(%arg12 : memref<!tpu.dma_semaphore, #tpu.memory_space<semaphore_mem>>) src(%arg7 : memref<128x256xf32, #tpu.memory_space<vmem>>) dst(%dma_wait3A_335 : memref<128x256xf32, #tpu.memory_space<hbm>>)
    return
  }
}

</mosaic_0001>

<sc_bundles>
// kernel: _pos_add.3.cloned.1.call-start
scs
__scs_entry_jumppad:
0x0: {  	(pc) =	sbr.rel $0x88, $3  }
0x1: {  	(tag) =	ssettag $0x0;
	lr =	simm.s32 $0x1  }
0x2: {  	[smem:$0x3F9F] =	sst lr;
	_ =	strace $0xD0000000  }
0x3: {  	_ = 	snop  }
0x4: {  	_ = 	snop  }
0x5: {  	_ = 	snop  }
0x6: {  	_ = 	snop  }
0x7: {  	_ = 	snop  }
__scs_overlays_trampoline_lowered:
0x8: {  	[smem:$0x3FAE] =	sst s0  }
0x9: {  	[smem:$0x3FAF] =	sst s1  }
0xa: {  	[smem:$0x3FB0] =	sst s2  }
0xb: {  	[smem:$0x3FB1] =	sst s3  }
0xc: {  	[smem:$0x3FB2] =	sst s4  }
0xd: {  	[smem:$0x3FB3] =	sst s5  }
0xe: {  	[smem:$0x3FB4] =	sst s6  }
0xf: {  	[smem:$0x3FB5] =	sst s7  }
0x10: {  	[smem:$0x3FB6] =	sst s8  }
0x11: {  	[smem:$0x3FB7] =	sst s9;
	s0 =	simm.s32 @!p0 $0x0  }
0x12: {  	s1 =	sld [smem:$0x3F9D];
	s0 =	simm.s32 @p0 $0x1  }
0x13: {  	[smem:$0x3FB8] =	sst s0;
	s0 =	simm.s32 @!p1 $0x0  }
0x14: {  	s2 =	sld [smem:$0x3F9C];
	s0 =	simm.s32 @p1 $0x1  }
0x15: {  	[smem:$0x3FB9] =	sst s0;
	s0 =	simm.s32 @!p2 $0x0  }
0x16: {  	s3 =	sld [smem:$0x3FDB];
	s0 =	simm.s32 @p2 $0x1  }
0x17: {  	s4 =	simm.s32 $0x1BF5;
	[smem:$0x3FBB] =	sst s0  }
0x18: {  	s0 =	sld [smem:$0x3F9E];
	_ =	swait.ge [sflag:s4], $0x0  }
0x19: {  	s7 =	sld [smem:$0x3F9F]  }
0x1a: {  	s8 =	sadd.s32 $0xFFFFE003, lr  }
0x1b: {  	s9 =	sadd.s32 $0xFFFFFEF7, lr;
	s5 =	simm.s32 $0xFFFFFFFF;
	p2 =	slt.u32 s8, $0xFFFFF086  }
0x1c: {  	p1 =	slt.u32 s9, $0xF7A;
	s5 =	simm.s32 @!p2 $0x0  }
0x1d: {  	s5 =	simm.s32 @p1 $0x1;
	p0 =	seq.s32 s7, s2  }
0x1e: {  	s7 =	smul.u32 @!p0 $0xF7A, s2;
	p2 =	seq.s32 @!p0 s5, $0x0  }
0x1f: {  	s9 =	smul.u32 $0xF7A, s1;
	s8 =	simm.s32 @!p0 $0x1BF5;
	p2 =	por !p2, p0  }
0x20: {  	[sflag:s8] =	ssyncset.s32 @!p0 $0xFFFFF086;
	s6 =	sadd.s32 @!p0 s3, s7;
	s7 =	simm.s32 @!p0 $0x108  }
0x21: {  	s3 =	sadd.s32 s3, s9;
	s6 =	sadd.s32 @!p0 $0x88, s6;
	s7 =	simm.s32 @p2 $0x1082  }
0x22: {  	[simem:s7], [sflag:s8] =	dma.local @!p0 [hbm:s6], $0xF7A  }
0x23: {  	s9 =	sor.u32 $0xD0000000, s2;
	s6 =	simm.s32 $0x108;
	_ =	swait.ge @!p0 [sflag:s8], $0x0  }
0x24: {  	s3 =	sadd.s32 $0x88, s3;
	s6 =	simm.s32 @!p1 $0x1082;
	[sflag:s4] =	ssyncset.s32 $0xFFFFF086  }
0x25: {  	[simem:s6], [sflag:s4] =	dma.local [hbm:s3], $0xF7A  }
0x26: {  	[smem:$0x3F9F] =	sst s1;
	(tag) =	ssettag s2;
	_ =	strace s9  }
0x27: {  	s1 =	sld [smem:$0x3FAF]  }
0x28: {  	s2 =	sld [smem:$0x3FB0]  }
0x29: {  	s4 =	sld [smem:$0x3FB2]  }
0x2a: {  	p0 =	seq.s32 s5, $0x0;
	s5 =	sld [smem:$0x3FB3]  }
0x2b: {  	s6 =	sld [smem:$0x3FB4]  }
0x2c: {  	s7 =	sld [smem:$0x3FB5]  }
0x2d: {  	s3 =	simm.s32 $0x108;
	s8 =	sld [smem:$0x3FB6]  }
0x2e: {  	s3 =	simm.s32 @!p0 $0x1082;
	s9 =	sld [smem:$0x3FB7]  }
0x2f: {  	lr =	sadd.s32 s0, s3;
	s0 =	sld [smem:$0x3FAE]  }
0x30: {  	s3 =	sld [smem:$0x3FB1]  }
0x31: {  	[smem:$0x3FBA] =	sst s10  }
0x32: {  	s10 =	sld [smem:$0x3FB8];
	_ =	sdelay $0x3  }
0x33: {  	p0 =	seq.s32 s10, $0x1;
	s10 =	sld [smem:$0x3FBA];
	_ =	sdelay $0x3  }
0x34: {  	[smem:$0x3FBA] =	sst s10  }
0x35: {  	s10 =	sld [smem:$0x3FB9];
	_ =	sdelay $0x3  }
0x36: {  	p1 =	seq.s32 s10, $0x1;
	s10 =	sld [smem:$0x3FBA];
	_ =	sdelay $0x3  }
0x37: {  	[smem:$0x3FBA] =	sst s10  }
0x38: {  	s10 =	sld [smem:$0x3FBB]  }
0x39: {  	_ = 	snop;
	(pc) =	sbr.ind lr, $3  }
0x3a: {  	_ = 	snop  }
0x3b: {  	_ = 	snop  }
0x3c: {  	p2 =	seq.s32 s10, $0x1;
	s10 =	sld [smem:$0x3FBA]  }
0x3d: {  	_ =	shalt  }
0x3e: {  	_ =	shalt  }
0x3f: {  	_ =	shalt  }
0x40: {  	_ =	shalt  }
0x41: {  	_ =	shalt  }
0x42: {  	_ =	shalt  }
0x43: {  	_ =	shalt  }
0x44: {  	_ =	shalt  }
0x45: {  	_ =	shalt  }
0x46: {  	_ =	shalt  }
0x47: {  	_ =	shalt  }
0x48: {  	_ =	shalt  }
0x49: {  	_ =	shalt  }
0x4a: {  	_ =	shalt  }
0x4b: {  	_ =	shalt  }
0x4c: {  	_ =	shalt  }
0x4d: {  	_ =	shalt  }
0x4e: {  	_ =	shalt  }
0x4f: {  	_ =	shalt  }
0x50: {  	_ =	shalt  }
0x51: {  	_ =	shalt  }
0x52: {  	_ =	shalt  }
0x53: {  	_ =	shalt  }
0x54: {  	_ =	shalt  }
0x55: {  	_ =	shalt  }
0x56: {  	_ =	shalt  }
0x57: {  	_ =	shalt  }
0x58: {  	_ =	shalt  }
0x59: {  	_ =	shalt  }
0x5a: {  	_ =	shalt  }
0x5b: {  	_ =	shalt  }
0x5c: {  	_ =	shalt  }
0x5d: {  	_ =	shalt  }
0x5e: {  	_ =	shalt  }
0x5f: {  	_ =	shalt  }
0x60: {  	_ =	shalt  }
0x61: {  	_ =	shalt  }
0x62: {  	_ =	shalt  }
0x63: {  	_ =	shalt  }
0x64: {  	_ =	shalt  }
0x65: {  	_ =	shalt  }
0x66: {  	_ =	shalt  }
0x67: {  	_ =	shalt  }
0x68: {  	_ =	shalt  }
0x69: {  	_ =	shalt  }
0x6a: {  	_ =	shalt  }
0x6b: {  	_ =	shalt  }
0x6c: {  	_ =	shalt  }
0x6d: {  	_ =	shalt  }
0x6e: {  	_ =	shalt  }
0x6f: {  	_ =	shalt  }
0x70: {  	_ =	shalt  }
0x71: {  	_ =	shalt  }
0x72: {  	_ =	shalt  }
0x73: {  	_ =	shalt  }
0x74: {  	_ =	shalt  }
0x75: {  	_ =	shalt  }
0x76: {  	_ =	shalt  }
0x77: {  	_ =	shalt  }
0x78: {  	_ =	shalt  }
0x79: {  	_ =	shalt  }
0x7a: {  	_ =	shalt  }
0x7b: {  	_ =	shalt  }
0x7c: {  	_ =	shalt  }
0x7d: {  	_ =	shalt  }
0x7e: {  	_ =	shalt  }
0x7f: {  	_ =	shalt  }
0x80: {  	_ =	shalt  }
0x81: {  	_ =	shalt  }
0x82: {  	_ =	shalt  }
0x83: {  	_ =	shalt  }
0x84: {  	_ =	shalt  }
0x85: {  	_ =	shalt  }
0x86: {  	_ =	shalt  }
0x87: {  	_ =	shalt  }
.Lfunc_end0:
.L_simem_size_0:
called_computation_lowered:
.L_overlay_start_0:
0x88: {  	s2 =	sld [smem:$0x3FD9]  }
0x89: {  	s3 =	sld [smem:$0x3FFE];
	_ =	sdelay $0x1  }
0x8a: {  	s1 =	srdreg.scid  }
0x8b: {  	s0 =	sand.u32 $0x1, s1  }
0x8c: {  	s18 =	sshll.u32 s0, $0xA;
	s2 =	sadd.s32 s3, s2  }
0x8d: {  	s2 =	sadd.s32 s2, s18  }
0x8e: {  	[smem:$0x3FC6] =	sst s2  }
0x8f: {  	_ = 	snop  }
0x90: {  	s2 =	sld [smem:$0x3FC9]  }
0x91: {  	s19 =	sld [smem:$0x3FC8]  }
0x92: {  	s4 =	sld [smem:$0x3FD0];
	(tm) =	ssettm $0x1  }
0x93: {  	s5 =	sld [smem:$0x3FFB];
	_ =	sdelay $0x3  }
0x94: {  	_ =	strace s5  }
0x95: {  	s5 =	sld [smem:$0x3FFC];
	_ =	sdelay $0x3  }
0x96: {  	_ =	strace s5  }
0x97: {  	s5 =	sld [smem:$0x3FFD];
	_ =	sdelay $0x3  }
0x98: {  	_ =	strace s5  }
0x99: {  	_ =	strace $0x8FFFFFFF  }
0x9a: {  	s20 =	sld [smem:$0x3FDB];
	_ =	sdelay $0x1  }
0x9b: {  	s6 =	simm.s32 $_scs_section_size  }
0x9c: {  	s7 =	simm.s32 $_size__tile_overlayer_lowered;
	s8 =	simm.s32 $_tile_overlayer_lowered  }
0x9d: {  	s23 =	simm.s32 $0x1BFF;
	s22 =	sshll.u32 s8, $0x1;
	s5 =	sadd.s32 s6, s20  }
0x9e: {  	s9 =	simm.s32 $0x0;
	s21 =	sshll.u32 s7, $0x1;
	s7 =	sadd.s32 s22, s5  }
0x9f: {  	[timem:s9], [sflag:s23] =	dma.local [hbm:s7], s21  }
0xa0: {  	_ =	swait.ge [sflag:s23], s21  }
0xa1: {  	s6 =	ssub.s32 $0x0, s21;
	[sflag:s23] =	ssyncset.done $0x0  }
0xa2: {  	[sflag:s23] =	ssyncadd.s32 s6;
	_ =	sdelay $0x1  }
0xa3: {  	s24 =	simm.s32 $0x1B8B  }
0xa4: {  	_ =	swait.ge [sflag:s24], $0x1  }
0xa5: {  	[sflag:s24] =	ssyncset.done $0x0  }
0xa6: {  	s25 =	simm.s32 $0x1B8E;
	[sflag:s24] =	ssyncadd.s32 $0xFFFFFFFF  }
0xa7: {  	s26 =	simm.s32 $execute0_lowered;
	[smem:$0x3FD2] =	sst s25  }
0xa8: {  	s6 =	sshll.u32 s26, $0x1;
	_ =	strace $0x80000046;
	[dreg:$0x1] =	wrdreg $0xFFFFFFFF  }
0xa9: {  	s28 =	simm.s32 $_size_execute0_lowered;
	s5 =	sadd.s32 s5, s6;
	[dreg:$0x0] =	wrdreg $0x0  }
0xaa: {  	s6 =	sshll.u32 s28, $0x1;
	[dreg:$0x2] =	wrdreg s5  }
0xab: {  	[dreg:$0x3] =	wrdreg s6  }
0xac: {  	[dreg:$0x4] =	wrdreg $0xC0  }
0xad: {  	_ =	task [dreg:s9], $0x5FFFF  }
0xae: {  	[dreg:$0x1] =	wrdreg $0xFFFFFFFF  }
0xaf: {  	[dreg:$0x0] =	wrdreg $0x60  }
0xb0: {  	[dreg:$0x2] =	wrdreg s2  }
0xb1: {  	[dreg:$0x3] =	wrdreg s19  }
0xb2: {  	[dreg:$0x4] =	wrdreg s4  }
0xb3: {  	[dreg:$0x5] =	wrdreg $0x9  }
0xb4: {  	_ =	task.clear_ibuf [dreg:s9], $0x6FFFF;
	_ =	strace $0x90000046  }
0xb5: {  	s29 =	simm.s32 $0x9;
	_ =	strace $0x80000048  }
0xb6: {  	_ =	swait.ge [sflag:s29], $0x1  }
0xb7: {  	[sflag:s29] =	ssyncadd.s32 $0xFFFFFFFF  }
0xb8: {  	_ =	strace $0x90000048  }
0xb9: {  	_ =	sfence  }
0xba: {  	s30 =	sld [smem:$0x0];
	_ =	sdelay $0x2  }
0xbb: {  	s31 =	sshll.u32 s1, $0xD;
	s1 =	sshrl.u32 s1, $0x2  }
0xbc: {  	s3 =	sand.u32 $0x4000, s31;
	s1 =	sadd.s32 s1, s30  }
0xbd: {  	s0 =	sor.u32 s3, s0;
	s1 =	sshll.u32 s1, $0x11  }
0xbe: {  	s0 =	sor.u32 s1, s0  }
0xbf: {  	s0 =	sadd.s32 $0x8F2B, s0  }
0xc0: {  	[sflag:s0] =	ssyncadd.remote.s32 $0x1  }
0xc1: {  	_ =	sfence.sel $0xFFFF  }
0xc2: {  	[dreg:$0x0] =	wrdreg $0xFFFFFFFF;
	(pc) =	sbr.abs _section_cstart, $3  }
0xc3: {  	[dreg:$0x1] =	wrdreg $0xFFFFFFFF  }
0xc4: {  	_ =	task.clear_ibuf [dreg:s9], $0x2FFFF;
	_ =	strace $0x9FFFFFFF  }
0xc5: {  	(tm) =	ssettm $0x7FFFFFFF  }
tec
execute0_lowered:
.L_overlay_start_1:
0x0: {  	(tag) =	ssettag $0x1  }
0x1: {  	s0 =	rddreg [dreg:$0x0];
	s3 =	srdreg.scid  }
0x2: {  	s1 =	rddreg [dreg:$0x1];
	s5 =	stileid.u32;
	s3 =	sand.u32 $0x1, s3  }
0x3: {  	s5 =	sshll.u32 s5, $0xE;
	s4 =	ssub.s32 $0x2, s3;
	s3 =	sshll.u32 s3, $0xD  }
0x4: {  	s2 =	rddreg [dreg:$0x2];
	s8 =	simm.s32 $0x0;
	s3 =	sor.u32 s3, s5  }
0x5: {  	[smem:$0x7FF] =	sst s8;
	s5 =	sadd.s32 s1, s3  }
0x6: {  	_ =	strace $0x80000047;
	s12 =	sadd.s32 s0, s3;
	[dreg:$0x4] =	wrdreg s5  }
0x7: {  	s13 =	sor.u32 $0x40000, s3;
	s15 =	sadd.s32 s2, s3;
	[dreg:$0x5] =	wrdreg s12  }
0x8: {  	s14 =	sor.u32 $0x80000, s3;
	s7 =	sadd.s32 s0, s13;
	[dreg:$0x7] =	wrdreg s15  }
0x9: {  	s6 =	sshrl.u32 s4, $0x1;
	s16 =	sadd.s32 s0, s14;
	[dreg:$0x6] =	wrdreg s7  }
0xa: {  	s17 =	sor.u32 $0xC0000, s3;
	s5 =	sadd.s32 s2, s13;
	[dreg:$0x8] =	wrdreg s16  }
0xb: {  	s4 =	ssub.s32 s4, s6;
	s9 =	sadd.s32 s0, s17;
	[dreg:$0x9] =	wrdreg s5  }
0xc: {  	s18 =	sor.u32 $0x1000, s3;
	s6 =	sadd.s32 s2, s14;
	[dreg:$0xa] =	wrdreg s9  }
0xd: {  	s19 =	sadd.s32 s0, s18;
	[dreg:$0xb] =	wrdreg s6  }
0xe: {  	s20 =	sor.u32 $0x41000, s3;
	s1 =	sadd.s32 s1, s18;
	[dreg:$0xc] =	wrdreg s19  }
0xf: {  	s21 =	sadd.s32 s0, s20;
	[dreg:$0xe] =	wrdreg s1  }
0x10: {  	s23 =	sor.u32 $0x81000, s3;
	s22 =	sadd.s32 s2, s18;
	[dreg:$0xf] =	wrdreg s21  }
0x11: {  	s25 =	sor.u32 $0xC1000, s3;
	s24 =	sadd.s32 s0, s23;
	[dreg:$0x10] =	wrdreg s22  }
0x12: {  	s0 =	sadd.s32 s0, s25;
	[dreg:$0x11] =	wrdreg s24  }
0x13: {  	s26 =	sadd.s32 s2, s23;
	[dreg:$0x13] =	wrdreg s0  }
0x14: {  	s28 =	sadd.s32 s2, s25;
	[dreg:$0x14] =	wrdreg s26  }
0x15: {  	s31 =	smax.u32 s4, $0x1;
	[dreg:$0x15] =	wrdreg s28  }
0x16: {  	s5 =	sadd.s32 s2, s17;
	[dreg:$0x16] =	wrdreg s31  }
0x17: {  	s29 =	simm.s32 $0x8000;
	s1 =	sadd.s32 s2, s20;
	[dreg:$0xd] =	wrdreg s5  }
0x18: {  	s30 =	simm.s32 $0x0;
	[dreg:$0x12] =	wrdreg s1;
	s1 =	simm.s32 $0x10000  }
.LBB2_1:
0x19: {  	s0 =	rddreg [dreg:$0x4]  }
0x1a: {  	[tilespmem:s8], [sflag:$0x1] =	stream.linear.gather [hbm4b:s0+s8], $0x8000, $0x38;
	[tilespmem:$0x18000] =	vst v63  }
0x1b: {  	s25 =	rddreg [dreg:$0x5];
	s26 =	simm.s32 $0x1  }
0x1c: {  	[tilespmem:s29], [sflag:$0x2] =	stream.linear.gather [hbm4b:s25+s8], $0x8000, $0x38;
	[tilespmem:$0x18000] =	vst v63  }
0x1d: {  	_ =	swait.ge [sflag:s26], $0x8000  }
0x1e: {  	[sflag:s26] =	ssyncset.done $0x0  }
0x1f: {  	s2 =	simm.s32 $0x2;
	s28 =	rddreg [dreg:$0x6];
	[sflag:s26] =	ssyncadd.s32 $0xFFFF8000  }
0x20: {  	[tilespmem:s1], [sflag:$0x3] =	stream.linear.gather [hbm4b:s28+s8], $0x8000, $0x38;
	[tilespmem:$0x18000] =	vst v63  }
0x21: {  	_ =	swait.ge [sflag:s2], $0x8000  }
0x22: {  	s3 =	sand.u32 $0x300, s8;
	s1 =	sand.u32 $0x7800, s8;
	[sflag:s2] =	ssyncset.done $0x0  }
0x23: {  	s31 =	sor.u32 s3, s1;
	[sflag:s2] =	ssyncadd.s32 $0xFFFF8000  }
0x24: {  	v0 =	vld [tilespmem:s31+$0x80];
	_ =	sdelay $0x3  }
0x25: {  	s0 =	sor.u32 $0x8080, s31;
	v1 =	vld [tilespmem:s31+$0x0]  }
0x26: {  	[tilespmem:s0+$0x0] =	vst.add.f32.msk $0xffff, v0  }
0x27: {  	v0 =	vld [tilespmem:s31+$0x90];
	_ =	sdelay $0x1  }
0x28: {  	s5 =	sor.u32 $0x8000, s31  }
0x29: {  	[tilespmem:s5+$0x0] =	vst.add.f32.msk $0xffff, v1  }
0x2a: {  	s4 =	sor.u32 $0x8090, s31;
	v1 =	vld [tilespmem:s31+$0x10]  }
0x2b: {  	[tilespmem:s4+$0x0] =	vst.add.f32.msk $0xffff, v0  }
0x2c: {  	v0 =	vld [tilespmem:s31+$0xA0];
	_ =	sdelay $0x1  }
0x2d: {  	s7 =	sor.u32 $0x8010, s31  }
0x2e: {  	[tilespmem:s7+$0x0] =	vst.add.f32.msk $0xffff, v1  }
0x2f: {  	s6 =	sor.u32 $0x80A0, s31;
	v1 =	vld [tilespmem:s31+$0x20]  }
0x30: {  	[tilespmem:s6+$0x0] =	vst.add.f32.msk $0xffff, v0  }
0x31: {  	v0 =	vld [tilespmem:s31+$0xB0];
	_ =	sdelay $0x1  }
0x32: {  	s9 =	sor.u32 $0x8020, s31  }
0x33: {  	[tilespmem:s9+$0x0] =	vst.add.f32.msk $0xffff, v1  }
0x34: {  	s8 =	sor.u32 $0x80B0, s31;
	v1 =	vld [tilespmem:s31+$0x30]  }
0x35: {  	[tilespmem:s8+$0x0] =	vst.add.f32.msk $0xffff, v0  }
0x36: {  	v0 =	vld [tilespmem:s31+$0xC0];
	_ =	sdelay $0x1  }
0x37: {  	s11 =	sor.u32 $0x8030, s31  }
0x38: {  	[tilespmem:s11+$0x0] =	vst.add.f32.msk $0xffff, v1  }
0x39: {  	s10 =	sor.u32 $0x80C0, s31;
	v1 =	vld [tilespmem:s31+$0x40]  }
0x3a: {  	[tilespmem:s10+$0x0] =	vst.add.f32.msk $0xffff, v0  }
0x3b: {  	v0 =	vld [tilespmem:s31+$0xD0];
	_ =	sdelay $0x1  }
0x3c: {  	s13 =	sor.u32 $0x8040, s31  }
0x3d: {  	[tilespmem:s13+$0x0] =	vst.add.f32.msk $0xffff, v1  }
0x3e: {  	s12 =	sor.u32 $0x80D0, s31;
	v1 =	vld [tilespmem:s31+$0x50]  }
0x3f: {  	[tilespmem:s12+$0x0] =	vst.add.f32.msk $0xffff, v0  }
0x40: {  	v0 =	vld [tilespmem:s31+$0xE0];
	_ =	sdelay $0x1  }
0x41: {  	s15 =	sor.u32 $0x8050, s31  }
0x42: {  	[tilespmem:s15+$0x0] =	vst.add.f32.msk $0xffff, v1  }
0x43: {  	s14 =	sor.u32 $0x80E0, s31;
	v1 =	vld [tilespmem:s31+$0x60]  }
0x44: {  	[tilespmem:s14+$0x0] =	vst.add.f32.msk $0xffff, v0  }
0x45: {  	v0 =	vld [tilespmem:s31+$0xF0];
	_ =	sdelay $0x1  }
0x46: {  	s17 =	sor.u32 $0x8060, s31  }
0x47: {  	[tilespmem:s17+$0x0] =	vst.add.f32.msk $0xffff, v1  }
0x48: {  	s16 =	sor.u32 $0x80F0, s31;
	v1 =	vld [tilespmem:s31+$0x70]  }
0x49: {  	[tilespmem:s16+$0x0] =	vst.add.f32.msk $0xffff, v0  }
0x4a: {  	v0 =	vld [tilespmem:s31+$0x480];
	_ =	sdelay $0x1  }
0x4b: {  	s19 =	sor.u32 $0x8070, s31  }
0x4c: {  	[tilespmem:s19+$0x0] =	vst.add.f32.msk $0xffff, v1  }
0x4d: {  	s18 =	sor.u32 $0x8480, s31;
	v1 =	vld [tilespmem:s31+$0x400]  }
0x4e: {  	[tilespmem:s18+$0x0] =	vst.add.f32.msk $0xffff, v0  }
0x4f: {  	v0 =	vld [tilespmem:s31+$0x490];
	_ =	sdelay $0x1  }
0x50: {  	s21 =	sor.u32 $0x8400, s31  }
0x51: {  	[tilespmem:s21+$0x0] =	vst.add.f32.msk $0xffff, v1  }
0x52: {  	s20 =	sor.u32 $0x8490, s31;
	v1 =	vld [tilespmem:s31+$0x410]  }
0x53: {  	s22 =	simm.s32 $0x100;
	s23 =	simm.s32 $0x200;
	[tilespmem:s20+$0x0] =	vst.add.f32.msk $0xffff, v0  }
0x54: {  	s1 =	sand.u32 $0x7800, s23;
	s0 =	sand.u32 $0x300, s22;
	v0 =	vld [tilespmem:s31+$0x4A0]  }
0x55: {  	s0 =	sor.u32 s0, s1  }
0x56: {  	s25 =	sor.u32 $0x8410, s31;
	v2 =	vld [tilespmem:s0+$0x80]  }
0x57: {  	[tilespmem:s25+$0x0] =	vst.add.f32.msk $0xffff, v1  }
0x58: {  	s24 =	sor.u32 $0x84A0, s31;
	v1 =	vld [tilespmem:s0+$0x0]  }
0x59: {  	[tilespmem:s24+$0x0] =	vst.add.f32.msk $0xffff, v0  }
0x5a: {  	s26 =	sor.u32 $0x8080, s0;
	v0 =	vld [tilespmem:s31+$0x4B0]  }
0x5b: {  	[tilespmem:s26+$0x0] =	vst.add.f32.msk $0xffff, v2  }
0x5c: {  	s2 =	sor.u32 $0x8000, s0;
	v2 =	vld [tilespmem:s0+$0x90]  }
0x5d: {  	[tilespmem:s2+$0x0] =	vst.add.f32.msk $0xffff, v1  }
0x5e: {  	s28 =	sor.u32 $0x84B0, s31;
	v1 =	vld [tilespmem:s0+$0x10]  }
0x5f: {  	[tilespmem:s28+$0x0] =	vst.add.f32.msk $0xffff, v0  }
0x60: {  	s3 =	sor.u32 $0x8090, s0;
	v0 =	vld [tilespmem:s31+$0x4C0]  }
0x61: {  	[tilespmem:s3+$0x0] =	vst.add.f32.msk $0xffff, v2  }
0x62: {  	s5 =	sor.u32 $0x8010, s0;
	v2 =	vld [tilespmem:s0+$0xA0]  }
0x63: {  	[tilespmem:s5+$0x0] =	vst.add.f32.msk $0xffff, v1  }
0x64: {  	s4 =	sor.u32 $0x84C0, s31;
	v1 =	vld [tilespmem:s0+$0x20]  }
0x65: {  	[tilespmem:s4+$0x0] =	vst.add.f32.msk $0xffff, v0  }
0x66: {  	s6 =	sor.u32 $0x80A0, s0;
	v0 =	vld [tilespmem:s31+$0x4D0]  }
0x67: {  	[tilespmem:s6+$0x0] =	vst.add.f32.msk $0xffff, v2  }
0x68: {  	s8 =	sor.u32 $0x8020, s0;
	v2 =	vld [tilespmem:s0+$0xB0]  }
0x69: {  	[tilespmem:s8+$0x0] =	vst.add.f32.msk $0xffff, v1  }
0x6a: {  	s7 =	sor.u32 $0x84D0, s31;
	v1 =	vld [tilespmem:s0+$0x30]  }
0x6b: {  	[tilespmem:s7+$0x0] =	vst.add.f32.msk $0xffff, v0  }
0x6c: {  	s9 =	sor.u32 $0x80B0, s0;
	v0 =	vld [tilespmem:s31+$0x4E0]  }
0x6d: {  	[tilespmem:s9+$0x0] =	vst.add.f32.msk $0xffff, v2  }
0x6e: {  	s11 =	sor.u32 $0x8030, s0;
	v2 =	vld [tilespmem:s0+$0xC0]  }
0x6f: {  	[tilespmem:s11+$0x0] =	vst.add.f32.msk $0xffff, v1  }
0x70: {  	s10 =	sor.u32 $0x84E0, s31;
	v1 =	vld [tilespmem:s0+$0x40]  }
0x71: {  	[tilespmem:s10+$0x0] =	vst.add.f32.msk $0xffff, v0  }
0x72: {  	s12 =	sor.u32 $0x80C0, s0;
	v0 =	vld [tilespmem:s31+$0x4F0]  }
0x73: {  	[tilespmem:s12+$0x0] =	vst.add.f32.msk $0xffff, v2  }
0x74: {  	v2 =	vld [tilespmem:s0+$0xD0]  }
0x75: {  	s14 =	sor.u32 $0x8040, s0;
	v3 =	vld [tilespmem:s31+$0x420]  }
0x76: {  	s13 =	sor.u32 $0x84F0, s31;
	[tilespmem:s14+$0x0] =	vst.add.f32.msk $0xffff, v1  }
0x77: {  	[tilespmem:s13+$0x0] =	vst.add.f32.msk $0xffff, v0  }
0x78: {  	s15 =	sor.u32 $0x80D0, s0;
	v0 =	vld [tilespmem:s0+$0x50]  }
0x79: {  	[tilespmem:s15+$0x0] =	vst.add.f32.msk $0xffff, v2  }
0x7a: {  	s16 =	sor.u32 $0x8420, s31;
	v1 =	vld [tilespmem:s0+$0xE0]  }
0x7b: {  	[tilespmem:s16+$0x0] =	vst.add.f32.msk $0xffff, v3  }
0x7c: {  	s17 =	sor.u32 $0x8050, s0;
	v2 =	vld [tilespmem:s31+$0x430]  }
0x7d: {  	[tilespmem:s17+$0x0] =	vst.add.f32.msk $0xffff, v0  }
0x7e: {  	s18 =	sor.u32 $0x80E0, s0;
	v0 =	vld [tilespmem:s0+$0x60]  }
0x7f: {  	[tilespmem:s18+$0x0] =	vst.add.f32.msk $0xffff, v1  }
0x80: {  	s19 =	sor.u32 $0x8430, s31;
	v1 =	vld [tilespmem:s0+$0xF0]  }
0x81: {  	[tilespmem:s19+$0x0] =	vst.add.f32.msk $0xffff, v2  }
0x82: {  	s20 =	sor.u32 $0x8060, s0;
	v2 =	vld [tilespmem:s31+$0x440]  }
0x83: {  	[tilespmem:s20+$0x0] =	vst.add.f32.msk $0xffff, v0  }
0x84: {  	s21 =	sor.u32 $0x80F0, s0;
	v0 =	vld [tilespmem:s0+$0x70]  }
0x85: {  	[tilespmem:s21+$0x0] =	vst.add.f32.msk $0xffff, v1  }
0x86: {  	s22 =	sor.u32 $0x8440, s31;
	v1 =	vld [tilespmem:s0+$0x480]  }
0x87: {  	[tilespmem:s22+$0x0] =	vst.add.f32.msk $0xffff, v2  }
0x88: {  	s23 =	sor.u32 $0x8070, s0;
	v2 =	vld [tilespmem:s31+$0x450]  }
0x89: {  	[tilespmem:s23+$0x0] =	vst.add.f32.msk $0xffff, v0  }
0x8a: {  	s24 =	sor.u32 $0x8480, s0;
	v0 =	vld [tilespmem:s0+$0x400]  }
0x8b: {  	[tilespmem:s24+$0x0] =	vst.add.f32.msk $0xffff, v1  }
0x8c: {  	s25 =	sor.u32 $0x8450, s31;
	v3 =	vld [tilespmem:s0+$0x490]  }
0x8d: {  	[tilespmem:s25+$0x0] =	vst.add.f32.msk $0xffff, v2  }
0x8e: {  	s26 =	sor.u32 $0x8400, s0;
	v2 =	vld [tilespmem:s31+$0x460]  }
0x8f: {  	s29 =	simm.s32 $0x10000;
	s1 =	sor.u32 $0x8470, s31;
	[tilespmem:s26+$0x0] =	vst.add.f32.msk $0xffff, v0  }
0x90: {  	s3 =	sor.u32 $0x8490, s0;
	s6 =	sor.u32 $0x8440, s0;
	s9 =	simm.s32 $0x2;
	v1 =	vld [tilespmem:s0+$0x410]  }
0x91: {  	s12 =	sor.u32 $0x8410, s0;
	s5 =	sor.u32 $0x8450, s0;
	s28 =	sor.u32 $0x8460, s31;
	[tilespmem:s3+$0x0] =	vst.add.f32.msk $0xffff, v3  }
0x92: {  	s8 =	sor.u32 $0x8420, s0;
	s4 =	sor.u32 $0x8460, s0;
	s11 =	simm.s32 $0x400;
	v0 =	vld [tilespmem:s0+$0x4A0]  }
0x93: {  	s7 =	sor.u32 $0x8430, s0;
	s10 =	simm.s32 $0x200;
	[tilespmem:s28+$0x0] =	vst.add.f32.msk $0xffff, v2;
	s3 =	sor.u32 $0x8470, s0  }
.LBB2_2:
0x94: {  	s2 =	sand.u32 $0x7800, s11;
	s13 =	sand.u32 $0x300, s10;
	s9 =	sadd.s32 $0x2, s9;
	v2 =	vld [tilespmem:s31+$0x470]  }
0x95: {  	s31 =	smov.u32 s0;
	p0 =	slt.u32 s9, $0x7E;
	[tilespmem:s12+$0x0] =	vst.add.f32.msk $0xffff, v1;
	s0 =	sor.u32 s13, s2  }
0x96: {  	s2 =	sor.u32 $0x84A0, s31;
	s24 =	sor.u32 $0x8000, s0;
	s25 =	sor.u32 $0x8010, s0;
	v1 =	vld [tilespmem:s0+$0x80]  }
0x97: {  	s26 =	sor.u32 $0x8020, s0;
	s22 =	sor.u32 $0x8030, s0;
	s21 =	sor.u32 $0x8040, s0;
	[tilespmem:s2+$0x0] =	vst.add.f32.msk $0xffff, v0  }
0x98: {  	s19 =	sor.u32 $0x8050, s0;
	s17 =	sor.u32 $0x8060, s0;
	s15 =	sor.u32 $0x8070, s0;
	v0 =	vld [tilespmem:s31+$0x4B0]  }
0x99: {  	s14 =	sor.u32 $0x8400, s0;
	s12 =	sor.u32 $0x8410, s0;
	s23 =	sor.u32 $0x8420, s0;
	v3 =	vld [tilespmem:s0+$0x0]  }
0x9a: {  	s20 =	sor.u32 $0x8430, s0;
	s18 =	sor.u32 $0x8440, s0;
	s28 =	sor.u32 $0x8080, s0;
	v4 =	vld [tilespmem:s31+$0x420]  }
0x9b: {  	s16 =	sor.u32 $0x8450, s0;
	s13 =	sor.u32 $0x8460, s0;
	s2 =	sor.u32 $0x8470, s0;
	[tilespmem:s28+$0x0] =	vst.add.f32.msk $0xffff, v1  }
0x9c: {  	s28 =	sor.u32 $0x84B0, s31;
	v1 =	vld [tilespmem:s0+$0x90]  }
0x9d: {  	[tilespmem:s28+$0x0] =	vst.add.f32.msk $0xffff, v0  }
0x9e: {  	v0 =	vld [tilespmem:s31+$0x4C0]  }
0x9f: {  	[tilespmem:s24+$0x0] =	vst.add.f32.msk $0xffff, v3  }
0xa0: {  	s24 =	sor.u32 $0x8090, s0;
	v3 =	vld [tilespmem:s0+$0x10]  }
0xa1: {  	[tilespmem:s24+$0x0] =	vst.add.f32.msk $0xffff, v1  }
0xa2: {  	s24 =	sor.u32 $0x84C0, s31;
	v1 =	vld [tilespmem:s0+$0xA0]  }
0xa3: {  	[tilespmem:s24+$0x0] =	vst.add.f32.msk $0xffff, v0  }
0xa4: {  	v0 =	vld [tilespmem:s31+$0x4D0]  }
0xa5: {  	[tilespmem:s25+$0x0] =	vst.add.f32.msk $0xffff, v3  }
0xa6: {  	s24 =	sor.u32 $0x80A0, s0;
	v3 =	vld [tilespmem:s0+$0x20]  }
0xa7: {  	[tilespmem:s24+$0x0] =	vst.add.f32.msk $0xffff, v1  }
0xa8: {  	s24 =	sor.u32 $0x84D0, s31;
	v1 =	vld [tilespmem:s0+$0xB0]  }
0xa9: {  	[tilespmem:s24+$0x0] =	vst.add.f32.msk $0xffff, v0  }
0xaa: {  	v0 =	vld [tilespmem:s31+$0x4E0]  }
0xab: {  	[tilespmem:s26+$0x0] =	vst.add.f32.msk $0xffff, v3  }
0xac: {  	s24 =	sor.u32 $0x80B0, s0;
	v3 =	vld [tilespmem:s0+$0x30]  }
0xad: {  	[tilespmem:s24+$0x0] =	vst.add.f32.msk $0xffff, v1  }
0xae: {  	s24 =	sor.u32 $0x84E0, s31;
	v1 =	vld [tilespmem:s0+$0xC0]  }
0xaf: {  	[tilespmem:s24+$0x0] =	vst.add.f32.msk $0xffff, v0  }
0xb0: {  	v0 =	vld [tilespmem:s31+$0x4F0]  }
0xb1: {  	[tilespmem:s22+$0x0] =	vst.add.f32.msk $0xffff, v3  }
0xb2: {  	s22 =	sor.u32 $0x80C0, s0;
	v3 =	vld [tilespmem:s0+$0x40]  }
0xb3: {  	[tilespmem:s22+$0x0] =	vst.add.f32.msk $0xffff, v1  }
0xb4: {  	s22 =	sor.u32 $0x84F0, s31;
	v1 =	vld [tilespmem:s0+$0xD0]  }
0xb5: {  	[tilespmem:s22+$0x0] =	vst.add.f32.msk $0xffff, v0  }
0xb6: {  	[tilespmem:s8+$0x0] =	vst.add.f32.msk $0xffff, v4;
	s8 =	smov.u32 s23  }
0xb7: {  	[tilespmem:s21+$0x0] =	vst.add.f32.msk $0xffff, v3  }
0xb8: {  	s21 =	sor.u32 $0x80D0, s0;
	v0 =	vld [tilespmem:s0+$0x50]  }
0xb9: {  	[tilespmem:s21+$0x0] =	vst.add.f32.msk $0xffff, v1  }
0xba: {  	v1 =	vld [tilespmem:s0+$0xE0]  }
0xbb: {  	v3 =	vld [tilespmem:s31+$0x430]  }
0xbc: {  	[tilespmem:s1+$0x0] =	vst.add.f32.msk $0xffff, v2;
	s1 =	smov.u32 s3;
	s3 =	smov.u32 s2  }
0xbd: {  	[tilespmem:s19+$0x0] =	vst.add.f32.msk $0xffff, v0  }
0xbe: {  	s2 =	sor.u32 $0x80E0, s0;
	v0 =	vld [tilespmem:s0+$0x60]  }
0xbf: {  	[tilespmem:s2+$0x0] =	vst.add.f32.msk $0xffff, v1  }
0xc0: {  	v1 =	vld [tilespmem:s0+$0xF0]  }
0xc1: {  	[tilespmem:s7+$0x0] =	vst.add.f32.msk $0xffff, v3;
	s7 =	smov.u32 s20  }
0xc2: {  	v2 =	vld [tilespmem:s31+$0x440]  }
0xc3: {  	[tilespmem:s17+$0x0] =	vst.add.f32.msk $0xffff, v0  }
0xc4: {  	s2 =	sor.u32 $0x80F0, s0;
	v0 =	vld [tilespmem:s0+$0x70]  }
0xc5: {  	[tilespmem:s2+$0x0] =	vst.add.f32.msk $0xffff, v1  }
0xc6: {  	v1 =	vld [tilespmem:s0+$0x480]  }
0xc7: {  	[tilespmem:s6+$0x0] =	vst.add.f32.msk $0xffff, v2;
	s6 =	smov.u32 s18  }
0xc8: {  	v2 =	vld [tilespmem:s31+$0x450]  }
0xc9: {  	[tilespmem:s15+$0x0] =	vst.add.f32.msk $0xffff, v0  }
0xca: {  	s2 =	sor.u32 $0x8480, s0;
	v0 =	vld [tilespmem:s0+$0x400]  }
0xcb: {  	[tilespmem:s2+$0x0] =	vst.add.f32.msk $0xffff, v1  }
0xcc: {  	v3 =	vld [tilespmem:s0+$0x490]  }
0xcd: {  	[tilespmem:s5+$0x0] =	vst.add.f32.msk $0xffff, v2;
	s5 =	smov.u32 s16  }
0xce: {  	v2 =	vld [tilespmem:s31+$0x460]  }
.Ltmp0:
0xcf: {  	[tilespmem:s14+$0x0] =	vst.add.f32.msk $0xffff, v0;
	(pc) =	sbr.rel @p0 .LBB2_2-.Ltmp0, $4  }
0xd0: {  	s2 =	sor.u32 $0x8490, s0;
	v1 =	vld [tilespmem:s0+$0x410]  }
0xd1: {  	[tilespmem:s2+$0x0] =	vst.add.f32.msk $0xffff, v3  }
0xd2: {  	v0 =	vld [tilespmem:s0+$0x4A0]  }
0xd3: {  	s10 =	sadd.s32 $0x100, s10;
	s11 =	sadd.s32 $0x200, s11;
	[tilespmem:s4+$0x0] =	vst.add.f32.msk $0xffff, v2;
	s4 =	smov.u32 s13  }
0xd4: {  	_ = 	snop  }
0xd5: {  	[tilespmem:s12+$0x0] =	vst.add.f32.msk $0xffff, v1  }
0xd6: {  	v1 =	vld [tilespmem:s0+$0x420];
	_ =	sdelay $0x1  }
0xd7: {  	s2 =	sor.u32 $0x84A0, s0  }
0xd8: {  	[tilespmem:s2+$0x0] =	vst.add.f32.msk $0xffff, v0  }
0xd9: {  	v0 =	vld [tilespmem:s0+$0x4B0]  }
0xda: {  	[tilespmem:s8+$0x0] =	vst.add.f32.msk $0xffff, v1  }
0xdb: {  	v1 =	vld [tilespmem:s0+$0x430];
	_ =	sdelay $0x1  }
0xdc: {  	s17 =	sor.u32 $0x84B0, s0  }
0xdd: {  	[tilespmem:s17+$0x0] =	vst.add.f32.msk $0xffff, v0  }
0xde: {  	v0 =	vld [tilespmem:s0+$0x4C0]  }
0xdf: {  	[tilespmem:s7+$0x0] =	vst.add.f32.msk $0xffff, v1  }
0xe0: {  	v1 =	vld [tilespmem:s0+$0x440];
	_ =	sdelay $0x1  }
0xe1: {  	s18 =	sor.u32 $0x84C0, s0  }
0xe2: {  	[tilespmem:s18+$0x0] =	vst.add.f32.msk $0xffff, v0  }
0xe3: {  	v0 =	vld [tilespmem:s0+$0x4D0]  }
0xe4: {  	[tilespmem:s6+$0x0] =	vst.add.f32.msk $0xffff, v1  }
0xe5: {  	v1 =	vld [tilespmem:s0+$0x450];
	_ =	sdelay $0x1  }
0xe6: {  	s19 =	sor.u32 $0x84D0, s0  }
0xe7: {  	[tilespmem:s19+$0x0] =	vst.add.f32.msk $0xffff, v0  }
0xe8: {  	v0 =	vld [tilespmem:s0+$0x4E0]  }
0xe9: {  	[tilespmem:s5+$0x0] =	vst.add.f32.msk $0xffff, v1  }
0xea: {  	v1 =	vld [tilespmem:s0+$0x460];
	_ =	sdelay $0x1  }
0xeb: {  	v2 =	vld [tilespmem:s31+$0x470];
	s20 =	sor.u32 $0x84E0, s0  }
0xec: {  	[tilespmem:s20+$0x0] =	vst.add.f32.msk $0xffff, v0  }
0xed: {  	v0 =	vld [tilespmem:s0+$0x4F0]  }
0xee: {  	[tilespmem:s4+$0x0] =	vst.add.f32.msk $0xffff, v1  }
0xef: {  	v1 =	vld [tilespmem:s0+$0x470];
	_ =	sdelay $0x2  }
0xf0: {  	s21 =	sor.u32 $0x84F0, s0;
	[tilespmem:s1+$0x0] =	vst.add.f32.msk $0xffff, v2  }
0xf1: {  	[tilespmem:s21+$0x0] =	vst.add.f32.msk $0xffff, v0  }
0xf2: {  	s22 =	simm.s32 $0x0;
	[tilespmem:s3+$0x0] =	vst.add.f32.msk $0xffff, v1  }
0xf3: {  	s23 =	simm.s32 $0x8000;
	s24 =	simm.s32 $0x4;
	s1 =	rddreg [dreg:$0x7]  }
0xf4: {  	[hbm4b:s1+s22] =	stream.linear.scatter [tilespmem:s23], [sflag:$0x4], $0x8000, $0x38;
	[tilespmem:$0x18000] =	vst v63  }
0xf5: {  	_ =	swait.ge [sflag:s24], $0x8000  }
0xf6: {  	[sflag:s24] =	ssyncset.done $0x0  }
0xf7: {  	s26 =	simm.s32 $0x3;
	s25 =	rddreg [dreg:$0x8];
	[sflag:s24] =	ssyncadd.s32 $0xFFFF8000  }
0xf8: {  	[tilespmem:s23], [sflag:$0x2] =	stream.linear.gather [hbm4b:s25+s22], $0x8000, $0x38;
	[tilespmem:$0x18000] =	vst v63  }
0xf9: {  	_ =	swait.ge [sflag:s26], $0x8000  }
0xfa: {  	s28 =	sand.u32 $0x7800, s22;
	s0 =	sand.u32 $0x300, s22;
	[sflag:s26] =	ssyncset.done $0x0  }
0xfb: {  	s31 =	sor.u32 s0, s28;
	[sflag:s26] =	ssyncadd.s32 $0xFFFF8000  }
0xfc: {  	v0 =	vld [tilespmem:s31+$0x80];
	_ =	sdelay $0x3  }
0xfd: {  	s0 =	sor.u32 $0x10080, s31;
	v1 =	vld [tilespmem:s31+$0x0]  }
0xfe: {  	[tilespmem:s0+$0x0] =	vst.add.f32.msk $0xffff, v0  }
0xff: {  	v0 =	vld [tilespmem:s31+$0x90];
	_ =	sdelay $0x1  }
0x100: {  	s4 =	sor.u32 $0x10000, s31  }
0x101: {  	[tilespmem:s4+$0x0] =	vst.add.f32.msk $0xffff, v1  }
0x102: {  	s3 =	sor.u32 $0x10090, s31;
	v1 =	vld [tilespmem:s31+$0x10]  }
0x103: {  	[tilespmem:s3+$0x0] =	vst.add.f32.msk $0xffff, v0  }
0x104: {  	v0 =	vld [tilespmem:s31+$0xA0];
	_ =	sdelay $0x1  }
0x105: {  	s6 =	sor.u32 $0x10010, s31  }
0x106: {  	[tilespmem:s6+$0x0] =	vst.add.f32.msk $0xffff, v1  }
0x107: {  	s5 =	sor.u32 $0x100A0, s31;
	v1 =	vld [tilespmem:s31+$0x20]  }
0x108: {  	[tilespmem:s5+$0x0] =	vst.add.f32.msk $0xffff, v0  }
0x109: {  	v0 =	vld [tilespmem:s31+$0xB0];
	_ =	sdelay $0x1  }
0x10a: {  	s8 =	sor.u32 $0x10020, s31  }
0x10b: {  	[tilespmem:s8+$0x0] =	vst.add.f32.msk $0xffff, v1  }
0x10c: {  	s7 =	sor.u32 $0x100B0, s31;
	v1 =	vld [tilespmem:s31+$0x30]  }
0x10d: {  	[tilespmem:s7+$0x0] =	vst.add.f32.msk $0xffff, v0  }
0x10e: {  	v0 =	vld [tilespmem:s31+$0xC0];
	_ =	sdelay $0x1  }
0x10f: {  	s10 =	sor.u32 $0x10030, s31  }
0x110: {  	[tilespmem:s10+$0x0] =	vst.add.f32.msk $0xffff, v1  }
0x111: {  	s9 =	sor.u32 $0x100C0, s31;
	v1 =	vld [tilespmem:s31+$0x40]  }
0x112: {  	[tilespmem:s9+$0x0] =	vst.add.f32.msk $0xffff, v0  }
0x113: {  	v0 =	vld [tilespmem:s31+$0xD0];
	_ =	sdelay $0x1  }
0x114: {  	s12 =	sor.u32 $0x10040, s31  }
0x115: {  	[tilespmem:s12+$0x0] =	vst.add.f32.msk $0xffff, v1  }
0x116: {  	s11 =	sor.u32 $0x100D0, s31;
	v1 =	vld [tilespmem:s31+$0x50]  }
0x117: {  	[tilespmem:s11+$0x0] =	vst.add.f32.msk $0xffff, v0  }
0x118: {  	v0 =	vld [tilespmem:s31+$0xE0];
	_ =	sdelay $0x1  }
0x119: {  	s14 =	sor.u32 $0x10050, s31  }
0x11a: {  	[tilespmem:s14+$0x0] =	vst.add.f32.msk $0xffff, v1  }
0x11b: {  	s13 =	sor.u32 $0x100E0, s31;
	v1 =	vld [tilespmem:s31+$0x60]  }
0x11c: {  	[tilespmem:s13+$0x0] =	vst.add.f32.msk $0xffff, v0  }
0x11d: {  	v0 =	vld [tilespmem:s31+$0xF0];
	_ =	sdelay $0x1  }
0x11e: {  	s16 =	sor.u32 $0x10060, s31  }
0x11f: {  	[tilespmem:s16+$0x0] =	vst.add.f32.msk $0xffff, v1  }
0x120: {  	s15 =	sor.u32 $0x100F0, s31;
	v1 =	vld [tilespmem:s31+$0x70]  }
0x121: {  	[tilespmem:s15+$0x0] =	vst.add.f32.msk $0xffff, v0  }
0x122: {  	v0 =	vld [tilespmem:s31+$0x480];
	_ =	sdelay $0x1  }
0x123: {  	s18 =	sor.u32 $0x10070, s31  }
0x124: {  	[tilespmem:s18+$0x0] =	vst.add.f32.msk $0xffff, v1  }
0x125: {  	s17 =	sor.u32 $0x10480, s31;
	v1 =	vld [tilespmem:s31+$0x400]  }
0x126: {  	[tilespmem:s17+$0x0] =	vst.add.f32.msk $0xffff, v0  }
0x127: {  	v0 =	vld [tilespmem:s31+$0x490];
	_ =	sdelay $0x1  }
0x128: {  	s20 =	sor.u32 $0x10400, s31  }
0x129: {  	[tilespmem:s20+$0x0] =	vst.add.f32.msk $0xffff, v1  }
0x12a: {  	s19 =	sor.u32 $0x10490, s31;
	v1 =	vld [tilespmem:s31+$0x410]  }
0x12b: {  	s21 =	simm.s32 $0x100;
	s22 =	simm.s32 $0x200;
	[tilespmem:s19+$0x0] =	vst.add.f32.msk $0xffff, v0  }
0x12c: {  	s1 =	sand.u32 $0x7800, s22;
	s0 =	sand.u32 $0x300, s21;
	v0 =	vld [tilespmem:s31+$0x4A0]  }
0x12d: {  	s0 =	sor.u32 s0, s1  }
0x12e: {  	s24 =	sor.u32 $0x10410, s31;
	v2 =	vld [tilespmem:s0+$0x80]  }
0x12f: {  	[tilespmem:s24+$0x0] =	vst.add.f32.msk $0xffff, v1  }
0x130: {  	s23 =	sor.u32 $0x104A0, s31;
	v1 =	vld [tilespmem:s0+$0x0]  }
0x131: {  	[tilespmem:s23+$0x0] =	vst.add.f32.msk $0xffff, v0  }
0x132: {  	s25 =	sor.u32 $0x10080, s0;
	v0 =	vld [tilespmem:s31+$0x4B0]  }
0x133: {  	[tilespmem:s25+$0x0] =	vst.add.f32.msk $0xffff, v2  }
0x134: {  	s28 =	sor.u32 $0x10000, s0;
	v2 =	vld [tilespmem:s0+$0x90]  }
0x135: {  	[tilespmem:s28+$0x0] =	vst.add.f32.msk $0xffff, v1  }
0x136: {  	s26 =	sor.u32 $0x104B0, s31;
	v1 =	vld [tilespmem:s0+$0x10]  }
0x137: {  	[tilespmem:s26+$0x0] =	vst.add.f32.msk $0xffff, v0  }
0x138: {  	s2 =	sor.u32 $0x10090, s0;
	v0 =	vld [tilespmem:s31+$0x4C0]  }
0x139: {  	[tilespmem:s2+$0x0] =	vst.add.f32.msk $0xffff, v2  }
0x13a: {  	s4 =	sor.u32 $0x10010, s0;
	v2 =	vld [tilespmem:s0+$0xA0]  }
0x13b: {  	[tilespmem:s4+$0x0] =	vst.add.f32.msk $0xffff, v1  }
0x13c: {  	s3 =	sor.u32 $0x104C0, s31;
	v1 =	vld [tilespmem:s0+$0x20]  }
0x13d: {  	[tilespmem:s3+$0x0] =	vst.add.f32.msk $0xffff, v0  }
0x13e: {  	s5 =	sor.u32 $0x100A0, s0;
	v0 =	vld [tilespmem:s31+$0x4D0]  }
0x13f: {  	[tilespmem:s5+$0x0] =	vst.add.f32.msk $0xffff, v2  }
0x140: {  	s7 =	sor.u32 $0x10020, s0;
	v2 =	vld [tilespmem:s0+$0xB0]  }
0x141: {  	[tilespmem:s7+$0x0] =	vst.add.f32.msk $0xffff, v1  }
0x142: {  	s6 =	sor.u32 $0x104D0, s31;
	v1 =	vld [tilespmem:s0+$0x30]  }
0x143: {  	[tilespmem:s6+$0x0] =	vst.add.f32.msk $0xffff, v0  }
0x144: {  	s8 =	sor.u32 $0x100B0, s0;
	v0 =	vld [tilespmem:s31+$0x4E0]  }
0x145: {  	[tilespmem:s8+$0x0] =	vst.add.f32.msk $0xffff, v2  }
0x146: {  	s10 =	sor.u32 $0x10030, s0;
	v2 =	vld [tilespmem:s0+$0xC0]  }
0x147: {  	[tilespmem:s10+$0x0] =	vst.add.f32.msk $0xffff, v1  }
0x148: {  	s9 =	sor.u32 $0x104E0, s31;
	v1 =	vld [tilespmem:s0+$0x40]  }
0x149: {  	[tilespmem:s9+$0x0] =	vst.add.f32.msk $0xffff, v0  }
0x14a: {  	s11 =	sor.u32 $0x100C0, s0;
	v0 =	vld [tilespmem:s31+$0x4F0]  }
0x14b: {  	[tilespmem:s11+$0x0] =	vst.add.f32.msk $0xffff, v2  }
0x14c: {  	v2 =	vld [tilespmem:s0+$0xD0]  }
0x14d: {  	s13 =	sor.u32 $0x10040, s0;
	v3 =	vld [tilespmem:s31+$0x420]  }
0x14e: {  	s12 =	sor.u32 $0x104F0, s31;
	[tilespmem:s13+$0x0] =	vst.add.f32.msk $0xffff, v1  }
0x14f: {  	[tilespmem:s12+$0x0] =	vst.add.f32.msk $0xffff, v0  }
0x150: {  	s14 =	sor.u32 $0x100D0, s0;
	v0 =	vld [tilespmem:s0+$0x50]  }
0x151: {  	[tilespmem:s14+$0x0] =	vst.add.f32.msk $0xffff, v2  }
0x152: {  	s15 =	sor.u32 $0x10420, s31;
	v1 =	vld [tilespmem:s0+$0xE0]  }
0x153: {  	[tilespmem:s15+$0x0] =	vst.add.f32.msk $0xffff, v3  }
0x154: {  	s16 =	sor.u32 $0x10050, s0;
	v2 =	vld [tilespmem:s31+$0x430]  }
0x155: {  	[tilespmem:s16+$0x0] =	vst.add.f32.msk $0xffff, v0  }
0x156: {  	s17 =	sor.u32 $0x100E0, s0;
	v0 =	vld [tilespmem:s0+$0x60]  }
0x157: {  	[tilespmem:s17+$0x0] =	vst.add.f32.msk $0xffff, v1  }
0x158: {  	s18 =	sor.u32 $0x10430, s31;
	v1 =	vld [tilespmem:s0+$0xF0]  }
0x159: {  	[tilespmem:s18+$0x0] =	vst.add.f32.msk $0xffff, v2  }
0x15a: {  	s19 =	sor.u32 $0x10060, s0;
	v2 =	vld [tilespmem:s31+$0x440]  }
0x15b: {  	[tilespmem:s19+$0x0] =	vst.add.f32.msk $0xffff, v0  }
0x15c: {  	s20 =	sor.u32 $0x100F0, s0;
	v0 =	vld [tilespmem:s0+$0x70]  }
0x15d: {  	[tilespmem:s20+$0x0] =	vst.add.f32.msk $0xffff, v1  }
0x15e: {  	s21 =	sor.u32 $0x10440, s31;
	v1 =	vld [tilespmem:s0+$0x480]  }
0x15f: {  	[tilespmem:s21+$0x0] =	vst.add.f32.msk $0xffff, v2  }
0x160: {  	s22 =	sor.u32 $0x10070, s0;
	v2 =	vld [tilespmem:s31+$0x450]  }
0x161: {  	[tilespmem:s22+$0x0] =	vst.add.f32.msk $0xffff, v0  }
0x162: {  	s23 =	sor.u32 $0x10480, s0;
	v0 =	vld [tilespmem:s0+$0x400]  }
0x163: {  	[tilespmem:s23+$0x0] =	vst.add.f32.msk $0xffff, v1  }
0x164: {  	s24 =	sor.u32 $0x10450, s31;
	v3 =	vld [tilespmem:s0+$0x490]  }
0x165: {  	[tilespmem:s24+$0x0] =	vst.add.f32.msk $0xffff, v2  }
0x166: {  	s25 =	sor.u32 $0x10400, s0;
	v2 =	vld [tilespmem:s31+$0x460]  }
0x167: {  	s1 =	sor.u32 $0x10470, s31;
	[tilespmem:s25+$0x0] =	vst.add.f32.msk $0xffff, v0  }
0x168: {  	s5 =	sor.u32 $0x10450, s0;
	s8 =	sor.u32 $0x10420, s0;
	s28 =	sor.u32 $0x10490, s0;
	v1 =	vld [tilespmem:s0+$0x410]  }
0x169: {  	s11 =	simm.s32 $0x400;
	s4 =	sor.u32 $0x10460, s0;
	s26 =	sor.u32 $0x10460, s31;
	[tilespmem:s28+$0x0] =	vst.add.f32.msk $0xffff, v3  }
0x16a: {  	s7 =	sor.u32 $0x10430, s0;
	s3 =	sor.u32 $0x10470, s0;
	s10 =	simm.s32 $0x200;
	v0 =	vld [tilespmem:s0+$0x4A0]  }
0x16b: {  	s6 =	sor.u32 $0x10440, s0;
	s9 =	simm.s32 $0x2;
	[tilespmem:s26+$0x0] =	vst.add.f32.msk $0xffff, v2;
	s12 =	sor.u32 $0x10410, s0  }
.LBB2_4:
0x16c: {  	s2 =	sand.u32 $0x7800, s11;
	s13 =	sand.u32 $0x300, s10;
	s9 =	sadd.s32 $0x2, s9;
	v2 =	vld [tilespmem:s31+$0x470]  }
0x16d: {  	s31 =	smov.u32 s0;
	p0 =	slt.u32 s9, $0x7E;
	[tilespmem:s12+$0x0] =	vst.add.f32.msk $0xffff, v1;
	s0 =	sor.u32 s13, s2  }
0x16e: {  	s2 =	sor.u32 $0x104A0, s31;
	s24 =	sor.u32 $0x10000, s0;
	s25 =	sor.u32 $0x10010, s0;
	v1 =	vld [tilespmem:s0+$0x80]  }
0x16f: {  	s26 =	sor.u32 $0x10020, s0;
	s22 =	sor.u32 $0x10030, s0;
	s21 =	sor.u32 $0x10040, s0;
	[tilespmem:s2+$0x0] =	vst.add.f32.msk $0xffff, v0  }
0x170: {  	s19 =	sor.u32 $0x10050, s0;
	s17 =	sor.u32 $0x10060, s0;
	s15 =	sor.u32 $0x10070, s0;
	v0 =	vld [tilespmem:s31+$0x4B0]  }
0x171: {  	s14 =	sor.u32 $0x10400, s0;
	s12 =	sor.u32 $0x10410, s0;
	s23 =	sor.u32 $0x10420, s0;
	v3 =	vld [tilespmem:s0+$0x0]  }
0x172: {  	s20 =	sor.u32 $0x10430, s0;
	s18 =	sor.u32 $0x10440, s0;
	s28 =	sor.u32 $0x10080, s0;
	v4 =	vld [tilespmem:s31+$0x420]  }
0x173: {  	s16 =	sor.u32 $0x10450, s0;
	s13 =	sor.u32 $0x10460, s0;
	s2 =	sor.u32 $0x10470, s0;
	[tilespmem:s28+$0x0] =	vst.add.f32.msk $0xffff, v1  }
0x174: {  	s28 =	sor.u32 $0x104B0, s31;
	v1 =	vld [tilespmem:s0+$0x90]  }
0x175: {  	[tilespmem:s28+$0x0] =	vst.add.f32.msk $0xffff, v0  }
0x176: {  	v0 =	vld [tilespmem:s31+$0x4C0]  }
0x177: {  	[tilespmem:s24+$0x0] =	vst.add.f32.msk $0xffff, v3  }
0x178: {  	s24 =	sor.u32 $0x10090, s0;
	v3 =	vld [tilespmem:s0+$0x10]  }
0x179: {  	[tilespmem:s24+$0x0] =	vst.add.f32.msk $0xffff, v1  }
0x17a: {  	s24 =	sor.u32 $0x104C0, s31;
	v1 =	vld [tilespmem:s0+$0xA0]  }
0x17b: {  	[tilespmem:s24+$0x0] =	vst.add.f32.msk $0xffff, v0  }
0x17c: {  	v0 =	vld [tilespmem:s31+$0x4D0]  }
0x17d: {  	[tilespmem:s25+$0x0] =	vst.add.f32.msk $0xffff, v3  }
0x17e: {  	s24 =	sor.u32 $0x100A0, s0;
	v3 =	vld [tilespmem:s0+$0x20]  }
0x17f: {  	[tilespmem:s24+$0x0] =	vst.add.f32.msk $0xffff, v1  }
0x180: {  	s24 =	sor.u32 $0x104D0, s31;
	v1 =	vld [tilespmem:s0+$0xB0]  }
0x181: {  	[tilespmem:s24+$0x0] =	vst.add.f32.msk $0xffff, v0  }
0x182: {  	v0 =	vld [tilespmem:s31+$0x4E0]  }
0x183: {  	[tilespmem:s26+$0x0] =	vst.add.f32.msk $0xffff, v3  }
0x184: {  	s24 =	sor.u32 $0x100B0, s0;
	v3 =	vld [tilespmem:s0+$0x30]  }
0x185: {  	[tilespmem:s24+$0x0] =	vst.add.f32.msk $0xffff, v1  }
0x186: {  	s24 =	sor.u32 $0x104E0, s31;
	v1 =	vld [tilespmem:s0+$0xC0]  }
0x187: {  	[tilespmem:s24+$0x0] =	vst.add.f32.msk $0xffff, v0  }
0x188: {  	v0 =	vld [tilespmem:s31+$0x4F0]  }
0x189: {  	[tilespmem:s22+$0x0] =	vst.add.f32.msk $0xffff, v3  }
0x18a: {  	s22 =	sor.u32 $0x100C0, s0;
	v3 =	vld [tilespmem:s0+$0x40]  }
0x18b: {  	[tilespmem:s22+$0x0] =	vst.add.f32.msk $0xffff, v1  }
0x18c: {  	s22 =	sor.u32 $0x104F0, s31;
	v1 =	vld [tilespmem:s0+$0xD0]  }
0x18d: {  	[tilespmem:s22+$0x0] =	vst.add.f32.msk $0xffff, v0  }
0x18e: {  	[tilespmem:s8+$0x0] =	vst.add.f32.msk $0xffff, v4;
	s8 =	smov.u32 s23  }
0x18f: {  	[tilespmem:s21+$0x0] =	vst.add.f32.msk $0xffff, v3  }
0x190: {  	s21 =	sor.u32 $0x100D0, s0;
	v0 =	vld [tilespmem:s0+$0x50]  }
0x191: {  	[tilespmem:s21+$0x0] =	vst.add.f32.msk $0xffff, v1  }
0x192: {  	v1 =	vld [tilespmem:s0+$0xE0]  }
0x193: {  	v3 =	vld [tilespmem:s31+$0x430]  }
0x194: {  	[tilespmem:s1+$0x0] =	vst.add.f32.msk $0xffff, v2;
	s1 =	smov.u32 s3;
	s3 =	smov.u32 s2  }
0x195: {  	[tilespmem:s19+$0x0] =	vst.add.f32.msk $0xffff, v0  }
0x196: {  	s2 =	sor.u32 $0x100E0, s0;
	v0 =	vld [tilespmem:s0+$0x60]  }
0x197: {  	[tilespmem:s2+$0x0] =	vst.add.f32.msk $0xffff, v1  }
0x198: {  	v1 =	vld [tilespmem:s0+$0xF0]  }
0x199: {  	[tilespmem:s7+$0x0] =	vst.add.f32.msk $0xffff, v3;
	s7 =	smov.u32 s20  }
0x19a: {  	v2 =	vld [tilespmem:s31+$0x440]  }
0x19b: {  	[tilespmem:s17+$0x0] =	vst.add.f32.msk $0xffff, v0  }
0x19c: {  	s2 =	sor.u32 $0x100F0, s0;
	v0 =	vld [tilespmem:s0+$0x70]  }
0x19d: {  	[tilespmem:s2+$0x0] =	vst.add.f32.msk $0xffff, v1  }
0x19e: {  	v1 =	vld [tilespmem:s0+$0x480]  }
0x19f: {  	[tilespmem:s6+$0x0] =	vst.add.f32.msk $0xffff, v2;
	s6 =	smov.u32 s18  }
0x1a0: {  	v2 =	vld [tilespmem:s31+$0x450]  }
0x1a1: {  	[tilespmem:s15+$0x0] =	vst.add.f32.msk $0xffff, v0  }
0x1a2: {  	s2 =	sor.u32 $0x10480, s0;
	v0 =	vld [tilespmem:s0+$0x400]  }
0x1a3: {  	[tilespmem:s2+$0x0] =	vst.add.f32.msk $0xffff, v1  }
0x1a4: {  	v3 =	vld [tilespmem:s0+$0x490]  }
0x1a5: {  	[tilespmem:s5+$0x0] =	vst.add.f32.msk $0xffff, v2;
	s5 =	smov.u32 s16  }
0x1a6: {  	v2 =	vld [tilespmem:s31+$0x460]  }
.Ltmp1:
0x1a7: {  	[tilespmem:s14+$0x0] =	vst.add.f32.msk $0xffff, v0;
	(pc) =	sbr.rel @p0 .LBB2_4-.Ltmp1, $4  }
0x1a8: {  	s2 =	sor.u32 $0x10490, s0;
	v1 =	vld [tilespmem:s0+$0x410]  }
0x1a9: {  	[tilespmem:s2+$0x0] =	vst.add.f32.msk $0xffff, v3  }
0x1aa: {  	v0 =	vld [tilespmem:s0+$0x4A0]  }
0x1ab: {  	s10 =	sadd.s32 $0x100, s10;
	s11 =	sadd.s32 $0x200, s11;
	[tilespmem:s4+$0x0] =	vst.add.f32.msk $0xffff, v2;
	s4 =	smov.u32 s13  }
0x1ac: {  	_ = 	snop  }
0x1ad: {  	[tilespmem:s12+$0x0] =	vst.add.f32.msk $0xffff, v1  }
0x1ae: {  	v1 =	vld [tilespmem:s0+$0x420];
	_ =	sdelay $0x1  }
0x1af: {  	s2 =	sor.u32 $0x104A0, s0  }
0x1b0: {  	[tilespmem:s2+$0x0] =	vst.add.f32.msk $0xffff, v0  }
0x1b1: {  	v0 =	vld [tilespmem:s0+$0x4B0]  }
0x1b2: {  	[tilespmem:s8+$0x0] =	vst.add.f32.msk $0xffff, v1  }
0x1b3: {  	v1 =	vld [tilespmem:s0+$0x430];
	_ =	sdelay $0x1  }
0x1b4: {  	s18 =	sor.u32 $0x104B0, s0  }
0x1b5: {  	[tilespmem:s18+$0x0] =	vst.add.f32.msk $0xffff, v0  }
0x1b6: {  	v0 =	vld [tilespmem:s0+$0x4C0]  }
0x1b7: {  	[tilespmem:s7+$0x0] =	vst.add.f32.msk $0xffff, v1  }
0x1b8: {  	v1 =	vld [tilespmem:s0+$0x440];
	_ =	sdelay $0x1  }
0x1b9: {  	s19 =	sor.u32 $0x104C0, s0  }
0x1ba: {  	[tilespmem:s19+$0x0] =	vst.add.f32.msk $0xffff, v0  }
0x1bb: {  	v0 =	vld [tilespmem:s0+$0x4D0]  }
0x1bc: {  	[tilespmem:s6+$0x0] =	vst.add.f32.msk $0xffff, v1  }
0x1bd: {  	v1 =	vld [tilespmem:s0+$0x450];
	_ =	sdelay $0x1  }
0x1be: {  	s20 =	sor.u32 $0x104D0, s0  }
0x1bf: {  	[tilespmem:s20+$0x0] =	vst.add.f32.msk $0xffff, v0  }
0x1c0: {  	v0 =	vld [tilespmem:s0+$0x4E0]  }
0x1c1: {  	[tilespmem:s5+$0x0] =	vst.add.f32.msk $0xffff, v1  }
0x1c2: {  	v1 =	vld [tilespmem:s0+$0x460];
	_ =	sdelay $0x1  }
0x1c3: {  	v2 =	vld [tilespmem:s31+$0x470];
	s21 =	sor.u32 $0x104E0, s0  }
0x1c4: {  	[tilespmem:s21+$0x0] =	vst.add.f32.msk $0xffff, v0  }
0x1c5: {  	v0 =	vld [tilespmem:s0+$0x4F0]  }
0x1c6: {  	[tilespmem:s4+$0x0] =	vst.add.f32.msk $0xffff, v1  }
0x1c7: {  	v1 =	vld [tilespmem:s0+$0x470];
	_ =	sdelay $0x2  }
0x1c8: {  	s22 =	sor.u32 $0x104F0, s0;
	[tilespmem:s1+$0x0] =	vst.add.f32.msk $0xffff, v2  }
0x1c9: {  	[tilespmem:s22+$0x0] =	vst.add.f32.msk $0xffff, v0  }
0x1ca: {  	[tilespmem:s3+$0x0] =	vst.add.f32.msk $0xffff, v1  }
0x1cb: {  	s23 =	simm.s32 $0x0;
	s24 =	simm.s32 $0x5;
	s1 =	rddreg [dreg:$0x9]  }
0x1cc: {  	[hbm4b:s1+s23] =	stream.linear.scatter [tilespmem:s29], [sflag:$0x5], $0x8000, $0x38;
	[tilespmem:$0x18000] =	vst v63  }
0x1cd: {  	_ =	swait.ge [sflag:s24], $0x8000  }
0x1ce: {  	[sflag:s24] =	ssyncset.done $0x0  }
0x1cf: {  	s26 =	simm.s32 $0x2;
	s25 =	rddreg [dreg:$0xa];
	[sflag:s24] =	ssyncadd.s32 $0xFFFF8000  }
0x1d0: {  	[tilespmem:s29], [sflag:$0x3] =	stream.linear.gather [hbm4b:s25+s23], $0x8000, $0x38;
	[tilespmem:$0x18000] =	vst v63  }
0x1d1: {  	_ =	swait.ge [sflag:s26], $0x8000  }
0x1d2: {  	s28 =	sand.u32 $0x7800, s23;
	s0 =	sand.u32 $0x300, s23;
	[sflag:s26] =	ssyncset.done $0x0  }
0x1d3: {  	s31 =	sor.u32 s0, s28;
	[sflag:s26] =	ssyncadd.s32 $0xFFFF8000  }
0x1d4: {  	v0 =	vld [tilespmem:s31+$0x80];
	_ =	sdelay $0x3  }
0x1d5: {  	s0 =	sor.u32 $0x8080, s31;
	v1 =	vld [tilespmem:s31+$0x0]  }
0x1d6: {  	[tilespmem:s0+$0x0] =	vst.add.f32.msk $0xffff, v0  }
0x1d7: {  	v0 =	vld [tilespmem:s31+$0x90];
	_ =	sdelay $0x1  }
0x1d8: {  	s4 =	sor.u32 $0x8000, s31  }
0x1d9: {  	[tilespmem:s4+$0x0] =	vst.add.f32.msk $0xffff, v1  }
0x1da: {  	s3 =	sor.u32 $0x8090, s31;
	v1 =	vld [tilespmem:s31+$0x10]  }
0x1db: {  	[tilespmem:s3+$0x0] =	vst.add.f32.msk $0xffff, v0  }
0x1dc: {  	v0 =	vld [tilespmem:s31+$0xA0];
	_ =	sdelay $0x1  }
0x1dd: {  	s6 =	sor.u32 $0x8010, s31  }
0x1de: {  	[tilespmem:s6+$0x0] =	vst.add.f32.msk $0xffff, v1  }
0x1df: {  	s5 =	sor.u32 $0x80A0, s31;
	v1 =	vld [tilespmem:s31+$0x20]  }
0x1e0: {  	[tilespmem:s5+$0x0] =	vst.add.f32.msk $0xffff, v0  }
0x1e1: {  	v0 =	vld [tilespmem:s31+$0xB0];
	_ =	sdelay $0x1  }
0x1e2: {  	s8 =	sor.u32 $0x8020, s31  }
0x1e3: {  	[tilespmem:s8+$0x0] =	vst.add.f32.msk $0xffff, v1  }
0x1e4: {  	s7 =	sor.u32 $0x80B0, s31;
	v1 =	vld [tilespmem:s31+$0x30]  }
0x1e5: {  	[tilespmem:s7+$0x0] =	vst.add.f32.msk $0xffff, v0  }
0x1e6: {  	v0 =	vld [tilespmem:s31+$0xC0];
	_ =	sdelay $0x1  }
0x1e7: {  	s10 =	sor.u32 $0x8030, s31  }
0x1e8: {  	[tilespmem:s10+$0x0] =	vst.add.f32.msk $0xffff, v1  }
0x1e9: {  	s9 =	sor.u32 $0x80C0, s31;
	v1 =	vld [tilespmem:s31+$0x40]  }
0x1ea: {  	[tilespmem:s9+$0x0] =	vst.add.f32.msk $0xffff, v0  }
0x1eb: {  	v0 =	vld [tilespmem:s31+$0xD0];
	_ =	sdelay $0x1  }
0x1ec: {  	s12 =	sor.u32 $0x8040, s31  }
0x1ed: {  	[tilespmem:s12+$0x0] =	vst.add.f32.msk $0xffff, v1  }
0x1ee: {  	s11 =	sor.u32 $0x80D0, s31;
	v1 =	vld [tilespmem:s31+$0x50]  }
0x1ef: {  	[tilespmem:s11+$0x0] =	vst.add.f32.msk $0xffff, v0  }
0x1f0: {  	v0 =	vld [tilespmem:s31+$0xE0];
	_ =	sdelay $0x1  }
0x1f1: {  	s14 =	sor.u32 $0x8050, s31  }
0x1f2: {  	[tilespmem:s14+$0x0] =	vst.add.f32.msk $0xffff, v1  }
0x1f3: {  	s13 =	sor.u32 $0x80E0, s31;
	v1 =	vld [tilespmem:s31+$0x60]  }
0x1f4: {  	[tilespmem:s13+$0x0] =	vst.add.f32.msk $0xffff, v0  }
0x1f5: {  	v0 =	vld [tilespmem:s31+$0xF0];
	_ =	sdelay $0x1  }
0x1f6: {  	s16 =	sor.u32 $0x8060, s31  }
0x1f7: {  	[tilespmem:s16+$0x0] =	vst.add.f32.msk $0xffff, v1  }
0x1f8: {  	s15 =	sor.u32 $0x80F0, s31;
	v1 =	vld [tilespmem:s31+$0x70]  }
0x1f9: {  	[tilespmem:s15+$0x0] =	vst.add.f32.msk $0xffff, v0  }
0x1fa: {  	v0 =	vld [tilespmem:s31+$0x480];
	_ =	sdelay $0x1  }
0x1fb: {  	s18 =	sor.u32 $0x8070, s31  }
0x1fc: {  	[tilespmem:s18+$0x0] =	vst.add.f32.msk $0xffff, v1  }
0x1fd: {  	s17 =	sor.u32 $0x8480, s31;
	v1 =	vld [tilespmem:s31+$0x400]  }
0x1fe: {  	[tilespmem:s17+$0x0] =	vst.add.f32.msk $0xffff, v0  }
0x1ff: {  	v0 =	vld [tilespmem:s31+$0x490];
	_ =	sdelay $0x1  }
0x200: {  	s20 =	sor.u32 $0x8400, s31  }
0x201: {  	[tilespmem:s20+$0x0] =	vst.add.f32.msk $0xffff, v1  }
0x202: {  	s19 =	sor.u32 $0x8490, s31;
	v1 =	vld [tilespmem:s31+$0x410]  }
0x203: {  	s21 =	simm.s32 $0x100;
	s22 =	simm.s32 $0x200;
	[tilespmem:s19+$0x0] =	vst.add.f32.msk $0xffff, v0  }
0x204: {  	s1 =	sand.u32 $0x7800, s22;
	s0 =	sand.u32 $0x300, s21;
	v0 =	vld [tilespmem:s31+$0x4A0]  }
0x205: {  	s0 =	sor.u32 s0, s1  }
0x206: {  	s24 =	sor.u32 $0x8410, s31;
	v2 =	vld [tilespmem:s0+$0x80]  }
0x207: {  	[tilespmem:s24+$0x0] =	vst.add.f32.msk $0xffff, v1  }
0x208: {  	s23 =	sor.u32 $0x84A0, s31;
	v1 =	vld [tilespmem:s0+$0x0]  }
0x209: {  	[tilespmem:s23+$0x0] =	vst.add.f32.msk $0xffff, v0  }
0x20a: {  	s25 =	sor.u32 $0x8080, s0;
	v0 =	vld [tilespmem:s31+$0x4B0]  }
0x20b: {  	[tilespmem:s25+$0x0] =	vst.add.f32.msk $0xffff, v2  }
0x20c: {  	s28 =	sor.u32 $0x8000, s0;
	v2 =	vld [tilespmem:s0+$0x90]  }
0x20d: {  	[tilespmem:s28+$0x0] =	vst.add.f32.msk $0xffff, v1  }
0x20e: {  	s26 =	sor.u32 $0x84B0, s31;
	v1 =	vld [tilespmem:s0+$0x10]  }
0x20f: {  	[tilespmem:s26+$0x0] =	vst.add.f32.msk $0xffff, v0  }
0x210: {  	s2 =	sor.u32 $0x8090, s0;
	v0 =	vld [tilespmem:s31+$0x4C0]  }
0x211: {  	[tilespmem:s2+$0x0] =	vst.add.f32.msk $0xffff, v2  }
0x212: {  	s4 =	sor.u32 $0x8010, s0;
	v2 =	vld [tilespmem:s0+$0xA0]  }
0x213: {  	[tilespmem:s4+$0x0] =	vst.add.f32.msk $0xffff, v1  }
0x214: {  	s3 =	sor.u32 $0x84C0, s31;
	v1 =	vld [tilespmem:s0+$0x20]  }
0x215: {  	[tilespmem:s3+$0x0] =	vst.add.f32.msk $0xffff, v0  }
0x216: {  	s5 =	sor.u32 $0x80A0, s0;
	v0 =	vld [tilespmem:s31+$0x4D0]  }
0x217: {  	[tilespmem:s5+$0x0] =	vst.add.f32.msk $0xffff, v2  }
0x218: {  	s7 =	sor.u32 $0x8020, s0;
	v2 =	vld [tilespmem:s0+$0xB0]  }
0x219: {  	[tilespmem:s7+$0x0] =	vst.add.f32.msk $0xffff, v1  }
0x21a: {  	s6 =	sor.u32 $0x84D0, s31;
	v1 =	vld [tilespmem:s0+$0x30]  }
0x21b: {  	[tilespmem:s6+$0x0] =	vst.add.f32.msk $0xffff, v0  }
0x21c: {  	s8 =	sor.u32 $0x80B0, s0;
	v0 =	vld [tilespmem:s31+$0x4E0]  }
0x21d: {  	[tilespmem:s8+$0x0] =	vst.add.f32.msk $0xffff, v2  }
0x21e: {  	s10 =	sor.u32 $0x8030, s0;
	v2 =	vld [tilespmem:s0+$0xC0]  }
0x21f: {  	[tilespmem:s10+$0x0] =	vst.add.f32.msk $0xffff, v1  }
0x220: {  	s9 =	sor.u32 $0x84E0, s31;
	v1 =	vld [tilespmem:s0+$0x40]  }
0x221: {  	[tilespmem:s9+$0x0] =	vst.add.f32.msk $0xffff, v0  }
0x222: {  	s11 =	sor.u32 $0x80C0, s0;
	v0 =	vld [tilespmem:s31+$0x4F0]  }
0x223: {  	[tilespmem:s11+$0x0] =	vst.add.f32.msk $0xffff, v2  }
0x224: {  	v2 =	vld [tilespmem:s0+$0xD0]  }
0x225: {  	s13 =	sor.u32 $0x8040, s0;
	v3 =	vld [tilespmem:s31+$0x420]  }
0x226: {  	s12 =	sor.u32 $0x84F0, s31;
	[tilespmem:s13+$0x0] =	vst.add.f32.msk $0xffff, v1  }
0x227: {  	[tilespmem:s12+$0x0] =	vst.add.f32.msk $0xffff, v0  }
0x228: {  	s14 =	sor.u32 $0x80D0, s0;
	v0 =	vld [tilespmem:s0+$0x50]  }
0x229: {  	[tilespmem:s14+$0x0] =	vst.add.f32.msk $0xffff, v2  }
0x22a: {  	s15 =	sor.u32 $0x8420, s31;
	v1 =	vld [tilespmem:s0+$0xE0]  }
0x22b: {  	[tilespmem:s15+$0x0] =	vst.add.f32.msk $0xffff, v3  }
0x22c: {  	s16 =	sor.u32 $0x8050, s0;
	v2 =	vld [tilespmem:s31+$0x430]  }
0x22d: {  	[tilespmem:s16+$0x0] =	vst.add.f32.msk $0xffff, v0  }
0x22e: {  	s17 =	sor.u32 $0x80E0, s0;
	v0 =	vld [tilespmem:s0+$0x60]  }
0x22f: {  	[tilespmem:s17+$0x0] =	vst.add.f32.msk $0xffff, v1  }
0x230: {  	s18 =	sor.u32 $0x8430, s31;
	v1 =	vld [tilespmem:s0+$0xF0]  }
0x231: {  	[tilespmem:s18+$0x0] =	vst.add.f32.msk $0xffff, v2  }
0x232: {  	s19 =	sor.u32 $0x8060, s0;
	v2 =	vld [tilespmem:s31+$0x440]  }
0x233: {  	[tilespmem:s19+$0x0] =	vst.add.f32.msk $0xffff, v0  }
0x234: {  	s20 =	sor.u32 $0x80F0, s0;
	v0 =	vld [tilespmem:s0+$0x70]  }
0x235: {  	[tilespmem:s20+$0x0] =	vst.add.f32.msk $0xffff, v1  }
0x236: {  	s21 =	sor.u32 $0x8440, s31;
	v1 =	vld [tilespmem:s0+$0x480]  }
0x237: {  	[tilespmem:s21+$0x0] =	vst.add.f32.msk $0xffff, v2  }
0x238: {  	s22 =	sor.u32 $0x8070, s0;
	v2 =	vld [tilespmem:s31+$0x450]  }
0x239: {  	[tilespmem:s22+$0x0] =	vst.add.f32.msk $0xffff, v0  }
0x23a: {  	s23 =	sor.u32 $0x8480, s0;
	v0 =	vld [tilespmem:s0+$0x400]  }
0x23b: {  	[tilespmem:s23+$0x0] =	vst.add.f32.msk $0xffff, v1  }
0x23c: {  	s24 =	sor.u32 $0x8450, s31;
	v3 =	vld [tilespmem:s0+$0x490]  }
0x23d: {  	[tilespmem:s24+$0x0] =	vst.add.f32.msk $0xffff, v2  }
0x23e: {  	s25 =	sor.u32 $0x8400, s0;
	v2 =	vld [tilespmem:s31+$0x460]  }
0x23f: {  	s1 =	sor.u32 $0x8470, s31;
	[tilespmem:s25+$0x0] =	vst.add.f32.msk $0xffff, v0  }
0x240: {  	s5 =	sor.u32 $0x8450, s0;
	s8 =	sor.u32 $0x8420, s0;
	s28 =	sor.u32 $0x8490, s0;
	v1 =	vld [tilespmem:s0+$0x410]  }
0x241: {  	s11 =	simm.s32 $0x400;
	s4 =	sor.u32 $0x8460, s0;
	s26 =	sor.u32 $0x8460, s31;
	[tilespmem:s28+$0x0] =	vst.add.f32.msk $0xffff, v3  }
0x242: {  	s7 =	sor.u32 $0x8430, s0;
	s3 =	sor.u32 $0x8470, s0;
	s10 =	simm.s32 $0x200;
	v0 =	vld [tilespmem:s0+$0x4A0]  }
0x243: {  	s6 =	sor.u32 $0x8440, s0;
	s9 =	simm.s32 $0x2;
	[tilespmem:s26+$0x0] =	vst.add.f32.msk $0xffff, v2;
	s12 =	sor.u32 $0x8410, s0  }
.LBB2_6:
0x244: {  	s2 =	sand.u32 $0x7800, s11;
	s13 =	sand.u32 $0x300, s10;
	s9 =	sadd.s32 $0x2, s9;
	v2 =	vld [tilespmem:s31+$0x470]  }
0x245: {  	s31 =	smov.u32 s0;
	p0 =	slt.u32 s9, $0x7E;
	[tilespmem:s12+$0x0] =	vst.add.f32.msk $0xffff, v1;
	s0 =	sor.u32 s13, s2  }
0x246: {  	s2 =	sor.u32 $0x84A0, s31;
	s24 =	sor.u32 $0x8000, s0;
	s25 =	sor.u32 $0x8010, s0;
	v1 =	vld [tilespmem:s0+$0x80]  }
0x247: {  	s26 =	sor.u32 $0x8020, s0;
	s22 =	sor.u32 $0x8030, s0;
	s21 =	sor.u32 $0x8040, s0;
	[tilespmem:s2+$0x0] =	vst.add.f32.msk $0xffff, v0  }
0x248: {  	s19 =	sor.u32 $0x8050, s0;
	s17 =	sor.u32 $0x8060, s0;
	s15 =	sor.u32 $0x8070, s0;
	v0 =	vld [tilespmem:s31+$0x4B0]  }
0x249: {  	s14 =	sor.u32 $0x8400, s0;
	s12 =	sor.u32 $0x8410, s0;
	s23 =	sor.u32 $0x8420, s0;
	v3 =	vld [tilespmem:s0+$0x0]  }
0x24a: {  	s20 =	sor.u32 $0x8430, s0;
	s18 =	sor.u32 $0x8440, s0;
	s28 =	sor.u32 $0x8080, s0;
	v4 =	vld [tilespmem:s31+$0x420]  }
0x24b: {  	s16 =	sor.u32 $0x8450, s0;
	s13 =	sor.u32 $0x8460, s0;
	s2 =	sor.u32 $0x8470, s0;
	[tilespmem:s28+$0x0] =	vst.add.f32.msk $0xffff, v1  }
0x24c: {  	s28 =	sor.u32 $0x84B0, s31;
	v1 =	vld [tilespmem:s0+$0x90]  }
0x24d: {  	[tilespmem:s28+$0x0] =	vst.add.f32.msk $0xffff, v0  }
0x24e: {  	v0 =	vld [tilespmem:s31+$0x4C0]  }
0x24f: {  	[tilespmem:s24+$0x0] =	vst.add.f32.msk $0xffff, v3  }
0x250: {  	s24 =	sor.u32 $0x8090, s0;
	v3 =	vld [tilespmem:s0+$0x10]  }
0x251: {  	[tilespmem:s24+$0x0] =	vst.add.f32.msk $0xffff, v1  }
0x252: {  	s24 =	sor.u32 $0x84C0, s31;
	v1 =	vld [tilespmem:s0+$0xA0]  }
0x253: {  	[tilespmem:s24+$0x0] =	vst.add.f32.msk $0xffff, v0  }
0x254: {  	v0 =	vld [tilespmem:s31+$0x4D0]  }
0x255: {  	[tilespmem:s25+$0x0] =	vst.add.f32.msk $0xffff, v3  }
0x256: {  	s24 =	sor.u32 $0x80A0, s0;
	v3 =	vld [tilespmem:s0+$0x20]  }
0x257: {  	[tilespmem:s24+$0x0] =	vst.add.f32.msk $0xffff, v1  }
0x258: {  	s24 =	sor.u32 $0x84D0, s31;
	v1 =	vld [tilespmem:s0+$0xB0]  }
0x259: {  	[tilespmem:s24+$0x0] =	vst.add.f32.msk $0xffff, v0  }
0x25a: {  	v0 =	vld [tilespmem:s31+$0x4E0]  }
0x25b: {  	[tilespmem:s26+$0x0] =	vst.add.f32.msk $0xffff, v3  }
0x25c: {  	s24 =	sor.u32 $0x80B0, s0;
	v3 =	vld [tilespmem:s0+$0x30]  }
0x25d: {  	[tilespmem:s24+$0x0] =	vst.add.f32.msk $0xffff, v1  }
0x25e: {  	s24 =	sor.u32 $0x84E0, s31;
	v1 =	vld [tilespmem:s0+$0xC0]  }
0x25f: {  	[tilespmem:s24+$0x0] =	vst.add.f32.msk $0xffff, v0  }
0x260: {  	v0 =	vld [tilespmem:s31+$0x4F0]  }
0x261: {  	[tilespmem:s22+$0x0] =	vst.add.f32.msk $0xffff, v3  }
0x262: {  	s22 =	sor.u32 $0x80C0, s0;
	v3 =	vld [tilespmem:s0+$0x40]  }
0x263: {  	[tilespmem:s22+$0x0] =	vst.add.f32.msk $0xffff, v1  }
0x264: {  	s22 =	sor.u32 $0x84F0, s31;
	v1 =	vld [tilespmem:s0+$0xD0]  }
0x265: {  	[tilespmem:s22+$0x0] =	vst.add.f32.msk $0xffff, v0  }
0x266: {  	[tilespmem:s8+$0x0] =	vst.add.f32.msk $0xffff, v4;
	s8 =	smov.u32 s23  }
0x267: {  	[tilespmem:s21+$0x0] =	vst.add.f32.msk $0xffff, v3  }
0x268: {  	s21 =	sor.u32 $0x80D0, s0;
	v0 =	vld [tilespmem:s0+$0x50]  }
0x269: {  	[tilespmem:s21+$0x0] =	vst.add.f32.msk $0xffff, v1  }
0x26a: {  	v1 =	vld [tilespmem:s0+$0xE0]  }
0x26b: {  	v3 =	vld [tilespmem:s31+$0x430]  }
0x26c: {  	[tilespmem:s1+$0x0] =	vst.add.f32.msk $0xffff, v2;
	s1 =	smov.u32 s3;
	s3 =	smov.u32 s2  }
0x26d: {  	[tilespmem:s19+$0x0] =	vst.add.f32.msk $0xffff, v0  }
0x26e: {  	s2 =	sor.u32 $0x80E0, s0;
	v0 =	vld [tilespmem:s0+$0x60]  }
0x26f: {  	[tilespmem:s2+$0x0] =	vst.add.f32.msk $0xffff, v1  }
0x270: {  	v1 =	vld [tilespmem:s0+$0xF0]  }
0x271: {  	[tilespmem:s7+$0x0] =	vst.add.f32.msk $0xffff, v3;
	s7 =	smov.u32 s20  }
0x272: {  	v2 =	vld [tilespmem:s31+$0x440]  }
0x273: {  	[tilespmem:s17+$0x0] =	vst.add.f32.msk $0xffff, v0  }
0x274: {  	s2 =	sor.u32 $0x80F0, s0;
	v0 =	vld [tilespmem:s0+$0x70]  }
0x275: {  	[tilespmem:s2+$0x0] =	vst.add.f32.msk $0xffff, v1  }
0x276: {  	v1 =	vld [tilespmem:s0+$0x480]  }
0x277: {  	[tilespmem:s6+$0x0] =	vst.add.f32.msk $0xffff, v2;
	s6 =	smov.u32 s18  }
0x278: {  	v2 =	vld [tilespmem:s31+$0x450]  }
0x279: {  	[tilespmem:s15+$0x0] =	vst.add.f32.msk $0xffff, v0  }
0x27a: {  	s2 =	sor.u32 $0x8480, s0;
	v0 =	vld [tilespmem:s0+$0x400]  }
0x27b: {  	[tilespmem:s2+$0x0] =	vst.add.f32.msk $0xffff, v1  }
0x27c: {  	v3 =	vld [tilespmem:s0+$0x490]  }
0x27d: {  	[tilespmem:s5+$0x0] =	vst.add.f32.msk $0xffff, v2;
	s5 =	smov.u32 s16  }
0x27e: {  	v2 =	vld [tilespmem:s31+$0x460]  }
.Ltmp2:
0x27f: {  	[tilespmem:s14+$0x0] =	vst.add.f32.msk $0xffff, v0;
	(pc) =	sbr.rel @p0 .LBB2_6-.Ltmp2, $4  }
0x280: {  	s2 =	sor.u32 $0x8490, s0;
	v1 =	vld [tilespmem:s0+$0x410]  }
0x281: {  	[tilespmem:s2+$0x0] =	vst.add.f32.msk $0xffff, v3  }
0x282: {  	v0 =	vld [tilespmem:s0+$0x4A0]  }
0x283: {  	s10 =	sadd.s32 $0x100, s10;
	s11 =	sadd.s32 $0x200, s11;
	[tilespmem:s4+$0x0] =	vst.add.f32.msk $0xffff, v2;
	s4 =	smov.u32 s13  }
0x284: {  	_ = 	snop  }
0x285: {  	[tilespmem:s12+$0x0] =	vst.add.f32.msk $0xffff, v1  }
0x286: {  	v1 =	vld [tilespmem:s0+$0x420];
	_ =	sdelay $0x1  }
0x287: {  	s2 =	sor.u32 $0x84A0, s0  }
0x288: {  	[tilespmem:s2+$0x0] =	vst.add.f32.msk $0xffff, v0  }
0x289: {  	v0 =	vld [tilespmem:s0+$0x4B0]  }
0x28a: {  	[tilespmem:s8+$0x0] =	vst.add.f32.msk $0xffff, v1  }
0x28b: {  	v1 =	vld [tilespmem:s0+$0x430];
	_ =	sdelay $0x1  }
0x28c: {  	s17 =	sor.u32 $0x84B0, s0  }
0x28d: {  	[tilespmem:s17+$0x0] =	vst.add.f32.msk $0xffff, v0  }
0x28e: {  	v0 =	vld [tilespmem:s0+$0x4C0]  }
0x28f: {  	[tilespmem:s7+$0x0] =	vst.add.f32.msk $0xffff, v1  }
0x290: {  	v1 =	vld [tilespmem:s0+$0x440];
	_ =	sdelay $0x1  }
0x291: {  	s18 =	sor.u32 $0x84C0, s0  }
0x292: {  	[tilespmem:s18+$0x0] =	vst.add.f32.msk $0xffff, v0  }
0x293: {  	v0 =	vld [tilespmem:s0+$0x4D0]  }
0x294: {  	[tilespmem:s6+$0x0] =	vst.add.f32.msk $0xffff, v1  }
0x295: {  	v1 =	vld [tilespmem:s0+$0x450];
	_ =	sdelay $0x1  }
0x296: {  	s19 =	sor.u32 $0x84D0, s0  }
0x297: {  	[tilespmem:s19+$0x0] =	vst.add.f32.msk $0xffff, v0  }
0x298: {  	v0 =	vld [tilespmem:s0+$0x4E0]  }
0x299: {  	[tilespmem:s5+$0x0] =	vst.add.f32.msk $0xffff, v1  }
0x29a: {  	v1 =	vld [tilespmem:s0+$0x460];
	_ =	sdelay $0x1  }
0x29b: {  	v2 =	vld [tilespmem:s31+$0x470];
	s20 =	sor.u32 $0x84E0, s0  }
0x29c: {  	[tilespmem:s20+$0x0] =	vst.add.f32.msk $0xffff, v0  }
0x29d: {  	v0 =	vld [tilespmem:s0+$0x4F0]  }
0x29e: {  	[tilespmem:s4+$0x0] =	vst.add.f32.msk $0xffff, v1  }
0x29f: {  	v1 =	vld [tilespmem:s0+$0x470];
	_ =	sdelay $0x2  }
0x2a0: {  	s21 =	sor.u32 $0x84F0, s0;
	[tilespmem:s1+$0x0] =	vst.add.f32.msk $0xffff, v2  }
0x2a1: {  	[tilespmem:s21+$0x0] =	vst.add.f32.msk $0xffff, v0  }
0x2a2: {  	s22 =	simm.s32 $0x0;
	[tilespmem:s3+$0x0] =	vst.add.f32.msk $0xffff, v1  }
0x2a3: {  	s23 =	simm.s32 $0x8000;
	s24 =	simm.s32 $0x4;
	s1 =	rddreg [dreg:$0xb]  }
0x2a4: {  	[hbm4b:s1+s22] =	stream.linear.scatter [tilespmem:s23], [sflag:$0x4], $0x8000, $0x38;
	[tilespmem:$0x18000] =	vst v63  }
0x2a5: {  	_ =	swait.ge [sflag:s24], $0x8000  }
0x2a6: {  	[sflag:s24] =	ssyncset.done $0x0  }
0x2a7: {  	s26 =	simm.s32 $0x3;
	s25 =	rddreg [dreg:$0xc];
	[sflag:s24] =	ssyncadd.s32 $0xFFFF8000  }
0x2a8: {  	[tilespmem:s23], [sflag:$0x2] =	stream.linear.gather [hbm4b:s25+s22], $0x8000, $0x38;
	[tilespmem:$0x18000] =	vst v63  }
0x2a9: {  	_ =	swait.ge [sflag:s26], $0x8000  }
0x2aa: {  	s28 =	sand.u32 $0x7800, s22;
	s0 =	sand.u32 $0x300, s22;
	[sflag:s26] =	ssyncset.done $0x0  }
0x2ab: {  	s31 =	sor.u32 s0, s28;
	[sflag:s26] =	ssyncadd.s32 $0xFFFF8000  }
0x2ac: {  	v0 =	vld [tilespmem:s31+$0x80];
	_ =	sdelay $0x3  }
0x2ad: {  	s0 =	sor.u32 $0x10080, s31;
	v1 =	vld [tilespmem:s31+$0x0]  }
0x2ae: {  	[tilespmem:s0+$0x0] =	vst.add.f32.msk $0xffff, v0  }
0x2af: {  	v0 =	vld [tilespmem:s31+$0x90];
	_ =	sdelay $0x1  }
0x2b0: {  	s4 =	sor.u32 $0x10000, s31  }
0x2b1: {  	[tilespmem:s4+$0x0] =	vst.add.f32.msk $0xffff, v1  }
0x2b2: {  	s3 =	sor.u32 $0x10090, s31;
	v1 =	vld [tilespmem:s31+$0x10]  }
0x2b3: {  	[tilespmem:s3+$0x0] =	vst.add.f32.msk $0xffff, v0  }
0x2b4: {  	v0 =	vld [tilespmem:s31+$0xA0];
	_ =	sdelay $0x1  }
0x2b5: {  	s6 =	sor.u32 $0x10010, s31  }
0x2b6: {  	[tilespmem:s6+$0x0] =	vst.add.f32.msk $0xffff, v1  }
0x2b7: {  	s5 =	sor.u32 $0x100A0, s31;
	v1 =	vld [tilespmem:s31+$0x20]  }
0x2b8: {  	[tilespmem:s5+$0x0] =	vst.add.f32.msk $0xffff, v0  }
0x2b9: {  	v0 =	vld [tilespmem:s31+$0xB0];
	_ =	sdelay $0x1  }
0x2ba: {  	s8 =	sor.u32 $0x10020, s31  }
0x2bb: {  	[tilespmem:s8+$0x0] =	vst.add.f32.msk $0xffff, v1  }
0x2bc: {  	s7 =	sor.u32 $0x100B0, s31;
	v1 =	vld [tilespmem:s31+$0x30]  }
0x2bd: {  	[tilespmem:s7+$0x0] =	vst.add.f32.msk $0xffff, v0  }
0x2be: {  	v0 =	vld [tilespmem:s31+$0xC0];
	_ =	sdelay $0x1  }
0x2bf: {  	s10 =	sor.u32 $0x10030, s31  }
0x2c0: {  	[tilespmem:s10+$0x0] =	vst.add.f32.msk $0xffff, v1  }
0x2c1: {  	s9 =	sor.u32 $0x100C0, s31;
	v1 =	vld [tilespmem:s31+$0x40]  }
0x2c2: {  	[tilespmem:s9+$0x0] =	vst.add.f32.msk $0xffff, v0  }
0x2c3: {  	v0 =	vld [tilespmem:s31+$0xD0];
	_ =	sdelay $0x1  }
0x2c4: {  	s12 =	sor.u32 $0x10040, s31  }
0x2c5: {  	[tilespmem:s12+$0x0] =	vst.add.f32.msk $0xffff, v1  }
0x2c6: {  	s11 =	sor.u32 $0x100D0, s31;
	v1 =	vld [tilespmem:s31+$0x50]  }
0x2c7: {  	[tilespmem:s11+$0x0] =	vst.add.f32.msk $0xffff, v0  }
0x2c8: {  	v0 =	vld [tilespmem:s31+$0xE0];
	_ =	sdelay $0x1  }
0x2c9: {  	s14 =	sor.u32 $0x10050, s31  }
0x2ca: {  	[tilespmem:s14+$0x0] =	vst.add.f32.msk $0xffff, v1  }
0x2cb: {  	s13 =	sor.u32 $0x100E0, s31;
	v1 =	vld [tilespmem:s31+$0x60]  }
0x2cc: {  	[tilespmem:s13+$0x0] =	vst.add.f32.msk $0xffff, v0  }
0x2cd: {  	v0 =	vld [tilespmem:s31+$0xF0];
	_ =	sdelay $0x1  }
0x2ce: {  	s16 =	sor.u32 $0x10060, s31  }
0x2cf: {  	[tilespmem:s16+$0x0] =	vst.add.f32.msk $0xffff, v1  }
0x2d0: {  	s15 =	sor.u32 $0x100F0, s31;
	v1 =	vld [tilespmem:s31+$0x70]  }
0x2d1: {  	[tilespmem:s15+$0x0] =	vst.add.f32.msk $0xffff, v0  }
0x2d2: {  	v0 =	vld [tilespmem:s31+$0x480];
	_ =	sdelay $0x1  }
0x2d3: {  	s18 =	sor.u32 $0x10070, s31  }
0x2d4: {  	[tilespmem:s18+$0x0] =	vst.add.f32.msk $0xffff, v1  }
0x2d5: {  	s17 =	sor.u32 $0x10480, s31;
	v1 =	vld [tilespmem:s31+$0x400]  }
0x2d6: {  	[tilespmem:s17+$0x0] =	vst.add.f32.msk $0xffff, v0  }
0x2d7: {  	v0 =	vld [tilespmem:s31+$0x490];
	_ =	sdelay $0x1  }
0x2d8: {  	s20 =	sor.u32 $0x10400, s31  }
0x2d9: {  	[tilespmem:s20+$0x0] =	vst.add.f32.msk $0xffff, v1  }
0x2da: {  	s19 =	sor.u32 $0x10490, s31;
	v1 =	vld [tilespmem:s31+$0x410]  }
0x2db: {  	s21 =	simm.s32 $0x100;
	s22 =	simm.s32 $0x200;
	[tilespmem:s19+$0x0] =	vst.add.f32.msk $0xffff, v0  }
0x2dc: {  	s1 =	sand.u32 $0x7800, s22;
	s0 =	sand.u32 $0x300, s21;
	v0 =	vld [tilespmem:s31+$0x4A0]  }
0x2dd: {  	s0 =	sor.u32 s0, s1  }
0x2de: {  	s24 =	sor.u32 $0x10410, s31;
	v2 =	vld [tilespmem:s0+$0x80]  }
0x2df: {  	[tilespmem:s24+$0x0] =	vst.add.f32.msk $0xffff, v1  }
0x2e0: {  	s23 =	sor.u32 $0x104A0, s31;
	v1 =	vld [tilespmem:s0+$0x0]  }
0x2e1: {  	[tilespmem:s23+$0x0] =	vst.add.f32.msk $0xffff, v0  }
0x2e2: {  	s25 =	sor.u32 $0x10080, s0;
	v0 =	vld [tilespmem:s31+$0x4B0]  }
0x2e3: {  	[tilespmem:s25+$0x0] =	vst.add.f32.msk $0xffff, v2  }
0x2e4: {  	s28 =	sor.u32 $0x10000, s0;
	v2 =	vld [tilespmem:s0+$0x90]  }
0x2e5: {  	[tilespmem:s28+$0x0] =	vst.add.f32.msk $0xffff, v1  }
0x2e6: {  	s26 =	sor.u32 $0x104B0, s31;
	v1 =	vld [tilespmem:s0+$0x10]  }
0x2e7: {  	[tilespmem:s26+$0x0] =	vst.add.f32.msk $0xffff, v0  }
0x2e8: {  	s2 =	sor.u32 $0x10090, s0;
	v0 =	vld [tilespmem:s31+$0x4C0]  }
0x2e9: {  	[tilespmem:s2+$0x0] =	vst.add.f32.msk $0xffff, v2  }
0x2ea: {  	s4 =	sor.u32 $0x10010, s0;
	v2 =	vld [tilespmem:s0+$0xA0]  }
0x2eb: {  	[tilespmem:s4+$0x0] =	vst.add.f32.msk $0xffff, v1  }
0x2ec: {  	s3 =	sor.u32 $0x104C0, s31;
	v1 =	vld [tilespmem:s0+$0x20]  }
0x2ed: {  	[tilespmem:s3+$0x0] =	vst.add.f32.msk $0xffff, v0  }
0x2ee: {  	s5 =	sor.u32 $0x100A0, s0;
	v0 =	vld [tilespmem:s31+$0x4D0]  }
0x2ef: {  	[tilespmem:s5+$0x0] =	vst.add.f32.msk $0xffff, v2  }
0x2f0: {  	s7 =	sor.u32 $0x10020, s0;
	v2 =	vld [tilespmem:s0+$0xB0]  }
0x2f1: {  	[tilespmem:s7+$0x0] =	vst.add.f32.msk $0xffff, v1  }
0x2f2: {  	s6 =	sor.u32 $0x104D0, s31;
	v1 =	vld [tilespmem:s0+$0x30]  }
0x2f3: {  	[tilespmem:s6+$0x0] =	vst.add.f32.msk $0xffff, v0  }
0x2f4: {  	s8 =	sor.u32 $0x100B0, s0;
	v0 =	vld [tilespmem:s31+$0x4E0]  }
0x2f5: {  	[tilespmem:s8+$0x0] =	vst.add.f32.msk $0xffff, v2  }
0x2f6: {  	s10 =	sor.u32 $0x10030, s0;
	v2 =	vld [tilespmem:s0+$0xC0]  }
0x2f7: {  	[tilespmem:s10+$0x0] =	vst.add.f32.msk $0xffff, v1  }
0x2f8: {  	s9 =	sor.u32 $0x104E0, s31;
	v1 =	vld [tilespmem:s0+$0x40]  }
0x2f9: {  	[tilespmem:s9+$0x0] =	vst.add.f32.msk $0xffff, v0  }
0x2fa: {  	s11 =	sor.u32 $0x100C0, s0;
	v0 =	vld [tilespmem:s31+$0x4F0]  }
0x2fb: {  	[tilespmem:s11+$0x0] =	vst.add.f32.msk $0xffff, v2  }
0x2fc: {  	v2 =	vld [tilespmem:s0+$0xD0]  }
0x2fd: {  	s13 =	sor.u32 $0x10040, s0;
	v3 =	vld [tilespmem:s31+$0x420]  }
0x2fe: {  	s12 =	sor.u32 $0x104F0, s31;
	[tilespmem:s13+$0x0] =	vst.add.f32.msk $0xffff, v1  }
0x2ff: {  	[tilespmem:s12+$0x0] =	vst.add.f32.msk $0xffff, v0  }
0x300: {  	s14 =	sor.u32 $0x100D0, s0;
	v0 =	vld [tilespmem:s0+$0x50]  }
0x301: {  	[tilespmem:s14+$0x0] =	vst.add.f32.msk $0xffff, v2  }
0x302: {  	s15 =	sor.u32 $0x10420, s31;
	v1 =	vld [tilespmem:s0+$0xE0]  }
0x303: {  	[tilespmem:s15+$0x0] =	vst.add.f32.msk $0xffff, v3  }
0x304: {  	s16 =	sor.u32 $0x10050, s0;
	v2 =	vld [tilespmem:s31+$0x430]  }
0x305: {  	[tilespmem:s16+$0x0] =	vst.add.f32.msk $0xffff, v0  }
0x306: {  	s17 =	sor.u32 $0x100E0, s0;
	v0 =	vld [tilespmem:s0+$0x60]  }
0x307: {  	[tilespmem:s17+$0x0] =	vst.add.f32.msk $0xffff, v1  }
0x308: {  	s18 =	sor.u32 $0x10430, s31;
	v1 =	vld [tilespmem:s0+$0xF0]  }
0x309: {  	[tilespmem:s18+$0x0] =	vst.add.f32.msk $0xffff, v2  }
0x30a: {  	s19 =	sor.u32 $0x10060, s0;
	v2 =	vld [tilespmem:s31+$0x440]  }
0x30b: {  	[tilespmem:s19+$0x0] =	vst.add.f32.msk $0xffff, v0  }
0x30c: {  	s20 =	sor.u32 $0x100F0, s0;
	v0 =	vld [tilespmem:s0+$0x70]  }
0x30d: {  	[tilespmem:s20+$0x0] =	vst.add.f32.msk $0xffff, v1  }
0x30e: {  	s21 =	sor.u32 $0x10440, s31;
	v1 =	vld [tilespmem:s0+$0x480]  }
0x30f: {  	[tilespmem:s21+$0x0] =	vst.add.f32.msk $0xffff, v2  }
0x310: {  	s22 =	sor.u32 $0x10070, s0;
	v2 =	vld [tilespmem:s31+$0x450]  }
0x311: {  	[tilespmem:s22+$0x0] =	vst.add.f32.msk $0xffff, v0  }
0x312: {  	s23 =	sor.u32 $0x10480, s0;
	v0 =	vld [tilespmem:s0+$0x400]  }
0x313: {  	[tilespmem:s23+$0x0] =	vst.add.f32.msk $0xffff, v1  }
0x314: {  	s24 =	sor.u32 $0x10450, s31;
	v3 =	vld [tilespmem:s0+$0x490]  }
0x315: {  	[tilespmem:s24+$0x0] =	vst.add.f32.msk $0xffff, v2  }
0x316: {  	s25 =	sor.u32 $0x10400, s0;
	v2 =	vld [tilespmem:s31+$0x460]  }
0x317: {  	s1 =	sor.u32 $0x10470, s31;
	[tilespmem:s25+$0x0] =	vst.add.f32.msk $0xffff, v0  }
0x318: {  	s5 =	sor.u32 $0x10450, s0;
	s8 =	sor.u32 $0x10420, s0;
	s28 =	sor.u32 $0x10490, s0;
	v1 =	vld [tilespmem:s0+$0x410]  }
0x319: {  	s11 =	simm.s32 $0x400;
	s4 =	sor.u32 $0x10460, s0;
	s26 =	sor.u32 $0x10460, s31;
	[tilespmem:s28+$0x0] =	vst.add.f32.msk $0xffff, v3  }
0x31a: {  	s7 =	sor.u32 $0x10430, s0;
	s3 =	sor.u32 $0x10470, s0;
	s10 =	simm.s32 $0x200;
	v0 =	vld [tilespmem:s0+$0x4A0]  }
0x31b: {  	s6 =	sor.u32 $0x10440, s0;
	s9 =	simm.s32 $0x2;
	[tilespmem:s26+$0x0] =	vst.add.f32.msk $0xffff, v2;
	s12 =	sor.u32 $0x10410, s0  }
.LBB2_8:
0x31c: {  	s2 =	sand.u32 $0x7800, s11;
	s13 =	sand.u32 $0x300, s10;
	s9 =	sadd.s32 $0x2, s9;
	v2 =	vld [tilespmem:s31+$0x470]  }
0x31d: {  	s31 =	smov.u32 s0;
	p0 =	slt.u32 s9, $0x7E;
	[tilespmem:s12+$0x0] =	vst.add.f32.msk $0xffff, v1;
	s0 =	sor.u32 s13, s2  }
0x31e: {  	s2 =	sor.u32 $0x104A0, s31;
	s24 =	sor.u32 $0x10000, s0;
	s25 =	sor.u32 $0x10010, s0;
	v1 =	vld [tilespmem:s0+$0x80]  }
0x31f: {  	s26 =	sor.u32 $0x10020, s0;
	s22 =	sor.u32 $0x10030, s0;
	s21 =	sor.u32 $0x10040, s0;
	[tilespmem:s2+$0x0] =	vst.add.f32.msk $0xffff, v0  }
0x320: {  	s19 =	sor.u32 $0x10050, s0;
	s17 =	sor.u32 $0x10060, s0;
	s15 =	sor.u32 $0x10070, s0;
	v0 =	vld [tilespmem:s31+$0x4B0]  }
0x321: {  	s14 =	sor.u32 $0x10400, s0;
	s12 =	sor.u32 $0x10410, s0;
	s23 =	sor.u32 $0x10420, s0;
	v3 =	vld [tilespmem:s0+$0x0]  }
0x322: {  	s20 =	sor.u32 $0x10430, s0;
	s18 =	sor.u32 $0x10440, s0;
	s28 =	sor.u32 $0x10080, s0;
	v4 =	vld [tilespmem:s31+$0x420]  }
0x323: {  	s16 =	sor.u32 $0x10450, s0;
	s13 =	sor.u32 $0x10460, s0;
	s2 =	sor.u32 $0x10470, s0;
	[tilespmem:s28+$0x0] =	vst.add.f32.msk $0xffff, v1  }
0x324: {  	s28 =	sor.u32 $0x104B0, s31;
	v1 =	vld [tilespmem:s0+$0x90]  }
0x325: {  	[tilespmem:s28+$0x0] =	vst.add.f32.msk $0xffff, v0  }
0x326: {  	v0 =	vld [tilespmem:s31+$0x4C0]  }
0x327: {  	[tilespmem:s24+$0x0] =	vst.add.f32.msk $0xffff, v3  }
0x328: {  	s24 =	sor.u32 $0x10090, s0;
	v3 =	vld [tilespmem:s0+$0x10]  }
0x329: {  	[tilespmem:s24+$0x0] =	vst.add.f32.msk $0xffff, v1  }
0x32a: {  	s24 =	sor.u32 $0x104C0, s31;
	v1 =	vld [tilespmem:s0+$0xA0]  }
0x32b: {  	[tilespmem:s24+$0x0] =	vst.add.f32.msk $0xffff, v0  }
0x32c: {  	v0 =	vld [tilespmem:s31+$0x4D0]  }
0x32d: {  	[tilespmem:s25+$0x0] =	vst.add.f32.msk $0xffff, v3  }
0x32e: {  	s24 =	sor.u32 $0x100A0, s0;
	v3 =	vld [tilespmem:s0+$0x20]  }
0x32f: {  	[tilespmem:s24+$0x0] =	vst.add.f32.msk $0xffff, v1  }
0x330: {  	s24 =	sor.u32 $0x104D0, s31;
	v1 =	vld [tilespmem:s0+$0xB0]  }
0x331: {  	[tilespmem:s24+$0x0] =	vst.add.f32.msk $0xffff, v0  }
0x332: {  	v0 =	vld [tilespmem:s31+$0x4E0]  }
0x333: {  	[tilespmem:s26+$0x0] =	vst.add.f32.msk $0xffff, v3  }
0x334: {  	s24 =	sor.u32 $0x100B0, s0;
	v3 =	vld [tilespmem:s0+$0x30]  }
0x335: {  	[tilespmem:s24+$0x0] =	vst.add.f32.msk $0xffff, v1  }
0x336: {  	s24 =	sor.u32 $0x104E0, s31;
	v1 =	vld [tilespmem:s0+$0xC0]  }
0x337: {  	[tilespmem:s24+$0x0] =	vst.add.f32.msk $0xffff, v0  }
0x338: {  	v0 =	vld [tilespmem:s31+$0x4F0]  }
0x339: {  	[tilespmem:s22+$0x0] =	vst.add.f32.msk $0xffff, v3  }
0x33a: {  	s22 =	sor.u32 $0x100C0, s0;
	v3 =	vld [tilespmem:s0+$0x40]  }
0x33b: {  	[tilespmem:s22+$0x0] =	vst.add.f32.msk $0xffff, v1  }
0x33c: {  	s22 =	sor.u32 $0x104F0, s31;
	v1 =	vld [tilespmem:s0+$0xD0]  }
0x33d: {  	[tilespmem:s22+$0x0] =	vst.add.f32.msk $0xffff, v0  }
0x33e: {  	[tilespmem:s8+$0x0] =	vst.add.f32.msk $0xffff, v4;
	s8 =	smov.u32 s23  }
0x33f: {  	[tilespmem:s21+$0x0] =	vst.add.f32.msk $0xffff, v3  }
0x340: {  	s21 =	sor.u32 $0x100D0, s0;
	v0 =	vld [tilespmem:s0+$0x50]  }
0x341: {  	[tilespmem:s21+$0x0] =	vst.add.f32.msk $0xffff, v1  }
0x342: {  	v1 =	vld [tilespmem:s0+$0xE0]  }
0x343: {  	v3 =	vld [tilespmem:s31+$0x430]  }
0x344: {  	[tilespmem:s1+$0x0] =	vst.add.f32.msk $0xffff, v2;
	s1 =	smov.u32 s3;
	s3 =	smov.u32 s2  }
0x345: {  	[tilespmem:s19+$0x0] =	vst.add.f32.msk $0xffff, v0  }
0x346: {  	s2 =	sor.u32 $0x100E0, s0;
	v0 =	vld [tilespmem:s0+$0x60]  }
0x347: {  	[tilespmem:s2+$0x0] =	vst.add.f32.msk $0xffff, v1  }
0x348: {  	v1 =	vld [tilespmem:s0+$0xF0]  }
0x349: {  	[tilespmem:s7+$0x0] =	vst.add.f32.msk $0xffff, v3;
	s7 =	smov.u32 s20  }
0x34a: {  	v2 =	vld [tilespmem:s31+$0x440]  }
0x34b: {  	[tilespmem:s17+$0x0] =	vst.add.f32.msk $0xffff, v0  }
0x34c: {  	s2 =	sor.u32 $0x100F0, s0;
	v0 =	vld [tilespmem:s0+$0x70]  }
0x34d: {  	[tilespmem:s2+$0x0] =	vst.add.f32.msk $0xffff, v1  }
0x34e: {  	v1 =	vld [tilespmem:s0+$0x480]  }
0x34f: {  	[tilespmem:s6+$0x0] =	vst.add.f32.msk $0xffff, v2;
	s6 =	smov.u32 s18  }
0x350: {  	v2 =	vld [tilespmem:s31+$0x450]  }
0x351: {  	[tilespmem:s15+$0x0] =	vst.add.f32.msk $0xffff, v0  }
0x352: {  	s2 =	sor.u32 $0x10480, s0;
	v0 =	vld [tilespmem:s0+$0x400]  }
0x353: {  	[tilespmem:s2+$0x0] =	vst.add.f32.msk $0xffff, v1  }
0x354: {  	v3 =	vld [tilespmem:s0+$0x490]  }
0x355: {  	[tilespmem:s5+$0x0] =	vst.add.f32.msk $0xffff, v2;
	s5 =	smov.u32 s16  }
0x356: {  	v2 =	vld [tilespmem:s31+$0x460]  }
.Ltmp3:
0x357: {  	[tilespmem:s14+$0x0] =	vst.add.f32.msk $0xffff, v0;
	(pc) =	sbr.rel @p0 .LBB2_8-.Ltmp3, $4  }
0x358: {  	s2 =	sor.u32 $0x10490, s0;
	v1 =	vld [tilespmem:s0+$0x410]  }
0x359: {  	[tilespmem:s2+$0x0] =	vst.add.f32.msk $0xffff, v3  }
0x35a: {  	v0 =	vld [tilespmem:s0+$0x4A0]  }
0x35b: {  	s10 =	sadd.s32 $0x100, s10;
	s11 =	sadd.s32 $0x200, s11;
	[tilespmem:s4+$0x0] =	vst.add.f32.msk $0xffff, v2;
	s4 =	smov.u32 s13  }
0x35c: {  	_ = 	snop  }
0x35d: {  	[tilespmem:s12+$0x0] =	vst.add.f32.msk $0xffff, v1  }
0x35e: {  	v1 =	vld [tilespmem:s0+$0x420];
	_ =	sdelay $0x1  }
0x35f: {  	s2 =	sor.u32 $0x104A0, s0  }
0x360: {  	[tilespmem:s2+$0x0] =	vst.add.f32.msk $0xffff, v0  }
0x361: {  	v0 =	vld [tilespmem:s0+$0x4B0]  }
0x362: {  	[tilespmem:s8+$0x0] =	vst.add.f32.msk $0xffff, v1  }
0x363: {  	v1 =	vld [tilespmem:s0+$0x430];
	_ =	sdelay $0x1  }
0x364: {  	s19 =	sor.u32 $0x104B0, s0  }
0x365: {  	[tilespmem:s19+$0x0] =	vst.add.f32.msk $0xffff, v0  }
0x366: {  	v0 =	vld [tilespmem:s0+$0x4C0]  }
0x367: {  	[tilespmem:s7+$0x0] =	vst.add.f32.msk $0xffff, v1  }
0x368: {  	v1 =	vld [tilespmem:s0+$0x440];
	_ =	sdelay $0x1  }
0x369: {  	s20 =	sor.u32 $0x104C0, s0  }
0x36a: {  	[tilespmem:s20+$0x0] =	vst.add.f32.msk $0xffff, v0  }
0x36b: {  	v0 =	vld [tilespmem:s0+$0x4D0]  }
0x36c: {  	[tilespmem:s6+$0x0] =	vst.add.f32.msk $0xffff, v1  }
0x36d: {  	v1 =	vld [tilespmem:s0+$0x450];
	_ =	sdelay $0x1  }
0x36e: {  	s21 =	sor.u32 $0x104D0, s0  }
0x36f: {  	[tilespmem:s21+$0x0] =	vst.add.f32.msk $0xffff, v0  }
0x370: {  	v0 =	vld [tilespmem:s0+$0x4E0]  }
0x371: {  	[tilespmem:s5+$0x0] =	vst.add.f32.msk $0xffff, v1  }
0x372: {  	v1 =	vld [tilespmem:s0+$0x460];
	_ =	sdelay $0x1  }
0x373: {  	v2 =	vld [tilespmem:s31+$0x470];
	s22 =	sor.u32 $0x104E0, s0  }
0x374: {  	[tilespmem:s22+$0x0] =	vst.add.f32.msk $0xffff, v0  }
0x375: {  	v0 =	vld [tilespmem:s0+$0x4F0]  }
0x376: {  	[tilespmem:s4+$0x0] =	vst.add.f32.msk $0xffff, v1  }
0x377: {  	v1 =	vld [tilespmem:s0+$0x470];
	_ =	sdelay $0x2  }
0x378: {  	s23 =	sor.u32 $0x104F0, s0;
	[tilespmem:s1+$0x0] =	vst.add.f32.msk $0xffff, v2  }
0x379: {  	[tilespmem:s23+$0x0] =	vst.add.f32.msk $0xffff, v0  }
0x37a: {  	[tilespmem:s3+$0x0] =	vst.add.f32.msk $0xffff, v1  }
0x37b: {  	s24 =	simm.s32 $0x0;
	s1 =	rddreg [dreg:$0xd]  }
0x37c: {  	[hbm4b:s1+s24] =	stream.linear.scatter [tilespmem:s29], [sflag:$0x5], $0x8000, $0x38;
	[tilespmem:$0x18000] =	vst v63  }
0x37d: {  	s26 =	simm.s32 $0x1;
	s25 =	rddreg [dreg:$0xe]  }
0x37e: {  	[tilespmem:s24], [sflag:$0x1] =	stream.linear.gather [hbm4b:s25+s24], $0x8000, $0x38;
	[tilespmem:$0x18000] =	vst v63  }
0x37f: {  	_ =	swait.ge [sflag:s26], $0x8000  }
0x380: {  	[sflag:s26] =	ssyncset.done $0x0  }
0x381: {  	s28 =	simm.s32 $0x5;
	[sflag:s26] =	ssyncadd.s32 $0xFFFF8000  }
0x382: {  	_ =	swait.ge [sflag:s28], $0x8000  }
0x383: {  	[sflag:s28] =	ssyncset.done $0x0  }
0x384: {  	s3 =	simm.s32 $0x2;
	s2 =	rddreg [dreg:$0xf];
	[sflag:s28] =	ssyncadd.s32 $0xFFFF8000  }
0x385: {  	[tilespmem:s29], [sflag:$0x3] =	stream.linear.gather [hbm4b:s2+s24], $0x8000, $0x38;
	[tilespmem:$0x18000] =	vst v63  }
0x386: {  	_ =	swait.ge [sflag:s3], $0x8000  }
0x387: {  	s4 =	sand.u32 $0x7800, s24;
	s0 =	sand.u32 $0x300, s24;
	[sflag:s3] =	ssyncset.done $0x0  }
0x388: {  	s31 =	sor.u32 s0, s4;
	[sflag:s3] =	ssyncadd.s32 $0xFFFF8000  }
0x389: {  	v0 =	vld [tilespmem:s31+$0x80];
	_ =	sdelay $0x3  }
0x38a: {  	s0 =	sor.u32 $0x8080, s31;
	v1 =	vld [tilespmem:s31+$0x0]  }
0x38b: {  	[tilespmem:s0+$0x0] =	vst.add.f32.msk $0xffff, v0  }
0x38c: {  	v0 =	vld [tilespmem:s31+$0x90];
	_ =	sdelay $0x1  }
0x38d: {  	s6 =	sor.u32 $0x8000, s31  }
0x38e: {  	[tilespmem:s6+$0x0] =	vst.add.f32.msk $0xffff, v1  }
0x38f: {  	s5 =	sor.u32 $0x8090, s31;
	v1 =	vld [tilespmem:s31+$0x10]  }
0x390: {  	[tilespmem:s5+$0x0] =	vst.add.f32.msk $0xffff, v0  }
0x391: {  	v0 =	vld [tilespmem:s31+$0xA0];
	_ =	sdelay $0x1  }
0x392: {  	s8 =	sor.u32 $0x8010, s31  }
0x393: {  	[tilespmem:s8+$0x0] =	vst.add.f32.msk $0xffff, v1  }
0x394: {  	s7 =	sor.u32 $0x80A0, s31;
	v1 =	vld [tilespmem:s31+$0x20]  }
0x395: {  	[tilespmem:s7+$0x0] =	vst.add.f32.msk $0xffff, v0  }
0x396: {  	v0 =	vld [tilespmem:s31+$0xB0];
	_ =	sdelay $0x1  }
0x397: {  	s10 =	sor.u32 $0x8020, s31  }
0x398: {  	[tilespmem:s10+$0x0] =	vst.add.f32.msk $0xffff, v1  }
0x399: {  	s9 =	sor.u32 $0x80B0, s31;
	v1 =	vld [tilespmem:s31+$0x30]  }
0x39a: {  	[tilespmem:s9+$0x0] =	vst.add.f32.msk $0xffff, v0  }
0x39b: {  	v0 =	vld [tilespmem:s31+$0xC0];
	_ =	sdelay $0x1  }
0x39c: {  	s12 =	sor.u32 $0x8030, s31  }
0x39d: {  	[tilespmem:s12+$0x0] =	vst.add.f32.msk $0xffff, v1  }
0x39e: {  	s11 =	sor.u32 $0x80C0, s31;
	v1 =	vld [tilespmem:s31+$0x40]  }
0x39f: {  	[tilespmem:s11+$0x0] =	vst.add.f32.msk $0xffff, v0  }
0x3a0: {  	v0 =	vld [tilespmem:s31+$0xD0];
	_ =	sdelay $0x1  }
0x3a1: {  	s14 =	sor.u32 $0x8040, s31  }
0x3a2: {  	[tilespmem:s14+$0x0] =	vst.add.f32.msk $0xffff, v1  }
0x3a3: {  	s13 =	sor.u32 $0x80D0, s31;
	v1 =	vld [tilespmem:s31+$0x50]  }
0x3a4: {  	[tilespmem:s13+$0x0] =	vst.add.f32.msk $0xffff, v0  }
0x3a5: {  	v0 =	vld [tilespmem:s31+$0xE0];
	_ =	sdelay $0x1  }
0x3a6: {  	s16 =	sor.u32 $0x8050, s31  }
0x3a7: {  	[tilespmem:s16+$0x0] =	vst.add.f32.msk $0xffff, v1  }
0x3a8: {  	s15 =	sor.u32 $0x80E0, s31;
	v1 =	vld [tilespmem:s31+$0x60]  }
0x3a9: {  	[tilespmem:s15+$0x0] =	vst.add.f32.msk $0xffff, v0  }
0x3aa: {  	v0 =	vld [tilespmem:s31+$0xF0];
	_ =	sdelay $0x1  }
0x3ab: {  	s18 =	sor.u32 $0x8060, s31  }
0x3ac: {  	[tilespmem:s18+$0x0] =	vst.add.f32.msk $0xffff, v1  }
0x3ad: {  	s17 =	sor.u32 $0x80F0, s31;
	v1 =	vld [tilespmem:s31+$0x70]  }
0x3ae: {  	[tilespmem:s17+$0x0] =	vst.add.f32.msk $0xffff, v0  }
0x3af: {  	v0 =	vld [tilespmem:s31+$0x480];
	_ =	sdelay $0x1  }
0x3b0: {  	s20 =	sor.u32 $0x8070, s31  }
0x3b1: {  	[tilespmem:s20+$0x0] =	vst.add.f32.msk $0xffff, v1  }
0x3b2: {  	s19 =	sor.u32 $0x8480, s31;
	v1 =	vld [tilespmem:s31+$0x400]  }
0x3b3: {  	[tilespmem:s19+$0x0] =	vst.add.f32.msk $0xffff, v0  }
0x3b4: {  	v0 =	vld [tilespmem:s31+$0x490];
	_ =	sdelay $0x1  }
0x3b5: {  	s22 =	sor.u32 $0x8400, s31  }
0x3b6: {  	[tilespmem:s22+$0x0] =	vst.add.f32.msk $0xffff, v1  }
0x3b7: {  	s21 =	sor.u32 $0x8490, s31;
	v1 =	vld [tilespmem:s31+$0x410]  }
0x3b8: {  	s23 =	simm.s32 $0x100;
	s24 =	simm.s32 $0x200;
	[tilespmem:s21+$0x0] =	vst.add.f32.msk $0xffff, v0  }
0x3b9: {  	s1 =	sand.u32 $0x7800, s24;
	s0 =	sand.u32 $0x300, s23;
	v0 =	vld [tilespmem:s31+$0x4A0]  }
0x3ba: {  	s0 =	sor.u32 s0, s1  }
0x3bb: {  	s26 =	sor.u32 $0x8410, s31;
	v2 =	vld [tilespmem:s0+$0x80]  }
0x3bc: {  	[tilespmem:s26+$0x0] =	vst.add.f32.msk $0xffff, v1  }
0x3bd: {  	s25 =	sor.u32 $0x84A0, s31;
	v1 =	vld [tilespmem:s0+$0x0]  }
0x3be: {  	[tilespmem:s25+$0x0] =	vst.add.f32.msk $0xffff, v0  }
0x3bf: {  	s28 =	sor.u32 $0x8080, s0;
	v0 =	vld [tilespmem:s31+$0x4B0]  }
0x3c0: {  	[tilespmem:s28+$0x0] =	vst.add.f32.msk $0xffff, v2  }
0x3c1: {  	s2 =	sor.u32 $0x8000, s0;
	v2 =	vld [tilespmem:s0+$0x90]  }
0x3c2: {  	[tilespmem:s2+$0x0] =	vst.add.f32.msk $0xffff, v1  }
0x3c3: {  	s29 =	sor.u32 $0x84B0, s31;
	v1 =	vld [tilespmem:s0+$0x10]  }
0x3c4: {  	[tilespmem:s29+$0x0] =	vst.add.f32.msk $0xffff, v0  }
0x3c5: {  	s3 =	sor.u32 $0x8090, s0;
	v0 =	vld [tilespmem:s31+$0x4C0]  }
0x3c6: {  	[tilespmem:s3+$0x0] =	vst.add.f32.msk $0xffff, v2  }
0x3c7: {  	s5 =	sor.u32 $0x8010, s0;
	v2 =	vld [tilespmem:s0+$0xA0]  }
0x3c8: {  	[tilespmem:s5+$0x0] =	vst.add.f32.msk $0xffff, v1  }
0x3c9: {  	s4 =	sor.u32 $0x84C0, s31;
	v1 =	vld [tilespmem:s0+$0x20]  }
0x3ca: {  	[tilespmem:s4+$0x0] =	vst.add.f32.msk $0xffff, v0  }
0x3cb: {  	s6 =	sor.u32 $0x80A0, s0;
	v0 =	vld [tilespmem:s31+$0x4D0]  }
0x3cc: {  	[tilespmem:s6+$0x0] =	vst.add.f32.msk $0xffff, v2  }
0x3cd: {  	s8 =	sor.u32 $0x8020, s0;
	v2 =	vld [tilespmem:s0+$0xB0]  }
0x3ce: {  	[tilespmem:s8+$0x0] =	vst.add.f32.msk $0xffff, v1  }
0x3cf: {  	s7 =	sor.u32 $0x84D0, s31;
	v1 =	vld [tilespmem:s0+$0x30]  }
0x3d0: {  	[tilespmem:s7+$0x0] =	vst.add.f32.msk $0xffff, v0  }
0x3d1: {  	s9 =	sor.u32 $0x80B0, s0;
	v0 =	vld [tilespmem:s31+$0x4E0]  }
0x3d2: {  	[tilespmem:s9+$0x0] =	vst.add.f32.msk $0xffff, v2  }
0x3d3: {  	s11 =	sor.u32 $0x8030, s0;
	v2 =	vld [tilespmem:s0+$0xC0]  }
0x3d4: {  	[tilespmem:s11+$0x0] =	vst.add.f32.msk $0xffff, v1  }
0x3d5: {  	s10 =	sor.u32 $0x84E0, s31;
	v1 =	vld [tilespmem:s0+$0x40]  }
0x3d6: {  	[tilespmem:s10+$0x0] =	vst.add.f32.msk $0xffff, v0  }
0x3d7: {  	s12 =	sor.u32 $0x80C0, s0;
	v0 =	vld [tilespmem:s31+$0x4F0]  }
0x3d8: {  	[tilespmem:s12+$0x0] =	vst.add.f32.msk $0xffff, v2  }
0x3d9: {  	v2 =	vld [tilespmem:s0+$0xD0]  }
0x3da: {  	s14 =	sor.u32 $0x8040, s0;
	v3 =	vld [tilespmem:s31+$0x420]  }
0x3db: {  	s13 =	sor.u32 $0x84F0, s31;
	[tilespmem:s14+$0x0] =	vst.add.f32.msk $0xffff, v1  }
0x3dc: {  	[tilespmem:s13+$0x0] =	vst.add.f32.msk $0xffff, v0  }
0x3dd: {  	s15 =	sor.u32 $0x80D0, s0;
	v0 =	vld [tilespmem:s0+$0x50]  }
0x3de: {  	[tilespmem:s15+$0x0] =	vst.add.f32.msk $0xffff, v2  }
0x3df: {  	s16 =	sor.u32 $0x8420, s31;
	v1 =	vld [tilespmem:s0+$0xE0]  }
0x3e0: {  	[tilespmem:s16+$0x0] =	vst.add.f32.msk $0xffff, v3  }
0x3e1: {  	s17 =	sor.u32 $0x8050, s0;
	v2 =	vld [tilespmem:s31+$0x430]  }
0x3e2: {  	[tilespmem:s17+$0x0] =	vst.add.f32.msk $0xffff, v0  }
0x3e3: {  	s18 =	sor.u32 $0x80E0, s0;
	v0 =	vld [tilespmem:s0+$0x60]  }
0x3e4: {  	[tilespmem:s18+$0x0] =	vst.add.f32.msk $0xffff, v1  }
0x3e5: {  	s19 =	sor.u32 $0x8430, s31;
	v1 =	vld [tilespmem:s0+$0xF0]  }
0x3e6: {  	[tilespmem:s19+$0x0] =	vst.add.f32.msk $0xffff, v2  }
0x3e7: {  	s20 =	sor.u32 $0x8060, s0;
	v2 =	vld [tilespmem:s31+$0x440]  }
0x3e8: {  	[tilespmem:s20+$0x0] =	vst.add.f32.msk $0xffff, v0  }
0x3e9: {  	s21 =	sor.u32 $0x80F0, s0;
	v0 =	vld [tilespmem:s0+$0x70]  }
0x3ea: {  	[tilespmem:s21+$0x0] =	vst.add.f32.msk $0xffff, v1  }
0x3eb: {  	s22 =	sor.u32 $0x8440, s31;
	v1 =	vld [tilespmem:s0+$0x480]  }
0x3ec: {  	[tilespmem:s22+$0x0] =	vst.add.f32.msk $0xffff, v2  }
0x3ed: {  	s23 =	sor.u32 $0x8070, s0;
	v2 =	vld [tilespmem:s31+$0x450]  }
0x3ee: {  	[tilespmem:s23+$0x0] =	vst.add.f32.msk $0xffff, v0  }
0x3ef: {  	s24 =	sor.u32 $0x8480, s0;
	v0 =	vld [tilespmem:s0+$0x400]  }
0x3f0: {  	[tilespmem:s24+$0x0] =	vst.add.f32.msk $0xffff, v1  }
0x3f1: {  	s25 =	sor.u32 $0x8450, s31;
	v3 =	vld [tilespmem:s0+$0x490]  }
0x3f2: {  	[tilespmem:s25+$0x0] =	vst.add.f32.msk $0xffff, v2  }
0x3f3: {  	s26 =	sor.u32 $0x8400, s0;
	v2 =	vld [tilespmem:s31+$0x460]  }
0x3f4: {  	s1 =	sor.u32 $0x8470, s31;
	[tilespmem:s26+$0x0] =	vst.add.f32.msk $0xffff, v0  }
0x3f5: {  	s28 =	sor.u32 $0x8460, s31;
	s3 =	sor.u32 $0x8470, s0;
	s29 =	sor.u32 $0x8490, s0;
	v1 =	vld [tilespmem:s0+$0x410]  }
0x3f6: {  	s6 =	sor.u32 $0x8440, s0;
	s9 =	simm.s32 $0x2;
	s12 =	sor.u32 $0x8410, s0;
	[tilespmem:s29+$0x0] =	vst.add.f32.msk $0xffff, v3  }
0x3f7: {  	s5 =	sor.u32 $0x8450, s0;
	s8 =	sor.u32 $0x8420, s0;
	s4 =	sor.u32 $0x8460, s0;
	v0 =	vld [tilespmem:s0+$0x4A0]  }
0x3f8: {  	s11 =	simm.s32 $0x400;
	s7 =	sor.u32 $0x8430, s0;
	s10 =	simm.s32 $0x200;
	[tilespmem:s28+$0x0] =	vst.add.f32.msk $0xffff, v2  }
.LBB2_10:
0x3f9: {  	s2 =	sand.u32 $0x7800, s11;
	s13 =	sand.u32 $0x300, s10;
	s9 =	sadd.s32 $0x2, s9;
	v2 =	vld [tilespmem:s31+$0x470]  }
0x3fa: {  	s31 =	smov.u32 s0;
	p0 =	slt.u32 s9, $0x7E;
	[tilespmem:s12+$0x0] =	vst.add.f32.msk $0xffff, v1;
	s0 =	sor.u32 s13, s2  }
0x3fb: {  	s2 =	sor.u32 $0x84A0, s31;
	s24 =	sor.u32 $0x8000, s0;
	s25 =	sor.u32 $0x8010, s0;
	v1 =	vld [tilespmem:s0+$0x80]  }
0x3fc: {  	s26 =	sor.u32 $0x8020, s0;
	s22 =	sor.u32 $0x8030, s0;
	s21 =	sor.u32 $0x8040, s0;
	[tilespmem:s2+$0x0] =	vst.add.f32.msk $0xffff, v0  }
0x3fd: {  	s19 =	sor.u32 $0x8050, s0;
	s17 =	sor.u32 $0x8060, s0;
	s15 =	sor.u32 $0x8070, s0;
	v0 =	vld [tilespmem:s31+$0x4B0]  }
0x3fe: {  	s14 =	sor.u32 $0x8400, s0;
	s12 =	sor.u32 $0x8410, s0;
	s23 =	sor.u32 $0x8420, s0;
	v3 =	vld [tilespmem:s0+$0x0]  }
0x3ff: {  	s20 =	sor.u32 $0x8430, s0;
	s18 =	sor.u32 $0x8440, s0;
	s28 =	sor.u32 $0x8080, s0;
	v4 =	vld [tilespmem:s31+$0x420]  }
0x400: {  	s16 =	sor.u32 $0x8450, s0;
	s13 =	sor.u32 $0x8460, s0;
	s2 =	sor.u32 $0x8470, s0;
	[tilespmem:s28+$0x0] =	vst.add.f32.msk $0xffff, v1  }
0x401: {  	s28 =	sor.u32 $0x84B0, s31;
	v1 =	vld [tilespmem:s0+$0x90]  }
0x402: {  	[tilespmem:s28+$0x0] =	vst.add.f32.msk $0xffff, v0  }
0x403: {  	v0 =	vld [tilespmem:s31+$0x4C0]  }
0x404: {  	[tilespmem:s24+$0x0] =	vst.add.f32.msk $0xffff, v3  }
0x405: {  	s24 =	sor.u32 $0x8090, s0;
	v3 =	vld [tilespmem:s0+$0x10]  }
0x406: {  	[tilespmem:s24+$0x0] =	vst.add.f32.msk $0xffff, v1  }
0x407: {  	s24 =	sor.u32 $0x84C0, s31;
	v1 =	vld [tilespmem:s0+$0xA0]  }
0x408: {  	[tilespmem:s24+$0x0] =	vst.add.f32.msk $0xffff, v0  }
0x409: {  	v0 =	vld [tilespmem:s31+$0x4D0]  }
0x40a: {  	[tilespmem:s25+$0x0] =	vst.add.f32.msk $0xffff, v3  }
0x40b: {  	s24 =	sor.u32 $0x80A0, s0;
	v3 =	vld [tilespmem:s0+$0x20]  }
0x40c: {  	[tilespmem:s24+$0x0] =	vst.add.f32.msk $0xffff, v1  }
0x40d: {  	s24 =	sor.u32 $0x84D0, s31;
	v1 =	vld [tilespmem:s0+$0xB0]  }
0x40e: {  	[tilespmem:s24+$0x0] =	vst.add.f32.msk $0xffff, v0  }
0x40f: {  	v0 =	vld [tilespmem:s31+$0x4E0]  }
0x410: {  	[tilespmem:s26+$0x0] =	vst.add.f32.msk $0xffff, v3  }
0x411: {  	s24 =	sor.u32 $0x80B0, s0;
	v3 =	vld [tilespmem:s0+$0x30]  }
0x412: {  	[tilespmem:s24+$0x0] =	vst.add.f32.msk $0xffff, v1  }
0x413: {  	s24 =	sor.u32 $0x84E0, s31;
	v1 =	vld [tilespmem:s0+$0xC0]  }
0x414: {  	[tilespmem:s24+$0x0] =	vst.add.f32.msk $0xffff, v0  }
0x415: {  	v0 =	vld [tilespmem:s31+$0x4F0]  }
0x416: {  	[tilespmem:s22+$0x0] =	vst.add.f32.msk $0xffff, v3  }
0x417: {  	s22 =	sor.u32 $0x80C0, s0;
	v3 =	vld [tilespmem:s0+$0x40]  }
0x418: {  	[tilespmem:s22+$0x0] =	vst.add.f32.msk $0xffff, v1  }
0x419: {  	s22 =	sor.u32 $0x84F0, s31;
	v1 =	vld [tilespmem:s0+$0xD0]  }
0x41a: {  	[tilespmem:s22+$0x0] =	vst.add.f32.msk $0xffff, v0  }
0x41b: {  	[tilespmem:s8+$0x0] =	vst.add.f32.msk $0xffff, v4;
	s8 =	smov.u32 s23  }
0x41c: {  	[tilespmem:s21+$0x0] =	vst.add.f32.msk $0xffff, v3  }
0x41d: {  	s21 =	sor.u32 $0x80D0, s0;
	v0 =	vld [tilespmem:s0+$0x50]  }
0x41e: {  	[tilespmem:s21+$0x0] =	vst.add.f32.msk $0xffff, v1  }
0x41f: {  	v1 =	vld [tilespmem:s0+$0xE0]  }
0x420: {  	v3 =	vld [tilespmem:s31+$0x430]  }
0x421: {  	[tilespmem:s1+$0x0] =	vst.add.f32.msk $0xffff, v2;
	s1 =	smov.u32 s3;
	s3 =	smov.u32 s2  }
0x422: {  	[tilespmem:s19+$0x0] =	vst.add.f32.msk $0xffff, v0  }
0x423: {  	s2 =	sor.u32 $0x80E0, s0;
	v0 =	vld [tilespmem:s0+$0x60]  }
0x424: {  	[tilespmem:s2+$0x0] =	vst.add.f32.msk $0xffff, v1  }
0x425: {  	v1 =	vld [tilespmem:s0+$0xF0]  }
0x426: {  	[tilespmem:s7+$0x0] =	vst.add.f32.msk $0xffff, v3;
	s7 =	smov.u32 s20  }
0x427: {  	v2 =	vld [tilespmem:s31+$0x440]  }
0x428: {  	[tilespmem:s17+$0x0] =	vst.add.f32.msk $0xffff, v0  }
0x429: {  	s2 =	sor.u32 $0x80F0, s0;
	v0 =	vld [tilespmem:s0+$0x70]  }
0x42a: {  	[tilespmem:s2+$0x0] =	vst.add.f32.msk $0xffff, v1  }
0x42b: {  	v1 =	vld [tilespmem:s0+$0x480]  }
0x42c: {  	[tilespmem:s6+$0x0] =	vst.add.f32.msk $0xffff, v2;
	s6 =	smov.u32 s18  }
0x42d: {  	v2 =	vld [tilespmem:s31+$0x450]  }
0x42e: {  	[tilespmem:s15+$0x0] =	vst.add.f32.msk $0xffff, v0  }
0x42f: {  	s2 =	sor.u32 $0x8480, s0;
	v0 =	vld [tilespmem:s0+$0x400]  }
0x430: {  	[tilespmem:s2+$0x0] =	vst.add.f32.msk $0xffff, v1  }
0x431: {  	v3 =	vld [tilespmem:s0+$0x490]  }
0x432: {  	[tilespmem:s5+$0x0] =	vst.add.f32.msk $0xffff, v2;
	s5 =	smov.u32 s16  }
0x433: {  	v2 =	vld [tilespmem:s31+$0x460]  }
.Ltmp4:
0x434: {  	[tilespmem:s14+$0x0] =	vst.add.f32.msk $0xffff, v0;
	(pc) =	sbr.rel @p0 .LBB2_10-.Ltmp4, $4  }
0x435: {  	s2 =	sor.u32 $0x8490, s0;
	v1 =	vld [tilespmem:s0+$0x410]  }
0x436: {  	[tilespmem:s2+$0x0] =	vst.add.f32.msk $0xffff, v3  }
0x437: {  	v0 =	vld [tilespmem:s0+$0x4A0]  }
0x438: {  	s10 =	sadd.s32 $0x100, s10;
	s11 =	sadd.s32 $0x200, s11;
	[tilespmem:s4+$0x0] =	vst.add.f32.msk $0xffff, v2;
	s4 =	smov.u32 s13  }
0x439: {  	_ = 	snop  }
0x43a: {  	[tilespmem:s12+$0x0] =	vst.add.f32.msk $0xffff, v1  }
0x43b: {  	v1 =	vld [tilespmem:s0+$0x420];
	_ =	sdelay $0x1  }
0x43c: {  	s2 =	sor.u32 $0x84A0, s0  }
0x43d: {  	[tilespmem:s2+$0x0] =	vst.add.f32.msk $0xffff, v0  }
0x43e: {  	v0 =	vld [tilespmem:s0+$0x4B0]  }
0x43f: {  	[tilespmem:s8+$0x0] =	vst.add.f32.msk $0xffff, v1  }
0x440: {  	v1 =	vld [tilespmem:s0+$0x430];
	_ =	sdelay $0x1  }
0x441: {  	s17 =	sor.u32 $0x84B0, s0  }
0x442: {  	[tilespmem:s17+$0x0] =	vst.add.f32.msk $0xffff, v0  }
0x443: {  	v0 =	vld [tilespmem:s0+$0x4C0]  }
0x444: {  	[tilespmem:s7+$0x0] =	vst.add.f32.msk $0xffff, v1  }
0x445: {  	v1 =	vld [tilespmem:s0+$0x440];
	_ =	sdelay $0x1  }
0x446: {  	s18 =	sor.u32 $0x84C0, s0  }
0x447: {  	[tilespmem:s18+$0x0] =	vst.add.f32.msk $0xffff, v0  }
0x448: {  	v0 =	vld [tilespmem:s0+$0x4D0]  }
0x449: {  	[tilespmem:s6+$0x0] =	vst.add.f32.msk $0xffff, v1  }
0x44a: {  	v1 =	vld [tilespmem:s0+$0x450];
	_ =	sdelay $0x1  }
0x44b: {  	s19 =	sor.u32 $0x84D0, s0  }
0x44c: {  	[tilespmem:s19+$0x0] =	vst.add.f32.msk $0xffff, v0  }
0x44d: {  	v0 =	vld [tilespmem:s0+$0x4E0]  }
0x44e: {  	[tilespmem:s5+$0x0] =	vst.add.f32.msk $0xffff, v1  }
0x44f: {  	v1 =	vld [tilespmem:s0+$0x460];
	_ =	sdelay $0x1  }
0x450: {  	v2 =	vld [tilespmem:s31+$0x470];
	s20 =	sor.u32 $0x84E0, s0  }
0x451: {  	[tilespmem:s20+$0x0] =	vst.add.f32.msk $0xffff, v0  }
0x452: {  	v0 =	vld [tilespmem:s0+$0x4F0]  }
0x453: {  	[tilespmem:s4+$0x0] =	vst.add.f32.msk $0xffff, v1  }
0x454: {  	v1 =	vld [tilespmem:s0+$0x470];
	_ =	sdelay $0x2  }
0x455: {  	s21 =	sor.u32 $0x84F0, s0;
	[tilespmem:s1+$0x0] =	vst.add.f32.msk $0xffff, v2  }
0x456: {  	[tilespmem:s21+$0x0] =	vst.add.f32.msk $0xffff, v0  }
0x457: {  	s22 =	simm.s32 $0x0;
	[tilespmem:s3+$0x0] =	vst.add.f32.msk $0xffff, v1  }
0x458: {  	s23 =	simm.s32 $0x8000;
	s24 =	simm.s32 $0x4;
	s1 =	rddreg [dreg:$0x10]  }
0x459: {  	[hbm4b:s1+s22] =	stream.linear.scatter [tilespmem:s23], [sflag:$0x4], $0x8000, $0x38;
	[tilespmem:$0x18000] =	vst v63  }
0x45a: {  	_ =	swait.ge [sflag:s24], $0x8000  }
0x45b: {  	[sflag:s24] =	ssyncset.done $0x0  }
0x45c: {  	s26 =	simm.s32 $0x3;
	s25 =	rddreg [dreg:$0x11];
	[sflag:s24] =	ssyncadd.s32 $0xFFFF8000  }
0x45d: {  	[tilespmem:s23], [sflag:$0x2] =	stream.linear.gather [hbm4b:s25+s22], $0x8000, $0x38;
	[tilespmem:$0x18000] =	vst v63  }
0x45e: {  	_ =	swait.ge [sflag:s26], $0x8000  }
0x45f: {  	s28 =	sand.u32 $0x7800, s22;
	s0 =	sand.u32 $0x300, s22;
	[sflag:s26] =	ssyncset.done $0x0  }
0x460: {  	s31 =	sor.u32 s0, s28;
	[sflag:s26] =	ssyncadd.s32 $0xFFFF8000  }
0x461: {  	v0 =	vld [tilespmem:s31+$0x80];
	_ =	sdelay $0x3  }
0x462: {  	s0 =	sor.u32 $0x10080, s31;
	v1 =	vld [tilespmem:s31+$0x0]  }
0x463: {  	[tilespmem:s0+$0x0] =	vst.add.f32.msk $0xffff, v0  }
0x464: {  	v0 =	vld [tilespmem:s31+$0x90];
	_ =	sdelay $0x1  }
0x465: {  	s4 =	sor.u32 $0x10000, s31  }
0x466: {  	[tilespmem:s4+$0x0] =	vst.add.f32.msk $0xffff, v1  }
0x467: {  	s3 =	sor.u32 $0x10090, s31;
	v1 =	vld [tilespmem:s31+$0x10]  }
0x468: {  	[tilespmem:s3+$0x0] =	vst.add.f32.msk $0xffff, v0  }
0x469: {  	v0 =	vld [tilespmem:s31+$0xA0];
	_ =	sdelay $0x1  }
0x46a: {  	s6 =	sor.u32 $0x10010, s31  }
0x46b: {  	[tilespmem:s6+$0x0] =	vst.add.f32.msk $0xffff, v1  }
0x46c: {  	s5 =	sor.u32 $0x100A0, s31;
	v1 =	vld [tilespmem:s31+$0x20]  }
0x46d: {  	[tilespmem:s5+$0x0] =	vst.add.f32.msk $0xffff, v0  }
0x46e: {  	v0 =	vld [tilespmem:s31+$0xB0];
	_ =	sdelay $0x1  }
0x46f: {  	s8 =	sor.u32 $0x10020, s31  }
0x470: {  	[tilespmem:s8+$0x0] =	vst.add.f32.msk $0xffff, v1  }
0x471: {  	s7 =	sor.u32 $0x100B0, s31;
	v1 =	vld [tilespmem:s31+$0x30]  }
0x472: {  	[tilespmem:s7+$0x0] =	vst.add.f32.msk $0xffff, v0  }
0x473: {  	v0 =	vld [tilespmem:s31+$0xC0];
	_ =	sdelay $0x1  }
0x474: {  	s10 =	sor.u32 $0x10030, s31  }
0x475: {  	[tilespmem:s10+$0x0] =	vst.add.f32.msk $0xffff, v1  }
0x476: {  	s9 =	sor.u32 $0x100C0, s31;
	v1 =	vld [tilespmem:s31+$0x40]  }
0x477: {  	[tilespmem:s9+$0x0] =	vst.add.f32.msk $0xffff, v0  }
0x478: {  	v0 =	vld [tilespmem:s31+$0xD0];
	_ =	sdelay $0x1  }
0x479: {  	s12 =	sor.u32 $0x10040, s31  }
0x47a: {  	[tilespmem:s12+$0x0] =	vst.add.f32.msk $0xffff, v1  }
0x47b: {  	s11 =	sor.u32 $0x100D0, s31;
	v1 =	vld [tilespmem:s31+$0x50]  }
0x47c: {  	[tilespmem:s11+$0x0] =	vst.add.f32.msk $0xffff, v0  }
0x47d: {  	v0 =	vld [tilespmem:s31+$0xE0];
	_ =	sdelay $0x1  }
0x47e: {  	s14 =	sor.u32 $0x10050, s31  }
0x47f: {  	[tilespmem:s14+$0x0] =	vst.add.f32.msk $0xffff, v1  }
0x480: {  	s13 =	sor.u32 $0x100E0, s31;
	v1 =	vld [tilespmem:s31+$0x60]  }
0x481: {  	[tilespmem:s13+$0x0] =	vst.add.f32.msk $0xffff, v0  }
0x482: {  	v0 =	vld [tilespmem:s31+$0xF0];
	_ =	sdelay $0x1  }
0x483: {  	s16 =	sor.u32 $0x10060, s31  }
0x484: {  	[tilespmem:s16+$0x0] =	vst.add.f32.msk $0xffff, v1  }
0x485: {  	s15 =	sor.u32 $0x100F0, s31;
	v1 =	vld [tilespmem:s31+$0x70]  }
0x486: {  	[tilespmem:s15+$0x0] =	vst.add.f32.msk $0xffff, v0  }
0x487: {  	v0 =	vld [tilespmem:s31+$0x480];
	_ =	sdelay $0x1  }
0x488: {  	s18 =	sor.u32 $0x10070, s31  }
0x489: {  	[tilespmem:s18+$0x0] =	vst.add.f32.msk $0xffff, v1  }
0x48a: {  	s17 =	sor.u32 $0x10480, s31;
	v1 =	vld [tilespmem:s31+$0x400]  }
0x48b: {  	[tilespmem:s17+$0x0] =	vst.add.f32.msk $0xffff, v0  }
0x48c: {  	v0 =	vld [tilespmem:s31+$0x490];
	_ =	sdelay $0x1  }
0x48d: {  	s20 =	sor.u32 $0x10400, s31  }
0x48e: {  	[tilespmem:s20+$0x0] =	vst.add.f32.msk $0xffff, v1  }
0x48f: {  	s19 =	sor.u32 $0x10490, s31;
	v1 =	vld [tilespmem:s31+$0x410]  }
0x490: {  	s21 =	simm.s32 $0x100;
	s22 =	simm.s32 $0x200;
	[tilespmem:s19+$0x0] =	vst.add.f32.msk $0xffff, v0  }
0x491: {  	s1 =	sand.u32 $0x7800, s22;
	s0 =	sand.u32 $0x300, s21;
	v0 =	vld [tilespmem:s31+$0x4A0]  }
0x492: {  	s0 =	sor.u32 s0, s1  }
0x493: {  	s24 =	sor.u32 $0x10410, s31;
	v2 =	vld [tilespmem:s0+$0x80]  }
0x494: {  	[tilespmem:s24+$0x0] =	vst.add.f32.msk $0xffff, v1  }
0x495: {  	s23 =	sor.u32 $0x104A0, s31;
	v1 =	vld [tilespmem:s0+$0x0]  }
0x496: {  	[tilespmem:s23+$0x0] =	vst.add.f32.msk $0xffff, v0  }
0x497: {  	s25 =	sor.u32 $0x10080, s0;
	v0 =	vld [tilespmem:s31+$0x4B0]  }
0x498: {  	[tilespmem:s25+$0x0] =	vst.add.f32.msk $0xffff, v2  }
0x499: {  	s28 =	sor.u32 $0x10000, s0;
	v2 =	vld [tilespmem:s0+$0x90]  }
0x49a: {  	[tilespmem:s28+$0x0] =	vst.add.f32.msk $0xffff, v1  }
0x49b: {  	s26 =	sor.u32 $0x104B0, s31;
	v1 =	vld [tilespmem:s0+$0x10]  }
0x49c: {  	[tilespmem:s26+$0x0] =	vst.add.f32.msk $0xffff, v0  }
0x49d: {  	s2 =	sor.u32 $0x10090, s0;
	v0 =	vld [tilespmem:s31+$0x4C0]  }
0x49e: {  	[tilespmem:s2+$0x0] =	vst.add.f32.msk $0xffff, v2  }
0x49f: {  	s4 =	sor.u32 $0x10010, s0;
	v2 =	vld [tilespmem:s0+$0xA0]  }
0x4a0: {  	[tilespmem:s4+$0x0] =	vst.add.f32.msk $0xffff, v1  }
0x4a1: {  	s3 =	sor.u32 $0x104C0, s31;
	v1 =	vld [tilespmem:s0+$0x20]  }
0x4a2: {  	[tilespmem:s3+$0x0] =	vst.add.f32.msk $0xffff, v0  }
0x4a3: {  	s5 =	sor.u32 $0x100A0, s0;
	v0 =	vld [tilespmem:s31+$0x4D0]  }
0x4a4: {  	[tilespmem:s5+$0x0] =	vst.add.f32.msk $0xffff, v2  }
0x4a5: {  	s7 =	sor.u32 $0x10020, s0;
	v2 =	vld [tilespmem:s0+$0xB0]  }
0x4a6: {  	[tilespmem:s7+$0x0] =	vst.add.f32.msk $0xffff, v1  }
0x4a7: {  	s6 =	sor.u32 $0x104D0, s31;
	v1 =	vld [tilespmem:s0+$0x30]  }
0x4a8: {  	[tilespmem:s6+$0x0] =	vst.add.f32.msk $0xffff, v0  }
0x4a9: {  	s8 =	sor.u32 $0x100B0, s0;
	v0 =	vld [tilespmem:s31+$0x4E0]  }
0x4aa: {  	[tilespmem:s8+$0x0] =	vst.add.f32.msk $0xffff, v2  }
0x4ab: {  	s10 =	sor.u32 $0x10030, s0;
	v2 =	vld [tilespmem:s0+$0xC0]  }
0x4ac: {  	[tilespmem:s10+$0x0] =	vst.add.f32.msk $0xffff, v1  }
0x4ad: {  	s9 =	sor.u32 $0x104E0, s31;
	v1 =	vld [tilespmem:s0+$0x40]  }
0x4ae: {  	[tilespmem:s9+$0x0] =	vst.add.f32.msk $0xffff, v0  }
0x4af: {  	s11 =	sor.u32 $0x100C0, s0;
	v0 =	vld [tilespmem:s31+$0x4F0]  }
0x4b0: {  	[tilespmem:s11+$0x0] =	vst.add.f32.msk $0xffff, v2  }
0x4b1: {  	v2 =	vld [tilespmem:s0+$0xD0]  }
0x4b2: {  	s13 =	sor.u32 $0x10040, s0;
	v3 =	vld [tilespmem:s31+$0x420]  }
0x4b3: {  	s12 =	sor.u32 $0x104F0, s31;
	[tilespmem:s13+$0x0] =	vst.add.f32.msk $0xffff, v1  }
0x4b4: {  	[tilespmem:s12+$0x0] =	vst.add.f32.msk $0xffff, v0  }
0x4b5: {  	s14 =	sor.u32 $0x100D0, s0;
	v0 =	vld [tilespmem:s0+$0x50]  }
0x4b6: {  	[tilespmem:s14+$0x0] =	vst.add.f32.msk $0xffff, v2  }
0x4b7: {  	s15 =	sor.u32 $0x10420, s31;
	v1 =	vld [tilespmem:s0+$0xE0]  }
0x4b8: {  	[tilespmem:s15+$0x0] =	vst.add.f32.msk $0xffff, v3  }
0x4b9: {  	s16 =	sor.u32 $0x10050, s0;
	v2 =	vld [tilespmem:s31+$0x430]  }
0x4ba: {  	[tilespmem:s16+$0x0] =	vst.add.f32.msk $0xffff, v0  }
0x4bb: {  	s17 =	sor.u32 $0x100E0, s0;
	v0 =	vld [tilespmem:s0+$0x60]  }
0x4bc: {  	[tilespmem:s17+$0x0] =	vst.add.f32.msk $0xffff, v1  }
0x4bd: {  	s18 =	sor.u32 $0x10430, s31;
	v1 =	vld [tilespmem:s0+$0xF0]  }
0x4be: {  	[tilespmem:s18+$0x0] =	vst.add.f32.msk $0xffff, v2  }
0x4bf: {  	s19 =	sor.u32 $0x10060, s0;
	v2 =	vld [tilespmem:s31+$0x440]  }
0x4c0: {  	[tilespmem:s19+$0x0] =	vst.add.f32.msk $0xffff, v0  }
0x4c1: {  	s20 =	sor.u32 $0x100F0, s0;
	v0 =	vld [tilespmem:s0+$0x70]  }
0x4c2: {  	[tilespmem:s20+$0x0] =	vst.add.f32.msk $0xffff, v1  }
0x4c3: {  	s21 =	sor.u32 $0x10440, s31;
	v1 =	vld [tilespmem:s0+$0x480]  }
0x4c4: {  	[tilespmem:s21+$0x0] =	vst.add.f32.msk $0xffff, v2  }
0x4c5: {  	s22 =	sor.u32 $0x10070, s0;
	v2 =	vld [tilespmem:s31+$0x450]  }
0x4c6: {  	[tilespmem:s22+$0x0] =	vst.add.f32.msk $0xffff, v0  }
0x4c7: {  	s23 =	sor.u32 $0x10480, s0;
	v0 =	vld [tilespmem:s0+$0x400]  }
0x4c8: {  	[tilespmem:s23+$0x0] =	vst.add.f32.msk $0xffff, v1  }
0x4c9: {  	s24 =	sor.u32 $0x10450, s31;
	v3 =	vld [tilespmem:s0+$0x490]  }
0x4ca: {  	[tilespmem:s24+$0x0] =	vst.add.f32.msk $0xffff, v2  }
0x4cb: {  	s25 =	sor.u32 $0x10400, s0;
	v2 =	vld [tilespmem:s31+$0x460]  }
0x4cc: {  	s29 =	simm.s32 $0x8000;
	s1 =	sor.u32 $0x10470, s31;
	[tilespmem:s25+$0x0] =	vst.add.f32.msk $0xffff, v0  }
0x4cd: {  	s5 =	sor.u32 $0x10450, s0;
	s8 =	sor.u32 $0x10420, s0;
	s28 =	sor.u32 $0x10490, s0;
	v1 =	vld [tilespmem:s0+$0x410]  }
0x4ce: {  	s11 =	simm.s32 $0x400;
	s4 =	sor.u32 $0x10460, s0;
	s26 =	sor.u32 $0x10460, s31;
	[tilespmem:s28+$0x0] =	vst.add.f32.msk $0xffff, v3  }
0x4cf: {  	s7 =	sor.u32 $0x10430, s0;
	s3 =	sor.u32 $0x10470, s0;
	s10 =	simm.s32 $0x200;
	v0 =	vld [tilespmem:s0+$0x4A0]  }
0x4d0: {  	s6 =	sor.u32 $0x10440, s0;
	s9 =	simm.s32 $0x2;
	[tilespmem:s26+$0x0] =	vst.add.f32.msk $0xffff, v2;
	s12 =	sor.u32 $0x10410, s0  }
.LBB2_12:
0x4d1: {  	s2 =	sand.u32 $0x7800, s11;
	s13 =	sand.u32 $0x300, s10;
	s9 =	sadd.s32 $0x2, s9;
	v2 =	vld [tilespmem:s31+$0x470]  }
0x4d2: {  	s31 =	smov.u32 s0;
	p0 =	slt.u32 s9, $0x7E;
	[tilespmem:s12+$0x0] =	vst.add.f32.msk $0xffff, v1;
	s0 =	sor.u32 s13, s2  }
0x4d3: {  	s2 =	sor.u32 $0x104A0, s31;
	s24 =	sor.u32 $0x10000, s0;
	s25 =	sor.u32 $0x10010, s0;
	v1 =	vld [tilespmem:s0+$0x80]  }
0x4d4: {  	s26 =	sor.u32 $0x10020, s0;
	s22 =	sor.u32 $0x10030, s0;
	s21 =	sor.u32 $0x10040, s0;
	[tilespmem:s2+$0x0] =	vst.add.f32.msk $0xffff, v0  }
0x4d5: {  	s19 =	sor.u32 $0x10050, s0;
	s17 =	sor.u32 $0x10060, s0;
	s15 =	sor.u32 $0x10070, s0;
	v0 =	vld [tilespmem:s31+$0x4B0]  }
0x4d6: {  	s14 =	sor.u32 $0x10400, s0;
	s12 =	sor.u32 $0x10410, s0;
	s23 =	sor.u32 $0x10420, s0;
	v3 =	vld [tilespmem:s0+$0x0]  }
0x4d7: {  	s20 =	sor.u32 $0x10430, s0;
	s18 =	sor.u32 $0x10440, s0;
	s28 =	sor.u32 $0x10080, s0;
	v4 =	vld [tilespmem:s31+$0x420]  }
0x4d8: {  	s16 =	sor.u32 $0x10450, s0;
	s13 =	sor.u32 $0x10460, s0;
	s2 =	sor.u32 $0x10470, s0;
	[tilespmem:s28+$0x0] =	vst.add.f32.msk $0xffff, v1  }
0x4d9: {  	s28 =	sor.u32 $0x104B0, s31;
	v1 =	vld [tilespmem:s0+$0x90]  }
0x4da: {  	[tilespmem:s28+$0x0] =	vst.add.f32.msk $0xffff, v0  }
0x4db: {  	v0 =	vld [tilespmem:s31+$0x4C0]  }
0x4dc: {  	[tilespmem:s24+$0x0] =	vst.add.f32.msk $0xffff, v3  }
0x4dd: {  	s24 =	sor.u32 $0x10090, s0;
	v3 =	vld [tilespmem:s0+$0x10]  }
0x4de: {  	[tilespmem:s24+$0x0] =	vst.add.f32.msk $0xffff, v1  }
0x4df: {  	s24 =	sor.u32 $0x104C0, s31;
	v1 =	vld [tilespmem:s0+$0xA0]  }
0x4e0: {  	[tilespmem:s24+$0x0] =	vst.add.f32.msk $0xffff, v0  }
0x4e1: {  	v0 =	vld [tilespmem:s31+$0x4D0]  }
0x4e2: {  	[tilespmem:s25+$0x0] =	vst.add.f32.msk $0xffff, v3  }
0x4e3: {  	s24 =	sor.u32 $0x100A0, s0;
	v3 =	vld [tilespmem:s0+$0x20]  }
0x4e4: {  	[tilespmem:s24+$0x0] =	vst.add.f32.msk $0xffff, v1  }
0x4e5: {  	s24 =	sor.u32 $0x104D0, s31;
	v1 =	vld [tilespmem:s0+$0xB0]  }
0x4e6: {  	[tilespmem:s24+$0x0] =	vst.add.f32.msk $0xffff, v0  }
0x4e7: {  	v0 =	vld [tilespmem:s31+$0x4E0]  }
0x4e8: {  	[tilespmem:s26+$0x0] =	vst.add.f32.msk $0xffff, v3  }
0x4e9: {  	s24 =	sor.u32 $0x100B0, s0;
	v3 =	vld [tilespmem:s0+$0x30]  }
0x4ea: {  	[tilespmem:s24+$0x0] =	vst.add.f32.msk $0xffff, v1  }
0x4eb: {  	s24 =	sor.u32 $0x104E0, s31;
	v1 =	vld [tilespmem:s0+$0xC0]  }
0x4ec: {  	[tilespmem:s24+$0x0] =	vst.add.f32.msk $0xffff, v0  }
0x4ed: {  	v0 =	vld [tilespmem:s31+$0x4F0]  }
0x4ee: {  	[tilespmem:s22+$0x0] =	vst.add.f32.msk $0xffff, v3  }
0x4ef: {  	s22 =	sor.u32 $0x100C0, s0;
	v3 =	vld [tilespmem:s0+$0x40]  }
0x4f0: {  	[tilespmem:s22+$0x0] =	vst.add.f32.msk $0xffff, v1  }
0x4f1: {  	s22 =	sor.u32 $0x104F0, s31;
	v1 =	vld [tilespmem:s0+$0xD0]  }
0x4f2: {  	[tilespmem:s22+$0x0] =	vst.add.f32.msk $0xffff, v0  }
0x4f3: {  	[tilespmem:s8+$0x0] =	vst.add.f32.msk $0xffff, v4;
	s8 =	smov.u32 s23  }
0x4f4: {  	[tilespmem:s21+$0x0] =	vst.add.f32.msk $0xffff, v3  }
0x4f5: {  	s21 =	sor.u32 $0x100D0, s0;
	v0 =	vld [tilespmem:s0+$0x50]  }
0x4f6: {  	[tilespmem:s21+$0x0] =	vst.add.f32.msk $0xffff, v1  }
0x4f7: {  	v1 =	vld [tilespmem:s0+$0xE0]  }
0x4f8: {  	v3 =	vld [tilespmem:s31+$0x430]  }
0x4f9: {  	[tilespmem:s1+$0x0] =	vst.add.f32.msk $0xffff, v2;
	s1 =	smov.u32 s3;
	s3 =	smov.u32 s2  }
0x4fa: {  	[tilespmem:s19+$0x0] =	vst.add.f32.msk $0xffff, v0  }
0x4fb: {  	s2 =	sor.u32 $0x100E0, s0;
	v0 =	vld [tilespmem:s0+$0x60]  }
0x4fc: {  	[tilespmem:s2+$0x0] =	vst.add.f32.msk $0xffff, v1  }
0x4fd: {  	v1 =	vld [tilespmem:s0+$0xF0]  }
0x4fe: {  	[tilespmem:s7+$0x0] =	vst.add.f32.msk $0xffff, v3;
	s7 =	smov.u32 s20  }
0x4ff: {  	v2 =	vld [tilespmem:s31+$0x440]  }
0x500: {  	[tilespmem:s17+$0x0] =	vst.add.f32.msk $0xffff, v0  }
0x501: {  	s2 =	sor.u32 $0x100F0, s0;
	v0 =	vld [tilespmem:s0+$0x70]  }
0x502: {  	[tilespmem:s2+$0x0] =	vst.add.f32.msk $0xffff, v1  }
0x503: {  	v1 =	vld [tilespmem:s0+$0x480]  }
0x504: {  	[tilespmem:s6+$0x0] =	vst.add.f32.msk $0xffff, v2;
	s6 =	smov.u32 s18  }
0x505: {  	v2 =	vld [tilespmem:s31+$0x450]  }
0x506: {  	[tilespmem:s15+$0x0] =	vst.add.f32.msk $0xffff, v0  }
0x507: {  	s2 =	sor.u32 $0x10480, s0;
	v0 =	vld [tilespmem:s0+$0x400]  }
0x508: {  	[tilespmem:s2+$0x0] =	vst.add.f32.msk $0xffff, v1  }
0x509: {  	v3 =	vld [tilespmem:s0+$0x490]  }
0x50a: {  	[tilespmem:s5+$0x0] =	vst.add.f32.msk $0xffff, v2;
	s5 =	smov.u32 s16  }
0x50b: {  	v2 =	vld [tilespmem:s31+$0x460]  }
.Ltmp5:
0x50c: {  	[tilespmem:s14+$0x0] =	vst.add.f32.msk $0xffff, v0;
	(pc) =	sbr.rel @p0 .LBB2_12-.Ltmp5, $4  }
0x50d: {  	s2 =	sor.u32 $0x10490, s0;
	v1 =	vld [tilespmem:s0+$0x410]  }
0x50e: {  	[tilespmem:s2+$0x0] =	vst.add.f32.msk $0xffff, v3  }
0x50f: {  	v0 =	vld [tilespmem:s0+$0x4A0]  }
0x510: {  	s10 =	sadd.s32 $0x100, s10;
	s11 =	sadd.s32 $0x200, s11;
	[tilespmem:s4+$0x0] =	vst.add.f32.msk $0xffff, v2;
	s4 =	smov.u32 s13  }
0x511: {  	_ = 	snop  }
0x512: {  	[tilespmem:s12+$0x0] =	vst.add.f32.msk $0xffff, v1  }
0x513: {  	v1 =	vld [tilespmem:s0+$0x420];
	_ =	sdelay $0x1  }
0x514: {  	s2 =	sor.u32 $0x104A0, s0  }
0x515: {  	[tilespmem:s2+$0x0] =	vst.add.f32.msk $0xffff, v0  }
0x516: {  	v0 =	vld [tilespmem:s0+$0x4B0]  }
0x517: {  	[tilespmem:s8+$0x0] =	vst.add.f32.msk $0xffff, v1  }
0x518: {  	v1 =	vld [tilespmem:s0+$0x430];
	_ =	sdelay $0x1  }
0x519: {  	s17 =	sor.u32 $0x104B0, s0  }
0x51a: {  	[tilespmem:s17+$0x0] =	vst.add.f32.msk $0xffff, v0  }
0x51b: {  	v0 =	vld [tilespmem:s0+$0x4C0]  }
0x51c: {  	[tilespmem:s7+$0x0] =	vst.add.f32.msk $0xffff, v1  }
0x51d: {  	v1 =	vld [tilespmem:s0+$0x440];
	_ =	sdelay $0x1  }
0x51e: {  	s18 =	sor.u32 $0x104C0, s0  }
0x51f: {  	[tilespmem:s18+$0x0] =	vst.add.f32.msk $0xffff, v0  }
0x520: {  	v0 =	vld [tilespmem:s0+$0x4D0]  }
0x521: {  	[tilespmem:s6+$0x0] =	vst.add.f32.msk $0xffff, v1  }
0x522: {  	v1 =	vld [tilespmem:s0+$0x450];
	_ =	sdelay $0x1  }
0x523: {  	s19 =	sor.u32 $0x104D0, s0  }
0x524: {  	[tilespmem:s19+$0x0] =	vst.add.f32.msk $0xffff, v0  }
0x525: {  	v0 =	vld [tilespmem:s0+$0x4E0]  }
0x526: {  	[tilespmem:s5+$0x0] =	vst.add.f32.msk $0xffff, v1  }
0x527: {  	v1 =	vld [tilespmem:s0+$0x460];
	_ =	sdelay $0x1  }
0x528: {  	v2 =	vld [tilespmem:s31+$0x470];
	s20 =	sor.u32 $0x104E0, s0  }
0x529: {  	[tilespmem:s20+$0x0] =	vst.add.f32.msk $0xffff, v0  }
0x52a: {  	v0 =	vld [tilespmem:s0+$0x4F0]  }
0x52b: {  	[tilespmem:s4+$0x0] =	vst.add.f32.msk $0xffff, v1  }
0x52c: {  	v1 =	vld [tilespmem:s0+$0x470];
	_ =	sdelay $0x2  }
0x52d: {  	s21 =	sor.u32 $0x104F0, s0;
	[tilespmem:s1+$0x0] =	vst.add.f32.msk $0xffff, v2  }
0x52e: {  	[tilespmem:s21+$0x0] =	vst.add.f32.msk $0xffff, v0  }
0x52f: {  	s22 =	simm.s32 $0x0;
	[tilespmem:s3+$0x0] =	vst.add.f32.msk $0xffff, v1  }
0x530: {  	s23 =	simm.s32 $0x10000;
	s24 =	simm.s32 $0x5;
	s1 =	rddreg [dreg:$0x12]  }
0x531: {  	[hbm4b:s1+s22] =	stream.linear.scatter [tilespmem:s23], [sflag:$0x5], $0x8000, $0x38;
	[tilespmem:$0x18000] =	vst v63  }
0x532: {  	_ =	swait.ge [sflag:s24], $0x8000  }
0x533: {  	[sflag:s24] =	ssyncset.done $0x0  }
0x534: {  	s26 =	simm.s32 $0x2;
	s25 =	rddreg [dreg:$0x13];
	[sflag:s24] =	ssyncadd.s32 $0xFFFF8000  }
0x535: {  	[tilespmem:s23], [sflag:$0x3] =	stream.linear.gather [hbm4b:s25+s22], $0x8000, $0x38;
	[tilespmem:$0x18000] =	vst v63  }
0x536: {  	_ =	swait.ge [sflag:s26], $0x8000  }
0x537: {  	s28 =	sand.u32 $0x7800, s22;
	s0 =	sand.u32 $0x300, s22;
	[sflag:s26] =	ssyncset.done $0x0  }
0x538: {  	s31 =	sor.u32 s0, s28;
	[sflag:s26] =	ssyncadd.s32 $0xFFFF8000  }
0x539: {  	v0 =	vld [tilespmem:s31+$0x80];
	_ =	sdelay $0x3  }
0x53a: {  	s0 =	sor.u32 $0x8080, s31;
	v1 =	vld [tilespmem:s31+$0x0]  }
0x53b: {  	[tilespmem:s0+$0x0] =	vst.add.f32.msk $0xffff, v0  }
0x53c: {  	v0 =	vld [tilespmem:s31+$0x90];
	_ =	sdelay $0x1  }
0x53d: {  	s4 =	sor.u32 $0x8000, s31  }
0x53e: {  	[tilespmem:s4+$0x0] =	vst.add.f32.msk $0xffff, v1  }
0x53f: {  	s3 =	sor.u32 $0x8090, s31;
	v1 =	vld [tilespmem:s31+$0x10]  }
0x540: {  	[tilespmem:s3+$0x0] =	vst.add.f32.msk $0xffff, v0  }
0x541: {  	v0 =	vld [tilespmem:s31+$0xA0];
	_ =	sdelay $0x1  }
0x542: {  	s6 =	sor.u32 $0x8010, s31  }
0x543: {  	[tilespmem:s6+$0x0] =	vst.add.f32.msk $0xffff, v1  }
0x544: {  	s5 =	sor.u32 $0x80A0, s31;
	v1 =	vld [tilespmem:s31+$0x20]  }
0x545: {  	[tilespmem:s5+$0x0] =	vst.add.f32.msk $0xffff, v0  }
0x546: {  	v0 =	vld [tilespmem:s31+$0xB0];
	_ =	sdelay $0x1  }
0x547: {  	s8 =	sor.u32 $0x8020, s31  }
0x548: {  	[tilespmem:s8+$0x0] =	vst.add.f32.msk $0xffff, v1  }
0x549: {  	s7 =	sor.u32 $0x80B0, s31;
	v1 =	vld [tilespmem:s31+$0x30]  }
0x54a: {  	[tilespmem:s7+$0x0] =	vst.add.f32.msk $0xffff, v0  }
0x54b: {  	v0 =	vld [tilespmem:s31+$0xC0];
	_ =	sdelay $0x1  }
0x54c: {  	s10 =	sor.u32 $0x8030, s31  }
0x54d: {  	[tilespmem:s10+$0x0] =	vst.add.f32.msk $0xffff, v1  }
0x54e: {  	s9 =	sor.u32 $0x80C0, s31;
	v1 =	vld [tilespmem:s31+$0x40]  }
0x54f: {  	[tilespmem:s9+$0x0] =	vst.add.f32.msk $0xffff, v0  }
0x550: {  	v0 =	vld [tilespmem:s31+$0xD0];
	_ =	sdelay $0x1  }
0x551: {  	s12 =	sor.u32 $0x8040, s31  }
0x552: {  	[tilespmem:s12+$0x0] =	vst.add.f32.msk $0xffff, v1  }
0x553: {  	s11 =	sor.u32 $0x80D0, s31;
	v1 =	vld [tilespmem:s31+$0x50]  }
0x554: {  	[tilespmem:s11+$0x0] =	vst.add.f32.msk $0xffff, v0  }
0x555: {  	v0 =	vld [tilespmem:s31+$0xE0];
	_ =	sdelay $0x1  }
0x556: {  	s14 =	sor.u32 $0x8050, s31  }
0x557: {  	[tilespmem:s14+$0x0] =	vst.add.f32.msk $0xffff, v1  }
0x558: {  	s13 =	sor.u32 $0x80E0, s31;
	v1 =	vld [tilespmem:s31+$0x60]  }
0x559: {  	[tilespmem:s13+$0x0] =	vst.add.f32.msk $0xffff, v0  }
0x55a: {  	v0 =	vld [tilespmem:s31+$0xF0];
	_ =	sdelay $0x1  }
0x55b: {  	s16 =	sor.u32 $0x8060, s31  }
0x55c: {  	[tilespmem:s16+$0x0] =	vst.add.f32.msk $0xffff, v1  }
0x55d: {  	s15 =	sor.u32 $0x80F0, s31;
	v1 =	vld [tilespmem:s31+$0x70]  }
0x55e: {  	[tilespmem:s15+$0x0] =	vst.add.f32.msk $0xffff, v0  }
0x55f: {  	v0 =	vld [tilespmem:s31+$0x480];
	_ =	sdelay $0x1  }
0x560: {  	s18 =	sor.u32 $0x8070, s31  }
0x561: {  	[tilespmem:s18+$0x0] =	vst.add.f32.msk $0xffff, v1  }
0x562: {  	s17 =	sor.u32 $0x8480, s31;
	v1 =	vld [tilespmem:s31+$0x400]  }
0x563: {  	[tilespmem:s17+$0x0] =	vst.add.f32.msk $0xffff, v0  }
0x564: {  	v0 =	vld [tilespmem:s31+$0x490];
	_ =	sdelay $0x1  }
0x565: {  	s20 =	sor.u32 $0x8400, s31  }
0x566: {  	[tilespmem:s20+$0x0] =	vst.add.f32.msk $0xffff, v1  }
0x567: {  	s19 =	sor.u32 $0x8490, s31;
	v1 =	vld [tilespmem:s31+$0x410]  }
0x568: {  	s21 =	simm.s32 $0x100;
	s22 =	simm.s32 $0x200;
	[tilespmem:s19+$0x0] =	vst.add.f32.msk $0xffff, v0  }
0x569: {  	s1 =	sand.u32 $0x7800, s22;
	s0 =	sand.u32 $0x300, s21;
	v0 =	vld [tilespmem:s31+$0x4A0]  }
0x56a: {  	s0 =	sor.u32 s0, s1  }
0x56b: {  	s24 =	sor.u32 $0x8410, s31;
	v2 =	vld [tilespmem:s0+$0x80]  }
0x56c: {  	[tilespmem:s24+$0x0] =	vst.add.f32.msk $0xffff, v1  }
0x56d: {  	s23 =	sor.u32 $0x84A0, s31;
	v1 =	vld [tilespmem:s0+$0x0]  }
0x56e: {  	[tilespmem:s23+$0x0] =	vst.add.f32.msk $0xffff, v0  }
0x56f: {  	s25 =	sor.u32 $0x8080, s0;
	v0 =	vld [tilespmem:s31+$0x4B0]  }
0x570: {  	[tilespmem:s25+$0x0] =	vst.add.f32.msk $0xffff, v2  }
0x571: {  	s28 =	sor.u32 $0x8000, s0;
	v2 =	vld [tilespmem:s0+$0x90]  }
0x572: {  	[tilespmem:s28+$0x0] =	vst.add.f32.msk $0xffff, v1  }
0x573: {  	s26 =	sor.u32 $0x84B0, s31;
	v1 =	vld [tilespmem:s0+$0x10]  }
0x574: {  	[tilespmem:s26+$0x0] =	vst.add.f32.msk $0xffff, v0  }
0x575: {  	s2 =	sor.u32 $0x8090, s0;
	v0 =	vld [tilespmem:s31+$0x4C0]  }
0x576: {  	[tilespmem:s2+$0x0] =	vst.add.f32.msk $0xffff, v2  }
0x577: {  	s4 =	sor.u32 $0x8010, s0;
	v2 =	vld [tilespmem:s0+$0xA0]  }
0x578: {  	[tilespmem:s4+$0x0] =	vst.add.f32.msk $0xffff, v1  }
0x579: {  	s3 =	sor.u32 $0x84C0, s31;
	v1 =	vld [tilespmem:s0+$0x20]  }
0x57a: {  	[tilespmem:s3+$0x0] =	vst.add.f32.msk $0xffff, v0  }
0x57b: {  	s5 =	sor.u32 $0x80A0, s0;
	v0 =	vld [tilespmem:s31+$0x4D0]  }
0x57c: {  	[tilespmem:s5+$0x0] =	vst.add.f32.msk $0xffff, v2  }
0x57d: {  	s7 =	sor.u32 $0x8020, s0;
	v2 =	vld [tilespmem:s0+$0xB0]  }
0x57e: {  	[tilespmem:s7+$0x0] =	vst.add.f32.msk $0xffff, v1  }
0x57f: {  	s6 =	sor.u32 $0x84D0, s31;
	v1 =	vld [tilespmem:s0+$0x30]  }
0x580: {  	[tilespmem:s6+$0x0] =	vst.add.f32.msk $0xffff, v0  }
0x581: {  	s8 =	sor.u32 $0x80B0, s0;
	v0 =	vld [tilespmem:s31+$0x4E0]  }
0x582: {  	[tilespmem:s8+$0x0] =	vst.add.f32.msk $0xffff, v2  }
0x583: {  	s10 =	sor.u32 $0x8030, s0;
	v2 =	vld [tilespmem:s0+$0xC0]  }
0x584: {  	[tilespmem:s10+$0x0] =	vst.add.f32.msk $0xffff, v1  }
0x585: {  	s9 =	sor.u32 $0x84E0, s31;
	v1 =	vld [tilespmem:s0+$0x40]  }
0x586: {  	[tilespmem:s9+$0x0] =	vst.add.f32.msk $0xffff, v0  }
0x587: {  	s11 =	sor.u32 $0x80C0, s0;
	v0 =	vld [tilespmem:s31+$0x4F0]  }
0x588: {  	[tilespmem:s11+$0x0] =	vst.add.f32.msk $0xffff, v2  }
0x589: {  	v2 =	vld [tilespmem:s0+$0xD0]  }
0x58a: {  	s13 =	sor.u32 $0x8040, s0;
	v3 =	vld [tilespmem:s31+$0x420]  }
0x58b: {  	s12 =	sor.u32 $0x84F0, s31;
	[tilespmem:s13+$0x0] =	vst.add.f32.msk $0xffff, v1  }
0x58c: {  	[tilespmem:s12+$0x0] =	vst.add.f32.msk $0xffff, v0  }
0x58d: {  	s14 =	sor.u32 $0x80D0, s0;
	v0 =	vld [tilespmem:s0+$0x50]  }
0x58e: {  	[tilespmem:s14+$0x0] =	vst.add.f32.msk $0xffff, v2  }
0x58f: {  	s15 =	sor.u32 $0x8420, s31;
	v1 =	vld [tilespmem:s0+$0xE0]  }
0x590: {  	[tilespmem:s15+$0x0] =	vst.add.f32.msk $0xffff, v3  }
0x591: {  	s16 =	sor.u32 $0x8050, s0;
	v2 =	vld [tilespmem:s31+$0x430]  }
0x592: {  	[tilespmem:s16+$0x0] =	vst.add.f32.msk $0xffff, v0  }
0x593: {  	s17 =	sor.u32 $0x80E0, s0;
	v0 =	vld [tilespmem:s0+$0x60]  }
0x594: {  	[tilespmem:s17+$0x0] =	vst.add.f32.msk $0xffff, v1  }
0x595: {  	s18 =	sor.u32 $0x8430, s31;
	v1 =	vld [tilespmem:s0+$0xF0]  }
0x596: {  	[tilespmem:s18+$0x0] =	vst.add.f32.msk $0xffff, v2  }
0x597: {  	s19 =	sor.u32 $0x8060, s0;
	v2 =	vld [tilespmem:s31+$0x440]  }
0x598: {  	[tilespmem:s19+$0x0] =	vst.add.f32.msk $0xffff, v0  }
0x599: {  	s20 =	sor.u32 $0x80F0, s0;
	v0 =	vld [tilespmem:s0+$0x70]  }
0x59a: {  	[tilespmem:s20+$0x0] =	vst.add.f32.msk $0xffff, v1  }
0x59b: {  	s21 =	sor.u32 $0x8440, s31;
	v1 =	vld [tilespmem:s0+$0x480]  }
0x59c: {  	[tilespmem:s21+$0x0] =	vst.add.f32.msk $0xffff, v2  }
0x59d: {  	s22 =	sor.u32 $0x8070, s0;
	v2 =	vld [tilespmem:s31+$0x450]  }
0x59e: {  	[tilespmem:s22+$0x0] =	vst.add.f32.msk $0xffff, v0  }
0x59f: {  	s23 =	sor.u32 $0x8480, s0;
	v0 =	vld [tilespmem:s0+$0x400]  }
0x5a0: {  	[tilespmem:s23+$0x0] =	vst.add.f32.msk $0xffff, v1  }
0x5a1: {  	s24 =	sor.u32 $0x8450, s31;
	v3 =	vld [tilespmem:s0+$0x490]  }
0x5a2: {  	[tilespmem:s24+$0x0] =	vst.add.f32.msk $0xffff, v2  }
0x5a3: {  	s25 =	sor.u32 $0x8400, s0;
	v2 =	vld [tilespmem:s31+$0x460]  }
0x5a4: {  	s1 =	sor.u32 $0x8470, s31;
	[tilespmem:s25+$0x0] =	vst.add.f32.msk $0xffff, v0  }
0x5a5: {  	s5 =	sor.u32 $0x8450, s0;
	s8 =	sor.u32 $0x8420, s0;
	s28 =	sor.u32 $0x8490, s0;
	v1 =	vld [tilespmem:s0+$0x410]  }
0x5a6: {  	s11 =	simm.s32 $0x400;
	s4 =	sor.u32 $0x8460, s0;
	s26 =	sor.u32 $0x8460, s31;
	[tilespmem:s28+$0x0] =	vst.add.f32.msk $0xffff, v3  }
0x5a7: {  	s7 =	sor.u32 $0x8430, s0;
	s3 =	sor.u32 $0x8470, s0;
	s10 =	simm.s32 $0x200;
	v0 =	vld [tilespmem:s0+$0x4A0]  }
0x5a8: {  	s6 =	sor.u32 $0x8440, s0;
	s9 =	simm.s32 $0x2;
	[tilespmem:s26+$0x0] =	vst.add.f32.msk $0xffff, v2;
	s12 =	sor.u32 $0x8410, s0  }
.LBB2_14:
0x5a9: {  	s2 =	sand.u32 $0x7800, s11;
	s13 =	sand.u32 $0x300, s10;
	s9 =	sadd.s32 $0x2, s9;
	v2 =	vld [tilespmem:s31+$0x470]  }
0x5aa: {  	s31 =	smov.u32 s0;
	p0 =	slt.u32 s9, $0x7E;
	[tilespmem:s12+$0x0] =	vst.add.f32.msk $0xffff, v1;
	s0 =	sor.u32 s13, s2  }
0x5ab: {  	s2 =	sor.u32 $0x84A0, s31;
	s24 =	sor.u32 $0x8000, s0;
	s25 =	sor.u32 $0x8010, s0;
	v1 =	vld [tilespmem:s0+$0x80]  }
0x5ac: {  	s26 =	sor.u32 $0x8020, s0;
	s22 =	sor.u32 $0x8030, s0;
	s21 =	sor.u32 $0x8040, s0;
	[tilespmem:s2+$0x0] =	vst.add.f32.msk $0xffff, v0  }
0x5ad: {  	s19 =	sor.u32 $0x8050, s0;
	s17 =	sor.u32 $0x8060, s0;
	s15 =	sor.u32 $0x8070, s0;
	v0 =	vld [tilespmem:s31+$0x4B0]  }
0x5ae: {  	s14 =	sor.u32 $0x8400, s0;
	s12 =	sor.u32 $0x8410, s0;
	s23 =	sor.u32 $0x8420, s0;
	v3 =	vld [tilespmem:s0+$0x0]  }
0x5af: {  	s20 =	sor.u32 $0x8430, s0;
	s18 =	sor.u32 $0x8440, s0;
	s28 =	sor.u32 $0x8080, s0;
	v4 =	vld [tilespmem:s31+$0x420]  }
0x5b0: {  	s16 =	sor.u32 $0x8450, s0;
	s13 =	sor.u32 $0x8460, s0;
	s2 =	sor.u32 $0x8470, s0;
	[tilespmem:s28+$0x0] =	vst.add.f32.msk $0xffff, v1  }
0x5b1: {  	s28 =	sor.u32 $0x84B0, s31;
	v1 =	vld [tilespmem:s0+$0x90]  }
0x5b2: {  	[tilespmem:s28+$0x0] =	vst.add.f32.msk $0xffff, v0  }
0x5b3: {  	v0 =	vld [tilespmem:s31+$0x4C0]  }
0x5b4: {  	[tilespmem:s24+$0x0] =	vst.add.f32.msk $0xffff, v3  }
0x5b5: {  	s24 =	sor.u32 $0x8090, s0;
	v3 =	vld [tilespmem:s0+$0x10]  }
0x5b6: {  	[tilespmem:s24+$0x0] =	vst.add.f32.msk $0xffff, v1  }
0x5b7: {  	s24 =	sor.u32 $0x84C0, s31;
	v1 =	vld [tilespmem:s0+$0xA0]  }
0x5b8: {  	[tilespmem:s24+$0x0] =	vst.add.f32.msk $0xffff, v0  }
0x5b9: {  	v0 =	vld [tilespmem:s31+$0x4D0]  }
0x5ba: {  	[tilespmem:s25+$0x0] =	vst.add.f32.msk $0xffff, v3  }
0x5bb: {  	s24 =	sor.u32 $0x80A0, s0;
	v3 =	vld [tilespmem:s0+$0x20]  }
0x5bc: {  	[tilespmem:s24+$0x0] =	vst.add.f32.msk $0xffff, v1  }
0x5bd: {  	s24 =	sor.u32 $0x84D0, s31;
	v1 =	vld [tilespmem:s0+$0xB0]  }
0x5be: {  	[tilespmem:s24+$0x0] =	vst.add.f32.msk $0xffff, v0  }
0x5bf: {  	v0 =	vld [tilespmem:s31+$0x4E0]  }
0x5c0: {  	[tilespmem:s26+$0x0] =	vst.add.f32.msk $0xffff, v3  }
0x5c1: {  	s24 =	sor.u32 $0x80B0, s0;
	v3 =	vld [tilespmem:s0+$0x30]  }
0x5c2: {  	[tilespmem:s24+$0x0] =	vst.add.f32.msk $0xffff, v1  }
0x5c3: {  	s24 =	sor.u32 $0x84E0, s31;
	v1 =	vld [tilespmem:s0+$0xC0]  }
0x5c4: {  	[tilespmem:s24+$0x0] =	vst.add.f32.msk $0xffff, v0  }
0x5c5: {  	v0 =	vld [tilespmem:s31+$0x4F0]  }
0x5c6: {  	[tilespmem:s22+$0x0] =	vst.add.f32.msk $0xffff, v3  }
0x5c7: {  	s22 =	sor.u32 $0x80C0, s0;
	v3 =	vld [tilespmem:s0+$0x40]  }
0x5c8: {  	[tilespmem:s22+$0x0] =	vst.add.f32.msk $0xffff, v1  }
0x5c9: {  	s22 =	sor.u32 $0x84F0, s31;
	v1 =	vld [tilespmem:s0+$0xD0]  }
0x5ca: {  	[tilespmem:s22+$0x0] =	vst.add.f32.msk $0xffff, v0  }
0x5cb: {  	[tilespmem:s8+$0x0] =	vst.add.f32.msk $0xffff, v4;
	s8 =	smov.u32 s23  }
0x5cc: {  	[tilespmem:s21+$0x0] =	vst.add.f32.msk $0xffff, v3  }
0x5cd: {  	s21 =	sor.u32 $0x80D0, s0;
	v0 =	vld [tilespmem:s0+$0x50]  }
0x5ce: {  	[tilespmem:s21+$0x0] =	vst.add.f32.msk $0xffff, v1  }
0x5cf: {  	v1 =	vld [tilespmem:s0+$0xE0]  }
0x5d0: {  	v3 =	vld [tilespmem:s31+$0x430]  }
0x5d1: {  	[tilespmem:s1+$0x0] =	vst.add.f32.msk $0xffff, v2;
	s1 =	smov.u32 s3;
	s3 =	smov.u32 s2  }
0x5d2: {  	[tilespmem:s19+$0x0] =	vst.add.f32.msk $0xffff, v0  }
0x5d3: {  	s2 =	sor.u32 $0x80E0, s0;
	v0 =	vld [tilespmem:s0+$0x60]  }
0x5d4: {  	[tilespmem:s2+$0x0] =	vst.add.f32.msk $0xffff, v1  }
0x5d5: {  	v1 =	vld [tilespmem:s0+$0xF0]  }
0x5d6: {  	[tilespmem:s7+$0x0] =	vst.add.f32.msk $0xffff, v3;
	s7 =	smov.u32 s20  }
0x5d7: {  	v2 =	vld [tilespmem:s31+$0x440]  }
0x5d8: {  	[tilespmem:s17+$0x0] =	vst.add.f32.msk $0xffff, v0  }
0x5d9: {  	s2 =	sor.u32 $0x80F0, s0;
	v0 =	vld [tilespmem:s0+$0x70]  }
0x5da: {  	[tilespmem:s2+$0x0] =	vst.add.f32.msk $0xffff, v1  }
0x5db: {  	v1 =	vld [tilespmem:s0+$0x480]  }
0x5dc: {  	[tilespmem:s6+$0x0] =	vst.add.f32.msk $0xffff, v2;
	s6 =	smov.u32 s18  }
0x5dd: {  	v2 =	vld [tilespmem:s31+$0x450]  }
0x5de: {  	[tilespmem:s15+$0x0] =	vst.add.f32.msk $0xffff, v0  }
0x5df: {  	s2 =	sor.u32 $0x8480, s0;
	v0 =	vld [tilespmem:s0+$0x400]  }
0x5e0: {  	[tilespmem:s2+$0x0] =	vst.add.f32.msk $0xffff, v1  }
0x5e1: {  	v3 =	vld [tilespmem:s0+$0x490]  }
0x5e2: {  	[tilespmem:s5+$0x0] =	vst.add.f32.msk $0xffff, v2;
	s5 =	smov.u32 s16  }
0x5e3: {  	v2 =	vld [tilespmem:s31+$0x460]  }
.Ltmp6:
0x5e4: {  	[tilespmem:s14+$0x0] =	vst.add.f32.msk $0xffff, v0;
	(pc) =	sbr.rel @p0 .LBB2_14-.Ltmp6, $4  }
0x5e5: {  	s2 =	sor.u32 $0x8490, s0;
	v1 =	vld [tilespmem:s0+$0x410]  }
0x5e6: {  	[tilespmem:s2+$0x0] =	vst.add.f32.msk $0xffff, v3  }
0x5e7: {  	v0 =	vld [tilespmem:s0+$0x4A0]  }
0x5e8: {  	s10 =	sadd.s32 $0x100, s10;
	s11 =	sadd.s32 $0x200, s11;
	[tilespmem:s4+$0x0] =	vst.add.f32.msk $0xffff, v2;
	s4 =	smov.u32 s13  }
0x5e9: {  	_ = 	snop  }
0x5ea: {  	[tilespmem:s12+$0x0] =	vst.add.f32.msk $0xffff, v1  }
0x5eb: {  	v1 =	vld [tilespmem:s0+$0x420];
	_ =	sdelay $0x1  }
0x5ec: {  	s2 =	sor.u32 $0x84A0, s0  }
0x5ed: {  	[tilespmem:s2+$0x0] =	vst.add.f32.msk $0xffff, v0  }
0x5ee: {  	v0 =	vld [tilespmem:s0+$0x4B0]  }
0x5ef: {  	[tilespmem:s8+$0x0] =	vst.add.f32.msk $0xffff, v1  }
0x5f0: {  	v1 =	vld [tilespmem:s0+$0x430];
	_ =	sdelay $0x1  }
0x5f1: {  	s20 =	sor.u32 $0x84B0, s0  }
0x5f2: {  	[tilespmem:s20+$0x0] =	vst.add.f32.msk $0xffff, v0  }
0x5f3: {  	v0 =	vld [tilespmem:s0+$0x4C0]  }
0x5f4: {  	[tilespmem:s7+$0x0] =	vst.add.f32.msk $0xffff, v1  }
0x5f5: {  	v1 =	vld [tilespmem:s0+$0x440];
	_ =	sdelay $0x1  }
0x5f6: {  	s21 =	sor.u32 $0x84C0, s0  }
0x5f7: {  	[tilespmem:s21+$0x0] =	vst.add.f32.msk $0xffff, v0  }
0x5f8: {  	v0 =	vld [tilespmem:s0+$0x4D0]  }
0x5f9: {  	[tilespmem:s6+$0x0] =	vst.add.f32.msk $0xffff, v1  }
0x5fa: {  	v1 =	vld [tilespmem:s0+$0x450];
	_ =	sdelay $0x1  }
0x5fb: {  	s22 =	sor.u32 $0x84D0, s0  }
0x5fc: {  	[tilespmem:s22+$0x0] =	vst.add.f32.msk $0xffff, v0  }
0x5fd: {  	v0 =	vld [tilespmem:s0+$0x4E0]  }
0x5fe: {  	[tilespmem:s5+$0x0] =	vst.add.f32.msk $0xffff, v1  }
0x5ff: {  	v1 =	vld [tilespmem:s0+$0x460];
	_ =	sdelay $0x1  }
0x600: {  	v2 =	vld [tilespmem:s31+$0x470];
	s23 =	sor.u32 $0x84E0, s0  }
0x601: {  	[tilespmem:s23+$0x0] =	vst.add.f32.msk $0xffff, v0  }
0x602: {  	v0 =	vld [tilespmem:s0+$0x4F0]  }
0x603: {  	[tilespmem:s4+$0x0] =	vst.add.f32.msk $0xffff, v1  }
0x604: {  	v1 =	vld [tilespmem:s0+$0x470];
	_ =	sdelay $0x2  }
0x605: {  	s24 =	sor.u32 $0x84F0, s0;
	[tilespmem:s1+$0x0] =	vst.add.f32.msk $0xffff, v2  }
0x606: {  	[tilespmem:s24+$0x0] =	vst.add.f32.msk $0xffff, v0  }
0x607: {  	[tilespmem:s3+$0x0] =	vst.add.f32.msk $0xffff, v1  }
0x608: {  	s25 =	simm.s32 $0x0;
	s26 =	simm.s32 $0x3;
	s1 =	rddreg [dreg:$0x14]  }
0x609: {  	[hbm4b:s1+s25] =	stream.linear.scatter [tilespmem:s29], [sflag:$0x4], $0x8000, $0x38;
	[tilespmem:$0x18000] =	vst v63  }
0x60a: {  	_ =	swait.ge [sflag:s26], $0x8000  }
0x60b: {  	s28 =	sand.u32 $0x7800, s25;
	s0 =	sand.u32 $0x300, s25;
	[sflag:s26] =	ssyncset.done $0x0  }
0x60c: {  	s31 =	sor.u32 s0, s28;
	[sflag:s26] =	ssyncadd.s32 $0xFFFF8000  }
0x60d: {  	v0 =	vld [tilespmem:s31+$0x80];
	_ =	sdelay $0x3  }
0x60e: {  	s0 =	sor.u32 $0x10080, s31;
	v1 =	vld [tilespmem:s31+$0x0]  }
0x60f: {  	[tilespmem:s0+$0x0] =	vst.add.f32.msk $0xffff, v0  }
0x610: {  	v0 =	vld [tilespmem:s31+$0x90];
	_ =	sdelay $0x1  }
0x611: {  	s4 =	sor.u32 $0x10000, s31  }
0x612: {  	[tilespmem:s4+$0x0] =	vst.add.f32.msk $0xffff, v1  }
0x613: {  	s3 =	sor.u32 $0x10090, s31;
	v1 =	vld [tilespmem:s31+$0x10]  }
0x614: {  	[tilespmem:s3+$0x0] =	vst.add.f32.msk $0xffff, v0  }
0x615: {  	v0 =	vld [tilespmem:s31+$0xA0];
	_ =	sdelay $0x1  }
0x616: {  	s6 =	sor.u32 $0x10010, s31  }
0x617: {  	[tilespmem:s6+$0x0] =	vst.add.f32.msk $0xffff, v1  }
0x618: {  	s5 =	sor.u32 $0x100A0, s31;
	v1 =	vld [tilespmem:s31+$0x20]  }
0x619: {  	[tilespmem:s5+$0x0] =	vst.add.f32.msk $0xffff, v0  }
0x61a: {  	v0 =	vld [tilespmem:s31+$0xB0];
	_ =	sdelay $0x1  }
0x61b: {  	s8 =	sor.u32 $0x10020, s31  }
0x61c: {  	[tilespmem:s8+$0x0] =	vst.add.f32.msk $0xffff, v1  }
0x61d: {  	s7 =	sor.u32 $0x100B0, s31;
	v1 =	vld [tilespmem:s31+$0x30]  }
0x61e: {  	[tilespmem:s7+$0x0] =	vst.add.f32.msk $0xffff, v0  }
0x61f: {  	v0 =	vld [tilespmem:s31+$0xC0];
	_ =	sdelay $0x1  }
0x620: {  	s10 =	sor.u32 $0x10030, s31  }
0x621: {  	[tilespmem:s10+$0x0] =	vst.add.f32.msk $0xffff, v1  }
0x622: {  	s9 =	sor.u32 $0x100C0, s31;
	v1 =	vld [tilespmem:s31+$0x40]  }
0x623: {  	[tilespmem:s9+$0x0] =	vst.add.f32.msk $0xffff, v0  }
0x624: {  	v0 =	vld [tilespmem:s31+$0xD0];
	_ =	sdelay $0x1  }
0x625: {  	s12 =	sor.u32 $0x10040, s31  }
0x626: {  	[tilespmem:s12+$0x0] =	vst.add.f32.msk $0xffff, v1  }
0x627: {  	s11 =	sor.u32 $0x100D0, s31;
	v1 =	vld [tilespmem:s31+$0x50]  }
0x628: {  	[tilespmem:s11+$0x0] =	vst.add.f32.msk $0xffff, v0  }
0x629: {  	v0 =	vld [tilespmem:s31+$0xE0];
	_ =	sdelay $0x1  }
0x62a: {  	s14 =	sor.u32 $0x10050, s31  }
0x62b: {  	[tilespmem:s14+$0x0] =	vst.add.f32.msk $0xffff, v1  }
0x62c: {  	s13 =	sor.u32 $0x100E0, s31;
	v1 =	vld [tilespmem:s31+$0x60]  }
0x62d: {  	[tilespmem:s13+$0x0] =	vst.add.f32.msk $0xffff, v0  }
0x62e: {  	v0 =	vld [tilespmem:s31+$0xF0];
	_ =	sdelay $0x1  }
0x62f: {  	s16 =	sor.u32 $0x10060, s31  }
0x630: {  	[tilespmem:s16+$0x0] =	vst.add.f32.msk $0xffff, v1  }
0x631: {  	s15 =	sor.u32 $0x100F0, s31;
	v1 =	vld [tilespmem:s31+$0x70]  }
0x632: {  	[tilespmem:s15+$0x0] =	vst.add.f32.msk $0xffff, v0  }
0x633: {  	v0 =	vld [tilespmem:s31+$0x480];
	_ =	sdelay $0x1  }
0x634: {  	s18 =	sor.u32 $0x10070, s31  }
0x635: {  	[tilespmem:s18+$0x0] =	vst.add.f32.msk $0xffff, v1  }
0x636: {  	s17 =	sor.u32 $0x10480, s31;
	v1 =	vld [tilespmem:s31+$0x400]  }
0x637: {  	[tilespmem:s17+$0x0] =	vst.add.f32.msk $0xffff, v0  }
0x638: {  	v0 =	vld [tilespmem:s31+$0x490];
	_ =	sdelay $0x1  }
0x639: {  	s20 =	sor.u32 $0x10400, s31  }
0x63a: {  	[tilespmem:s20+$0x0] =	vst.add.f32.msk $0xffff, v1  }
0x63b: {  	s19 =	sor.u32 $0x10490, s31;
	v1 =	vld [tilespmem:s31+$0x410]  }
0x63c: {  	s21 =	simm.s32 $0x100;
	s22 =	simm.s32 $0x200;
	[tilespmem:s19+$0x0] =	vst.add.f32.msk $0xffff, v0  }
0x63d: {  	s1 =	sand.u32 $0x7800, s22;
	s0 =	sand.u32 $0x300, s21;
	v0 =	vld [tilespmem:s31+$0x4A0]  }
0x63e: {  	s0 =	sor.u32 s0, s1  }
0x63f: {  	s24 =	sor.u32 $0x10410, s31;
	v2 =	vld [tilespmem:s0+$0x80]  }
0x640: {  	[tilespmem:s24+$0x0] =	vst.add.f32.msk $0xffff, v1  }
0x641: {  	s23 =	sor.u32 $0x104A0, s31;
	v1 =	vld [tilespmem:s0+$0x0]  }
0x642: {  	[tilespmem:s23+$0x0] =	vst.add.f32.msk $0xffff, v0  }
0x643: {  	s25 =	sor.u32 $0x10080, s0;
	v0 =	vld [tilespmem:s31+$0x4B0]  }
0x644: {  	[tilespmem:s25+$0x0] =	vst.add.f32.msk $0xffff, v2  }
0x645: {  	s28 =	sor.u32 $0x10000, s0;
	v2 =	vld [tilespmem:s0+$0x90]  }
0x646: {  	[tilespmem:s28+$0x0] =	vst.add.f32.msk $0xffff, v1  }
0x647: {  	s26 =	sor.u32 $0x104B0, s31;
	v1 =	vld [tilespmem:s0+$0x10]  }
0x648: {  	[tilespmem:s26+$0x0] =	vst.add.f32.msk $0xffff, v0  }
0x649: {  	s2 =	sor.u32 $0x10090, s0;
	v0 =	vld [tilespmem:s31+$0x4C0]  }
0x64a: {  	[tilespmem:s2+$0x0] =	vst.add.f32.msk $0xffff, v2  }
0x64b: {  	s4 =	sor.u32 $0x10010, s0;
	v2 =	vld [tilespmem:s0+$0xA0]  }
0x64c: {  	[tilespmem:s4+$0x0] =	vst.add.f32.msk $0xffff, v1  }
0x64d: {  	s3 =	sor.u32 $0x104C0, s31;
	v1 =	vld [tilespmem:s0+$0x20]  }
0x64e: {  	[tilespmem:s3+$0x0] =	vst.add.f32.msk $0xffff, v0  }
0x64f: {  	s5 =	sor.u32 $0x100A0, s0;
	v0 =	vld [tilespmem:s31+$0x4D0]  }
0x650: {  	[tilespmem:s5+$0x0] =	vst.add.f32.msk $0xffff, v2  }
0x651: {  	s7 =	sor.u32 $0x10020, s0;
	v2 =	vld [tilespmem:s0+$0xB0]  }
0x652: {  	[tilespmem:s7+$0x0] =	vst.add.f32.msk $0xffff, v1  }
0x653: {  	s6 =	sor.u32 $0x104D0, s31;
	v1 =	vld [tilespmem:s0+$0x30]  }
0x654: {  	[tilespmem:s6+$0x0] =	vst.add.f32.msk $0xffff, v0  }
0x655: {  	s8 =	sor.u32 $0x100B0, s0;
	v0 =	vld [tilespmem:s31+$0x4E0]  }
0x656: {  	[tilespmem:s8+$0x0] =	vst.add.f32.msk $0xffff, v2  }
0x657: {  	s10 =	sor.u32 $0x10030, s0;
	v2 =	vld [tilespmem:s0+$0xC0]  }
0x658: {  	[tilespmem:s10+$0x0] =	vst.add.f32.msk $0xffff, v1  }
0x659: {  	s9 =	sor.u32 $0x104E0, s31;
	v1 =	vld [tilespmem:s0+$0x40]  }
0x65a: {  	[tilespmem:s9+$0x0] =	vst.add.f32.msk $0xffff, v0  }
0x65b: {  	s11 =	sor.u32 $0x100C0, s0;
	v0 =	vld [tilespmem:s31+$0x4F0]  }
0x65c: {  	[tilespmem:s11+$0x0] =	vst.add.f32.msk $0xffff, v2  }
0x65d: {  	v2 =	vld [tilespmem:s0+$0xD0]  }
0x65e: {  	s13 =	sor.u32 $0x10040, s0;
	v3 =	vld [tilespmem:s31+$0x420]  }
0x65f: {  	s12 =	sor.u32 $0x104F0, s31;
	[tilespmem:s13+$0x0] =	vst.add.f32.msk $0xffff, v1  }
0x660: {  	[tilespmem:s12+$0x0] =	vst.add.f32.msk $0xffff, v0  }
0x661: {  	s14 =	sor.u32 $0x100D0, s0;
	v0 =	vld [tilespmem:s0+$0x50]  }
0x662: {  	[tilespmem:s14+$0x0] =	vst.add.f32.msk $0xffff, v2  }
0x663: {  	s15 =	sor.u32 $0x10420, s31;
	v1 =	vld [tilespmem:s0+$0xE0]  }
0x664: {  	[tilespmem:s15+$0x0] =	vst.add.f32.msk $0xffff, v3  }
0x665: {  	s16 =	sor.u32 $0x10050, s0;
	v2 =	vld [tilespmem:s31+$0x430]  }
0x666: {  	[tilespmem:s16+$0x0] =	vst.add.f32.msk $0xffff, v0  }
0x667: {  	s17 =	sor.u32 $0x100E0, s0;
	v0 =	vld [tilespmem:s0+$0x60]  }
0x668: {  	[tilespmem:s17+$0x0] =	vst.add.f32.msk $0xffff, v1  }
0x669: {  	s18 =	sor.u32 $0x10430, s31;
	v1 =	vld [tilespmem:s0+$0xF0]  }
0x66a: {  	[tilespmem:s18+$0x0] =	vst.add.f32.msk $0xffff, v2  }
0x66b: {  	s19 =	sor.u32 $0x10060, s0;
	v2 =	vld [tilespmem:s31+$0x440]  }
0x66c: {  	[tilespmem:s19+$0x0] =	vst.add.f32.msk $0xffff, v0  }
0x66d: {  	s20 =	sor.u32 $0x100F0, s0;
	v0 =	vld [tilespmem:s0+$0x70]  }
0x66e: {  	[tilespmem:s20+$0x0] =	vst.add.f32.msk $0xffff, v1  }
0x66f: {  	s21 =	sor.u32 $0x10440, s31;
	v1 =	vld [tilespmem:s0+$0x480]  }
0x670: {  	[tilespmem:s21+$0x0] =	vst.add.f32.msk $0xffff, v2  }
0x671: {  	s22 =	sor.u32 $0x10070, s0;
	v2 =	vld [tilespmem:s31+$0x450]  }
0x672: {  	[tilespmem:s22+$0x0] =	vst.add.f32.msk $0xffff, v0  }
0x673: {  	s23 =	sor.u32 $0x10480, s0;
	v0 =	vld [tilespmem:s0+$0x400]  }
0x674: {  	[tilespmem:s23+$0x0] =	vst.add.f32.msk $0xffff, v1  }
0x675: {  	s24 =	sor.u32 $0x10450, s31;
	v3 =	vld [tilespmem:s0+$0x490]  }
0x676: {  	[tilespmem:s24+$0x0] =	vst.add.f32.msk $0xffff, v2  }
0x677: {  	s25 =	sor.u32 $0x10400, s0;
	v2 =	vld [tilespmem:s31+$0x460]  }
0x678: {  	s1 =	sor.u32 $0x10470, s31;
	[tilespmem:s25+$0x0] =	vst.add.f32.msk $0xffff, v0  }
0x679: {  	s5 =	sor.u32 $0x10450, s0;
	s8 =	sor.u32 $0x10420, s0;
	s28 =	sor.u32 $0x10490, s0;
	v1 =	vld [tilespmem:s0+$0x410]  }
0x67a: {  	s11 =	simm.s32 $0x400;
	s4 =	sor.u32 $0x10460, s0;
	s26 =	sor.u32 $0x10460, s31;
	[tilespmem:s28+$0x0] =	vst.add.f32.msk $0xffff, v3  }
0x67b: {  	s7 =	sor.u32 $0x10430, s0;
	s3 =	sor.u32 $0x10470, s0;
	s10 =	simm.s32 $0x200;
	v0 =	vld [tilespmem:s0+$0x4A0]  }
0x67c: {  	s6 =	sor.u32 $0x10440, s0;
	s9 =	simm.s32 $0x2;
	[tilespmem:s26+$0x0] =	vst.add.f32.msk $0xffff, v2;
	s12 =	sor.u32 $0x10410, s0  }
.LBB2_16:
0x67d: {  	s2 =	sand.u32 $0x7800, s11;
	s13 =	sand.u32 $0x300, s10;
	s9 =	sadd.s32 $0x2, s9;
	v2 =	vld [tilespmem:s31+$0x470]  }
0x67e: {  	s31 =	smov.u32 s0;
	p0 =	slt.u32 s9, $0x7E;
	[tilespmem:s12+$0x0] =	vst.add.f32.msk $0xffff, v1;
	s0 =	sor.u32 s13, s2  }
0x67f: {  	s2 =	sor.u32 $0x104A0, s31;
	s24 =	sor.u32 $0x10000, s0;
	s25 =	sor.u32 $0x10010, s0;
	v1 =	vld [tilespmem:s0+$0x80]  }
0x680: {  	s26 =	sor.u32 $0x10020, s0;
	s22 =	sor.u32 $0x10030, s0;
	s21 =	sor.u32 $0x10040, s0;
	[tilespmem:s2+$0x0] =	vst.add.f32.msk $0xffff, v0  }
0x681: {  	s19 =	sor.u32 $0x10050, s0;
	s17 =	sor.u32 $0x10060, s0;
	s15 =	sor.u32 $0x10070, s0;
	v0 =	vld [tilespmem:s31+$0x4B0]  }
0x682: {  	s14 =	sor.u32 $0x10400, s0;
	s12 =	sor.u32 $0x10410, s0;
	s23 =	sor.u32 $0x10420, s0;
	v3 =	vld [tilespmem:s0+$0x0]  }
0x683: {  	s20 =	sor.u32 $0x10430, s0;
	s18 =	sor.u32 $0x10440, s0;
	s28 =	sor.u32 $0x10080, s0;
	v4 =	vld [tilespmem:s31+$0x420]  }
0x684: {  	s16 =	sor.u32 $0x10450, s0;
	s13 =	sor.u32 $0x10460, s0;
	s2 =	sor.u32 $0x10470, s0;
	[tilespmem:s28+$0x0] =	vst.add.f32.msk $0xffff, v1  }
0x685: {  	s28 =	sor.u32 $0x104B0, s31;
	v1 =	vld [tilespmem:s0+$0x90]  }
0x686: {  	[tilespmem:s28+$0x0] =	vst.add.f32.msk $0xffff, v0  }
0x687: {  	v0 =	vld [tilespmem:s31+$0x4C0]  }
0x688: {  	[tilespmem:s24+$0x0] =	vst.add.f32.msk $0xffff, v3  }
0x689: {  	s24 =	sor.u32 $0x10090, s0;
	v3 =	vld [tilespmem:s0+$0x10]  }
0x68a: {  	[tilespmem:s24+$0x0] =	vst.add.f32.msk $0xffff, v1  }
0x68b: {  	s24 =	sor.u32 $0x104C0, s31;
	v1 =	vld [tilespmem:s0+$0xA0]  }
0x68c: {  	[tilespmem:s24+$0x0] =	vst.add.f32.msk $0xffff, v0  }
0x68d: {  	v0 =	vld [tilespmem:s31+$0x4D0]  }
0x68e: {  	[tilespmem:s25+$0x0] =	vst.add.f32.msk $0xffff, v3  }
0x68f: {  	s24 =	sor.u32 $0x100A0, s0;
	v3 =	vld [tilespmem:s0+$0x20]  }
0x690: {  	[tilespmem:s24+$0x0] =	vst.add.f32.msk $0xffff, v1  }
0x691: {  	s24 =	sor.u32 $0x104D0, s31;
	v1 =	vld [tilespmem:s0+$0xB0]  }
0x692: {  	[tilespmem:s24+$0x0] =	vst.add.f32.msk $0xffff, v0  }
0x693: {  	v0 =	vld [tilespmem:s31+$0x4E0]  }
0x694: {  	[tilespmem:s26+$0x0] =	vst.add.f32.msk $0xffff, v3  }
0x695: {  	s24 =	sor.u32 $0x100B0, s0;
	v3 =	vld [tilespmem:s0+$0x30]  }
0x696: {  	[tilespmem:s24+$0x0] =	vst.add.f32.msk $0xffff, v1  }
0x697: {  	s24 =	sor.u32 $0x104E0, s31;
	v1 =	vld [tilespmem:s0+$0xC0]  }
0x698: {  	[tilespmem:s24+$0x0] =	vst.add.f32.msk $0xffff, v0  }
0x699: {  	v0 =	vld [tilespmem:s31+$0x4F0]  }
0x69a: {  	[tilespmem:s22+$0x0] =	vst.add.f32.msk $0xffff, v3  }
0x69b: {  	s22 =	sor.u32 $0x100C0, s0;
	v3 =	vld [tilespmem:s0+$0x40]  }
0x69c: {  	[tilespmem:s22+$0x0] =	vst.add.f32.msk $0xffff, v1  }
0x69d: {  	s22 =	sor.u32 $0x104F0, s31;
	v1 =	vld [tilespmem:s0+$0xD0]  }
0x69e: {  	[tilespmem:s22+$0x0] =	vst.add.f32.msk $0xffff, v0  }
0x69f: {  	[tilespmem:s8+$0x0] =	vst.add.f32.msk $0xffff, v4;
	s8 =	smov.u32 s23  }
0x6a0: {  	[tilespmem:s21+$0x0] =	vst.add.f32.msk $0xffff, v3  }
0x6a1: {  	s21 =	sor.u32 $0x100D0, s0;
	v0 =	vld [tilespmem:s0+$0x50]  }
0x6a2: {  	[tilespmem:s21+$0x0] =	vst.add.f32.msk $0xffff, v1  }
0x6a3: {  	v1 =	vld [tilespmem:s0+$0xE0]  }
0x6a4: {  	v3 =	vld [tilespmem:s31+$0x430]  }
0x6a5: {  	[tilespmem:s1+$0x0] =	vst.add.f32.msk $0xffff, v2;
	s1 =	smov.u32 s3;
	s3 =	smov.u32 s2  }
0x6a6: {  	[tilespmem:s19+$0x0] =	vst.add.f32.msk $0xffff, v0  }
0x6a7: {  	s2 =	sor.u32 $0x100E0, s0;
	v0 =	vld [tilespmem:s0+$0x60]  }
0x6a8: {  	[tilespmem:s2+$0x0] =	vst.add.f32.msk $0xffff, v1  }
0x6a9: {  	v1 =	vld [tilespmem:s0+$0xF0]  }
0x6aa: {  	[tilespmem:s7+$0x0] =	vst.add.f32.msk $0xffff, v3;
	s7 =	smov.u32 s20  }
0x6ab: {  	v2 =	vld [tilespmem:s31+$0x440]  }
0x6ac: {  	[tilespmem:s17+$0x0] =	vst.add.f32.msk $0xffff, v0  }
0x6ad: {  	s2 =	sor.u32 $0x100F0, s0;
	v0 =	vld [tilespmem:s0+$0x70]  }
0x6ae: {  	[tilespmem:s2+$0x0] =	vst.add.f32.msk $0xffff, v1  }
0x6af: {  	v1 =	vld [tilespmem:s0+$0x480]  }
0x6b0: {  	[tilespmem:s6+$0x0] =	vst.add.f32.msk $0xffff, v2;
	s6 =	smov.u32 s18  }
0x6b1: {  	v2 =	vld [tilespmem:s31+$0x450]  }
0x6b2: {  	[tilespmem:s15+$0x0] =	vst.add.f32.msk $0xffff, v0  }
0x6b3: {  	s2 =	sor.u32 $0x10480, s0;
	v0 =	vld [tilespmem:s0+$0x400]  }
0x6b4: {  	[tilespmem:s2+$0x0] =	vst.add.f32.msk $0xffff, v1  }
0x6b5: {  	v3 =	vld [tilespmem:s0+$0x490]  }
0x6b6: {  	[tilespmem:s5+$0x0] =	vst.add.f32.msk $0xffff, v2;
	s5 =	smov.u32 s16  }
0x6b7: {  	v2 =	vld [tilespmem:s31+$0x460]  }
.Ltmp7:
0x6b8: {  	[tilespmem:s14+$0x0] =	vst.add.f32.msk $0xffff, v0;
	(pc) =	sbr.rel @p0 .LBB2_16-.Ltmp7, $4  }
0x6b9: {  	s2 =	sor.u32 $0x10490, s0;
	v1 =	vld [tilespmem:s0+$0x410]  }
0x6ba: {  	[tilespmem:s2+$0x0] =	vst.add.f32.msk $0xffff, v3  }
0x6bb: {  	v0 =	vld [tilespmem:s0+$0x4A0]  }
0x6bc: {  	s10 =	sadd.s32 $0x100, s10;
	s11 =	sadd.s32 $0x200, s11;
	[tilespmem:s4+$0x0] =	vst.add.f32.msk $0xffff, v2;
	s4 =	smov.u32 s13  }
0x6bd: {  	_ = 	snop  }
0x6be: {  	[tilespmem:s12+$0x0] =	vst.add.f32.msk $0xffff, v1  }
0x6bf: {  	v1 =	vld [tilespmem:s0+$0x420];
	_ =	sdelay $0x1  }
0x6c0: {  	s2 =	sor.u32 $0x104A0, s0  }
0x6c1: {  	[tilespmem:s2+$0x0] =	vst.add.f32.msk $0xffff, v0  }
0x6c2: {  	v0 =	vld [tilespmem:s0+$0x4B0]  }
0x6c3: {  	[tilespmem:s8+$0x0] =	vst.add.f32.msk $0xffff, v1  }
0x6c4: {  	v1 =	vld [tilespmem:s0+$0x430];
	_ =	sdelay $0x1  }
0x6c5: {  	s21 =	sor.u32 $0x104B0, s0  }
0x6c6: {  	[tilespmem:s21+$0x0] =	vst.add.f32.msk $0xffff, v0  }
0x6c7: {  	v0 =	vld [tilespmem:s0+$0x4C0]  }
0x6c8: {  	[tilespmem:s7+$0x0] =	vst.add.f32.msk $0xffff, v1  }
0x6c9: {  	v1 =	vld [tilespmem:s0+$0x440];
	_ =	sdelay $0x1  }
0x6ca: {  	s22 =	sor.u32 $0x104C0, s0  }
0x6cb: {  	[tilespmem:s22+$0x0] =	vst.add.f32.msk $0xffff, v0  }
0x6cc: {  	v0 =	vld [tilespmem:s0+$0x4D0]  }
0x6cd: {  	[tilespmem:s6+$0x0] =	vst.add.f32.msk $0xffff, v1  }
0x6ce: {  	v1 =	vld [tilespmem:s0+$0x450];
	_ =	sdelay $0x1  }
0x6cf: {  	s23 =	sor.u32 $0x104D0, s0  }
0x6d0: {  	[tilespmem:s23+$0x0] =	vst.add.f32.msk $0xffff, v0  }
0x6d1: {  	v0 =	vld [tilespmem:s0+$0x4E0]  }
0x6d2: {  	[tilespmem:s5+$0x0] =	vst.add.f32.msk $0xffff, v1  }
0x6d3: {  	v1 =	vld [tilespmem:s0+$0x460];
	_ =	sdelay $0x1  }
0x6d4: {  	v2 =	vld [tilespmem:s31+$0x470];
	s24 =	sor.u32 $0x104E0, s0  }
0x6d5: {  	[tilespmem:s24+$0x0] =	vst.add.f32.msk $0xffff, v0  }
0x6d6: {  	v0 =	vld [tilespmem:s0+$0x4F0]  }
0x6d7: {  	[tilespmem:s4+$0x0] =	vst.add.f32.msk $0xffff, v1  }
0x6d8: {  	v1 =	vld [tilespmem:s0+$0x470];
	_ =	sdelay $0x2  }
0x6d9: {  	s25 =	sor.u32 $0x104F0, s0;
	[tilespmem:s1+$0x0] =	vst.add.f32.msk $0xffff, v2  }
0x6da: {  	[tilespmem:s25+$0x0] =	vst.add.f32.msk $0xffff, v0  }
0x6db: {  	s26 =	simm.s32 $0x4;
	[tilespmem:s3+$0x0] =	vst.add.f32.msk $0xffff, v1  }
0x6dc: {  	s1 =	simm.s32 $0x10000;
	s8 =	simm.s32 $0x0;
	s0 =	rddreg [dreg:$0x15]  }
0x6dd: {  	[hbm4b:s0+s8] =	stream.linear.scatter [tilespmem:s1], [sflag:$0x5], $0x8000, $0x38;
	[tilespmem:$0x18000] =	vst v63  }
0x6de: {  	_ =	swait.ge [sflag:s26], $0x8000  }
0x6df: {  	[sflag:s26] =	ssyncset.done $0x0  }
0x6e0: {  	s28 =	simm.s32 $0x5;
	[sflag:s26] =	ssyncadd.s32 $0xFFFF8000  }
0x6e1: {  	_ =	swait.ge [sflag:s28], $0x8000  }
0x6e2: {  	s30 =	sadd.s32 $0x1, s30;
	s31 =	rddreg [dreg:$0x16]  }
0x6e3: {  	p0 =	sne.s32 s30, s31  }
.Ltmp8:
0x6e4: {  	_ = 	snop;
	(pc) =	sbr.rel @p0 .LBB2_1-.Ltmp8, $3  }
0x6e5: {  	_ =	sdelay $0x1  }
0x6e6: {  	[sflag:s28] =	ssyncset.done $0x0  }
0x6e7: {  	[sflag:s28] =	ssyncadd.s32 $0xFFFF8000  }
0x6e8: {  	_ =	sfence.sel $0x180000  }
0x6e9: {  	[bflag:$0x0] =	sbarrier.arrive $0xFFFF  }
0x6ea: {  	_ =	strace $0x90000047  }
0x6eb: {  	s0 =	stileid.u32;
	[bflag:$0x2] =	sbarrier.arrive $0xFFFF  }
0x6ec: {  	p0 =	sne.s32 s0, $0x0;
	s0 =	rddreg [dreg:$0x3]  }
0x6ed: {  	s0 =	sadd.s32 @!p0 $0x100000, s0  }
0x6ee: {  	[sflag:s0] =	ssyncadd.tile.s32 @!p0 $0x1;
	_ =	shalt  }
.Lfunc_end2:
_tile_overlayer_lowered:
.L_overlay_start_2:
0x6ef: {  	(tag) =	ssettag $0x2  }
0x6f0: {  	s0 =	rddreg [dreg:$0x0];
	s2 =	stileid.u32  }
0x6f1: {  	s1 =	rddreg [dreg:$0x1];
	p0 =	sne.s32 s2, $0x0  }
0x6f2: {  	s3 =	rddreg [dreg:$0x2];
	[bflag:$0x3] =	sbarrier.arrive $0xFFFF;
	s2 =	simm.s32 @!p0 $0x1C06  }
0x6f3: {  	[timem:s3], [sflag:s2] =	dma.local @!p0 [hbm:s0], s1  }
0x6f4: {  	s0 =	simm.s32 @!p0 $0x6  }
0x6f5: {  	_ =	swait.ge @!p0 [sflag:s0], s1  }
0x6f6: {  	s1 =	ssub.s32 @!p0 $0x0, s1;
	[sflag:s0] =	ssyncset.done @!p0 $0x0  }
0x6f7: {  	[sflag:s0] =	ssyncadd.s32 @!p0 s1  }
0x6f8: {  	[bflag:$0x3] =	sbarrier.arrive $0xFFFF  }
0x6f9: {  	_ =	shalt  }

</sc_bundles>
